<compile_context>
chip_gen: v7x
topology: tpu7x:2x2x1
jax: 0.10.2.dev20260603
libtpu: 0.0.44.dev20260713+nightly
codegen_flags: <defaults>
</compile_context>

<pallas_src>
import functools

import jax
import jax.numpy as jnp
from jax import lax
from jax.experimental import pallas as pl
from jax.experimental.pallas import tpu as pltpu
from jax.experimental.pallas import tpu_sc as plsc

B, L = 4096, 20
V, EA, ED, P = 100000, 64, 128, 128
DESC = 768
N = B * L
EA2 = 2 * EA

NC, NS = 2, 16
NW = NC * NS
ROWS_W = N // NW
CH = 128
NCH = ROWS_W // CH
NCHP = 24
LANES = 16


def _sc_gather_body(table_hbm, idx_hbm, out_hbm, idx_v, idx2_v, rows_v, sem):
    wid = lax.axis_index("s") * NC + lax.axis_index("c")
    pltpu.sync_copy(idx_hbm.at[wid], idx_v)
    for r in range(NCH):
        for j in range(CH // LANES):
            sl = pl.ds(j * LANES, LANES)
            idx2_v[r, sl] = lax.shift_right_logical(idx_v[r, sl], 1)
    base = wid * ROWS_W
    for c in range(NCH):
        pltpu.async_copy(table_hbm.at[idx2_v.at[c]], rows_v, sem).wait()
        pltpu.sync_copy(rows_v, out_hbm.at[pl.ds(base + c * CH, CH)])


def _sc_gather(table, ids):
    gather = functools.partial(
        pl.kernel,
        out_type=jax.ShapeDtypeStruct((N, EA2), jnp.float32),
        mesh=plsc.VectorSubcoreMesh(core_axis_name="c", subcore_axis_name="s"),
        scratch_types=[
            pltpu.VMEM((NCHP, CH), jnp.int32),
            pltpu.VMEM((NCHP, CH), jnp.int32),
            pltpu.VMEM((CH, EA2), jnp.float32),
            pltpu.SemaphoreType.DMA,
        ],
        compiler_params=pltpu.CompilerParams(use_tc_tiling_on_sc=True),
    )(_sc_gather_body)
    return gather(table, ids)


def _prep_body(wp_ref, wf2_ref, wa_ref, bp_ref, bfc_ref, wc_ref, bc_ref, wst_ref):
    wc_ref[...] = jnp.dot(
        wp_ref[...], wf2_ref[...],
        preferred_element_type=jnp.float32,
        precision=lax.Precision.DEFAULT,
    )
    bc_ref[...] = jnp.dot(
        bp_ref[...], wf2_ref[...],
        preferred_element_type=jnp.float32,
        precision=lax.Precision.DEFAULT,
    ) + bfc_ref[...]
    wst_ref[...] = jnp.concatenate([wa_ref[...], wa_ref[...]], axis=0)


R = 2048


def _main_body(desc_ref, g_ref, ids_ref, an_ref, wc_ref, wst_ref, wl_ref, bc_ref, out_ref):
    acc = jnp.dot(
        desc_ref[...], wc_ref[...],
        preferred_element_type=jnp.float32,
        precision=lax.Precision.DEFAULT,
    )
    lane = lax.broadcasted_iota(jnp.int32, (R, EA2), 1)
    hi = (lane >= EA).astype(jnp.float32)
    par = jnp.mod(ids_ref[...], 2.0)
    emb_part = g_ref[...] * (1.0 - jnp.abs(hi - par))
    acc = acc + jnp.dot(
        emb_part, wst_ref[...],
        preferred_element_type=jnp.float32,
        precision=lax.Precision.DEFAULT,
    )
    acc = acc + an_ref[...] * wl_ref[...]
    acc = acc + bc_ref[...]
    out_ref[...] = acc


def kernel(action_name_ids, if_anchor, desc_vecs, emb_table, W_proj, b_proj, W_fc, b_fc):
    desc_t = desc_vecs.transpose(1, 0, 2).reshape(N, DESC)
    ids_t = action_name_ids.transpose(1, 0).reshape(N).astype(jnp.int32)
    anchor_t = if_anchor.transpose(1, 0).reshape(N, 1)

    table = emb_table.reshape(V // 2, EA2)

    ids = jnp.pad(
        ids_t.reshape(NW, NCH, CH),
        ((0, 0), (0, NCHP - NCH), (0, 0)),
    )

    wa = W_fc[:EA]
    wf2 = W_fc[EA:EA + ED]
    wl = W_fc[EA + ED:]

    wc, bc, wstack = pl.pallas_call(
        _prep_body,
        out_shape=[
            jax.ShapeDtypeStruct((DESC, P), jnp.float32),
            jax.ShapeDtypeStruct((1, P), jnp.float32),
            jax.ShapeDtypeStruct((EA2, P), jnp.float32),
        ],
    )(W_proj, wf2, wa, b_proj.reshape(1, ED), b_fc.reshape(1, P))

    g = _sc_gather(table, ids)

    out = pl.pallas_call(
        _main_body,
        grid=(N // R,),
        in_specs=[
            pl.BlockSpec((R, DESC), lambda i: (i, 0)),
            pl.BlockSpec((R, EA2), lambda i: (i, 0)),
            pl.BlockSpec((R, 1), lambda i: (i, 0)),
            pl.BlockSpec((R, 1), lambda i: (i, 0)),
            pl.BlockSpec((DESC, P), lambda i: (0, 0)),
            pl.BlockSpec((EA2, P), lambda i: (0, 0)),
            pl.BlockSpec((1, P), lambda i: (0, 0)),
            pl.BlockSpec((1, P), lambda i: (0, 0)),
        ],
        out_specs=pl.BlockSpec((R, P), lambda i: (i, 0)),
        out_shape=jax.ShapeDtypeStruct((N, P), jnp.float32),
        compiler_params=pltpu.CompilerParams(
            dimension_semantics=("arbitrary",),
        ),
    )(
        desc_t,
        g,
        ids_t.astype(jnp.float32).reshape(N, 1),
        anchor_t,
        wc,
        wstack,
        wl,
        bc,
    )
    return out.reshape(L, B, P).transpose(1, 0, 2)

# --- scband reference (transcript-rebuilt; emitter-appended) ---
"""Pipeline reference for scband-action-embedding-51393578664415 (READ-ONLY COPY).

The authoritative reference and input builder live on the scoring server;
editing this copy changes nothing except your own understanding.
"""

import jax, jax.numpy as jnp
import numpy as np

B, L = 4096, 20
V, EA, ED, P = 100000, 64, 128, 128
DESC = 768

def setup_inputs(seed: int = 0) -> dict:
    key = jax.random.key(seed)
    ks = jax.random.split(key, 8)
    action_name_ids = jax.random.randint(ks[0], (B, L), 0, V)
    if_anchor = jax.random.uniform(ks[1], (B, L), dtype=jnp.float32)
    desc_vecs = jax.random.normal(ks[2], (B, L, DESC), dtype=jnp.float32)
    emb_table = jax.random.normal(ks[3], (V, EA), dtype=jnp.float32) * 0.02
    W_proj = jax.random.normal(ks[4], (DESC, ED), dtype=jnp.float32) * 0.02
    b_proj = jnp.zeros((ED,), dtype=jnp.float32)
    W_fc = jax.random.normal(ks[5], (EA + ED + 1, P), dtype=jnp.float32) * 0.02
    b_fc = jnp.zeros((P,), dtype=jnp.float32)
    return {
        "action_name_ids": action_name_ids,
        "if_anchor": if_anchor,
        "desc_vecs": desc_vecs,
        "emb_table": emb_table,
        "W_proj": W_proj,
        "b_proj": b_proj,
        "W_fc": W_fc,
        "b_fc": b_fc,
    }

def reference(action_name_ids, if_anchor, desc_vecs, emb_table, W_proj, b_proj, W_fc, b_fc):
    a = jnp.take(emb_table, action_name_ids, axis=0)  # [B, L, EA]
    d = desc_vecs @ W_proj + b_proj                   # [B, L, ED]
    anchor = if_anchor[..., None].astype(jnp.float32)  # [B, L, 1]
    x = jnp.concatenate([a, d, anchor], axis=-1)       # [B, L, EA+ED+1]
    return x @ W_fc + b_fc                             # [B, L, P]

if __name__ == "__main__":
    import jax
    _d = setup_inputs()
    print(jax.jit(kernel)(*tuple(_d.values())))

</pallas_src>

<mosaic_0001>
#map = affine_map<(d0, d1) -> (0, 0)>
#map1 = affine_map<(d0, d1) -> (0, 0, 0)>
module attributes {stable_mosaic.version = 14 : i64} {
  func.func @_sc_gather_body(%arg0: i32, %arg1: i32, %arg2: memref<50000x128xf32, #tpu.memory_space<hbm>>, %arg3: memref<32x24x128xi32, #tpu.memory_space<hbm>>, %arg4: memref<81920x128xf32, #tpu.memory_space<hbm>>, %arg5: memref<24x128xi32, #tpu.memory_space<vmem>>, %arg6: memref<24x128xi32, #tpu.memory_space<vmem>>, %arg7: memref<128x128xf32, #tpu.memory_space<vmem>>, %arg8: memref<!tpu.dma_semaphore, #tpu.memory_space<semaphore_mem>>) attributes {dimension_semantics = [#tpu.dimension_semantics<core_parallel>, #tpu.dimension_semantics<subcore_parallel>], iteration_bounds = array<i64: 2, 16>, scalar_prefetch = 0 : i64, scratch_operands = 4 : i64, tpu.core_type = #tpu.core_type<sc_vector_subcore>, window_params = [{transform_indices = #map}, {transform_indices = #map1}, {transform_indices = #map}]} {
    %mul3A = arith.constant 2 : i32
    %mul3A_0 = arith.muli %arg1, %mul3A : i32
    %add3A = arith.addi %mul3A_0, %arg0 : i32
    "tpu.region"() ({
      %run_scoped3A = tpu.sem_alloc : memref<!tpu.dma_semaphore, #tpu.memory_space<semaphore_mem>>
      %dma_start3A_2558 = arith.constant 0 : i32
      %dma_start3A_2559 = arith.constant 0 : i32
      %dma_start3A_2560 = tpu.memref_slice %arg3[%add3A, %dma_start3A_2558, %dma_start3A_2559] : memref<32x24x128xi32, #tpu.memory_space<hbm>> -> memref<1x24x128xi32, #tpu.memory_space<hbm>>
      %dma_start3A_2561 = tpu.memref_squeeze %dma_start3A_2560 : memref<1x24x128xi32, #tpu.memory_space<hbm>> -> memref<24x128xi32, #tpu.memory_space<hbm>>
      %dma_start3A_2562 = arith.constant 0 : i32
      %dma_start3A_2563 = arith.constant 0 : i32
      %dma_start3A_2564 = tpu.memref_slice %arg3[%add3A, %dma_start3A_2562, %dma_start3A_2563] : memref<32x24x128xi32, #tpu.memory_space<hbm>> -> memref<1x24x128xi32, #tpu.memory_space<hbm>>
      %dma_start3A_2565 = tpu.memref_squeeze %dma_start3A_2564 : memref<1x24x128xi32, #tpu.memory_space<hbm>> -> memref<24x128xi32, #tpu.memory_space<hbm>>
      tpu.enqueue_dma source(%dma_start3A_2565 : memref<24x128xi32, #tpu.memory_space<hbm>>) target(%arg5 : memref<24x128xi32, #tpu.memory_space<vmem>>) target_semaphore(%run_scoped3A : memref<!tpu.dma_semaphore, #tpu.memory_space<semaphore_mem>>)
      %dma_wait3A_2566 = arith.constant 0 : i32
      %dma_wait3A_2567 = arith.constant 0 : i32
      %dma_wait3A_2568 = tpu.memref_slice %arg3[%add3A, %dma_wait3A_2566, %dma_wait3A_2567] : memref<32x24x128xi32, #tpu.memory_space<hbm>> -> memref<1x24x128xi32, #tpu.memory_space<hbm>>
      %dma_wait3A_2569 = tpu.memref_squeeze %dma_wait3A_2568 : memref<1x24x128xi32, #tpu.memory_space<hbm>> -> memref<24x128xi32, #tpu.memory_space<hbm>>
      %dma_wait3A_2570 = arith.constant 0 : i32
      %dma_wait3A_2571 = arith.constant 0 : i32
      %dma_wait3A_2572 = tpu.memref_slice %arg3[%add3A, %dma_wait3A_2570, %dma_wait3A_2571] : memref<32x24x128xi32, #tpu.memory_space<hbm>> -> memref<1x24x128xi32, #tpu.memory_space<hbm>>
      %dma_wait3A_2573 = tpu.memref_squeeze %dma_wait3A_2572 : memref<1x24x128xi32, #tpu.memory_space<hbm>> -> memref<24x128xi32, #tpu.memory_space<hbm>>
      tpu.wait_dma2 semaphore(%run_scoped3A : memref<!tpu.dma_semaphore, #tpu.memory_space<semaphore_mem>>) src(%dma_wait3A_2573 : memref<24x128xi32, #tpu.memory_space<hbm>>) dst(%arg5 : memref<24x128xi32, #tpu.memory_space<vmem>>)
      tpu.yield
    }) : () -> ()
    %get3A = arith.constant 0 : i32
    %get3A_1 = arith.index_cast %get3A : i32 to index
    %get3A_2 = arith.constant 0 : index
    %get3A_3 = tpu.vector_load %arg5[%get3A_1, %get3A_2] {strides = array<i32>} : memref<24x128xi32, #tpu.memory_space<vmem>>, vector<1x16xi32>,
    %get3A_4 = vector.shape_cast %get3A_3 : vector<1x16xi32> to vector<16xi32>
    %shift_right_logical3A = arith.constant 1 : i32
    %shift_right_logical3A_5 = vector.broadcast %shift_right_logical3A : i32 to vector<16xi32>
    %shift_right_logical3A_6 = arith.shrui %get3A_4, %shift_right_logical3A_5 : vector<16xi32>
    %swap3A = arith.constant 0 : i32
    %swap3A_7 = arith.index_cast %swap3A : i32 to index
    %swap3A_8 = arith.constant 0 : index
    %swap3A_9 = tpu.vector_load %arg6[%swap3A_7, %swap3A_8] {strides = array<i32>} : memref<24x128xi32, #tpu.memory_space<vmem>>, vector<1x16xi32>,
    %swap3A_10 = vector.shape_cast %swap3A_9 : vector<1x16xi32> to vector<16xi32>
    %swap3A_11 = vector.shape_cast %shift_right_logical3A_6 : vector<16xi32> to vector<1x16xi32>
    tpu.vector_store %arg6[%swap3A_7, %swap3A_8], %swap3A_11 {strides = array<i32>} : memref<24x128xi32, #tpu.memory_space<vmem>>, vector<1x16xi32>,
    %get3A_12 = arith.constant 0 : i32
    %get3A_13 = arith.index_cast %get3A_12 : i32 to index
    %get3A_14 = arith.constant 16 : index
    %get3A_15 = tpu.vector_load %arg5[%get3A_13, %get3A_14] {strides = array<i32>} : memref<24x128xi32, #tpu.memory_space<vmem>>, vector<1x16xi32>,
    %get3A_16 = vector.shape_cast %get3A_15 : vector<1x16xi32> to vector<16xi32>
    %shift_right_logical3A_17 = arith.constant 1 : i32
    %shift_right_logical3A_18 = vector.broadcast %shift_right_logical3A_17 : i32 to vector<16xi32>
    %shift_right_logical3A_19 = arith.shrui %get3A_16, %shift_right_logical3A_18 : vector<16xi32>
    %swap3A_20 = arith.constant 0 : i32
    %swap3A_21 = arith.index_cast %swap3A_20 : i32 to index
    %swap3A_22 = arith.constant 16 : index
    %swap3A_23 = tpu.vector_load %arg6[%swap3A_21, %swap3A_22] {strides = array<i32>} : memref<24x128xi32, #tpu.memory_space<vmem>>, vector<1x16xi32>,
    %swap3A_24 = vector.shape_cast %swap3A_23 : vector<1x16xi32> to vector<16xi32>
    %swap3A_25 = vector.shape_cast %shift_right_logical3A_19 : vector<16xi32> to vector<1x16xi32>
    tpu.vector_store %arg6[%swap3A_21, %swap3A_22], %swap3A_25 {strides = array<i32>} : memref<24x128xi32, #tpu.memory_space<vmem>>, vector<1x16xi32>,
    %get3A_26 = arith.constant 0 : i32
    %get3A_27 = arith.index_cast %get3A_26 : i32 to index
    %get3A_28 = arith.constant 32 : index
    %get3A_29 = tpu.vector_load %arg5[%get3A_27, %get3A_28] {strides = array<i32>} : memref<24x128xi32, #tpu.memory_space<vmem>>, vector<1x16xi32>,
    %get3A_30 = vector.shape_cast %get3A_29 : vector<1x16xi32> to vector<16xi32>
    %shift_right_logical3A_31 = arith.constant 1 : i32
    %shift_right_logical3A_32 = vector.broadcast %shift_right_logical3A_31 : i32 to vector<16xi32>
    %shift_right_logical3A_33 = arith.shrui %get3A_30, %shift_right_logical3A_32 : vector<16xi32>
    %swap3A_34 = arith.constant 0 : i32
    %swap3A_35 = arith.index_cast %swap3A_34 : i32 to index
    %swap3A_36 = arith.constant 32 : index
    %swap3A_37 = tpu.vector_load %arg6[%swap3A_35, %swap3A_36] {strides = array<i32>} : memref<24x128xi32, #tpu.memory_space<vmem>>, vector<1x16xi32>,
    %swap3A_38 = vector.shape_cast %swap3A_37 : vector<1x16xi32> to vector<16xi32>
    %swap3A_39 = vector.shape_cast %shift_right_logical3A_33 : vector<16xi32> to vector<1x16xi32>
    tpu.vector_store %arg6[%swap3A_35, %swap3A_36], %swap3A_39 {strides = array<i32>} : memref<24x128xi32, #tpu.memory_space<vmem>>, vector<1x16xi32>,
    %get3A_40 = arith.constant 0 : i32
    %get3A_41 = arith.index_cast %get3A_40 : i32 to index
    %get3A_42 = arith.constant 48 : index
    %get3A_43 = tpu.vector_load %arg5[%get3A_41, %get3A_42] {strides = array<i32>} : memref<24x128xi32, #tpu.memory_space<vmem>>, vector<1x16xi32>,
    %get3A_44 = vector.shape_cast %get3A_43 : vector<1x16xi32> to vector<16xi32>
    %shift_right_logical3A_45 = arith.constant 1 : i32
    %shift_right_logical3A_46 = vector.broadcast %shift_right_logical3A_45 : i32 to vector<16xi32>
    %shift_right_logical3A_47 = arith.shrui %get3A_44, %shift_right_logical3A_46 : vector<16xi32>
    %swap3A_48 = arith.constant 0 : i32
    %swap3A_49 = arith.index_cast %swap3A_48 : i32 to index
    %swap3A_50 = arith.constant 48 : index
    %swap3A_51 = tpu.vector_load %arg6[%swap3A_49, %swap3A_50] {strides = array<i32>} : memref<24x128xi32, #tpu.memory_space<vmem>>, vector<1x16xi32>,
    %swap3A_52 = vector.shape_cast %swap3A_51 : vector<1x16xi32> to vector<16xi32>
    %swap3A_53 = vector.shape_cast %shift_right_logical3A_47 : vector<16xi32> to vector<1x16xi32>
    tpu.vector_store %arg6[%swap3A_49, %swap3A_50], %swap3A_53 {strides = array<i32>} : memref<24x128xi32, #tpu.memory_space<vmem>>, vector<1x16xi32>,
    %get3A_54 = arith.constant 0 : i32
    %get3A_55 = arith.index_cast %get3A_54 : i32 to index
    %get3A_56 = arith.constant 64 : index
    %get3A_57 = tpu.vector_load %arg5[%get3A_55, %get3A_56] {strides = array<i32>} : memref<24x128xi32, #tpu.memory_space<vmem>>, vector<1x16xi32>,
    %get3A_58 = vector.shape_cast %get3A_57 : vector<1x16xi32> to vector<16xi32>
    %shift_right_logical3A_59 = arith.constant 1 : i32
    %shift_right_logical3A_60 = vector.broadcast %shift_right_logical3A_59 : i32 to vector<16xi32>
    %shift_right_logical3A_61 = arith.shrui %get3A_58, %shift_right_logical3A_60 : vector<16xi32>
    %swap3A_62 = arith.constant 0 : i32
    %swap3A_63 = arith.index_cast %swap3A_62 : i32 to index
    %swap3A_64 = arith.constant 64 : index
    %swap3A_65 = tpu.vector_load %arg6[%swap3A_63, %swap3A_64] {strides = array<i32>} : memref<24x128xi32, #tpu.memory_space<vmem>>, vector<1x16xi32>,
    %swap3A_66 = vector.shape_cast %swap3A_65 : vector<1x16xi32> to vector<16xi32>
    %swap3A_67 = vector.shape_cast %shift_right_logical3A_61 : vector<16xi32> to vector<1x16xi32>
    tpu.vector_store %arg6[%swap3A_63, %swap3A_64], %swap3A_67 {strides = array<i32>} : memref<24x128xi32, #tpu.memory_space<vmem>>, vector<1x16xi32>,
    %get3A_68 = arith.constant 0 : i32
    %get3A_69 = arith.index_cast %get3A_68 : i32 to index
    %get3A_70 = arith.constant 80 : index
    %get3A_71 = tpu.vector_load %arg5[%get3A_69, %get3A_70] {strides = array<i32>} : memref<24x128xi32, #tpu.memory_space<vmem>>, vector<1x16xi32>,
    %get3A_72 = vector.shape_cast %get3A_71 : vector<1x16xi32> to vector<16xi32>
    %shift_right_logical3A_73 = arith.constant 1 : i32
    %shift_right_logical3A_74 = vector.broadcast %shift_right_logical3A_73 : i32 to vector<16xi32>
    %shift_right_logical3A_75 = arith.shrui %get3A_72, %shift_right_logical3A_74 : vector<16xi32>
    %swap3A_76 = arith.constant 0 : i32
    %swap3A_77 = arith.index_cast %swap3A_76 : i32 to index
    %swap3A_78 = arith.constant 80 : index
    %swap3A_79 = tpu.vector_load %arg6[%swap3A_77, %swap3A_78] {strides = array<i32>} : memref<24x128xi32, #tpu.memory_space<vmem>>, vector<1x16xi32>,
    %swap3A_80 = vector.shape_cast %swap3A_79 : vector<1x16xi32> to vector<16xi32>
    %swap3A_81 = vector.shape_cast %shift_right_logical3A_75 : vector<16xi32> to vector<1x16xi32>
    tpu.vector_store %arg6[%swap3A_77, %swap3A_78], %swap3A_81 {strides = array<i32>} : memref<24x128xi32, #tpu.memory_space<vmem>>, vector<1x16xi32>,
    %get3A_82 = arith.constant 0 : i32
    %get3A_83 = arith.index_cast %get3A_82 : i32 to index
    %get3A_84 = arith.constant 96 : index
    %get3A_85 = tpu.vector_load %arg5[%get3A_83, %get3A_84] {strides = array<i32>} : memref<24x128xi32, #tpu.memory_space<vmem>>, vector<1x16xi32>,
    %get3A_86 = vector.shape_cast %get3A_85 : vector<1x16xi32> to vector<16xi32>
    %shift_right_logical3A_87 = arith.constant 1 : i32
    %shift_right_logical3A_88 = vector.broadcast %shift_right_logical3A_87 : i32 to vector<16xi32>
    %shift_right_logical3A_89 = arith.shrui %get3A_86, %shift_right_logical3A_88 : vector<16xi32>
    %swap3A_90 = arith.constant 0 : i32
    %swap3A_91 = arith.index_cast %swap3A_90 : i32 to index
    %swap3A_92 = arith.constant 96 : index
    %swap3A_93 = tpu.vector_load %arg6[%swap3A_91, %swap3A_92] {strides = array<i32>} : memref<24x128xi32, #tpu.memory_space<vmem>>, vector<1x16xi32>,
    %swap3A_94 = vector.shape_cast %swap3A_93 : vector<1x16xi32> to vector<16xi32>
    %swap3A_95 = vector.shape_cast %shift_right_logical3A_89 : vector<16xi32> to vector<1x16xi32>
    tpu.vector_store %arg6[%swap3A_91, %swap3A_92], %swap3A_95 {strides = array<i32>} : memref<24x128xi32, #tpu.memory_space<vmem>>, vector<1x16xi32>,
    %get3A_96 = arith.constant 0 : i32
    %get3A_97 = arith.index_cast %get3A_96 : i32 to index
    %get3A_98 = arith.constant 112 : index
    %get3A_99 = tpu.vector_load %arg5[%get3A_97, %get3A_98] {strides = array<i32>} : memref<24x128xi32, #tpu.memory_space<vmem>>, vector<1x16xi32>,
    %get3A_100 = vector.shape_cast %get3A_99 : vector<1x16xi32> to vector<16xi32>
    %shift_right_logical3A_101 = arith.constant 1 : i32
    %shift_right_logical3A_102 = vector.broadcast %shift_right_logical3A_101 : i32 to vector<16xi32>
    %shift_right_logical3A_103 = arith.shrui %get3A_100, %shift_right_logical3A_102 : vector<16xi32>
    %swap3A_104 = arith.constant 0 : i32
    %swap3A_105 = arith.index_cast %swap3A_104 : i32 to index
    %swap3A_106 = arith.constant 112 : index
    %swap3A_107 = tpu.vector_load %arg6[%swap3A_105, %swap3A_106] {strides = array<i32>} : memref<24x128xi32, #tpu.memory_space<vmem>>, vector<1x16xi32>,
    %swap3A_108 = vector.shape_cast %swap3A_107 : vector<1x16xi32> to vector<16xi32>
    %swap3A_109 = vector.shape_cast %shift_right_logical3A_103 : vector<16xi32> to vector<1x16xi32>
    tpu.vector_store %arg6[%swap3A_105, %swap3A_106], %swap3A_109 {strides = array<i32>} : memref<24x128xi32, #tpu.memory_space<vmem>>, vector<1x16xi32>,
    %get3A_110 = arith.constant 1 : i32
    %get3A_111 = arith.index_cast %get3A_110 : i32 to index
    %get3A_112 = arith.constant 0 : index
    %get3A_113 = tpu.vector_load %arg5[%get3A_111, %get3A_112] {strides = array<i32>} : memref<24x128xi32, #tpu.memory_space<vmem>>, vector<1x16xi32>,
    %get3A_114 = vector.shape_cast %get3A_113 : vector<1x16xi32> to vector<16xi32>
    %shift_right_logical3A_115 = arith.constant 1 : i32
    %shift_right_logical3A_116 = vector.broadcast %shift_right_logical3A_115 : i32 to vector<16xi32>
    %shift_right_logical3A_117 = arith.shrui %get3A_114, %shift_right_logical3A_116 : vector<16xi32>
    %swap3A_118 = arith.constant 1 : i32
    %swap3A_119 = arith.index_cast %swap3A_118 : i32 to index
    %swap3A_120 = arith.constant 0 : index
    %swap3A_121 = tpu.vector_load %arg6[%swap3A_119, %swap3A_120] {strides = array<i32>} : memref<24x128xi32, #tpu.memory_space<vmem>>, vector<1x16xi32>,
    %swap3A_122 = vector.shape_cast %swap3A_121 : vector<1x16xi32> to vector<16xi32>
    %swap3A_123 = vector.shape_cast %shift_right_logical3A_117 : vector<16xi32> to vector<1x16xi32>
    tpu.vector_store %arg6[%swap3A_119, %swap3A_120], %swap3A_123 {strides = array<i32>} : memref<24x128xi32, #tpu.memory_space<vmem>>, vector<1x16xi32>,
    %get3A_124 = arith.constant 1 : i32
    %get3A_125 = arith.index_cast %get3A_124 : i32 to index
    %get3A_126 = arith.constant 16 : index
    %get3A_127 = tpu.vector_load %arg5[%get3A_125, %get3A_126] {strides = array<i32>} : memref<24x128xi32, #tpu.memory_space<vmem>>, vector<1x16xi32>,
    %get3A_128 = vector.shape_cast %get3A_127 : vector<1x16xi32> to vector<16xi32>
    %shift_right_logical3A_129 = arith.constant 1 : i32
    %shift_right_logical3A_130 = vector.broadcast %shift_right_logical3A_129 : i32 to vector<16xi32>
    %shift_right_logical3A_131 = arith.shrui %get3A_128, %shift_right_logical3A_130 : vector<16xi32>
    %swap3A_132 = arith.constant 1 : i32
    %swap3A_133 = arith.index_cast %swap3A_132 : i32 to index
    %swap3A_134 = arith.constant 16 : index
    %swap3A_135 = tpu.vector_load %arg6[%swap3A_133, %swap3A_134] {strides = array<i32>} : memref<24x128xi32, #tpu.memory_space<vmem>>, vector<1x16xi32>,
    %swap3A_136 = vector.shape_cast %swap3A_135 : vector<1x16xi32> to vector<16xi32>
    %swap3A_137 = vector.shape_cast %shift_right_logical3A_131 : vector<16xi32> to vector<1x16xi32>
    tpu.vector_store %arg6[%swap3A_133, %swap3A_134], %swap3A_137 {strides = array<i32>} : memref<24x128xi32, #tpu.memory_space<vmem>>, vector<1x16xi32>,
    %get3A_138 = arith.constant 1 : i32
    %get3A_139 = arith.index_cast %get3A_138 : i32 to index
    %get3A_140 = arith.constant 32 : index
    %get3A_141 = tpu.vector_load %arg5[%get3A_139, %get3A_140] {strides = array<i32>} : memref<24x128xi32, #tpu.memory_space<vmem>>, vector<1x16xi32>,
    %get3A_142 = vector.shape_cast %get3A_141 : vector<1x16xi32> to vector<16xi32>
    %shift_right_logical3A_143 = arith.constant 1 : i32
    %shift_right_logical3A_144 = vector.broadcast %shift_right_logical3A_143 : i32 to vector<16xi32>
    %shift_right_logical3A_145 = arith.shrui %get3A_142, %shift_right_logical3A_144 : vector<16xi32>
    %swap3A_146 = arith.constant 1 : i32
    %swap3A_147 = arith.index_cast %swap3A_146 : i32 to index
    %swap3A_148 = arith.constant 32 : index
    %swap3A_149 = tpu.vector_load %arg6[%swap3A_147, %swap3A_148] {strides = array<i32>} : memref<24x128xi32, #tpu.memory_space<vmem>>, vector<1x16xi32>,
    %swap3A_150 = vector.shape_cast %swap3A_149 : vector<1x16xi32> to vector<16xi32>
    %swap3A_151 = vector.shape_cast %shift_right_logical3A_145 : vector<16xi32> to vector<1x16xi32>
    tpu.vector_store %arg6[%swap3A_147, %swap3A_148], %swap3A_151 {strides = array<i32>} : memref<24x128xi32, #tpu.memory_space<vmem>>, vector<1x16xi32>,
    %get3A_152 = arith.constant 1 : i32
    %get3A_153 = arith.index_cast %get3A_152 : i32 to index
    %get3A_154 = arith.constant 48 : index
    %get3A_155 = tpu.vector_load %arg5[%get3A_153, %get3A_154] {strides = array<i32>} : memref<24x128xi32, #tpu.memory_space<vmem>>, vector<1x16xi32>,
    %get3A_156 = vector.shape_cast %get3A_155 : vector<1x16xi32> to vector<16xi32>
    %shift_right_logical3A_157 = arith.constant 1 : i32
    %shift_right_logical3A_158 = vector.broadcast %shift_right_logical3A_157 : i32 to vector<16xi32>
    %shift_right_logical3A_159 = arith.shrui %get3A_156, %shift_right_logical3A_158 : vector<16xi32>
    %swap3A_160 = arith.constant 1 : i32
    %swap3A_161 = arith.index_cast %swap3A_160 : i32 to index
    %swap3A_162 = arith.constant 48 : index
    %swap3A_163 = tpu.vector_load %arg6[%swap3A_161, %swap3A_162] {strides = array<i32>} : memref<24x128xi32, #tpu.memory_space<vmem>>, vector<1x16xi32>,
    %swap3A_164 = vector.shape_cast %swap3A_163 : vector<1x16xi32> to vector<16xi32>
    %swap3A_165 = vector.shape_cast %shift_right_logical3A_159 : vector<16xi32> to vector<1x16xi32>
    tpu.vector_store %arg6[%swap3A_161, %swap3A_162], %swap3A_165 {strides = array<i32>} : memref<24x128xi32, #tpu.memory_space<vmem>>, vector<1x16xi32>,
    %get3A_166 = arith.constant 1 : i32
    %get3A_167 = arith.index_cast %get3A_166 : i32 to index
    %get3A_168 = arith.constant 64 : index
    %get3A_169 = tpu.vector_load %arg5[%get3A_167, %get3A_168] {strides = array<i32>} : memref<24x128xi32, #tpu.memory_space<vmem>>, vector<1x16xi32>,
    %get3A_170 = vector.shape_cast %get3A_169 : vector<1x16xi32> to vector<16xi32>
    %shift_right_logical3A_171 = arith.constant 1 : i32
    %shift_right_logical3A_172 = vector.broadcast %shift_right_logical3A_171 : i32 to vector<16xi32>
    %shift_right_logical3A_173 = arith.shrui %get3A_170, %shift_right_logical3A_172 : vector<16xi32>
    %swap3A_174 = arith.constant 1 : i32
    %swap3A_175 = arith.index_cast %swap3A_174 : i32 to index
    %swap3A_176 = arith.constant 64 : index
    %swap3A_177 = tpu.vector_load %arg6[%swap3A_175, %swap3A_176] {strides = array<i32>} : memref<24x128xi32, #tpu.memory_space<vmem>>, vector<1x16xi32>,
    %swap3A_178 = vector.shape_cast %swap3A_177 : vector<1x16xi32> to vector<16xi32>
    %swap3A_179 = vector.shape_cast %shift_right_logical3A_173 : vector<16xi32> to vector<1x16xi32>
    tpu.vector_store %arg6[%swap3A_175, %swap3A_176], %swap3A_179 {strides = array<i32>} : memref<24x128xi32, #tpu.memory_space<vmem>>, vector<1x16xi32>,
    %get3A_180 = arith.constant 1 : i32
    %get3A_181 = arith.index_cast %get3A_180 : i32 to index
    %get3A_182 = arith.constant 80 : index
    %get3A_183 = tpu.vector_load %arg5[%get3A_181, %get3A_182] {strides = array<i32>} : memref<24x128xi32, #tpu.memory_space<vmem>>, vector<1x16xi32>,
    %get3A_184 = vector.shape_cast %get3A_183 : vector<1x16xi32> to vector<16xi32>
    %shift_right_logical3A_185 = arith.constant 1 : i32
    %shift_right_logical3A_186 = vector.broadcast %shift_right_logical3A_185 : i32 to vector<16xi32>
    %shift_right_logical3A_187 = arith.shrui %get3A_184, %shift_right_logical3A_186 : vector<16xi32>
    %swap3A_188 = arith.constant 1 : i32
    %swap3A_189 = arith.index_cast %swap3A_188 : i32 to index
    %swap3A_190 = arith.constant 80 : index
    %swap3A_191 = tpu.vector_load %arg6[%swap3A_189, %swap3A_190] {strides = array<i32>} : memref<24x128xi32, #tpu.memory_space<vmem>>, vector<1x16xi32>,
    %swap3A_192 = vector.shape_cast %swap3A_191 : vector<1x16xi32> to vector<16xi32>
    %swap3A_193 = vector.shape_cast %shift_right_logical3A_187 : vector<16xi32> to vector<1x16xi32>
    tpu.vector_store %arg6[%swap3A_189, %swap3A_190], %swap3A_193 {strides = array<i32>} : memref<24x128xi32, #tpu.memory_space<vmem>>, vector<1x16xi32>,
    %get3A_194 = arith.constant 1 : i32
    %get3A_195 = arith.index_cast %get3A_194 : i32 to index
    %get3A_196 = arith.constant 96 : index
    %get3A_197 = tpu.vector_load %arg5[%get3A_195, %get3A_196] {strides = array<i32>} : memref<24x128xi32, #tpu.memory_space<vmem>>, vector<1x16xi32>,
    %get3A_198 = vector.shape_cast %get3A_197 : vector<1x16xi32> to vector<16xi32>
    %shift_right_logical3A_199 = arith.constant 1 : i32
    %shift_right_logical3A_200 = vector.broadcast %shift_right_logical3A_199 : i32 to vector<16xi32>
    %shift_right_logical3A_201 = arith.shrui %get3A_198, %shift_right_logical3A_200 : vector<16xi32>
    %swap3A_202 = arith.constant 1 : i32
    %swap3A_203 = arith.index_cast %swap3A_202 : i32 to index
    %swap3A_204 = arith.constant 96 : index
    %swap3A_205 = tpu.vector_load %arg6[%swap3A_203, %swap3A_204] {strides = array<i32>} : memref<24x128xi32, #tpu.memory_space<vmem>>, vector<1x16xi32>,
    %swap3A_206 = vector.shape_cast %swap3A_205 : vector<1x16xi32> to vector<16xi32>
    %swap3A_207 = vector.shape_cast %shift_right_logical3A_201 : vector<16xi32> to vector<1x16xi32>
    tpu.vector_store %arg6[%swap3A_203, %swap3A_204], %swap3A_207 {strides = array<i32>} : memref<24x128xi32, #tpu.memory_space<vmem>>, vector<1x16xi32>,
    %get3A_208 = arith.constant 1 : i32
    %get3A_209 = arith.index_cast %get3A_208 : i32 to index
    %get3A_210 = arith.constant 112 : index
    %get3A_211 = tpu.vector_load %arg5[%get3A_209, %get3A_210] {strides = array<i32>} : memref<24x128xi32, #tpu.memory_space<vmem>>, vector<1x16xi32>,
    %get3A_212 = vector.shape_cast %get3A_211 : vector<1x16xi32> to vector<16xi32>
    %shift_right_logical3A_213 = arith.constant 1 : i32
    %shift_right_logical3A_214 = vector.broadcast %shift_right_logical3A_213 : i32 to vector<16xi32>
    %shift_right_logical3A_215 = arith.shrui %get3A_212, %shift_right_logical3A_214 : vector<16xi32>
    %swap3A_216 = arith.constant 1 : i32
    %swap3A_217 = arith.index_cast %swap3A_216 : i32 to index
    %swap3A_218 = arith.constant 112 : index
    %swap3A_219 = tpu.vector_load %arg6[%swap3A_217, %swap3A_218] {strides = array<i32>} : memref<24x128xi32, #tpu.memory_space<vmem>>, vector<1x16xi32>,
    %swap3A_220 = vector.shape_cast %swap3A_219 : vector<1x16xi32> to vector<16xi32>
    %swap3A_221 = vector.shape_cast %shift_right_logical3A_215 : vector<16xi32> to vector<1x16xi32>
    tpu.vector_store %arg6[%swap3A_217, %swap3A_218], %swap3A_221 {strides = array<i32>} : memref<24x128xi32, #tpu.memory_space<vmem>>, vector<1x16xi32>,
    %get3A_222 = arith.constant 2 : i32
    %get3A_223 = arith.index_cast %get3A_222 : i32 to index
    %get3A_224 = arith.constant 0 : index
    %get3A_225 = tpu.vector_load %arg5[%get3A_223, %get3A_224] {strides = array<i32>} : memref<24x128xi32, #tpu.memory_space<vmem>>, vector<1x16xi32>,
    %get3A_226 = vector.shape_cast %get3A_225 : vector<1x16xi32> to vector<16xi32>
    %shift_right_logical3A_227 = arith.constant 1 : i32
    %shift_right_logical3A_228 = vector.broadcast %shift_right_logical3A_227 : i32 to vector<16xi32>
    %shift_right_logical3A_229 = arith.shrui %get3A_226, %shift_right_logical3A_228 : vector<16xi32>
    %swap3A_230 = arith.constant 2 : i32
    %swap3A_231 = arith.index_cast %swap3A_230 : i32 to index
    %swap3A_232 = arith.constant 0 : index
    %swap3A_233 = tpu.vector_load %arg6[%swap3A_231, %swap3A_232] {strides = array<i32>} : memref<24x128xi32, #tpu.memory_space<vmem>>, vector<1x16xi32>,
    %swap3A_234 = vector.shape_cast %swap3A_233 : vector<1x16xi32> to vector<16xi32>
    %swap3A_235 = vector.shape_cast %shift_right_logical3A_229 : vector<16xi32> to vector<1x16xi32>
    tpu.vector_store %arg6[%swap3A_231, %swap3A_232], %swap3A_235 {strides = array<i32>} : memref<24x128xi32, #tpu.memory_space<vmem>>, vector<1x16xi32>,
    %get3A_236 = arith.constant 2 : i32
    %get3A_237 = arith.index_cast %get3A_236 : i32 to index
    %get3A_238 = arith.constant 16 : index
    %get3A_239 = tpu.vector_load %arg5[%get3A_237, %get3A_238] {strides = array<i32>} : memref<24x128xi32, #tpu.memory_space<vmem>>, vector<1x16xi32>,
    %get3A_240 = vector.shape_cast %get3A_239 : vector<1x16xi32> to vector<16xi32>
    %shift_right_logical3A_241 = arith.constant 1 : i32
    %shift_right_logical3A_242 = vector.broadcast %shift_right_logical3A_241 : i32 to vector<16xi32>
    %shift_right_logical3A_243 = arith.shrui %get3A_240, %shift_right_logical3A_242 : vector<16xi32>
    %swap3A_244 = arith.constant 2 : i32
    %swap3A_245 = arith.index_cast %swap3A_244 : i32 to index
    %swap3A_246 = arith.constant 16 : index
    %swap3A_247 = tpu.vector_load %arg6[%swap3A_245, %swap3A_246] {strides = array<i32>} : memref<24x128xi32, #tpu.memory_space<vmem>>, vector<1x16xi32>,
    %swap3A_248 = vector.shape_cast %swap3A_247 : vector<1x16xi32> to vector<16xi32>
    %swap3A_249 = vector.shape_cast %shift_right_logical3A_243 : vector<16xi32> to vector<1x16xi32>
    tpu.vector_store %arg6[%swap3A_245, %swap3A_246], %swap3A_249 {strides = array<i32>} : memref<24x128xi32, #tpu.memory_space<vmem>>, vector<1x16xi32>,
    %get3A_250 = arith.constant 2 : i32
    %get3A_251 = arith.index_cast %get3A_250 : i32 to index
    %get3A_252 = arith.constant 32 : index
    %get3A_253 = tpu.vector_load %arg5[%get3A_251, %get3A_252] {strides = array<i32>} : memref<24x128xi32, #tpu.memory_space<vmem>>, vector<1x16xi32>,
    %get3A_254 = vector.shape_cast %get3A_253 : vector<1x16xi32> to vector<16xi32>
    %shift_right_logical3A_255 = arith.constant 1 : i32
    %shift_right_logical3A_256 = vector.broadcast %shift_right_logical3A_255 : i32 to vector<16xi32>
    %shift_right_logical3A_257 = arith.shrui %get3A_254, %shift_right_logical3A_256 : vector<16xi32>
    %swap3A_258 = arith.constant 2 : i32
    %swap3A_259 = arith.index_cast %swap3A_258 : i32 to index
    %swap3A_260 = arith.constant 32 : index
    %swap3A_261 = tpu.vector_load %arg6[%swap3A_259, %swap3A_260] {strides = array<i32>} : memref<24x128xi32, #tpu.memory_space<vmem>>, vector<1x16xi32>,
    %swap3A_262 = vector.shape_cast %swap3A_261 : vector<1x16xi32> to vector<16xi32>
    %swap3A_263 = vector.shape_cast %shift_right_logical3A_257 : vector<16xi32> to vector<1x16xi32>
    tpu.vector_store %arg6[%swap3A_259, %swap3A_260], %swap3A_263 {strides = array<i32>} : memref<24x128xi32, #tpu.memory_space<vmem>>, vector<1x16xi32>,
    %get3A_264 = arith.constant 2 : i32
    %get3A_265 = arith.index_cast %get3A_264 : i32 to index
    %get3A_266 = arith.constant 48 : index
    %get3A_267 = tpu.vector_load %arg5[%get3A_265, %get3A_266] {strides = array<i32>} : memref<24x128xi32, #tpu.memory_space<vmem>>, vector<1x16xi32>,
    %get3A_268 = vector.shape_cast %get3A_267 : vector<1x16xi32> to vector<16xi32>
    %shift_right_logical3A_269 = arith.constant 1 : i32
    %shift_right_logical3A_270 = vector.broadcast %shift_right_logical3A_269 : i32 to vector<16xi32>
    %shift_right_logical3A_271 = arith.shrui %get3A_268, %shift_right_logical3A_270 : vector<16xi32>
    %swap3A_272 = arith.constant 2 : i32
    %swap3A_273 = arith.index_cast %swap3A_272 : i32 to index
    %swap3A_274 = arith.constant 48 : index
    %swap3A_275 = tpu.vector_load %arg6[%swap3A_273, %swap3A_274] {strides = array<i32>} : memref<24x128xi32, #tpu.memory_space<vmem>>, vector<1x16xi32>,
    %swap3A_276 = vector.shape_cast %swap3A_275 : vector<1x16xi32> to vector<16xi32>
    %swap3A_277 = vector.shape_cast %shift_right_logical3A_271 : vector<16xi32> to vector<1x16xi32>
    tpu.vector_store %arg6[%swap3A_273, %swap3A_274], %swap3A_277 {strides = array<i32>} : memref<24x128xi32, #tpu.memory_space<vmem>>, vector<1x16xi32>,
    %get3A_278 = arith.constant 2 : i32
    %get3A_279 = arith.index_cast %get3A_278 : i32 to index
    %get3A_280 = arith.constant 64 : index
    %get3A_281 = tpu.vector_load %arg5[%get3A_279, %get3A_280] {strides = array<i32>} : memref<24x128xi32, #tpu.memory_space<vmem>>, vector<1x16xi32>,
    %get3A_282 = vector.shape_cast %get3A_281 : vector<1x16xi32> to vector<16xi32>
    %shift_right_logical3A_283 = arith.constant 1 : i32
    %shift_right_logical3A_284 = vector.broadcast %shift_right_logical3A_283 : i32 to vector<16xi32>
    %shift_right_logical3A_285 = arith.shrui %get3A_282, %shift_right_logical3A_284 : vector<16xi32>
    %swap3A_286 = arith.constant 2 : i32
    %swap3A_287 = arith.index_cast %swap3A_286 : i32 to index
    %swap3A_288 = arith.constant 64 : index
    %swap3A_289 = tpu.vector_load %arg6[%swap3A_287, %swap3A_288] {strides = array<i32>} : memref<24x128xi32, #tpu.memory_space<vmem>>, vector<1x16xi32>,
    %swap3A_290 = vector.shape_cast %swap3A_289 : vector<1x16xi32> to vector<16xi32>
    %swap3A_291 = vector.shape_cast %shift_right_logical3A_285 : vector<16xi32> to vector<1x16xi32>
    tpu.vector_store %arg6[%swap3A_287, %swap3A_288], %swap3A_291 {strides = array<i32>} : memref<24x128xi32, #tpu.memory_space<vmem>>, vector<1x16xi32>,
    %get3A_292 = arith.constant 2 : i32
    %get3A_293 = arith.index_cast %get3A_292 : i32 to index
    %get3A_294 = arith.constant 80 : index
    %get3A_295 = tpu.vector_load %arg5[%get3A_293, %get3A_294] {strides = array<i32>} : memref<24x128xi32, #tpu.memory_space<vmem>>, vector<1x16xi32>,
    %get3A_296 = vector.shape_cast %get3A_295 : vector<1x16xi32> to vector<16xi32>
    %shift_right_logical3A_297 = arith.constant 1 : i32
    %shift_right_logical3A_298 = vector.broadcast %shift_right_logical3A_297 : i32 to vector<16xi32>
    %shift_right_logical3A_299 = arith.shrui %get3A_296, %shift_right_logical3A_298 : vector<16xi32>
    %swap3A_300 = arith.constant 2 : i32
    %swap3A_301 = arith.index_cast %swap3A_300 : i32 to index
    %swap3A_302 = arith.constant 80 : index
    %swap3A_303 = tpu.vector_load %arg6[%swap3A_301, %swap3A_302] {strides = array<i32>} : memref<24x128xi32, #tpu.memory_space<vmem>>, vector<1x16xi32>,
    %swap3A_304 = vector.shape_cast %swap3A_303 : vector<1x16xi32> to vector<16xi32>
    %swap3A_305 = vector.shape_cast %shift_right_logical3A_299 : vector<16xi32> to vector<1x16xi32>
    tpu.vector_store %arg6[%swap3A_301, %swap3A_302], %swap3A_305 {strides = array<i32>} : memref<24x128xi32, #tpu.memory_space<vmem>>, vector<1x16xi32>,
    %get3A_306 = arith.constant 2 : i32
    %get3A_307 = arith.index_cast %get3A_306 : i32 to index
    %get3A_308 = arith.constant 96 : index
    %get3A_309 = tpu.vector_load %arg5[%get3A_307, %get3A_308] {strides = array<i32>} : memref<24x128xi32, #tpu.memory_space<vmem>>, vector<1x16xi32>,
    %get3A_310 = vector.shape_cast %get3A_309 : vector<1x16xi32> to vector<16xi32>
    %shift_right_logical3A_311 = arith.constant 1 : i32
    %shift_right_logical3A_312 = vector.broadcast %shift_right_logical3A_311 : i32 to vector<16xi32>
    %shift_right_logical3A_313 = arith.shrui %get3A_310, %shift_right_logical3A_312 : vector<16xi32>
    %swap3A_314 = arith.constant 2 : i32
    %swap3A_315 = arith.index_cast %swap3A_314 : i32 to index
    %swap3A_316 = arith.constant 96 : index
    %swap3A_317 = tpu.vector_load %arg6[%swap3A_315, %swap3A_316] {strides = array<i32>} : memref<24x128xi32, #tpu.memory_space<vmem>>, vector<1x16xi32>,
    %swap3A_318 = vector.shape_cast %swap3A_317 : vector<1x16xi32> to vector<16xi32>
    %swap3A_319 = vector.shape_cast %shift_right_logical3A_313 : vector<16xi32> to vector<1x16xi32>
    tpu.vector_store %arg6[%swap3A_315, %swap3A_316], %swap3A_319 {strides = array<i32>} : memref<24x128xi32, #tpu.memory_space<vmem>>, vector<1x16xi32>,
    %get3A_320 = arith.constant 2 : i32
    %get3A_321 = arith.index_cast %get3A_320 : i32 to index
    %get3A_322 = arith.constant 112 : index
    %get3A_323 = tpu.vector_load %arg5[%get3A_321, %get3A_322] {strides = array<i32>} : memref<24x128xi32, #tpu.memory_space<vmem>>, vector<1x16xi32>,
    %get3A_324 = vector.shape_cast %get3A_323 : vector<1x16xi32> to vector<16xi32>
    %shift_right_logical3A_325 = arith.constant 1 : i32
    %shift_right_logical3A_326 = vector.broadcast %shift_right_logical3A_325 : i32 to vector<16xi32>
    %shift_right_logical3A_327 = arith.shrui %get3A_324, %shift_right_logical3A_326 : vector<16xi32>
    %swap3A_328 = arith.constant 2 : i32
    %swap3A_329 = arith.index_cast %swap3A_328 : i32 to index
    %swap3A_330 = arith.constant 112 : index
    %swap3A_331 = tpu.vector_load %arg6[%swap3A_329, %swap3A_330] {strides = array<i32>} : memref<24x128xi32, #tpu.memory_space<vmem>>, vector<1x16xi32>,
    %swap3A_332 = vector.shape_cast %swap3A_331 : vector<1x16xi32> to vector<16xi32>
    %swap3A_333 = vector.shape_cast %shift_right_logical3A_327 : vector<16xi32> to vector<1x16xi32>
    tpu.vector_store %arg6[%swap3A_329, %swap3A_330], %swap3A_333 {strides = array<i32>} : memref<24x128xi32, #tpu.memory_space<vmem>>, vector<1x16xi32>,
    %get3A_334 = arith.constant 3 : i32
    %get3A_335 = arith.index_cast %get3A_334 : i32 to index
    %get3A_336 = arith.constant 0 : index
    %get3A_337 = tpu.vector_load %arg5[%get3A_335, %get3A_336] {strides = array<i32>} : memref<24x128xi32, #tpu.memory_space<vmem>>, vector<1x16xi32>,
    %get3A_338 = vector.shape_cast %get3A_337 : vector<1x16xi32> to vector<16xi32>
    %shift_right_logical3A_339 = arith.constant 1 : i32
    %shift_right_logical3A_340 = vector.broadcast %shift_right_logical3A_339 : i32 to vector<16xi32>
    %shift_right_logical3A_341 = arith.shrui %get3A_338, %shift_right_logical3A_340 : vector<16xi32>
    %swap3A_342 = arith.constant 3 : i32
    %swap3A_343 = arith.index_cast %swap3A_342 : i32 to index
    %swap3A_344 = arith.constant 0 : index
    %swap3A_345 = tpu.vector_load %arg6[%swap3A_343, %swap3A_344] {strides = array<i32>} : memref<24x128xi32, #tpu.memory_space<vmem>>, vector<1x16xi32>,
    %swap3A_346 = vector.shape_cast %swap3A_345 : vector<1x16xi32> to vector<16xi32>
    %swap3A_347 = vector.shape_cast %shift_right_logical3A_341 : vector<16xi32> to vector<1x16xi32>
    tpu.vector_store %arg6[%swap3A_343, %swap3A_344], %swap3A_347 {strides = array<i32>} : memref<24x128xi32, #tpu.memory_space<vmem>>, vector<1x16xi32>,
    %get3A_348 = arith.constant 3 : i32
    %get3A_349 = arith.index_cast %get3A_348 : i32 to index
    %get3A_350 = arith.constant 16 : index
    %get3A_351 = tpu.vector_load %arg5[%get3A_349, %get3A_350] {strides = array<i32>} : memref<24x128xi32, #tpu.memory_space<vmem>>, vector<1x16xi32>,
    %get3A_352 = vector.shape_cast %get3A_351 : vector<1x16xi32> to vector<16xi32>
    %shift_right_logical3A_353 = arith.constant 1 : i32
    %shift_right_logical3A_354 = vector.broadcast %shift_right_logical3A_353 : i32 to vector<16xi32>
    %shift_right_logical3A_355 = arith.shrui %get3A_352, %shift_right_logical3A_354 : vector<16xi32>
    %swap3A_356 = arith.constant 3 : i32
    %swap3A_357 = arith.index_cast %swap3A_356 : i32 to index
    %swap3A_358 = arith.constant 16 : index
    %swap3A_359 = tpu.vector_load %arg6[%swap3A_357, %swap3A_358] {strides = array<i32>} : memref<24x128xi32, #tpu.memory_space<vmem>>, vector<1x16xi32>,
    %swap3A_360 = vector.shape_cast %swap3A_359 : vector<1x16xi32> to vector<16xi32>
    %swap3A_361 = vector.shape_cast %shift_right_logical3A_355 : vector<16xi32> to vector<1x16xi32>
    tpu.vector_store %arg6[%swap3A_357, %swap3A_358], %swap3A_361 {strides = array<i32>} : memref<24x128xi32, #tpu.memory_space<vmem>>, vector<1x16xi32>,
    %get3A_362 = arith.constant 3 : i32
    %get3A_363 = arith.index_cast %get3A_362 : i32 to index
    %get3A_364 = arith.constant 32 : index
    %get3A_365 = tpu.vector_load %arg5[%get3A_363, %get3A_364] {strides = array<i32>} : memref<24x128xi32, #tpu.memory_space<vmem>>, vector<1x16xi32>,
    %get3A_366 = vector.shape_cast %get3A_365 : vector<1x16xi32> to vector<16xi32>
    %shift_right_logical3A_367 = arith.constant 1 : i32
    %shift_right_logical3A_368 = vector.broadcast %shift_right_logical3A_367 : i32 to vector<16xi32>
    %shift_right_logical3A_369 = arith.shrui %get3A_366, %shift_right_logical3A_368 : vector<16xi32>
    %swap3A_370 = arith.constant 3 : i32
    %swap3A_371 = arith.index_cast %swap3A_370 : i32 to index
    %swap3A_372 = arith.constant 32 : index
    %swap3A_373 = tpu.vector_load %arg6[%swap3A_371, %swap3A_372] {strides = array<i32>} : memref<24x128xi32, #tpu.memory_space<vmem>>, vector<1x16xi32>,
    %swap3A_374 = vector.shape_cast %swap3A_373 : vector<1x16xi32> to vector<16xi32>
    %swap3A_375 = vector.shape_cast %shift_right_logical3A_369 : vector<16xi32> to vector<1x16xi32>
    tpu.vector_store %arg6[%swap3A_371, %swap3A_372], %swap3A_375 {strides = array<i32>} : memref<24x128xi32, #tpu.memory_space<vmem>>, vector<1x16xi32>,
    %get3A_376 = arith.constant 3 : i32
    %get3A_377 = arith.index_cast %get3A_376 : i32 to index
    %get3A_378 = arith.constant 48 : index
    %get3A_379 = tpu.vector_load %arg5[%get3A_377, %get3A_378] {strides = array<i32>} : memref<24x128xi32, #tpu.memory_space<vmem>>, vector<1x16xi32>,
    %get3A_380 = vector.shape_cast %get3A_379 : vector<1x16xi32> to vector<16xi32>
    %shift_right_logical3A_381 = arith.constant 1 : i32
    %shift_right_logical3A_382 = vector.broadcast %shift_right_logical3A_381 : i32 to vector<16xi32>
    %shift_right_logical3A_383 = arith.shrui %get3A_380, %shift_right_logical3A_382 : vector<16xi32>
    %swap3A_384 = arith.constant 3 : i32
    %swap3A_385 = arith.index_cast %swap3A_384 : i32 to index
    %swap3A_386 = arith.constant 48 : index
    %swap3A_387 = tpu.vector_load %arg6[%swap3A_385, %swap3A_386] {strides = array<i32>} : memref<24x128xi32, #tpu.memory_space<vmem>>, vector<1x16xi32>,
    %swap3A_388 = vector.shape_cast %swap3A_387 : vector<1x16xi32> to vector<16xi32>
    %swap3A_389 = vector.shape_cast %shift_right_logical3A_383 : vector<16xi32> to vector<1x16xi32>
    tpu.vector_store %arg6[%swap3A_385, %swap3A_386], %swap3A_389 {strides = array<i32>} : memref<24x128xi32, #tpu.memory_space<vmem>>, vector<1x16xi32>,
    %get3A_390 = arith.constant 3 : i32
    %get3A_391 = arith.index_cast %get3A_390 : i32 to index
    %get3A_392 = arith.constant 64 : index
    %get3A_393 = tpu.vector_load %arg5[%get3A_391, %get3A_392] {strides = array<i32>} : memref<24x128xi32, #tpu.memory_space<vmem>>, vector<1x16xi32>,
    %get3A_394 = vector.shape_cast %get3A_393 : vector<1x16xi32> to vector<16xi32>
    %shift_right_logical3A_395 = arith.constant 1 : i32
    %shift_right_logical3A_396 = vector.broadcast %shift_right_logical3A_395 : i32 to vector<16xi32>
    %shift_right_logical3A_397 = arith.shrui %get3A_394, %shift_right_logical3A_396 : vector<16xi32>
    %swap3A_398 = arith.constant 3 : i32
    %swap3A_399 = arith.index_cast %swap3A_398 : i32 to index
    %swap3A_400 = arith.constant 64 : index
    %swap3A_401 = tpu.vector_load %arg6[%swap3A_399, %swap3A_400] {strides = array<i32>} : memref<24x128xi32, #tpu.memory_space<vmem>>, vector<1x16xi32>,
    %swap3A_402 = vector.shape_cast %swap3A_401 : vector<1x16xi32> to vector<16xi32>
    %swap3A_403 = vector.shape_cast %shift_right_logical3A_397 : vector<16xi32> to vector<1x16xi32>
    tpu.vector_store %arg6[%swap3A_399, %swap3A_400], %swap3A_403 {strides = array<i32>} : memref<24x128xi32, #tpu.memory_space<vmem>>, vector<1x16xi32>,
    %get3A_404 = arith.constant 3 : i32
    %get3A_405 = arith.index_cast %get3A_404 : i32 to index
    %get3A_406 = arith.constant 80 : index
    %get3A_407 = tpu.vector_load %arg5[%get3A_405, %get3A_406] {strides = array<i32>} : memref<24x128xi32, #tpu.memory_space<vmem>>, vector<1x16xi32>,
    %get3A_408 = vector.shape_cast %get3A_407 : vector<1x16xi32> to vector<16xi32>
    %shift_right_logical3A_409 = arith.constant 1 : i32
    %shift_right_logical3A_410 = vector.broadcast %shift_right_logical3A_409 : i32 to vector<16xi32>
    %shift_right_logical3A_411 = arith.shrui %get3A_408, %shift_right_logical3A_410 : vector<16xi32>
    %swap3A_412 = arith.constant 3 : i32
    %swap3A_413 = arith.index_cast %swap3A_412 : i32 to index
    %swap3A_414 = arith.constant 80 : index
    %swap3A_415 = tpu.vector_load %arg6[%swap3A_413, %swap3A_414] {strides = array<i32>} : memref<24x128xi32, #tpu.memory_space<vmem>>, vector<1x16xi32>,
    %swap3A_416 = vector.shape_cast %swap3A_415 : vector<1x16xi32> to vector<16xi32>
    %swap3A_417 = vector.shape_cast %shift_right_logical3A_411 : vector<16xi32> to vector<1x16xi32>
    tpu.vector_store %arg6[%swap3A_413, %swap3A_414], %swap3A_417 {strides = array<i32>} : memref<24x128xi32, #tpu.memory_space<vmem>>, vector<1x16xi32>,
    %get3A_418 = arith.constant 3 : i32
    %get3A_419 = arith.index_cast %get3A_418 : i32 to index
    %get3A_420 = arith.constant 96 : index
    %get3A_421 = tpu.vector_load %arg5[%get3A_419, %get3A_420] {strides = array<i32>} : memref<24x128xi32, #tpu.memory_space<vmem>>, vector<1x16xi32>,
    %get3A_422 = vector.shape_cast %get3A_421 : vector<1x16xi32> to vector<16xi32>
    %shift_right_logical3A_423 = arith.constant 1 : i32
    %shift_right_logical3A_424 = vector.broadcast %shift_right_logical3A_423 : i32 to vector<16xi32>
    %shift_right_logical3A_425 = arith.shrui %get3A_422, %shift_right_logical3A_424 : vector<16xi32>
    %swap3A_426 = arith.constant 3 : i32
    %swap3A_427 = arith.index_cast %swap3A_426 : i32 to index
    %swap3A_428 = arith.constant 96 : index
    %swap3A_429 = tpu.vector_load %arg6[%swap3A_427, %swap3A_428] {strides = array<i32>} : memref<24x128xi32, #tpu.memory_space<vmem>>, vector<1x16xi32>,
    %swap3A_430 = vector.shape_cast %swap3A_429 : vector<1x16xi32> to vector<16xi32>
    %swap3A_431 = vector.shape_cast %shift_right_logical3A_425 : vector<16xi32> to vector<1x16xi32>
    tpu.vector_store %arg6[%swap3A_427, %swap3A_428], %swap3A_431 {strides = array<i32>} : memref<24x128xi32, #tpu.memory_space<vmem>>, vector<1x16xi32>,
    %get3A_432 = arith.constant 3 : i32
    %get3A_433 = arith.index_cast %get3A_432 : i32 to index
    %get3A_434 = arith.constant 112 : index
    %get3A_435 = tpu.vector_load %arg5[%get3A_433, %get3A_434] {strides = array<i32>} : memref<24x128xi32, #tpu.memory_space<vmem>>, vector<1x16xi32>,
    %get3A_436 = vector.shape_cast %get3A_435 : vector<1x16xi32> to vector<16xi32>
    %shift_right_logical3A_437 = arith.constant 1 : i32
    %shift_right_logical3A_438 = vector.broadcast %shift_right_logical3A_437 : i32 to vector<16xi32>
    %shift_right_logical3A_439 = arith.shrui %get3A_436, %shift_right_logical3A_438 : vector<16xi32>
    %swap3A_440 = arith.constant 3 : i32
    %swap3A_441 = arith.index_cast %swap3A_440 : i32 to index
    %swap3A_442 = arith.constant 112 : index
    %swap3A_443 = tpu.vector_load %arg6[%swap3A_441, %swap3A_442] {strides = array<i32>} : memref<24x128xi32, #tpu.memory_space<vmem>>, vector<1x16xi32>,
    %swap3A_444 = vector.shape_cast %swap3A_443 : vector<1x16xi32> to vector<16xi32>
    %swap3A_445 = vector.shape_cast %shift_right_logical3A_439 : vector<16xi32> to vector<1x16xi32>
    tpu.vector_store %arg6[%swap3A_441, %swap3A_442], %swap3A_445 {strides = array<i32>} : memref<24x128xi32, #tpu.memory_space<vmem>>, vector<1x16xi32>,
    %get3A_446 = arith.constant 4 : i32
    %get3A_447 = arith.index_cast %get3A_446 : i32 to index
    %get3A_448 = arith.constant 0 : index
    %get3A_449 = tpu.vector_load %arg5[%get3A_447, %get3A_448] {strides = array<i32>} : memref<24x128xi32, #tpu.memory_space<vmem>>, vector<1x16xi32>,
    %get3A_450 = vector.shape_cast %get3A_449 : vector<1x16xi32> to vector<16xi32>
    %shift_right_logical3A_451 = arith.constant 1 : i32
    %shift_right_logical3A_452 = vector.broadcast %shift_right_logical3A_451 : i32 to vector<16xi32>
    %shift_right_logical3A_453 = arith.shrui %get3A_450, %shift_right_logical3A_452 : vector<16xi32>
    %swap3A_454 = arith.constant 4 : i32
    %swap3A_455 = arith.index_cast %swap3A_454 : i32 to index
    %swap3A_456 = arith.constant 0 : index
    %swap3A_457 = tpu.vector_load %arg6[%swap3A_455, %swap3A_456] {strides = array<i32>} : memref<24x128xi32, #tpu.memory_space<vmem>>, vector<1x16xi32>,
    %swap3A_458 = vector.shape_cast %swap3A_457 : vector<1x16xi32> to vector<16xi32>
    %swap3A_459 = vector.shape_cast %shift_right_logical3A_453 : vector<16xi32> to vector<1x16xi32>
    tpu.vector_store %arg6[%swap3A_455, %swap3A_456], %swap3A_459 {strides = array<i32>} : memref<24x128xi32, #tpu.memory_space<vmem>>, vector<1x16xi32>,
    %get3A_460 = arith.constant 4 : i32
    %get3A_461 = arith.index_cast %get3A_460 : i32 to index
    %get3A_462 = arith.constant 16 : index
    %get3A_463 = tpu.vector_load %arg5[%get3A_461, %get3A_462] {strides = array<i32>} : memref<24x128xi32, #tpu.memory_space<vmem>>, vector<1x16xi32>,
    %get3A_464 = vector.shape_cast %get3A_463 : vector<1x16xi32> to vector<16xi32>
    %shift_right_logical3A_465 = arith.constant 1 : i32
    %shift_right_logical3A_466 = vector.broadcast %shift_right_logical3A_465 : i32 to vector<16xi32>
    %shift_right_logical3A_467 = arith.shrui %get3A_464, %shift_right_logical3A_466 : vector<16xi32>
    %swap3A_468 = arith.constant 4 : i32
    %swap3A_469 = arith.index_cast %swap3A_468 : i32 to index
    %swap3A_470 = arith.constant 16 : index
    %swap3A_471 = tpu.vector_load %arg6[%swap3A_469, %swap3A_470] {strides = array<i32>} : memref<24x128xi32, #tpu.memory_space<vmem>>, vector<1x16xi32>,
    %swap3A_472 = vector.shape_cast %swap3A_471 : vector<1x16xi32> to vector<16xi32>
    %swap3A_473 = vector.shape_cast %shift_right_logical3A_467 : vector<16xi32> to vector<1x16xi32>
    tpu.vector_store %arg6[%swap3A_469, %swap3A_470], %swap3A_473 {strides = array<i32>} : memref<24x128xi32, #tpu.memory_space<vmem>>, vector<1x16xi32>,
    %get3A_474 = arith.constant 4 : i32
    %get3A_475 = arith.index_cast %get3A_474 : i32 to index
    %get3A_476 = arith.constant 32 : index
    %get3A_477 = tpu.vector_load %arg5[%get3A_475, %get3A_476] {strides = array<i32>} : memref<24x128xi32, #tpu.memory_space<vmem>>, vector<1x16xi32>,
    %get3A_478 = vector.shape_cast %get3A_477 : vector<1x16xi32> to vector<16xi32>
    %shift_right_logical3A_479 = arith.constant 1 : i32
    %shift_right_logical3A_480 = vector.broadcast %shift_right_logical3A_479 : i32 to vector<16xi32>
    %shift_right_logical3A_481 = arith.shrui %get3A_478, %shift_right_logical3A_480 : vector<16xi32>
    %swap3A_482 = arith.constant 4 : i32
    %swap3A_483 = arith.index_cast %swap3A_482 : i32 to index
    %swap3A_484 = arith.constant 32 : index
    %swap3A_485 = tpu.vector_load %arg6[%swap3A_483, %swap3A_484] {strides = array<i32>} : memref<24x128xi32, #tpu.memory_space<vmem>>, vector<1x16xi32>,
    %swap3A_486 = vector.shape_cast %swap3A_485 : vector<1x16xi32> to vector<16xi32>
    %swap3A_487 = vector.shape_cast %shift_right_logical3A_481 : vector<16xi32> to vector<1x16xi32>
    tpu.vector_store %arg6[%swap3A_483, %swap3A_484], %swap3A_487 {strides = array<i32>} : memref<24x128xi32, #tpu.memory_space<vmem>>, vector<1x16xi32>,
    %get3A_488 = arith.constant 4 : i32
    %get3A_489 = arith.index_cast %get3A_488 : i32 to index
    %get3A_490 = arith.constant 48 : index
    %get3A_491 = tpu.vector_load %arg5[%get3A_489, %get3A_490] {strides = array<i32>} : memref<24x128xi32, #tpu.memory_space<vmem>>, vector<1x16xi32>,
    %get3A_492 = vector.shape_cast %get3A_491 : vector<1x16xi32> to vector<16xi32>
    %shift_right_logical3A_493 = arith.constant 1 : i32
    %shift_right_logical3A_494 = vector.broadcast %shift_right_logical3A_493 : i32 to vector<16xi32>
    %shift_right_logical3A_495 = arith.shrui %get3A_492, %shift_right_logical3A_494 : vector<16xi32>
    %swap3A_496 = arith.constant 4 : i32
    %swap3A_497 = arith.index_cast %swap3A_496 : i32 to index
    %swap3A_498 = arith.constant 48 : index
    %swap3A_499 = tpu.vector_load %arg6[%swap3A_497, %swap3A_498] {strides = array<i32>} : memref<24x128xi32, #tpu.memory_space<vmem>>, vector<1x16xi32>,
    %swap3A_500 = vector.shape_cast %swap3A_499 : vector<1x16xi32> to vector<16xi32>
    %swap3A_501 = vector.shape_cast %shift_right_logical3A_495 : vector<16xi32> to vector<1x16xi32>
    tpu.vector_store %arg6[%swap3A_497, %swap3A_498], %swap3A_501 {strides = array<i32>} : memref<24x128xi32, #tpu.memory_space<vmem>>, vector<1x16xi32>,
    %get3A_502 = arith.constant 4 : i32
    %get3A_503 = arith.index_cast %get3A_502 : i32 to index
    %get3A_504 = arith.constant 64 : index
    %get3A_505 = tpu.vector_load %arg5[%get3A_503, %get3A_504] {strides = array<i32>} : memref<24x128xi32, #tpu.memory_space<vmem>>, vector<1x16xi32>,
    %get3A_506 = vector.shape_cast %get3A_505 : vector<1x16xi32> to vector<16xi32>
    %shift_right_logical3A_507 = arith.constant 1 : i32
    %shift_right_logical3A_508 = vector.broadcast %shift_right_logical3A_507 : i32 to vector<16xi32>
    %shift_right_logical3A_509 = arith.shrui %get3A_506, %shift_right_logical3A_508 : vector<16xi32>
    %swap3A_510 = arith.constant 4 : i32
    %swap3A_511 = arith.index_cast %swap3A_510 : i32 to index
    %swap3A_512 = arith.constant 64 : index
    %swap3A_513 = tpu.vector_load %arg6[%swap3A_511, %swap3A_512] {strides = array<i32>} : memref<24x128xi32, #tpu.memory_space<vmem>>, vector<1x16xi32>,
    %swap3A_514 = vector.shape_cast %swap3A_513 : vector<1x16xi32> to vector<16xi32>
    %swap3A_515 = vector.shape_cast %shift_right_logical3A_509 : vector<16xi32> to vector<1x16xi32>
    tpu.vector_store %arg6[%swap3A_511, %swap3A_512], %swap3A_515 {strides = array<i32>} : memref<24x128xi32, #tpu.memory_space<vmem>>, vector<1x16xi32>,
    %get3A_516 = arith.constant 4 : i32
    %get3A_517 = arith.index_cast %get3A_516 : i32 to index
    %get3A_518 = arith.constant 80 : index
    %get3A_519 = tpu.vector_load %arg5[%get3A_517, %get3A_518] {strides = array<i32>} : memref<24x128xi32, #tpu.memory_space<vmem>>, vector<1x16xi32>,
    %get3A_520 = vector.shape_cast %get3A_519 : vector<1x16xi32> to vector<16xi32>
    %shift_right_logical3A_521 = arith.constant 1 : i32
    %shift_right_logical3A_522 = vector.broadcast %shift_right_logical3A_521 : i32 to vector<16xi32>
    %shift_right_logical3A_523 = arith.shrui %get3A_520, %shift_right_logical3A_522 : vector<16xi32>
    %swap3A_524 = arith.constant 4 : i32
    %swap3A_525 = arith.index_cast %swap3A_524 : i32 to index
    %swap3A_526 = arith.constant 80 : index
    %swap3A_527 = tpu.vector_load %arg6[%swap3A_525, %swap3A_526] {strides = array<i32>} : memref<24x128xi32, #tpu.memory_space<vmem>>, vector<1x16xi32>,
    %swap3A_528 = vector.shape_cast %swap3A_527 : vector<1x16xi32> to vector<16xi32>
    %swap3A_529 = vector.shape_cast %shift_right_logical3A_523 : vector<16xi32> to vector<1x16xi32>
    tpu.vector_store %arg6[%swap3A_525, %swap3A_526], %swap3A_529 {strides = array<i32>} : memref<24x128xi32, #tpu.memory_space<vmem>>, vector<1x16xi32>,
    %get3A_530 = arith.constant 4 : i32
    %get3A_531 = arith.index_cast %get3A_530 : i32 to index
    %get3A_532 = arith.constant 96 : index
    %get3A_533 = tpu.vector_load %arg5[%get3A_531, %get3A_532] {strides = array<i32>} : memref<24x128xi32, #tpu.memory_space<vmem>>, vector<1x16xi32>,
    %get3A_534 = vector.shape_cast %get3A_533 : vector<1x16xi32> to vector<16xi32>
    %shift_right_logical3A_535 = arith.constant 1 : i32
    %shift_right_logical3A_536 = vector.broadcast %shift_right_logical3A_535 : i32 to vector<16xi32>
    %shift_right_logical3A_537 = arith.shrui %get3A_534, %shift_right_logical3A_536 : vector<16xi32>
    %swap3A_538 = arith.constant 4 : i32
    %swap3A_539 = arith.index_cast %swap3A_538 : i32 to index
    %swap3A_540 = arith.constant 96 : index
    %swap3A_541 = tpu.vector_load %arg6[%swap3A_539, %swap3A_540] {strides = array<i32>} : memref<24x128xi32, #tpu.memory_space<vmem>>, vector<1x16xi32>,
    %swap3A_542 = vector.shape_cast %swap3A_541 : vector<1x16xi32> to vector<16xi32>
    %swap3A_543 = vector.shape_cast %shift_right_logical3A_537 : vector<16xi32> to vector<1x16xi32>
    tpu.vector_store %arg6[%swap3A_539, %swap3A_540], %swap3A_543 {strides = array<i32>} : memref<24x128xi32, #tpu.memory_space<vmem>>, vector<1x16xi32>,
    %get3A_544 = arith.constant 4 : i32
    %get3A_545 = arith.index_cast %get3A_544 : i32 to index
    %get3A_546 = arith.constant 112 : index
    %get3A_547 = tpu.vector_load %arg5[%get3A_545, %get3A_546] {strides = array<i32>} : memref<24x128xi32, #tpu.memory_space<vmem>>, vector<1x16xi32>,
    %get3A_548 = vector.shape_cast %get3A_547 : vector<1x16xi32> to vector<16xi32>
    %shift_right_logical3A_549 = arith.constant 1 : i32
    %shift_right_logical3A_550 = vector.broadcast %shift_right_logical3A_549 : i32 to vector<16xi32>
    %shift_right_logical3A_551 = arith.shrui %get3A_548, %shift_right_logical3A_550 : vector<16xi32>
    %swap3A_552 = arith.constant 4 : i32
    %swap3A_553 = arith.index_cast %swap3A_552 : i32 to index
    %swap3A_554 = arith.constant 112 : index
    %swap3A_555 = tpu.vector_load %arg6[%swap3A_553, %swap3A_554] {strides = array<i32>} : memref<24x128xi32, #tpu.memory_space<vmem>>, vector<1x16xi32>,
    %swap3A_556 = vector.shape_cast %swap3A_555 : vector<1x16xi32> to vector<16xi32>
    %swap3A_557 = vector.shape_cast %shift_right_logical3A_551 : vector<16xi32> to vector<1x16xi32>
    tpu.vector_store %arg6[%swap3A_553, %swap3A_554], %swap3A_557 {strides = array<i32>} : memref<24x128xi32, #tpu.memory_space<vmem>>, vector<1x16xi32>,
    %get3A_558 = arith.constant 5 : i32
    %get3A_559 = arith.index_cast %get3A_558 : i32 to index
    %get3A_560 = arith.constant 0 : index
    %get3A_561 = tpu.vector_load %arg5[%get3A_559, %get3A_560] {strides = array<i32>} : memref<24x128xi32, #tpu.memory_space<vmem>>, vector<1x16xi32>,
    %get3A_562 = vector.shape_cast %get3A_561 : vector<1x16xi32> to vector<16xi32>
    %shift_right_logical3A_563 = arith.constant 1 : i32
    %shift_right_logical3A_564 = vector.broadcast %shift_right_logical3A_563 : i32 to vector<16xi32>
    %shift_right_logical3A_565 = arith.shrui %get3A_562, %shift_right_logical3A_564 : vector<16xi32>
    %swap3A_566 = arith.constant 5 : i32
    %swap3A_567 = arith.index_cast %swap3A_566 : i32 to index
    %swap3A_568 = arith.constant 0 : index
    %swap3A_569 = tpu.vector_load %arg6[%swap3A_567, %swap3A_568] {strides = array<i32>} : memref<24x128xi32, #tpu.memory_space<vmem>>, vector<1x16xi32>,
    %swap3A_570 = vector.shape_cast %swap3A_569 : vector<1x16xi32> to vector<16xi32>
    %swap3A_571 = vector.shape_cast %shift_right_logical3A_565 : vector<16xi32> to vector<1x16xi32>
    tpu.vector_store %arg6[%swap3A_567, %swap3A_568], %swap3A_571 {strides = array<i32>} : memref<24x128xi32, #tpu.memory_space<vmem>>, vector<1x16xi32>,
    %get3A_572 = arith.constant 5 : i32
    %get3A_573 = arith.index_cast %get3A_572 : i32 to index
    %get3A_574 = arith.constant 16 : index
    %get3A_575 = tpu.vector_load %arg5[%get3A_573, %get3A_574] {strides = array<i32>} : memref<24x128xi32, #tpu.memory_space<vmem>>, vector<1x16xi32>,
    %get3A_576 = vector.shape_cast %get3A_575 : vector<1x16xi32> to vector<16xi32>
    %shift_right_logical3A_577 = arith.constant 1 : i32
    %shift_right_logical3A_578 = vector.broadcast %shift_right_logical3A_577 : i32 to vector<16xi32>
    %shift_right_logical3A_579 = arith.shrui %get3A_576, %shift_right_logical3A_578 : vector<16xi32>
    %swap3A_580 = arith.constant 5 : i32
    %swap3A_581 = arith.index_cast %swap3A_580 : i32 to index
    %swap3A_582 = arith.constant 16 : index
    %swap3A_583 = tpu.vector_load %arg6[%swap3A_581, %swap3A_582] {strides = array<i32>} : memref<24x128xi32, #tpu.memory_space<vmem>>, vector<1x16xi32>,
    %swap3A_584 = vector.shape_cast %swap3A_583 : vector<1x16xi32> to vector<16xi32>
    %swap3A_585 = vector.shape_cast %shift_right_logical3A_579 : vector<16xi32> to vector<1x16xi32>
    tpu.vector_store %arg6[%swap3A_581, %swap3A_582], %swap3A_585 {strides = array<i32>} : memref<24x128xi32, #tpu.memory_space<vmem>>, vector<1x16xi32>,
    %get3A_586 = arith.constant 5 : i32
    %get3A_587 = arith.index_cast %get3A_586 : i32 to index
    %get3A_588 = arith.constant 32 : index
    %get3A_589 = tpu.vector_load %arg5[%get3A_587, %get3A_588] {strides = array<i32>} : memref<24x128xi32, #tpu.memory_space<vmem>>, vector<1x16xi32>,
    %get3A_590 = vector.shape_cast %get3A_589 : vector<1x16xi32> to vector<16xi32>
    %shift_right_logical3A_591 = arith.constant 1 : i32
    %shift_right_logical3A_592 = vector.broadcast %shift_right_logical3A_591 : i32 to vector<16xi32>
    %shift_right_logical3A_593 = arith.shrui %get3A_590, %shift_right_logical3A_592 : vector<16xi32>
    %swap3A_594 = arith.constant 5 : i32
    %swap3A_595 = arith.index_cast %swap3A_594 : i32 to index
    %swap3A_596 = arith.constant 32 : index
    %swap3A_597 = tpu.vector_load %arg6[%swap3A_595, %swap3A_596] {strides = array<i32>} : memref<24x128xi32, #tpu.memory_space<vmem>>, vector<1x16xi32>,
    %swap3A_598 = vector.shape_cast %swap3A_597 : vector<1x16xi32> to vector<16xi32>
    %swap3A_599 = vector.shape_cast %shift_right_logical3A_593 : vector<16xi32> to vector<1x16xi32>
    tpu.vector_store %arg6[%swap3A_595, %swap3A_596], %swap3A_599 {strides = array<i32>} : memref<24x128xi32, #tpu.memory_space<vmem>>, vector<1x16xi32>,
    %get3A_600 = arith.constant 5 : i32
    %get3A_601 = arith.index_cast %get3A_600 : i32 to index
    %get3A_602 = arith.constant 48 : index
    %get3A_603 = tpu.vector_load %arg5[%get3A_601, %get3A_602] {strides = array<i32>} : memref<24x128xi32, #tpu.memory_space<vmem>>, vector<1x16xi32>,
    %get3A_604 = vector.shape_cast %get3A_603 : vector<1x16xi32> to vector<16xi32>
    %shift_right_logical3A_605 = arith.constant 1 : i32
    %shift_right_logical3A_606 = vector.broadcast %shift_right_logical3A_605 : i32 to vector<16xi32>
    %shift_right_logical3A_607 = arith.shrui %get3A_604, %shift_right_logical3A_606 : vector<16xi32>
    %swap3A_608 = arith.constant 5 : i32
    %swap3A_609 = arith.index_cast %swap3A_608 : i32 to index
    %swap3A_610 = arith.constant 48 : index
    %swap3A_611 = tpu.vector_load %arg6[%swap3A_609, %swap3A_610] {strides = array<i32>} : memref<24x128xi32, #tpu.memory_space<vmem>>, vector<1x16xi32>,
    %swap3A_612 = vector.shape_cast %swap3A_611 : vector<1x16xi32> to vector<16xi32>
    %swap3A_613 = vector.shape_cast %shift_right_logical3A_607 : vector<16xi32> to vector<1x16xi32>
    tpu.vector_store %arg6[%swap3A_609, %swap3A_610], %swap3A_613 {strides = array<i32>} : memref<24x128xi32, #tpu.memory_space<vmem>>, vector<1x16xi32>,
    %get3A_614 = arith.constant 5 : i32
    %get3A_615 = arith.index_cast %get3A_614 : i32 to index
    %get3A_616 = arith.constant 64 : index
    %get3A_617 = tpu.vector_load %arg5[%get3A_615, %get3A_616] {strides = array<i32>} : memref<24x128xi32, #tpu.memory_space<vmem>>, vector<1x16xi32>,
    %get3A_618 = vector.shape_cast %get3A_617 : vector<1x16xi32> to vector<16xi32>
    %shift_right_logical3A_619 = arith.constant 1 : i32
    %shift_right_logical3A_620 = vector.broadcast %shift_right_logical3A_619 : i32 to vector<16xi32>
    %shift_right_logical3A_621 = arith.shrui %get3A_618, %shift_right_logical3A_620 : vector<16xi32>
    %swap3A_622 = arith.constant 5 : i32
    %swap3A_623 = arith.index_cast %swap3A_622 : i32 to index
    %swap3A_624 = arith.constant 64 : index
    %swap3A_625 = tpu.vector_load %arg6[%swap3A_623, %swap3A_624] {strides = array<i32>} : memref<24x128xi32, #tpu.memory_space<vmem>>, vector<1x16xi32>,
    %swap3A_626 = vector.shape_cast %swap3A_625 : vector<1x16xi32> to vector<16xi32>
    %swap3A_627 = vector.shape_cast %shift_right_logical3A_621 : vector<16xi32> to vector<1x16xi32>
    tpu.vector_store %arg6[%swap3A_623, %swap3A_624], %swap3A_627 {strides = array<i32>} : memref<24x128xi32, #tpu.memory_space<vmem>>, vector<1x16xi32>,
    %get3A_628 = arith.constant 5 : i32
    %get3A_629 = arith.index_cast %get3A_628 : i32 to index
    %get3A_630 = arith.constant 80 : index
    %get3A_631 = tpu.vector_load %arg5[%get3A_629, %get3A_630] {strides = array<i32>} : memref<24x128xi32, #tpu.memory_space<vmem>>, vector<1x16xi32>,
    %get3A_632 = vector.shape_cast %get3A_631 : vector<1x16xi32> to vector<16xi32>
    %shift_right_logical3A_633 = arith.constant 1 : i32
    %shift_right_logical3A_634 = vector.broadcast %shift_right_logical3A_633 : i32 to vector<16xi32>
    %shift_right_logical3A_635 = arith.shrui %get3A_632, %shift_right_logical3A_634 : vector<16xi32>
    %swap3A_636 = arith.constant 5 : i32
    %swap3A_637 = arith.index_cast %swap3A_636 : i32 to index
    %swap3A_638 = arith.constant 80 : index
    %swap3A_639 = tpu.vector_load %arg6[%swap3A_637, %swap3A_638] {strides = array<i32>} : memref<24x128xi32, #tpu.memory_space<vmem>>, vector<1x16xi32>,
    %swap3A_640 = vector.shape_cast %swap3A_639 : vector<1x16xi32> to vector<16xi32>
    %swap3A_641 = vector.shape_cast %shift_right_logical3A_635 : vector<16xi32> to vector<1x16xi32>
    tpu.vector_store %arg6[%swap3A_637, %swap3A_638], %swap3A_641 {strides = array<i32>} : memref<24x128xi32, #tpu.memory_space<vmem>>, vector<1x16xi32>,
    %get3A_642 = arith.constant 5 : i32
    %get3A_643 = arith.index_cast %get3A_642 : i32 to index
    %get3A_644 = arith.constant 96 : index
    %get3A_645 = tpu.vector_load %arg5[%get3A_643, %get3A_644] {strides = array<i32>} : memref<24x128xi32, #tpu.memory_space<vmem>>, vector<1x16xi32>,
    %get3A_646 = vector.shape_cast %get3A_645 : vector<1x16xi32> to vector<16xi32>
    %shift_right_logical3A_647 = arith.constant 1 : i32
    %shift_right_logical3A_648 = vector.broadcast %shift_right_logical3A_647 : i32 to vector<16xi32>
    %shift_right_logical3A_649 = arith.shrui %get3A_646, %shift_right_logical3A_648 : vector<16xi32>
    %swap3A_650 = arith.constant 5 : i32
    %swap3A_651 = arith.index_cast %swap3A_650 : i32 to index
    %swap3A_652 = arith.constant 96 : index
    %swap3A_653 = tpu.vector_load %arg6[%swap3A_651, %swap3A_652] {strides = array<i32>} : memref<24x128xi32, #tpu.memory_space<vmem>>, vector<1x16xi32>,
    %swap3A_654 = vector.shape_cast %swap3A_653 : vector<1x16xi32> to vector<16xi32>
    %swap3A_655 = vector.shape_cast %shift_right_logical3A_649 : vector<16xi32> to vector<1x16xi32>
    tpu.vector_store %arg6[%swap3A_651, %swap3A_652], %swap3A_655 {strides = array<i32>} : memref<24x128xi32, #tpu.memory_space<vmem>>, vector<1x16xi32>,
    %get3A_656 = arith.constant 5 : i32
    %get3A_657 = arith.index_cast %get3A_656 : i32 to index
    %get3A_658 = arith.constant 112 : index
    %get3A_659 = tpu.vector_load %arg5[%get3A_657, %get3A_658] {strides = array<i32>} : memref<24x128xi32, #tpu.memory_space<vmem>>, vector<1x16xi32>,
    %get3A_660 = vector.shape_cast %get3A_659 : vector<1x16xi32> to vector<16xi32>
    %shift_right_logical3A_661 = arith.constant 1 : i32
    %shift_right_logical3A_662 = vector.broadcast %shift_right_logical3A_661 : i32 to vector<16xi32>
    %shift_right_logical3A_663 = arith.shrui %get3A_660, %shift_right_logical3A_662 : vector<16xi32>
    %swap3A_664 = arith.constant 5 : i32
    %swap3A_665 = arith.index_cast %swap3A_664 : i32 to index
    %swap3A_666 = arith.constant 112 : index
    %swap3A_667 = tpu.vector_load %arg6[%swap3A_665, %swap3A_666] {strides = array<i32>} : memref<24x128xi32, #tpu.memory_space<vmem>>, vector<1x16xi32>,
    %swap3A_668 = vector.shape_cast %swap3A_667 : vector<1x16xi32> to vector<16xi32>
    %swap3A_669 = vector.shape_cast %shift_right_logical3A_663 : vector<16xi32> to vector<1x16xi32>
    tpu.vector_store %arg6[%swap3A_665, %swap3A_666], %swap3A_669 {strides = array<i32>} : memref<24x128xi32, #tpu.memory_space<vmem>>, vector<1x16xi32>,
    %get3A_670 = arith.constant 6 : i32
    %get3A_671 = arith.index_cast %get3A_670 : i32 to index
    %get3A_672 = arith.constant 0 : index
    %get3A_673 = tpu.vector_load %arg5[%get3A_671, %get3A_672] {strides = array<i32>} : memref<24x128xi32, #tpu.memory_space<vmem>>, vector<1x16xi32>,
    %get3A_674 = vector.shape_cast %get3A_673 : vector<1x16xi32> to vector<16xi32>
    %shift_right_logical3A_675 = arith.constant 1 : i32
    %shift_right_logical3A_676 = vector.broadcast %shift_right_logical3A_675 : i32 to vector<16xi32>
    %shift_right_logical3A_677 = arith.shrui %get3A_674, %shift_right_logical3A_676 : vector<16xi32>
    %swap3A_678 = arith.constant 6 : i32
    %swap3A_679 = arith.index_cast %swap3A_678 : i32 to index
    %swap3A_680 = arith.constant 0 : index
    %swap3A_681 = tpu.vector_load %arg6[%swap3A_679, %swap3A_680] {strides = array<i32>} : memref<24x128xi32, #tpu.memory_space<vmem>>, vector<1x16xi32>,
    %swap3A_682 = vector.shape_cast %swap3A_681 : vector<1x16xi32> to vector<16xi32>
    %swap3A_683 = vector.shape_cast %shift_right_logical3A_677 : vector<16xi32> to vector<1x16xi32>
    tpu.vector_store %arg6[%swap3A_679, %swap3A_680], %swap3A_683 {strides = array<i32>} : memref<24x128xi32, #tpu.memory_space<vmem>>, vector<1x16xi32>,
    %get3A_684 = arith.constant 6 : i32
    %get3A_685 = arith.index_cast %get3A_684 : i32 to index
    %get3A_686 = arith.constant 16 : index
    %get3A_687 = tpu.vector_load %arg5[%get3A_685, %get3A_686] {strides = array<i32>} : memref<24x128xi32, #tpu.memory_space<vmem>>, vector<1x16xi32>,
    %get3A_688 = vector.shape_cast %get3A_687 : vector<1x16xi32> to vector<16xi32>
    %shift_right_logical3A_689 = arith.constant 1 : i32
    %shift_right_logical3A_690 = vector.broadcast %shift_right_logical3A_689 : i32 to vector<16xi32>
    %shift_right_logical3A_691 = arith.shrui %get3A_688, %shift_right_logical3A_690 : vector<16xi32>
    %swap3A_692 = arith.constant 6 : i32
    %swap3A_693 = arith.index_cast %swap3A_692 : i32 to index
    %swap3A_694 = arith.constant 16 : index
    %swap3A_695 = tpu.vector_load %arg6[%swap3A_693, %swap3A_694] {strides = array<i32>} : memref<24x128xi32, #tpu.memory_space<vmem>>, vector<1x16xi32>,
    %swap3A_696 = vector.shape_cast %swap3A_695 : vector<1x16xi32> to vector<16xi32>
    %swap3A_697 = vector.shape_cast %shift_right_logical3A_691 : vector<16xi32> to vector<1x16xi32>
    tpu.vector_store %arg6[%swap3A_693, %swap3A_694], %swap3A_697 {strides = array<i32>} : memref<24x128xi32, #tpu.memory_space<vmem>>, vector<1x16xi32>,
    %get3A_698 = arith.constant 6 : i32
    %get3A_699 = arith.index_cast %get3A_698 : i32 to index
    %get3A_700 = arith.constant 32 : index
    %get3A_701 = tpu.vector_load %arg5[%get3A_699, %get3A_700] {strides = array<i32>} : memref<24x128xi32, #tpu.memory_space<vmem>>, vector<1x16xi32>,
    %get3A_702 = vector.shape_cast %get3A_701 : vector<1x16xi32> to vector<16xi32>
    %shift_right_logical3A_703 = arith.constant 1 : i32
    %shift_right_logical3A_704 = vector.broadcast %shift_right_logical3A_703 : i32 to vector<16xi32>
    %shift_right_logical3A_705 = arith.shrui %get3A_702, %shift_right_logical3A_704 : vector<16xi32>
    %swap3A_706 = arith.constant 6 : i32
    %swap3A_707 = arith.index_cast %swap3A_706 : i32 to index
    %swap3A_708 = arith.constant 32 : index
    %swap3A_709 = tpu.vector_load %arg6[%swap3A_707, %swap3A_708] {strides = array<i32>} : memref<24x128xi32, #tpu.memory_space<vmem>>, vector<1x16xi32>,
    %swap3A_710 = vector.shape_cast %swap3A_709 : vector<1x16xi32> to vector<16xi32>
    %swap3A_711 = vector.shape_cast %shift_right_logical3A_705 : vector<16xi32> to vector<1x16xi32>
    tpu.vector_store %arg6[%swap3A_707, %swap3A_708], %swap3A_711 {strides = array<i32>} : memref<24x128xi32, #tpu.memory_space<vmem>>, vector<1x16xi32>,
    %get3A_712 = arith.constant 6 : i32
    %get3A_713 = arith.index_cast %get3A_712 : i32 to index
    %get3A_714 = arith.constant 48 : index
    %get3A_715 = tpu.vector_load %arg5[%get3A_713, %get3A_714] {strides = array<i32>} : memref<24x128xi32, #tpu.memory_space<vmem>>, vector<1x16xi32>,
    %get3A_716 = vector.shape_cast %get3A_715 : vector<1x16xi32> to vector<16xi32>
    %shift_right_logical3A_717 = arith.constant 1 : i32
    %shift_right_logical3A_718 = vector.broadcast %shift_right_logical3A_717 : i32 to vector<16xi32>
    %shift_right_logical3A_719 = arith.shrui %get3A_716, %shift_right_logical3A_718 : vector<16xi32>
    %swap3A_720 = arith.constant 6 : i32
    %swap3A_721 = arith.index_cast %swap3A_720 : i32 to index
    %swap3A_722 = arith.constant 48 : index
    %swap3A_723 = tpu.vector_load %arg6[%swap3A_721, %swap3A_722] {strides = array<i32>} : memref<24x128xi32, #tpu.memory_space<vmem>>, vector<1x16xi32>,
    %swap3A_724 = vector.shape_cast %swap3A_723 : vector<1x16xi32> to vector<16xi32>
    %swap3A_725 = vector.shape_cast %shift_right_logical3A_719 : vector<16xi32> to vector<1x16xi32>
    tpu.vector_store %arg6[%swap3A_721, %swap3A_722], %swap3A_725 {strides = array<i32>} : memref<24x128xi32, #tpu.memory_space<vmem>>, vector<1x16xi32>,
    %get3A_726 = arith.constant 6 : i32
    %get3A_727 = arith.index_cast %get3A_726 : i32 to index
    %get3A_728 = arith.constant 64 : index
    %get3A_729 = tpu.vector_load %arg5[%get3A_727, %get3A_728] {strides = array<i32>} : memref<24x128xi32, #tpu.memory_space<vmem>>, vector<1x16xi32>,
    %get3A_730 = vector.shape_cast %get3A_729 : vector<1x16xi32> to vector<16xi32>
    %shift_right_logical3A_731 = arith.constant 1 : i32
    %shift_right_logical3A_732 = vector.broadcast %shift_right_logical3A_731 : i32 to vector<16xi32>
    %shift_right_logical3A_733 = arith.shrui %get3A_730, %shift_right_logical3A_732 : vector<16xi32>
    %swap3A_734 = arith.constant 6 : i32
    %swap3A_735 = arith.index_cast %swap3A_734 : i32 to index
    %swap3A_736 = arith.constant 64 : index
    %swap3A_737 = tpu.vector_load %arg6[%swap3A_735, %swap3A_736] {strides = array<i32>} : memref<24x128xi32, #tpu.memory_space<vmem>>, vector<1x16xi32>,
    %swap3A_738 = vector.shape_cast %swap3A_737 : vector<1x16xi32> to vector<16xi32>
    %swap3A_739 = vector.shape_cast %shift_right_logical3A_733 : vector<16xi32> to vector<1x16xi32>
    tpu.vector_store %arg6[%swap3A_735, %swap3A_736], %swap3A_739 {strides = array<i32>} : memref<24x128xi32, #tpu.memory_space<vmem>>, vector<1x16xi32>,
    %get3A_740 = arith.constant 6 : i32
    %get3A_741 = arith.index_cast %get3A_740 : i32 to index
    %get3A_742 = arith.constant 80 : index
    %get3A_743 = tpu.vector_load %arg5[%get3A_741, %get3A_742] {strides = array<i32>} : memref<24x128xi32, #tpu.memory_space<vmem>>, vector<1x16xi32>,
    %get3A_744 = vector.shape_cast %get3A_743 : vector<1x16xi32> to vector<16xi32>
    %shift_right_logical3A_745 = arith.constant 1 : i32
    %shift_right_logical3A_746 = vector.broadcast %shift_right_logical3A_745 : i32 to vector<16xi32>
    %shift_right_logical3A_747 = arith.shrui %get3A_744, %shift_right_logical3A_746 : vector<16xi32>
    %swap3A_748 = arith.constant 6 : i32
    %swap3A_749 = arith.index_cast %swap3A_748 : i32 to index
    %swap3A_750 = arith.constant 80 : index
    %swap3A_751 = tpu.vector_load %arg6[%swap3A_749, %swap3A_750] {strides = array<i32>} : memref<24x128xi32, #tpu.memory_space<vmem>>, vector<1x16xi32>,
    %swap3A_752 = vector.shape_cast %swap3A_751 : vector<1x16xi32> to vector<16xi32>
    %swap3A_753 = vector.shape_cast %shift_right_logical3A_747 : vector<16xi32> to vector<1x16xi32>
    tpu.vector_store %arg6[%swap3A_749, %swap3A_750], %swap3A_753 {strides = array<i32>} : memref<24x128xi32, #tpu.memory_space<vmem>>, vector<1x16xi32>,
    %get3A_754 = arith.constant 6 : i32
    %get3A_755 = arith.index_cast %get3A_754 : i32 to index
    %get3A_756 = arith.constant 96 : index
    %get3A_757 = tpu.vector_load %arg5[%get3A_755, %get3A_756] {strides = array<i32>} : memref<24x128xi32, #tpu.memory_space<vmem>>, vector<1x16xi32>,
    %get3A_758 = vector.shape_cast %get3A_757 : vector<1x16xi32> to vector<16xi32>
    %shift_right_logical3A_759 = arith.constant 1 : i32
    %shift_right_logical3A_760 = vector.broadcast %shift_right_logical3A_759 : i32 to vector<16xi32>
    %shift_right_logical3A_761 = arith.shrui %get3A_758, %shift_right_logical3A_760 : vector<16xi32>
    %swap3A_762 = arith.constant 6 : i32
    %swap3A_763 = arith.index_cast %swap3A_762 : i32 to index
    %swap3A_764 = arith.constant 96 : index
    %swap3A_765 = tpu.vector_load %arg6[%swap3A_763, %swap3A_764] {strides = array<i32>} : memref<24x128xi32, #tpu.memory_space<vmem>>, vector<1x16xi32>,
    %swap3A_766 = vector.shape_cast %swap3A_765 : vector<1x16xi32> to vector<16xi32>
    %swap3A_767 = vector.shape_cast %shift_right_logical3A_761 : vector<16xi32> to vector<1x16xi32>
    tpu.vector_store %arg6[%swap3A_763, %swap3A_764], %swap3A_767 {strides = array<i32>} : memref<24x128xi32, #tpu.memory_space<vmem>>, vector<1x16xi32>,
    %get3A_768 = arith.constant 6 : i32
    %get3A_769 = arith.index_cast %get3A_768 : i32 to index
    %get3A_770 = arith.constant 112 : index
    %get3A_771 = tpu.vector_load %arg5[%get3A_769, %get3A_770] {strides = array<i32>} : memref<24x128xi32, #tpu.memory_space<vmem>>, vector<1x16xi32>,
    %get3A_772 = vector.shape_cast %get3A_771 : vector<1x16xi32> to vector<16xi32>
    %shift_right_logical3A_773 = arith.constant 1 : i32
    %shift_right_logical3A_774 = vector.broadcast %shift_right_logical3A_773 : i32 to vector<16xi32>
    %shift_right_logical3A_775 = arith.shrui %get3A_772, %shift_right_logical3A_774 : vector<16xi32>
    %swap3A_776 = arith.constant 6 : i32
    %swap3A_777 = arith.index_cast %swap3A_776 : i32 to index
    %swap3A_778 = arith.constant 112 : index
    %swap3A_779 = tpu.vector_load %arg6[%swap3A_777, %swap3A_778] {strides = array<i32>} : memref<24x128xi32, #tpu.memory_space<vmem>>, vector<1x16xi32>,
    %swap3A_780 = vector.shape_cast %swap3A_779 : vector<1x16xi32> to vector<16xi32>
    %swap3A_781 = vector.shape_cast %shift_right_logical3A_775 : vector<16xi32> to vector<1x16xi32>
    tpu.vector_store %arg6[%swap3A_777, %swap3A_778], %swap3A_781 {strides = array<i32>} : memref<24x128xi32, #tpu.memory_space<vmem>>, vector<1x16xi32>,
    %get3A_782 = arith.constant 7 : i32
    %get3A_783 = arith.index_cast %get3A_782 : i32 to index
    %get3A_784 = arith.constant 0 : index
    %get3A_785 = tpu.vector_load %arg5[%get3A_783, %get3A_784] {strides = array<i32>} : memref<24x128xi32, #tpu.memory_space<vmem>>, vector<1x16xi32>,
    %get3A_786 = vector.shape_cast %get3A_785 : vector<1x16xi32> to vector<16xi32>
    %shift_right_logical3A_787 = arith.constant 1 : i32
    %shift_right_logical3A_788 = vector.broadcast %shift_right_logical3A_787 : i32 to vector<16xi32>
    %shift_right_logical3A_789 = arith.shrui %get3A_786, %shift_right_logical3A_788 : vector<16xi32>
    %swap3A_790 = arith.constant 7 : i32
    %swap3A_791 = arith.index_cast %swap3A_790 : i32 to index
    %swap3A_792 = arith.constant 0 : index
    %swap3A_793 = tpu.vector_load %arg6[%swap3A_791, %swap3A_792] {strides = array<i32>} : memref<24x128xi32, #tpu.memory_space<vmem>>, vector<1x16xi32>,
    %swap3A_794 = vector.shape_cast %swap3A_793 : vector<1x16xi32> to vector<16xi32>
    %swap3A_795 = vector.shape_cast %shift_right_logical3A_789 : vector<16xi32> to vector<1x16xi32>
    tpu.vector_store %arg6[%swap3A_791, %swap3A_792], %swap3A_795 {strides = array<i32>} : memref<24x128xi32, #tpu.memory_space<vmem>>, vector<1x16xi32>,
    %get3A_796 = arith.constant 7 : i32
    %get3A_797 = arith.index_cast %get3A_796 : i32 to index
    %get3A_798 = arith.constant 16 : index
    %get3A_799 = tpu.vector_load %arg5[%get3A_797, %get3A_798] {strides = array<i32>} : memref<24x128xi32, #tpu.memory_space<vmem>>, vector<1x16xi32>,
    %get3A_800 = vector.shape_cast %get3A_799 : vector<1x16xi32> to vector<16xi32>
    %shift_right_logical3A_801 = arith.constant 1 : i32
    %shift_right_logical3A_802 = vector.broadcast %shift_right_logical3A_801 : i32 to vector<16xi32>
    %shift_right_logical3A_803 = arith.shrui %get3A_800, %shift_right_logical3A_802 : vector<16xi32>
    %swap3A_804 = arith.constant 7 : i32
    %swap3A_805 = arith.index_cast %swap3A_804 : i32 to index
    %swap3A_806 = arith.constant 16 : index
    %swap3A_807 = tpu.vector_load %arg6[%swap3A_805, %swap3A_806] {strides = array<i32>} : memref<24x128xi32, #tpu.memory_space<vmem>>, vector<1x16xi32>,
    %swap3A_808 = vector.shape_cast %swap3A_807 : vector<1x16xi32> to vector<16xi32>
    %swap3A_809 = vector.shape_cast %shift_right_logical3A_803 : vector<16xi32> to vector<1x16xi32>
    tpu.vector_store %arg6[%swap3A_805, %swap3A_806], %swap3A_809 {strides = array<i32>} : memref<24x128xi32, #tpu.memory_space<vmem>>, vector<1x16xi32>,
    %get3A_810 = arith.constant 7 : i32
    %get3A_811 = arith.index_cast %get3A_810 : i32 to index
    %get3A_812 = arith.constant 32 : index
    %get3A_813 = tpu.vector_load %arg5[%get3A_811, %get3A_812] {strides = array<i32>} : memref<24x128xi32, #tpu.memory_space<vmem>>, vector<1x16xi32>,
    %get3A_814 = vector.shape_cast %get3A_813 : vector<1x16xi32> to vector<16xi32>
    %shift_right_logical3A_815 = arith.constant 1 : i32
    %shift_right_logical3A_816 = vector.broadcast %shift_right_logical3A_815 : i32 to vector<16xi32>
    %shift_right_logical3A_817 = arith.shrui %get3A_814, %shift_right_logical3A_816 : vector<16xi32>
    %swap3A_818 = arith.constant 7 : i32
    %swap3A_819 = arith.index_cast %swap3A_818 : i32 to index
    %swap3A_820 = arith.constant 32 : index
    %swap3A_821 = tpu.vector_load %arg6[%swap3A_819, %swap3A_820] {strides = array<i32>} : memref<24x128xi32, #tpu.memory_space<vmem>>, vector<1x16xi32>,
    %swap3A_822 = vector.shape_cast %swap3A_821 : vector<1x16xi32> to vector<16xi32>
    %swap3A_823 = vector.shape_cast %shift_right_logical3A_817 : vector<16xi32> to vector<1x16xi32>
    tpu.vector_store %arg6[%swap3A_819, %swap3A_820], %swap3A_823 {strides = array<i32>} : memref<24x128xi32, #tpu.memory_space<vmem>>, vector<1x16xi32>,
    %get3A_824 = arith.constant 7 : i32
    %get3A_825 = arith.index_cast %get3A_824 : i32 to index
    %get3A_826 = arith.constant 48 : index
    %get3A_827 = tpu.vector_load %arg5[%get3A_825, %get3A_826] {strides = array<i32>} : memref<24x128xi32, #tpu.memory_space<vmem>>, vector<1x16xi32>,
    %get3A_828 = vector.shape_cast %get3A_827 : vector<1x16xi32> to vector<16xi32>
    %shift_right_logical3A_829 = arith.constant 1 : i32
    %shift_right_logical3A_830 = vector.broadcast %shift_right_logical3A_829 : i32 to vector<16xi32>
    %shift_right_logical3A_831 = arith.shrui %get3A_828, %shift_right_logical3A_830 : vector<16xi32>
    %swap3A_832 = arith.constant 7 : i32
    %swap3A_833 = arith.index_cast %swap3A_832 : i32 to index
    %swap3A_834 = arith.constant 48 : index
    %swap3A_835 = tpu.vector_load %arg6[%swap3A_833, %swap3A_834] {strides = array<i32>} : memref<24x128xi32, #tpu.memory_space<vmem>>, vector<1x16xi32>,
    %swap3A_836 = vector.shape_cast %swap3A_835 : vector<1x16xi32> to vector<16xi32>
    %swap3A_837 = vector.shape_cast %shift_right_logical3A_831 : vector<16xi32> to vector<1x16xi32>
    tpu.vector_store %arg6[%swap3A_833, %swap3A_834], %swap3A_837 {strides = array<i32>} : memref<24x128xi32, #tpu.memory_space<vmem>>, vector<1x16xi32>,
    %get3A_838 = arith.constant 7 : i32
    %get3A_839 = arith.index_cast %get3A_838 : i32 to index
    %get3A_840 = arith.constant 64 : index
    %get3A_841 = tpu.vector_load %arg5[%get3A_839, %get3A_840] {strides = array<i32>} : memref<24x128xi32, #tpu.memory_space<vmem>>, vector<1x16xi32>,
    %get3A_842 = vector.shape_cast %get3A_841 : vector<1x16xi32> to vector<16xi32>
    %shift_right_logical3A_843 = arith.constant 1 : i32
    %shift_right_logical3A_844 = vector.broadcast %shift_right_logical3A_843 : i32 to vector<16xi32>
    %shift_right_logical3A_845 = arith.shrui %get3A_842, %shift_right_logical3A_844 : vector<16xi32>
    %swap3A_846 = arith.constant 7 : i32
    %swap3A_847 = arith.index_cast %swap3A_846 : i32 to index
    %swap3A_848 = arith.constant 64 : index
    %swap3A_849 = tpu.vector_load %arg6[%swap3A_847, %swap3A_848] {strides = array<i32>} : memref<24x128xi32, #tpu.memory_space<vmem>>, vector<1x16xi32>,
    %swap3A_850 = vector.shape_cast %swap3A_849 : vector<1x16xi32> to vector<16xi32>
    %swap3A_851 = vector.shape_cast %shift_right_logical3A_845 : vector<16xi32> to vector<1x16xi32>
    tpu.vector_store %arg6[%swap3A_847, %swap3A_848], %swap3A_851 {strides = array<i32>} : memref<24x128xi32, #tpu.memory_space<vmem>>, vector<1x16xi32>,
    %get3A_852 = arith.constant 7 : i32
    %get3A_853 = arith.index_cast %get3A_852 : i32 to index
    %get3A_854 = arith.constant 80 : index
    %get3A_855 = tpu.vector_load %arg5[%get3A_853, %get3A_854] {strides = array<i32>} : memref<24x128xi32, #tpu.memory_space<vmem>>, vector<1x16xi32>,
    %get3A_856 = vector.shape_cast %get3A_855 : vector<1x16xi32> to vector<16xi32>
    %shift_right_logical3A_857 = arith.constant 1 : i32
    %shift_right_logical3A_858 = vector.broadcast %shift_right_logical3A_857 : i32 to vector<16xi32>
    %shift_right_logical3A_859 = arith.shrui %get3A_856, %shift_right_logical3A_858 : vector<16xi32>
    %swap3A_860 = arith.constant 7 : i32
    %swap3A_861 = arith.index_cast %swap3A_860 : i32 to index
    %swap3A_862 = arith.constant 80 : index
    %swap3A_863 = tpu.vector_load %arg6[%swap3A_861, %swap3A_862] {strides = array<i32>} : memref<24x128xi32, #tpu.memory_space<vmem>>, vector<1x16xi32>,
    %swap3A_864 = vector.shape_cast %swap3A_863 : vector<1x16xi32> to vector<16xi32>
    %swap3A_865 = vector.shape_cast %shift_right_logical3A_859 : vector<16xi32> to vector<1x16xi32>
    tpu.vector_store %arg6[%swap3A_861, %swap3A_862], %swap3A_865 {strides = array<i32>} : memref<24x128xi32, #tpu.memory_space<vmem>>, vector<1x16xi32>,
    %get3A_866 = arith.constant 7 : i32
    %get3A_867 = arith.index_cast %get3A_866 : i32 to index
    %get3A_868 = arith.constant 96 : index
    %get3A_869 = tpu.vector_load %arg5[%get3A_867, %get3A_868] {strides = array<i32>} : memref<24x128xi32, #tpu.memory_space<vmem>>, vector<1x16xi32>,
    %get3A_870 = vector.shape_cast %get3A_869 : vector<1x16xi32> to vector<16xi32>
    %shift_right_logical3A_871 = arith.constant 1 : i32
    %shift_right_logical3A_872 = vector.broadcast %shift_right_logical3A_871 : i32 to vector<16xi32>
    %shift_right_logical3A_873 = arith.shrui %get3A_870, %shift_right_logical3A_872 : vector<16xi32>
    %swap3A_874 = arith.constant 7 : i32
    %swap3A_875 = arith.index_cast %swap3A_874 : i32 to index
    %swap3A_876 = arith.constant 96 : index
    %swap3A_877 = tpu.vector_load %arg6[%swap3A_875, %swap3A_876] {strides = array<i32>} : memref<24x128xi32, #tpu.memory_space<vmem>>, vector<1x16xi32>,
    %swap3A_878 = vector.shape_cast %swap3A_877 : vector<1x16xi32> to vector<16xi32>
    %swap3A_879 = vector.shape_cast %shift_right_logical3A_873 : vector<16xi32> to vector<1x16xi32>
    tpu.vector_store %arg6[%swap3A_875, %swap3A_876], %swap3A_879 {strides = array<i32>} : memref<24x128xi32, #tpu.memory_space<vmem>>, vector<1x16xi32>,
    %get3A_880 = arith.constant 7 : i32
    %get3A_881 = arith.index_cast %get3A_880 : i32 to index
    %get3A_882 = arith.constant 112 : index
    %get3A_883 = tpu.vector_load %arg5[%get3A_881, %get3A_882] {strides = array<i32>} : memref<24x128xi32, #tpu.memory_space<vmem>>, vector<1x16xi32>,
    %get3A_884 = vector.shape_cast %get3A_883 : vector<1x16xi32> to vector<16xi32>
    %shift_right_logical3A_885 = arith.constant 1 : i32
    %shift_right_logical3A_886 = vector.broadcast %shift_right_logical3A_885 : i32 to vector<16xi32>
    %shift_right_logical3A_887 = arith.shrui %get3A_884, %shift_right_logical3A_886 : vector<16xi32>
    %swap3A_888 = arith.constant 7 : i32
    %swap3A_889 = arith.index_cast %swap3A_888 : i32 to index
    %swap3A_890 = arith.constant 112 : index
    %swap3A_891 = tpu.vector_load %arg6[%swap3A_889, %swap3A_890] {strides = array<i32>} : memref<24x128xi32, #tpu.memory_space<vmem>>, vector<1x16xi32>,
    %swap3A_892 = vector.shape_cast %swap3A_891 : vector<1x16xi32> to vector<16xi32>
    %swap3A_893 = vector.shape_cast %shift_right_logical3A_887 : vector<16xi32> to vector<1x16xi32>
    tpu.vector_store %arg6[%swap3A_889, %swap3A_890], %swap3A_893 {strides = array<i32>} : memref<24x128xi32, #tpu.memory_space<vmem>>, vector<1x16xi32>,
    %get3A_894 = arith.constant 8 : i32
    %get3A_895 = arith.index_cast %get3A_894 : i32 to index
    %get3A_896 = arith.constant 0 : index
    %get3A_897 = tpu.vector_load %arg5[%get3A_895, %get3A_896] {strides = array<i32>} : memref<24x128xi32, #tpu.memory_space<vmem>>, vector<1x16xi32>,
    %get3A_898 = vector.shape_cast %get3A_897 : vector<1x16xi32> to vector<16xi32>
    %shift_right_logical3A_899 = arith.constant 1 : i32
    %shift_right_logical3A_900 = vector.broadcast %shift_right_logical3A_899 : i32 to vector<16xi32>
    %shift_right_logical3A_901 = arith.shrui %get3A_898, %shift_right_logical3A_900 : vector<16xi32>
    %swap3A_902 = arith.constant 8 : i32
    %swap3A_903 = arith.index_cast %swap3A_902 : i32 to index
    %swap3A_904 = arith.constant 0 : index
    %swap3A_905 = tpu.vector_load %arg6[%swap3A_903, %swap3A_904] {strides = array<i32>} : memref<24x128xi32, #tpu.memory_space<vmem>>, vector<1x16xi32>,
    %swap3A_906 = vector.shape_cast %swap3A_905 : vector<1x16xi32> to vector<16xi32>
    %swap3A_907 = vector.shape_cast %shift_right_logical3A_901 : vector<16xi32> to vector<1x16xi32>
    tpu.vector_store %arg6[%swap3A_903, %swap3A_904], %swap3A_907 {strides = array<i32>} : memref<24x128xi32, #tpu.memory_space<vmem>>, vector<1x16xi32>,
    %get3A_908 = arith.constant 8 : i32
    %get3A_909 = arith.index_cast %get3A_908 : i32 to index
    %get3A_910 = arith.constant 16 : index
    %get3A_911 = tpu.vector_load %arg5[%get3A_909, %get3A_910] {strides = array<i32>} : memref<24x128xi32, #tpu.memory_space<vmem>>, vector<1x16xi32>,
    %get3A_912 = vector.shape_cast %get3A_911 : vector<1x16xi32> to vector<16xi32>
    %shift_right_logical3A_913 = arith.constant 1 : i32
    %shift_right_logical3A_914 = vector.broadcast %shift_right_logical3A_913 : i32 to vector<16xi32>
    %shift_right_logical3A_915 = arith.shrui %get3A_912, %shift_right_logical3A_914 : vector<16xi32>
    %swap3A_916 = arith.constant 8 : i32
    %swap3A_917 = arith.index_cast %swap3A_916 : i32 to index
    %swap3A_918 = arith.constant 16 : index
    %swap3A_919 = tpu.vector_load %arg6[%swap3A_917, %swap3A_918] {strides = array<i32>} : memref<24x128xi32, #tpu.memory_space<vmem>>, vector<1x16xi32>,
    %swap3A_920 = vector.shape_cast %swap3A_919 : vector<1x16xi32> to vector<16xi32>
    %swap3A_921 = vector.shape_cast %shift_right_logical3A_915 : vector<16xi32> to vector<1x16xi32>
    tpu.vector_store %arg6[%swap3A_917, %swap3A_918], %swap3A_921 {strides = array<i32>} : memref<24x128xi32, #tpu.memory_space<vmem>>, vector<1x16xi32>,
    %get3A_922 = arith.constant 8 : i32
    %get3A_923 = arith.index_cast %get3A_922 : i32 to index
    %get3A_924 = arith.constant 32 : index
    %get3A_925 = tpu.vector_load %arg5[%get3A_923, %get3A_924] {strides = array<i32>} : memref<24x128xi32, #tpu.memory_space<vmem>>, vector<1x16xi32>,
    %get3A_926 = vector.shape_cast %get3A_925 : vector<1x16xi32> to vector<16xi32>
    %shift_right_logical3A_927 = arith.constant 1 : i32
    %shift_right_logical3A_928 = vector.broadcast %shift_right_logical3A_927 : i32 to vector<16xi32>
    %shift_right_logical3A_929 = arith.shrui %get3A_926, %shift_right_logical3A_928 : vector<16xi32>
    %swap3A_930 = arith.constant 8 : i32
    %swap3A_931 = arith.index_cast %swap3A_930 : i32 to index
    %swap3A_932 = arith.constant 32 : index
    %swap3A_933 = tpu.vector_load %arg6[%swap3A_931, %swap3A_932] {strides = array<i32>} : memref<24x128xi32, #tpu.memory_space<vmem>>, vector<1x16xi32>,
    %swap3A_934 = vector.shape_cast %swap3A_933 : vector<1x16xi32> to vector<16xi32>
    %swap3A_935 = vector.shape_cast %shift_right_logical3A_929 : vector<16xi32> to vector<1x16xi32>
    tpu.vector_store %arg6[%swap3A_931, %swap3A_932], %swap3A_935 {strides = array<i32>} : memref<24x128xi32, #tpu.memory_space<vmem>>, vector<1x16xi32>,
    %get3A_936 = arith.constant 8 : i32
    %get3A_937 = arith.index_cast %get3A_936 : i32 to index
    %get3A_938 = arith.constant 48 : index
    %get3A_939 = tpu.vector_load %arg5[%get3A_937, %get3A_938] {strides = array<i32>} : memref<24x128xi32, #tpu.memory_space<vmem>>, vector<1x16xi32>,
    %get3A_940 = vector.shape_cast %get3A_939 : vector<1x16xi32> to vector<16xi32>
    %shift_right_logical3A_941 = arith.constant 1 : i32
    %shift_right_logical3A_942 = vector.broadcast %shift_right_logical3A_941 : i32 to vector<16xi32>
    %shift_right_logical3A_943 = arith.shrui %get3A_940, %shift_right_logical3A_942 : vector<16xi32>
    %swap3A_944 = arith.constant 8 : i32
    %swap3A_945 = arith.index_cast %swap3A_944 : i32 to index
    %swap3A_946 = arith.constant 48 : index
    %swap3A_947 = tpu.vector_load %arg6[%swap3A_945, %swap3A_946] {strides = array<i32>} : memref<24x128xi32, #tpu.memory_space<vmem>>, vector<1x16xi32>,
    %swap3A_948 = vector.shape_cast %swap3A_947 : vector<1x16xi32> to vector<16xi32>
    %swap3A_949 = vector.shape_cast %shift_right_logical3A_943 : vector<16xi32> to vector<1x16xi32>
    tpu.vector_store %arg6[%swap3A_945, %swap3A_946], %swap3A_949 {strides = array<i32>} : memref<24x128xi32, #tpu.memory_space<vmem>>, vector<1x16xi32>,
    %get3A_950 = arith.constant 8 : i32
    %get3A_951 = arith.index_cast %get3A_950 : i32 to index
    %get3A_952 = arith.constant 64 : index
    %get3A_953 = tpu.vector_load %arg5[%get3A_951, %get3A_952] {strides = array<i32>} : memref<24x128xi32, #tpu.memory_space<vmem>>, vector<1x16xi32>,
    %get3A_954 = vector.shape_cast %get3A_953 : vector<1x16xi32> to vector<16xi32>
    %shift_right_logical3A_955 = arith.constant 1 : i32
    %shift_right_logical3A_956 = vector.broadcast %shift_right_logical3A_955 : i32 to vector<16xi32>
    %shift_right_logical3A_957 = arith.shrui %get3A_954, %shift_right_logical3A_956 : vector<16xi32>
    %swap3A_958 = arith.constant 8 : i32
    %swap3A_959 = arith.index_cast %swap3A_958 : i32 to index
    %swap3A_960 = arith.constant 64 : index
    %swap3A_961 = tpu.vector_load %arg6[%swap3A_959, %swap3A_960] {strides = array<i32>} : memref<24x128xi32, #tpu.memory_space<vmem>>, vector<1x16xi32>,
    %swap3A_962 = vector.shape_cast %swap3A_961 : vector<1x16xi32> to vector<16xi32>
    %swap3A_963 = vector.shape_cast %shift_right_logical3A_957 : vector<16xi32> to vector<1x16xi32>
    tpu.vector_store %arg6[%swap3A_959, %swap3A_960], %swap3A_963 {strides = array<i32>} : memref<24x128xi32, #tpu.memory_space<vmem>>, vector<1x16xi32>,
    %get3A_964 = arith.constant 8 : i32
    %get3A_965 = arith.index_cast %get3A_964 : i32 to index
    %get3A_966 = arith.constant 80 : index
    %get3A_967 = tpu.vector_load %arg5[%get3A_965, %get3A_966] {strides = array<i32>} : memref<24x128xi32, #tpu.memory_space<vmem>>, vector<1x16xi32>,
    %get3A_968 = vector.shape_cast %get3A_967 : vector<1x16xi32> to vector<16xi32>
    %shift_right_logical3A_969 = arith.constant 1 : i32
    %shift_right_logical3A_970 = vector.broadcast %shift_right_logical3A_969 : i32 to vector<16xi32>
    %shift_right_logical3A_971 = arith.shrui %get3A_968, %shift_right_logical3A_970 : vector<16xi32>
    %swap3A_972 = arith.constant 8 : i32
    %swap3A_973 = arith.index_cast %swap3A_972 : i32 to index
    %swap3A_974 = arith.constant 80 : index
    %swap3A_975 = tpu.vector_load %arg6[%swap3A_973, %swap3A_974] {strides = array<i32>} : memref<24x128xi32, #tpu.memory_space<vmem>>, vector<1x16xi32>,
    %swap3A_976 = vector.shape_cast %swap3A_975 : vector<1x16xi32> to vector<16xi32>
    %swap3A_977 = vector.shape_cast %shift_right_logical3A_971 : vector<16xi32> to vector<1x16xi32>
    tpu.vector_store %arg6[%swap3A_973, %swap3A_974], %swap3A_977 {strides = array<i32>} : memref<24x128xi32, #tpu.memory_space<vmem>>, vector<1x16xi32>,
    %get3A_978 = arith.constant 8 : i32
    %get3A_979 = arith.index_cast %get3A_978 : i32 to index
    %get3A_980 = arith.constant 96 : index
    %get3A_981 = tpu.vector_load %arg5[%get3A_979, %get3A_980] {strides = array<i32>} : memref<24x128xi32, #tpu.memory_space<vmem>>, vector<1x16xi32>,
    %get3A_982 = vector.shape_cast %get3A_981 : vector<1x16xi32> to vector<16xi32>
    %shift_right_logical3A_983 = arith.constant 1 : i32
    %shift_right_logical3A_984 = vector.broadcast %shift_right_logical3A_983 : i32 to vector<16xi32>
    %shift_right_logical3A_985 = arith.shrui %get3A_982, %shift_right_logical3A_984 : vector<16xi32>
    %swap3A_986 = arith.constant 8 : i32
    %swap3A_987 = arith.index_cast %swap3A_986 : i32 to index
    %swap3A_988 = arith.constant 96 : index
    %swap3A_989 = tpu.vector_load %arg6[%swap3A_987, %swap3A_988] {strides = array<i32>} : memref<24x128xi32, #tpu.memory_space<vmem>>, vector<1x16xi32>,
    %swap3A_990 = vector.shape_cast %swap3A_989 : vector<1x16xi32> to vector<16xi32>
    %swap3A_991 = vector.shape_cast %shift_right_logical3A_985 : vector<16xi32> to vector<1x16xi32>
    tpu.vector_store %arg6[%swap3A_987, %swap3A_988], %swap3A_991 {strides = array<i32>} : memref<24x128xi32, #tpu.memory_space<vmem>>, vector<1x16xi32>,
    %get3A_992 = arith.constant 8 : i32
    %get3A_993 = arith.index_cast %get3A_992 : i32 to index
    %get3A_994 = arith.constant 112 : index
    %get3A_995 = tpu.vector_load %arg5[%get3A_993, %get3A_994] {strides = array<i32>} : memref<24x128xi32, #tpu.memory_space<vmem>>, vector<1x16xi32>,
    %get3A_996 = vector.shape_cast %get3A_995 : vector<1x16xi32> to vector<16xi32>
    %shift_right_logical3A_997 = arith.constant 1 : i32
    %shift_right_logical3A_998 = vector.broadcast %shift_right_logical3A_997 : i32 to vector<16xi32>
    %shift_right_logical3A_999 = arith.shrui %get3A_996, %shift_right_logical3A_998 : vector<16xi32>
    %swap3A_1000 = arith.constant 8 : i32
    %swap3A_1001 = arith.index_cast %swap3A_1000 : i32 to index
    %swap3A_1002 = arith.constant 112 : index
    %swap3A_1003 = tpu.vector_load %arg6[%swap3A_1001, %swap3A_1002] {strides = array<i32>} : memref<24x128xi32, #tpu.memory_space<vmem>>, vector<1x16xi32>,
    %swap3A_1004 = vector.shape_cast %swap3A_1003 : vector<1x16xi32> to vector<16xi32>
    %swap3A_1005 = vector.shape_cast %shift_right_logical3A_999 : vector<16xi32> to vector<1x16xi32>
    tpu.vector_store %arg6[%swap3A_1001, %swap3A_1002], %swap3A_1005 {strides = array<i32>} : memref<24x128xi32, #tpu.memory_space<vmem>>, vector<1x16xi32>,
    %get3A_1006 = arith.constant 9 : i32
    %get3A_1007 = arith.index_cast %get3A_1006 : i32 to index
    %get3A_1008 = arith.constant 0 : index
    %get3A_1009 = tpu.vector_load %arg5[%get3A_1007, %get3A_1008] {strides = array<i32>} : memref<24x128xi32, #tpu.memory_space<vmem>>, vector<1x16xi32>,
    %get3A_1010 = vector.shape_cast %get3A_1009 : vector<1x16xi32> to vector<16xi32>
    %shift_right_logical3A_1011 = arith.constant 1 : i32
    %shift_right_logical3A_1012 = vector.broadcast %shift_right_logical3A_1011 : i32 to vector<16xi32>
    %shift_right_logical3A_1013 = arith.shrui %get3A_1010, %shift_right_logical3A_1012 : vector<16xi32>
    %swap3A_1014 = arith.constant 9 : i32
    %swap3A_1015 = arith.index_cast %swap3A_1014 : i32 to index
    %swap3A_1016 = arith.constant 0 : index
    %swap3A_1017 = tpu.vector_load %arg6[%swap3A_1015, %swap3A_1016] {strides = array<i32>} : memref<24x128xi32, #tpu.memory_space<vmem>>, vector<1x16xi32>,
    %swap3A_1018 = vector.shape_cast %swap3A_1017 : vector<1x16xi32> to vector<16xi32>
    %swap3A_1019 = vector.shape_cast %shift_right_logical3A_1013 : vector<16xi32> to vector<1x16xi32>
    tpu.vector_store %arg6[%swap3A_1015, %swap3A_1016], %swap3A_1019 {strides = array<i32>} : memref<24x128xi32, #tpu.memory_space<vmem>>, vector<1x16xi32>,
    %get3A_1020 = arith.constant 9 : i32
    %get3A_1021 = arith.index_cast %get3A_1020 : i32 to index
    %get3A_1022 = arith.constant 16 : index
    %get3A_1023 = tpu.vector_load %arg5[%get3A_1021, %get3A_1022] {strides = array<i32>} : memref<24x128xi32, #tpu.memory_space<vmem>>, vector<1x16xi32>,
    %get3A_1024 = vector.shape_cast %get3A_1023 : vector<1x16xi32> to vector<16xi32>
    %shift_right_logical3A_1025 = arith.constant 1 : i32
    %shift_right_logical3A_1026 = vector.broadcast %shift_right_logical3A_1025 : i32 to vector<16xi32>
    %shift_right_logical3A_1027 = arith.shrui %get3A_1024, %shift_right_logical3A_1026 : vector<16xi32>
    %swap3A_1028 = arith.constant 9 : i32
    %swap3A_1029 = arith.index_cast %swap3A_1028 : i32 to index
    %swap3A_1030 = arith.constant 16 : index
    %swap3A_1031 = tpu.vector_load %arg6[%swap3A_1029, %swap3A_1030] {strides = array<i32>} : memref<24x128xi32, #tpu.memory_space<vmem>>, vector<1x16xi32>,
    %swap3A_1032 = vector.shape_cast %swap3A_1031 : vector<1x16xi32> to vector<16xi32>
    %swap3A_1033 = vector.shape_cast %shift_right_logical3A_1027 : vector<16xi32> to vector<1x16xi32>
    tpu.vector_store %arg6[%swap3A_1029, %swap3A_1030], %swap3A_1033 {strides = array<i32>} : memref<24x128xi32, #tpu.memory_space<vmem>>, vector<1x16xi32>,
    %get3A_1034 = arith.constant 9 : i32
    %get3A_1035 = arith.index_cast %get3A_1034 : i32 to index
    %get3A_1036 = arith.constant 32 : index
    %get3A_1037 = tpu.vector_load %arg5[%get3A_1035, %get3A_1036] {strides = array<i32>} : memref<24x128xi32, #tpu.memory_space<vmem>>, vector<1x16xi32>,
    %get3A_1038 = vector.shape_cast %get3A_1037 : vector<1x16xi32> to vector<16xi32>
    %shift_right_logical3A_1039 = arith.constant 1 : i32
    %shift_right_logical3A_1040 = vector.broadcast %shift_right_logical3A_1039 : i32 to vector<16xi32>
    %shift_right_logical3A_1041 = arith.shrui %get3A_1038, %shift_right_logical3A_1040 : vector<16xi32>
    %swap3A_1042 = arith.constant 9 : i32
    %swap3A_1043 = arith.index_cast %swap3A_1042 : i32 to index
    %swap3A_1044 = arith.constant 32 : index
    %swap3A_1045 = tpu.vector_load %arg6[%swap3A_1043, %swap3A_1044] {strides = array<i32>} : memref<24x128xi32, #tpu.memory_space<vmem>>, vector<1x16xi32>,
    %swap3A_1046 = vector.shape_cast %swap3A_1045 : vector<1x16xi32> to vector<16xi32>
    %swap3A_1047 = vector.shape_cast %shift_right_logical3A_1041 : vector<16xi32> to vector<1x16xi32>
    tpu.vector_store %arg6[%swap3A_1043, %swap3A_1044], %swap3A_1047 {strides = array<i32>} : memref<24x128xi32, #tpu.memory_space<vmem>>, vector<1x16xi32>,
    %get3A_1048 = arith.constant 9 : i32
    %get3A_1049 = arith.index_cast %get3A_1048 : i32 to index
    %get3A_1050 = arith.constant 48 : index
    %get3A_1051 = tpu.vector_load %arg5[%get3A_1049, %get3A_1050] {strides = array<i32>} : memref<24x128xi32, #tpu.memory_space<vmem>>, vector<1x16xi32>,
    %get3A_1052 = vector.shape_cast %get3A_1051 : vector<1x16xi32> to vector<16xi32>
    %shift_right_logical3A_1053 = arith.constant 1 : i32
    %shift_right_logical3A_1054 = vector.broadcast %shift_right_logical3A_1053 : i32 to vector<16xi32>
    %shift_right_logical3A_1055 = arith.shrui %get3A_1052, %shift_right_logical3A_1054 : vector<16xi32>
    %swap3A_1056 = arith.constant 9 : i32
    %swap3A_1057 = arith.index_cast %swap3A_1056 : i32 to index
    %swap3A_1058 = arith.constant 48 : index
    %swap3A_1059 = tpu.vector_load %arg6[%swap3A_1057, %swap3A_1058] {strides = array<i32>} : memref<24x128xi32, #tpu.memory_space<vmem>>, vector<1x16xi32>,
    %swap3A_1060 = vector.shape_cast %swap3A_1059 : vector<1x16xi32> to vector<16xi32>
    %swap3A_1061 = vector.shape_cast %shift_right_logical3A_1055 : vector<16xi32> to vector<1x16xi32>
    tpu.vector_store %arg6[%swap3A_1057, %swap3A_1058], %swap3A_1061 {strides = array<i32>} : memref<24x128xi32, #tpu.memory_space<vmem>>, vector<1x16xi32>,
    %get3A_1062 = arith.constant 9 : i32
    %get3A_1063 = arith.index_cast %get3A_1062 : i32 to index
    %get3A_1064 = arith.constant 64 : index
    %get3A_1065 = tpu.vector_load %arg5[%get3A_1063, %get3A_1064] {strides = array<i32>} : memref<24x128xi32, #tpu.memory_space<vmem>>, vector<1x16xi32>,
    %get3A_1066 = vector.shape_cast %get3A_1065 : vector<1x16xi32> to vector<16xi32>
    %shift_right_logical3A_1067 = arith.constant 1 : i32
    %shift_right_logical3A_1068 = vector.broadcast %shift_right_logical3A_1067 : i32 to vector<16xi32>
    %shift_right_logical3A_1069 = arith.shrui %get3A_1066, %shift_right_logical3A_1068 : vector<16xi32>
    %swap3A_1070 = arith.constant 9 : i32
    %swap3A_1071 = arith.index_cast %swap3A_1070 : i32 to index
    %swap3A_1072 = arith.constant 64 : index
    %swap3A_1073 = tpu.vector_load %arg6[%swap3A_1071, %swap3A_1072] {strides = array<i32>} : memref<24x128xi32, #tpu.memory_space<vmem>>, vector<1x16xi32>,
    %swap3A_1074 = vector.shape_cast %swap3A_1073 : vector<1x16xi32> to vector<16xi32>
    %swap3A_1075 = vector.shape_cast %shift_right_logical3A_1069 : vector<16xi32> to vector<1x16xi32>
    tpu.vector_store %arg6[%swap3A_1071, %swap3A_1072], %swap3A_1075 {strides = array<i32>} : memref<24x128xi32, #tpu.memory_space<vmem>>, vector<1x16xi32>,
    %get3A_1076 = arith.constant 9 : i32
    %get3A_1077 = arith.index_cast %get3A_1076 : i32 to index
    %get3A_1078 = arith.constant 80 : index
    %get3A_1079 = tpu.vector_load %arg5[%get3A_1077, %get3A_1078] {strides = array<i32>} : memref<24x128xi32, #tpu.memory_space<vmem>>, vector<1x16xi32>,
    %get3A_1080 = vector.shape_cast %get3A_1079 : vector<1x16xi32> to vector<16xi32>
    %shift_right_logical3A_1081 = arith.constant 1 : i32
    %shift_right_logical3A_1082 = vector.broadcast %shift_right_logical3A_1081 : i32 to vector<16xi32>
    %shift_right_logical3A_1083 = arith.shrui %get3A_1080, %shift_right_logical3A_1082 : vector<16xi32>
    %swap3A_1084 = arith.constant 9 : i32
    %swap3A_1085 = arith.index_cast %swap3A_1084 : i32 to index
    %swap3A_1086 = arith.constant 80 : index
    %swap3A_1087 = tpu.vector_load %arg6[%swap3A_1085, %swap3A_1086] {strides = array<i32>} : memref<24x128xi32, #tpu.memory_space<vmem>>, vector<1x16xi32>,
    %swap3A_1088 = vector.shape_cast %swap3A_1087 : vector<1x16xi32> to vector<16xi32>
    %swap3A_1089 = vector.shape_cast %shift_right_logical3A_1083 : vector<16xi32> to vector<1x16xi32>
    tpu.vector_store %arg6[%swap3A_1085, %swap3A_1086], %swap3A_1089 {strides = array<i32>} : memref<24x128xi32, #tpu.memory_space<vmem>>, vector<1x16xi32>,
    %get3A_1090 = arith.constant 9 : i32
    %get3A_1091 = arith.index_cast %get3A_1090 : i32 to index
    %get3A_1092 = arith.constant 96 : index
    %get3A_1093 = tpu.vector_load %arg5[%get3A_1091, %get3A_1092] {strides = array<i32>} : memref<24x128xi32, #tpu.memory_space<vmem>>, vector<1x16xi32>,
    %get3A_1094 = vector.shape_cast %get3A_1093 : vector<1x16xi32> to vector<16xi32>
    %shift_right_logical3A_1095 = arith.constant 1 : i32
    %shift_right_logical3A_1096 = vector.broadcast %shift_right_logical3A_1095 : i32 to vector<16xi32>
    %shift_right_logical3A_1097 = arith.shrui %get3A_1094, %shift_right_logical3A_1096 : vector<16xi32>
    %swap3A_1098 = arith.constant 9 : i32
    %swap3A_1099 = arith.index_cast %swap3A_1098 : i32 to index
    %swap3A_1100 = arith.constant 96 : index
    %swap3A_1101 = tpu.vector_load %arg6[%swap3A_1099, %swap3A_1100] {strides = array<i32>} : memref<24x128xi32, #tpu.memory_space<vmem>>, vector<1x16xi32>,
    %swap3A_1102 = vector.shape_cast %swap3A_1101 : vector<1x16xi32> to vector<16xi32>
    %swap3A_1103 = vector.shape_cast %shift_right_logical3A_1097 : vector<16xi32> to vector<1x16xi32>
    tpu.vector_store %arg6[%swap3A_1099, %swap3A_1100], %swap3A_1103 {strides = array<i32>} : memref<24x128xi32, #tpu.memory_space<vmem>>, vector<1x16xi32>,
    %get3A_1104 = arith.constant 9 : i32
    %get3A_1105 = arith.index_cast %get3A_1104 : i32 to index
    %get3A_1106 = arith.constant 112 : index
    %get3A_1107 = tpu.vector_load %arg5[%get3A_1105, %get3A_1106] {strides = array<i32>} : memref<24x128xi32, #tpu.memory_space<vmem>>, vector<1x16xi32>,
    %get3A_1108 = vector.shape_cast %get3A_1107 : vector<1x16xi32> to vector<16xi32>
    %shift_right_logical3A_1109 = arith.constant 1 : i32
    %shift_right_logical3A_1110 = vector.broadcast %shift_right_logical3A_1109 : i32 to vector<16xi32>
    %shift_right_logical3A_1111 = arith.shrui %get3A_1108, %shift_right_logical3A_1110 : vector<16xi32>
    %swap3A_1112 = arith.constant 9 : i32
    %swap3A_1113 = arith.index_cast %swap3A_1112 : i32 to index
    %swap3A_1114 = arith.constant 112 : index
    %swap3A_1115 = tpu.vector_load %arg6[%swap3A_1113, %swap3A_1114] {strides = array<i32>} : memref<24x128xi32, #tpu.memory_space<vmem>>, vector<1x16xi32>,
    %swap3A_1116 = vector.shape_cast %swap3A_1115 : vector<1x16xi32> to vector<16xi32>
    %swap3A_1117 = vector.shape_cast %shift_right_logical3A_1111 : vector<16xi32> to vector<1x16xi32>
    tpu.vector_store %arg6[%swap3A_1113, %swap3A_1114], %swap3A_1117 {strides = array<i32>} : memref<24x128xi32, #tpu.memory_space<vmem>>, vector<1x16xi32>,
    %get3A_1118 = arith.constant 10 : i32
    %get3A_1119 = arith.index_cast %get3A_1118 : i32 to index
    %get3A_1120 = arith.constant 0 : index
    %get3A_1121 = tpu.vector_load %arg5[%get3A_1119, %get3A_1120] {strides = array<i32>} : memref<24x128xi32, #tpu.memory_space<vmem>>, vector<1x16xi32>,
    %get3A_1122 = vector.shape_cast %get3A_1121 : vector<1x16xi32> to vector<16xi32>
    %shift_right_logical3A_1123 = arith.constant 1 : i32
    %shift_right_logical3A_1124 = vector.broadcast %shift_right_logical3A_1123 : i32 to vector<16xi32>
    %shift_right_logical3A_1125 = arith.shrui %get3A_1122, %shift_right_logical3A_1124 : vector<16xi32>
    %swap3A_1126 = arith.constant 10 : i32
    %swap3A_1127 = arith.index_cast %swap3A_1126 : i32 to index
    %swap3A_1128 = arith.constant 0 : index
    %swap3A_1129 = tpu.vector_load %arg6[%swap3A_1127, %swap3A_1128] {strides = array<i32>} : memref<24x128xi32, #tpu.memory_space<vmem>>, vector<1x16xi32>,
    %swap3A_1130 = vector.shape_cast %swap3A_1129 : vector<1x16xi32> to vector<16xi32>
    %swap3A_1131 = vector.shape_cast %shift_right_logical3A_1125 : vector<16xi32> to vector<1x16xi32>
    tpu.vector_store %arg6[%swap3A_1127, %swap3A_1128], %swap3A_1131 {strides = array<i32>} : memref<24x128xi32, #tpu.memory_space<vmem>>, vector<1x16xi32>,
    %get3A_1132 = arith.constant 10 : i32
    %get3A_1133 = arith.index_cast %get3A_1132 : i32 to index
    %get3A_1134 = arith.constant 16 : index
    %get3A_1135 = tpu.vector_load %arg5[%get3A_1133, %get3A_1134] {strides = array<i32>} : memref<24x128xi32, #tpu.memory_space<vmem>>, vector<1x16xi32>,
    %get3A_1136 = vector.shape_cast %get3A_1135 : vector<1x16xi32> to vector<16xi32>
    %shift_right_logical3A_1137 = arith.constant 1 : i32
    %shift_right_logical3A_1138 = vector.broadcast %shift_right_logical3A_1137 : i32 to vector<16xi32>
    %shift_right_logical3A_1139 = arith.shrui %get3A_1136, %shift_right_logical3A_1138 : vector<16xi32>
    %swap3A_1140 = arith.constant 10 : i32
    %swap3A_1141 = arith.index_cast %swap3A_1140 : i32 to index
    %swap3A_1142 = arith.constant 16 : index
    %swap3A_1143 = tpu.vector_load %arg6[%swap3A_1141, %swap3A_1142] {strides = array<i32>} : memref<24x128xi32, #tpu.memory_space<vmem>>, vector<1x16xi32>,
    %swap3A_1144 = vector.shape_cast %swap3A_1143 : vector<1x16xi32> to vector<16xi32>
    %swap3A_1145 = vector.shape_cast %shift_right_logical3A_1139 : vector<16xi32> to vector<1x16xi32>
    tpu.vector_store %arg6[%swap3A_1141, %swap3A_1142], %swap3A_1145 {strides = array<i32>} : memref<24x128xi32, #tpu.memory_space<vmem>>, vector<1x16xi32>,
    %get3A_1146 = arith.constant 10 : i32
    %get3A_1147 = arith.index_cast %get3A_1146 : i32 to index
    %get3A_1148 = arith.constant 32 : index
    %get3A_1149 = tpu.vector_load %arg5[%get3A_1147, %get3A_1148] {strides = array<i32>} : memref<24x128xi32, #tpu.memory_space<vmem>>, vector<1x16xi32>,
    %get3A_1150 = vector.shape_cast %get3A_1149 : vector<1x16xi32> to vector<16xi32>
    %shift_right_logical3A_1151 = arith.constant 1 : i32
    %shift_right_logical3A_1152 = vector.broadcast %shift_right_logical3A_1151 : i32 to vector<16xi32>
    %shift_right_logical3A_1153 = arith.shrui %get3A_1150, %shift_right_logical3A_1152 : vector<16xi32>
    %swap3A_1154 = arith.constant 10 : i32
    %swap3A_1155 = arith.index_cast %swap3A_1154 : i32 to index
    %swap3A_1156 = arith.constant 32 : index
    %swap3A_1157 = tpu.vector_load %arg6[%swap3A_1155, %swap3A_1156] {strides = array<i32>} : memref<24x128xi32, #tpu.memory_space<vmem>>, vector<1x16xi32>,
    %swap3A_1158 = vector.shape_cast %swap3A_1157 : vector<1x16xi32> to vector<16xi32>
    %swap3A_1159 = vector.shape_cast %shift_right_logical3A_1153 : vector<16xi32> to vector<1x16xi32>
    tpu.vector_store %arg6[%swap3A_1155, %swap3A_1156], %swap3A_1159 {strides = array<i32>} : memref<24x128xi32, #tpu.memory_space<vmem>>, vector<1x16xi32>,
    %get3A_1160 = arith.constant 10 : i32
    %get3A_1161 = arith.index_cast %get3A_1160 : i32 to index
    %get3A_1162 = arith.constant 48 : index
    %get3A_1163 = tpu.vector_load %arg5[%get3A_1161, %get3A_1162] {strides = array<i32>} : memref<24x128xi32, #tpu.memory_space<vmem>>, vector<1x16xi32>,
    %get3A_1164 = vector.shape_cast %get3A_1163 : vector<1x16xi32> to vector<16xi32>
    %shift_right_logical3A_1165 = arith.constant 1 : i32
    %shift_right_logical3A_1166 = vector.broadcast %shift_right_logical3A_1165 : i32 to vector<16xi32>
    %shift_right_logical3A_1167 = arith.shrui %get3A_1164, %shift_right_logical3A_1166 : vector<16xi32>
    %swap3A_1168 = arith.constant 10 : i32
    %swap3A_1169 = arith.index_cast %swap3A_1168 : i32 to index
    %swap3A_1170 = arith.constant 48 : index
    %swap3A_1171 = tpu.vector_load %arg6[%swap3A_1169, %swap3A_1170] {strides = array<i32>} : memref<24x128xi32, #tpu.memory_space<vmem>>, vector<1x16xi32>,
    %swap3A_1172 = vector.shape_cast %swap3A_1171 : vector<1x16xi32> to vector<16xi32>
    %swap3A_1173 = vector.shape_cast %shift_right_logical3A_1167 : vector<16xi32> to vector<1x16xi32>
    tpu.vector_store %arg6[%swap3A_1169, %swap3A_1170], %swap3A_1173 {strides = array<i32>} : memref<24x128xi32, #tpu.memory_space<vmem>>, vector<1x16xi32>,
    %get3A_1174 = arith.constant 10 : i32
    %get3A_1175 = arith.index_cast %get3A_1174 : i32 to index
    %get3A_1176 = arith.constant 64 : index
    %get3A_1177 = tpu.vector_load %arg5[%get3A_1175, %get3A_1176] {strides = array<i32>} : memref<24x128xi32, #tpu.memory_space<vmem>>, vector<1x16xi32>,
    %get3A_1178 = vector.shape_cast %get3A_1177 : vector<1x16xi32> to vector<16xi32>
    %shift_right_logical3A_1179 = arith.constant 1 : i32
    %shift_right_logical3A_1180 = vector.broadcast %shift_right_logical3A_1179 : i32 to vector<16xi32>
    %shift_right_logical3A_1181 = arith.shrui %get3A_1178, %shift_right_logical3A_1180 : vector<16xi32>
    %swap3A_1182 = arith.constant 10 : i32
    %swap3A_1183 = arith.index_cast %swap3A_1182 : i32 to index
    %swap3A_1184 = arith.constant 64 : index
    %swap3A_1185 = tpu.vector_load %arg6[%swap3A_1183, %swap3A_1184] {strides = array<i32>} : memref<24x128xi32, #tpu.memory_space<vmem>>, vector<1x16xi32>,
    %swap3A_1186 = vector.shape_cast %swap3A_1185 : vector<1x16xi32> to vector<16xi32>
    %swap3A_1187 = vector.shape_cast %shift_right_logical3A_1181 : vector<16xi32> to vector<1x16xi32>
    tpu.vector_store %arg6[%swap3A_1183, %swap3A_1184], %swap3A_1187 {strides = array<i32>} : memref<24x128xi32, #tpu.memory_space<vmem>>, vector<1x16xi32>,
    %get3A_1188 = arith.constant 10 : i32
    %get3A_1189 = arith.index_cast %get3A_1188 : i32 to index
    %get3A_1190 = arith.constant 80 : index
    %get3A_1191 = tpu.vector_load %arg5[%get3A_1189, %get3A_1190] {strides = array<i32>} : memref<24x128xi32, #tpu.memory_space<vmem>>, vector<1x16xi32>,
    %get3A_1192 = vector.shape_cast %get3A_1191 : vector<1x16xi32> to vector<16xi32>
    %shift_right_logical3A_1193 = arith.constant 1 : i32
    %shift_right_logical3A_1194 = vector.broadcast %shift_right_logical3A_1193 : i32 to vector<16xi32>
    %shift_right_logical3A_1195 = arith.shrui %get3A_1192, %shift_right_logical3A_1194 : vector<16xi32>
    %swap3A_1196 = arith.constant 10 : i32
    %swap3A_1197 = arith.index_cast %swap3A_1196 : i32 to index
    %swap3A_1198 = arith.constant 80 : index
    %swap3A_1199 = tpu.vector_load %arg6[%swap3A_1197, %swap3A_1198] {strides = array<i32>} : memref<24x128xi32, #tpu.memory_space<vmem>>, vector<1x16xi32>,
    %swap3A_1200 = vector.shape_cast %swap3A_1199 : vector<1x16xi32> to vector<16xi32>
    %swap3A_1201 = vector.shape_cast %shift_right_logical3A_1195 : vector<16xi32> to vector<1x16xi32>
    tpu.vector_store %arg6[%swap3A_1197, %swap3A_1198], %swap3A_1201 {strides = array<i32>} : memref<24x128xi32, #tpu.memory_space<vmem>>, vector<1x16xi32>,
    %get3A_1202 = arith.constant 10 : i32
    %get3A_1203 = arith.index_cast %get3A_1202 : i32 to index
    %get3A_1204 = arith.constant 96 : index
    %get3A_1205 = tpu.vector_load %arg5[%get3A_1203, %get3A_1204] {strides = array<i32>} : memref<24x128xi32, #tpu.memory_space<vmem>>, vector<1x16xi32>,
    %get3A_1206 = vector.shape_cast %get3A_1205 : vector<1x16xi32> to vector<16xi32>
    %shift_right_logical3A_1207 = arith.constant 1 : i32
    %shift_right_logical3A_1208 = vector.broadcast %shift_right_logical3A_1207 : i32 to vector<16xi32>
    %shift_right_logical3A_1209 = arith.shrui %get3A_1206, %shift_right_logical3A_1208 : vector<16xi32>
    %swap3A_1210 = arith.constant 10 : i32
    %swap3A_1211 = arith.index_cast %swap3A_1210 : i32 to index
    %swap3A_1212 = arith.constant 96 : index
    %swap3A_1213 = tpu.vector_load %arg6[%swap3A_1211, %swap3A_1212] {strides = array<i32>} : memref<24x128xi32, #tpu.memory_space<vmem>>, vector<1x16xi32>,
    %swap3A_1214 = vector.shape_cast %swap3A_1213 : vector<1x16xi32> to vector<16xi32>
    %swap3A_1215 = vector.shape_cast %shift_right_logical3A_1209 : vector<16xi32> to vector<1x16xi32>
    tpu.vector_store %arg6[%swap3A_1211, %swap3A_1212], %swap3A_1215 {strides = array<i32>} : memref<24x128xi32, #tpu.memory_space<vmem>>, vector<1x16xi32>,
    %get3A_1216 = arith.constant 10 : i32
    %get3A_1217 = arith.index_cast %get3A_1216 : i32 to index
    %get3A_1218 = arith.constant 112 : index
    %get3A_1219 = tpu.vector_load %arg5[%get3A_1217, %get3A_1218] {strides = array<i32>} : memref<24x128xi32, #tpu.memory_space<vmem>>, vector<1x16xi32>,
    %get3A_1220 = vector.shape_cast %get3A_1219 : vector<1x16xi32> to vector<16xi32>
    %shift_right_logical3A_1221 = arith.constant 1 : i32
    %shift_right_logical3A_1222 = vector.broadcast %shift_right_logical3A_1221 : i32 to vector<16xi32>
    %shift_right_logical3A_1223 = arith.shrui %get3A_1220, %shift_right_logical3A_1222 : vector<16xi32>
    %swap3A_1224 = arith.constant 10 : i32
    %swap3A_1225 = arith.index_cast %swap3A_1224 : i32 to index
    %swap3A_1226 = arith.constant 112 : index
    %swap3A_1227 = tpu.vector_load %arg6[%swap3A_1225, %swap3A_1226] {strides = array<i32>} : memref<24x128xi32, #tpu.memory_space<vmem>>, vector<1x16xi32>,
    %swap3A_1228 = vector.shape_cast %swap3A_1227 : vector<1x16xi32> to vector<16xi32>
    %swap3A_1229 = vector.shape_cast %shift_right_logical3A_1223 : vector<16xi32> to vector<1x16xi32>
    tpu.vector_store %arg6[%swap3A_1225, %swap3A_1226], %swap3A_1229 {strides = array<i32>} : memref<24x128xi32, #tpu.memory_space<vmem>>, vector<1x16xi32>,
    %get3A_1230 = arith.constant 11 : i32
    %get3A_1231 = arith.index_cast %get3A_1230 : i32 to index
    %get3A_1232 = arith.constant 0 : index
    %get3A_1233 = tpu.vector_load %arg5[%get3A_1231, %get3A_1232] {strides = array<i32>} : memref<24x128xi32, #tpu.memory_space<vmem>>, vector<1x16xi32>,
    %get3A_1234 = vector.shape_cast %get3A_1233 : vector<1x16xi32> to vector<16xi32>
    %shift_right_logical3A_1235 = arith.constant 1 : i32
    %shift_right_logical3A_1236 = vector.broadcast %shift_right_logical3A_1235 : i32 to vector<16xi32>
    %shift_right_logical3A_1237 = arith.shrui %get3A_1234, %shift_right_logical3A_1236 : vector<16xi32>
    %swap3A_1238 = arith.constant 11 : i32
    %swap3A_1239 = arith.index_cast %swap3A_1238 : i32 to index
    %swap3A_1240 = arith.constant 0 : index
    %swap3A_1241 = tpu.vector_load %arg6[%swap3A_1239, %swap3A_1240] {strides = array<i32>} : memref<24x128xi32, #tpu.memory_space<vmem>>, vector<1x16xi32>,
    %swap3A_1242 = vector.shape_cast %swap3A_1241 : vector<1x16xi32> to vector<16xi32>
    %swap3A_1243 = vector.shape_cast %shift_right_logical3A_1237 : vector<16xi32> to vector<1x16xi32>
    tpu.vector_store %arg6[%swap3A_1239, %swap3A_1240], %swap3A_1243 {strides = array<i32>} : memref<24x128xi32, #tpu.memory_space<vmem>>, vector<1x16xi32>,
    %get3A_1244 = arith.constant 11 : i32
    %get3A_1245 = arith.index_cast %get3A_1244 : i32 to index
    %get3A_1246 = arith.constant 16 : index
    %get3A_1247 = tpu.vector_load %arg5[%get3A_1245, %get3A_1246] {strides = array<i32>} : memref<24x128xi32, #tpu.memory_space<vmem>>, vector<1x16xi32>,
    %get3A_1248 = vector.shape_cast %get3A_1247 : vector<1x16xi32> to vector<16xi32>
    %shift_right_logical3A_1249 = arith.constant 1 : i32
    %shift_right_logical3A_1250 = vector.broadcast %shift_right_logical3A_1249 : i32 to vector<16xi32>
    %shift_right_logical3A_1251 = arith.shrui %get3A_1248, %shift_right_logical3A_1250 : vector<16xi32>
    %swap3A_1252 = arith.constant 11 : i32
    %swap3A_1253 = arith.index_cast %swap3A_1252 : i32 to index
    %swap3A_1254 = arith.constant 16 : index
    %swap3A_1255 = tpu.vector_load %arg6[%swap3A_1253, %swap3A_1254] {strides = array<i32>} : memref<24x128xi32, #tpu.memory_space<vmem>>, vector<1x16xi32>,
    %swap3A_1256 = vector.shape_cast %swap3A_1255 : vector<1x16xi32> to vector<16xi32>
    %swap3A_1257 = vector.shape_cast %shift_right_logical3A_1251 : vector<16xi32> to vector<1x16xi32>
    tpu.vector_store %arg6[%swap3A_1253, %swap3A_1254], %swap3A_1257 {strides = array<i32>} : memref<24x128xi32, #tpu.memory_space<vmem>>, vector<1x16xi32>,
    %get3A_1258 = arith.constant 11 : i32
    %get3A_1259 = arith.index_cast %get3A_1258 : i32 to index
    %get3A_1260 = arith.constant 32 : index
    %get3A_1261 = tpu.vector_load %arg5[%get3A_1259, %get3A_1260] {strides = array<i32>} : memref<24x128xi32, #tpu.memory_space<vmem>>, vector<1x16xi32>,
    %get3A_1262 = vector.shape_cast %get3A_1261 : vector<1x16xi32> to vector<16xi32>
    %shift_right_logical3A_1263 = arith.constant 1 : i32
    %shift_right_logical3A_1264 = vector.broadcast %shift_right_logical3A_1263 : i32 to vector<16xi32>
    %shift_right_logical3A_1265 = arith.shrui %get3A_1262, %shift_right_logical3A_1264 : vector<16xi32>
    %swap3A_1266 = arith.constant 11 : i32
    %swap3A_1267 = arith.index_cast %swap3A_1266 : i32 to index
    %swap3A_1268 = arith.constant 32 : index
    %swap3A_1269 = tpu.vector_load %arg6[%swap3A_1267, %swap3A_1268] {strides = array<i32>} : memref<24x128xi32, #tpu.memory_space<vmem>>, vector<1x16xi32>,
    %swap3A_1270 = vector.shape_cast %swap3A_1269 : vector<1x16xi32> to vector<16xi32>
    %swap3A_1271 = vector.shape_cast %shift_right_logical3A_1265 : vector<16xi32> to vector<1x16xi32>
    tpu.vector_store %arg6[%swap3A_1267, %swap3A_1268], %swap3A_1271 {strides = array<i32>} : memref<24x128xi32, #tpu.memory_space<vmem>>, vector<1x16xi32>,
    %get3A_1272 = arith.constant 11 : i32
    %get3A_1273 = arith.index_cast %get3A_1272 : i32 to index
    %get3A_1274 = arith.constant 48 : index
    %get3A_1275 = tpu.vector_load %arg5[%get3A_1273, %get3A_1274] {strides = array<i32>} : memref<24x128xi32, #tpu.memory_space<vmem>>, vector<1x16xi32>,
    %get3A_1276 = vector.shape_cast %get3A_1275 : vector<1x16xi32> to vector<16xi32>
    %shift_right_logical3A_1277 = arith.constant 1 : i32
    %shift_right_logical3A_1278 = vector.broadcast %shift_right_logical3A_1277 : i32 to vector<16xi32>
    %shift_right_logical3A_1279 = arith.shrui %get3A_1276, %shift_right_logical3A_1278 : vector<16xi32>
    %swap3A_1280 = arith.constant 11 : i32
    %swap3A_1281 = arith.index_cast %swap3A_1280 : i32 to index
    %swap3A_1282 = arith.constant 48 : index
    %swap3A_1283 = tpu.vector_load %arg6[%swap3A_1281, %swap3A_1282] {strides = array<i32>} : memref<24x128xi32, #tpu.memory_space<vmem>>, vector<1x16xi32>,
    %swap3A_1284 = vector.shape_cast %swap3A_1283 : vector<1x16xi32> to vector<16xi32>
    %swap3A_1285 = vector.shape_cast %shift_right_logical3A_1279 : vector<16xi32> to vector<1x16xi32>
    tpu.vector_store %arg6[%swap3A_1281, %swap3A_1282], %swap3A_1285 {strides = array<i32>} : memref<24x128xi32, #tpu.memory_space<vmem>>, vector<1x16xi32>,
    %get3A_1286 = arith.constant 11 : i32
    %get3A_1287 = arith.index_cast %get3A_1286 : i32 to index
    %get3A_1288 = arith.constant 64 : index
    %get3A_1289 = tpu.vector_load %arg5[%get3A_1287, %get3A_1288] {strides = array<i32>} : memref<24x128xi32, #tpu.memory_space<vmem>>, vector<1x16xi32>,
    %get3A_1290 = vector.shape_cast %get3A_1289 : vector<1x16xi32> to vector<16xi32>
    %shift_right_logical3A_1291 = arith.constant 1 : i32
    %shift_right_logical3A_1292 = vector.broadcast %shift_right_logical3A_1291 : i32 to vector<16xi32>
    %shift_right_logical3A_1293 = arith.shrui %get3A_1290, %shift_right_logical3A_1292 : vector<16xi32>
    %swap3A_1294 = arith.constant 11 : i32
    %swap3A_1295 = arith.index_cast %swap3A_1294 : i32 to index
    %swap3A_1296 = arith.constant 64 : index
    %swap3A_1297 = tpu.vector_load %arg6[%swap3A_1295, %swap3A_1296] {strides = array<i32>} : memref<24x128xi32, #tpu.memory_space<vmem>>, vector<1x16xi32>,
    %swap3A_1298 = vector.shape_cast %swap3A_1297 : vector<1x16xi32> to vector<16xi32>
    %swap3A_1299 = vector.shape_cast %shift_right_logical3A_1293 : vector<16xi32> to vector<1x16xi32>
    tpu.vector_store %arg6[%swap3A_1295, %swap3A_1296], %swap3A_1299 {strides = array<i32>} : memref<24x128xi32, #tpu.memory_space<vmem>>, vector<1x16xi32>,
    %get3A_1300 = arith.constant 11 : i32
    %get3A_1301 = arith.index_cast %get3A_1300 : i32 to index
    %get3A_1302 = arith.constant 80 : index
    %get3A_1303 = tpu.vector_load %arg5[%get3A_1301, %get3A_1302] {strides = array<i32>} : memref<24x128xi32, #tpu.memory_space<vmem>>, vector<1x16xi32>,
    %get3A_1304 = vector.shape_cast %get3A_1303 : vector<1x16xi32> to vector<16xi32>
    %shift_right_logical3A_1305 = arith.constant 1 : i32
    %shift_right_logical3A_1306 = vector.broadcast %shift_right_logical3A_1305 : i32 to vector<16xi32>
    %shift_right_logical3A_1307 = arith.shrui %get3A_1304, %shift_right_logical3A_1306 : vector<16xi32>
    %swap3A_1308 = arith.constant 11 : i32
    %swap3A_1309 = arith.index_cast %swap3A_1308 : i32 to index
    %swap3A_1310 = arith.constant 80 : index
    %swap3A_1311 = tpu.vector_load %arg6[%swap3A_1309, %swap3A_1310] {strides = array<i32>} : memref<24x128xi32, #tpu.memory_space<vmem>>, vector<1x16xi32>,
    %swap3A_1312 = vector.shape_cast %swap3A_1311 : vector<1x16xi32> to vector<16xi32>
    %swap3A_1313 = vector.shape_cast %shift_right_logical3A_1307 : vector<16xi32> to vector<1x16xi32>
    tpu.vector_store %arg6[%swap3A_1309, %swap3A_1310], %swap3A_1313 {strides = array<i32>} : memref<24x128xi32, #tpu.memory_space<vmem>>, vector<1x16xi32>,
    %get3A_1314 = arith.constant 11 : i32
    %get3A_1315 = arith.index_cast %get3A_1314 : i32 to index
    %get3A_1316 = arith.constant 96 : index
    %get3A_1317 = tpu.vector_load %arg5[%get3A_1315, %get3A_1316] {strides = array<i32>} : memref<24x128xi32, #tpu.memory_space<vmem>>, vector<1x16xi32>,
    %get3A_1318 = vector.shape_cast %get3A_1317 : vector<1x16xi32> to vector<16xi32>
    %shift_right_logical3A_1319 = arith.constant 1 : i32
    %shift_right_logical3A_1320 = vector.broadcast %shift_right_logical3A_1319 : i32 to vector<16xi32>
    %shift_right_logical3A_1321 = arith.shrui %get3A_1318, %shift_right_logical3A_1320 : vector<16xi32>
    %swap3A_1322 = arith.constant 11 : i32
    %swap3A_1323 = arith.index_cast %swap3A_1322 : i32 to index
    %swap3A_1324 = arith.constant 96 : index
    %swap3A_1325 = tpu.vector_load %arg6[%swap3A_1323, %swap3A_1324] {strides = array<i32>} : memref<24x128xi32, #tpu.memory_space<vmem>>, vector<1x16xi32>,
    %swap3A_1326 = vector.shape_cast %swap3A_1325 : vector<1x16xi32> to vector<16xi32>
    %swap3A_1327 = vector.shape_cast %shift_right_logical3A_1321 : vector<16xi32> to vector<1x16xi32>
    tpu.vector_store %arg6[%swap3A_1323, %swap3A_1324], %swap3A_1327 {strides = array<i32>} : memref<24x128xi32, #tpu.memory_space<vmem>>, vector<1x16xi32>,
    %get3A_1328 = arith.constant 11 : i32
    %get3A_1329 = arith.index_cast %get3A_1328 : i32 to index
    %get3A_1330 = arith.constant 112 : index
    %get3A_1331 = tpu.vector_load %arg5[%get3A_1329, %get3A_1330] {strides = array<i32>} : memref<24x128xi32, #tpu.memory_space<vmem>>, vector<1x16xi32>,
    %get3A_1332 = vector.shape_cast %get3A_1331 : vector<1x16xi32> to vector<16xi32>
    %shift_right_logical3A_1333 = arith.constant 1 : i32
    %shift_right_logical3A_1334 = vector.broadcast %shift_right_logical3A_1333 : i32 to vector<16xi32>
    %shift_right_logical3A_1335 = arith.shrui %get3A_1332, %shift_right_logical3A_1334 : vector<16xi32>
    %swap3A_1336 = arith.constant 11 : i32
    %swap3A_1337 = arith.index_cast %swap3A_1336 : i32 to index
    %swap3A_1338 = arith.constant 112 : index
    %swap3A_1339 = tpu.vector_load %arg6[%swap3A_1337, %swap3A_1338] {strides = array<i32>} : memref<24x128xi32, #tpu.memory_space<vmem>>, vector<1x16xi32>,
    %swap3A_1340 = vector.shape_cast %swap3A_1339 : vector<1x16xi32> to vector<16xi32>
    %swap3A_1341 = vector.shape_cast %shift_right_logical3A_1335 : vector<16xi32> to vector<1x16xi32>
    tpu.vector_store %arg6[%swap3A_1337, %swap3A_1338], %swap3A_1341 {strides = array<i32>} : memref<24x128xi32, #tpu.memory_space<vmem>>, vector<1x16xi32>,
    %get3A_1342 = arith.constant 12 : i32
    %get3A_1343 = arith.index_cast %get3A_1342 : i32 to index
    %get3A_1344 = arith.constant 0 : index
    %get3A_1345 = tpu.vector_load %arg5[%get3A_1343, %get3A_1344] {strides = array<i32>} : memref<24x128xi32, #tpu.memory_space<vmem>>, vector<1x16xi32>,
    %get3A_1346 = vector.shape_cast %get3A_1345 : vector<1x16xi32> to vector<16xi32>
    %shift_right_logical3A_1347 = arith.constant 1 : i32
    %shift_right_logical3A_1348 = vector.broadcast %shift_right_logical3A_1347 : i32 to vector<16xi32>
    %shift_right_logical3A_1349 = arith.shrui %get3A_1346, %shift_right_logical3A_1348 : vector<16xi32>
    %swap3A_1350 = arith.constant 12 : i32
    %swap3A_1351 = arith.index_cast %swap3A_1350 : i32 to index
    %swap3A_1352 = arith.constant 0 : index
    %swap3A_1353 = tpu.vector_load %arg6[%swap3A_1351, %swap3A_1352] {strides = array<i32>} : memref<24x128xi32, #tpu.memory_space<vmem>>, vector<1x16xi32>,
    %swap3A_1354 = vector.shape_cast %swap3A_1353 : vector<1x16xi32> to vector<16xi32>
    %swap3A_1355 = vector.shape_cast %shift_right_logical3A_1349 : vector<16xi32> to vector<1x16xi32>
    tpu.vector_store %arg6[%swap3A_1351, %swap3A_1352], %swap3A_1355 {strides = array<i32>} : memref<24x128xi32, #tpu.memory_space<vmem>>, vector<1x16xi32>,
    %get3A_1356 = arith.constant 12 : i32
    %get3A_1357 = arith.index_cast %get3A_1356 : i32 to index
    %get3A_1358 = arith.constant 16 : index
    %get3A_1359 = tpu.vector_load %arg5[%get3A_1357, %get3A_1358] {strides = array<i32>} : memref<24x128xi32, #tpu.memory_space<vmem>>, vector<1x16xi32>,
    %get3A_1360 = vector.shape_cast %get3A_1359 : vector<1x16xi32> to vector<16xi32>
    %shift_right_logical3A_1361 = arith.constant 1 : i32
    %shift_right_logical3A_1362 = vector.broadcast %shift_right_logical3A_1361 : i32 to vector<16xi32>
    %shift_right_logical3A_1363 = arith.shrui %get3A_1360, %shift_right_logical3A_1362 : vector<16xi32>
    %swap3A_1364 = arith.constant 12 : i32
    %swap3A_1365 = arith.index_cast %swap3A_1364 : i32 to index
    %swap3A_1366 = arith.constant 16 : index
    %swap3A_1367 = tpu.vector_load %arg6[%swap3A_1365, %swap3A_1366] {strides = array<i32>} : memref<24x128xi32, #tpu.memory_space<vmem>>, vector<1x16xi32>,
    %swap3A_1368 = vector.shape_cast %swap3A_1367 : vector<1x16xi32> to vector<16xi32>
    %swap3A_1369 = vector.shape_cast %shift_right_logical3A_1363 : vector<16xi32> to vector<1x16xi32>
    tpu.vector_store %arg6[%swap3A_1365, %swap3A_1366], %swap3A_1369 {strides = array<i32>} : memref<24x128xi32, #tpu.memory_space<vmem>>, vector<1x16xi32>,
    %get3A_1370 = arith.constant 12 : i32
    %get3A_1371 = arith.index_cast %get3A_1370 : i32 to index
    %get3A_1372 = arith.constant 32 : index
    %get3A_1373 = tpu.vector_load %arg5[%get3A_1371, %get3A_1372] {strides = array<i32>} : memref<24x128xi32, #tpu.memory_space<vmem>>, vector<1x16xi32>,
    %get3A_1374 = vector.shape_cast %get3A_1373 : vector<1x16xi32> to vector<16xi32>
    %shift_right_logical3A_1375 = arith.constant 1 : i32
    %shift_right_logical3A_1376 = vector.broadcast %shift_right_logical3A_1375 : i32 to vector<16xi32>
    %shift_right_logical3A_1377 = arith.shrui %get3A_1374, %shift_right_logical3A_1376 : vector<16xi32>
    %swap3A_1378 = arith.constant 12 : i32
    %swap3A_1379 = arith.index_cast %swap3A_1378 : i32 to index
    %swap3A_1380 = arith.constant 32 : index
    %swap3A_1381 = tpu.vector_load %arg6[%swap3A_1379, %swap3A_1380] {strides = array<i32>} : memref<24x128xi32, #tpu.memory_space<vmem>>, vector<1x16xi32>,
    %swap3A_1382 = vector.shape_cast %swap3A_1381 : vector<1x16xi32> to vector<16xi32>
    %swap3A_1383 = vector.shape_cast %shift_right_logical3A_1377 : vector<16xi32> to vector<1x16xi32>
    tpu.vector_store %arg6[%swap3A_1379, %swap3A_1380], %swap3A_1383 {strides = array<i32>} : memref<24x128xi32, #tpu.memory_space<vmem>>, vector<1x16xi32>,
    %get3A_1384 = arith.constant 12 : i32
    %get3A_1385 = arith.index_cast %get3A_1384 : i32 to index
    %get3A_1386 = arith.constant 48 : index
    %get3A_1387 = tpu.vector_load %arg5[%get3A_1385, %get3A_1386] {strides = array<i32>} : memref<24x128xi32, #tpu.memory_space<vmem>>, vector<1x16xi32>,
    %get3A_1388 = vector.shape_cast %get3A_1387 : vector<1x16xi32> to vector<16xi32>
    %shift_right_logical3A_1389 = arith.constant 1 : i32
    %shift_right_logical3A_1390 = vector.broadcast %shift_right_logical3A_1389 : i32 to vector<16xi32>
    %shift_right_logical3A_1391 = arith.shrui %get3A_1388, %shift_right_logical3A_1390 : vector<16xi32>
    %swap3A_1392 = arith.constant 12 : i32
    %swap3A_1393 = arith.index_cast %swap3A_1392 : i32 to index
    %swap3A_1394 = arith.constant 48 : index
    %swap3A_1395 = tpu.vector_load %arg6[%swap3A_1393, %swap3A_1394] {strides = array<i32>} : memref<24x128xi32, #tpu.memory_space<vmem>>, vector<1x16xi32>,
    %swap3A_1396 = vector.shape_cast %swap3A_1395 : vector<1x16xi32> to vector<16xi32>
    %swap3A_1397 = vector.shape_cast %shift_right_logical3A_1391 : vector<16xi32> to vector<1x16xi32>
    tpu.vector_store %arg6[%swap3A_1393, %swap3A_1394], %swap3A_1397 {strides = array<i32>} : memref<24x128xi32, #tpu.memory_space<vmem>>, vector<1x16xi32>,
    %get3A_1398 = arith.constant 12 : i32
    %get3A_1399 = arith.index_cast %get3A_1398 : i32 to index
    %get3A_1400 = arith.constant 64 : index
    %get3A_1401 = tpu.vector_load %arg5[%get3A_1399, %get3A_1400] {strides = array<i32>} : memref<24x128xi32, #tpu.memory_space<vmem>>, vector<1x16xi32>,
    %get3A_1402 = vector.shape_cast %get3A_1401 : vector<1x16xi32> to vector<16xi32>
    %shift_right_logical3A_1403 = arith.constant 1 : i32
    %shift_right_logical3A_1404 = vector.broadcast %shift_right_logical3A_1403 : i32 to vector<16xi32>
    %shift_right_logical3A_1405 = arith.shrui %get3A_1402, %shift_right_logical3A_1404 : vector<16xi32>
    %swap3A_1406 = arith.constant 12 : i32
    %swap3A_1407 = arith.index_cast %swap3A_1406 : i32 to index
    %swap3A_1408 = arith.constant 64 : index
    %swap3A_1409 = tpu.vector_load %arg6[%swap3A_1407, %swap3A_1408] {strides = array<i32>} : memref<24x128xi32, #tpu.memory_space<vmem>>, vector<1x16xi32>,
    %swap3A_1410 = vector.shape_cast %swap3A_1409 : vector<1x16xi32> to vector<16xi32>
    %swap3A_1411 = vector.shape_cast %shift_right_logical3A_1405 : vector<16xi32> to vector<1x16xi32>
    tpu.vector_store %arg6[%swap3A_1407, %swap3A_1408], %swap3A_1411 {strides = array<i32>} : memref<24x128xi32, #tpu.memory_space<vmem>>, vector<1x16xi32>,
    %get3A_1412 = arith.constant 12 : i32
    %get3A_1413 = arith.index_cast %get3A_1412 : i32 to index
    %get3A_1414 = arith.constant 80 : index
    %get3A_1415 = tpu.vector_load %arg5[%get3A_1413, %get3A_1414] {strides = array<i32>} : memref<24x128xi32, #tpu.memory_space<vmem>>, vector<1x16xi32>,
    %get3A_1416 = vector.shape_cast %get3A_1415 : vector<1x16xi32> to vector<16xi32>
    %shift_right_logical3A_1417 = arith.constant 1 : i32
    %shift_right_logical3A_1418 = vector.broadcast %shift_right_logical3A_1417 : i32 to vector<16xi32>
    %shift_right_logical3A_1419 = arith.shrui %get3A_1416, %shift_right_logical3A_1418 : vector<16xi32>
    %swap3A_1420 = arith.constant 12 : i32
    %swap3A_1421 = arith.index_cast %swap3A_1420 : i32 to index
    %swap3A_1422 = arith.constant 80 : index
    %swap3A_1423 = tpu.vector_load %arg6[%swap3A_1421, %swap3A_1422] {strides = array<i32>} : memref<24x128xi32, #tpu.memory_space<vmem>>, vector<1x16xi32>,
    %swap3A_1424 = vector.shape_cast %swap3A_1423 : vector<1x16xi32> to vector<16xi32>
    %swap3A_1425 = vector.shape_cast %shift_right_logical3A_1419 : vector<16xi32> to vector<1x16xi32>
    tpu.vector_store %arg6[%swap3A_1421, %swap3A_1422], %swap3A_1425 {strides = array<i32>} : memref<24x128xi32, #tpu.memory_space<vmem>>, vector<1x16xi32>,
    %get3A_1426 = arith.constant 12 : i32
    %get3A_1427 = arith.index_cast %get3A_1426 : i32 to index
    %get3A_1428 = arith.constant 96 : index
    %get3A_1429 = tpu.vector_load %arg5[%get3A_1427, %get3A_1428] {strides = array<i32>} : memref<24x128xi32, #tpu.memory_space<vmem>>, vector<1x16xi32>,
    %get3A_1430 = vector.shape_cast %get3A_1429 : vector<1x16xi32> to vector<16xi32>
    %shift_right_logical3A_1431 = arith.constant 1 : i32
    %shift_right_logical3A_1432 = vector.broadcast %shift_right_logical3A_1431 : i32 to vector<16xi32>
    %shift_right_logical3A_1433 = arith.shrui %get3A_1430, %shift_right_logical3A_1432 : vector<16xi32>
    %swap3A_1434 = arith.constant 12 : i32
    %swap3A_1435 = arith.index_cast %swap3A_1434 : i32 to index
    %swap3A_1436 = arith.constant 96 : index
    %swap3A_1437 = tpu.vector_load %arg6[%swap3A_1435, %swap3A_1436] {strides = array<i32>} : memref<24x128xi32, #tpu.memory_space<vmem>>, vector<1x16xi32>,
    %swap3A_1438 = vector.shape_cast %swap3A_1437 : vector<1x16xi32> to vector<16xi32>
    %swap3A_1439 = vector.shape_cast %shift_right_logical3A_1433 : vector<16xi32> to vector<1x16xi32>
    tpu.vector_store %arg6[%swap3A_1435, %swap3A_1436], %swap3A_1439 {strides = array<i32>} : memref<24x128xi32, #tpu.memory_space<vmem>>, vector<1x16xi32>,
    %get3A_1440 = arith.constant 12 : i32
    %get3A_1441 = arith.index_cast %get3A_1440 : i32 to index
    %get3A_1442 = arith.constant 112 : index
    %get3A_1443 = tpu.vector_load %arg5[%get3A_1441, %get3A_1442] {strides = array<i32>} : memref<24x128xi32, #tpu.memory_space<vmem>>, vector<1x16xi32>,
    %get3A_1444 = vector.shape_cast %get3A_1443 : vector<1x16xi32> to vector<16xi32>
    %shift_right_logical3A_1445 = arith.constant 1 : i32
    %shift_right_logical3A_1446 = vector.broadcast %shift_right_logical3A_1445 : i32 to vector<16xi32>
    %shift_right_logical3A_1447 = arith.shrui %get3A_1444, %shift_right_logical3A_1446 : vector<16xi32>
    %swap3A_1448 = arith.constant 12 : i32
    %swap3A_1449 = arith.index_cast %swap3A_1448 : i32 to index
    %swap3A_1450 = arith.constant 112 : index
    %swap3A_1451 = tpu.vector_load %arg6[%swap3A_1449, %swap3A_1450] {strides = array<i32>} : memref<24x128xi32, #tpu.memory_space<vmem>>, vector<1x16xi32>,
    %swap3A_1452 = vector.shape_cast %swap3A_1451 : vector<1x16xi32> to vector<16xi32>
    %swap3A_1453 = vector.shape_cast %shift_right_logical3A_1447 : vector<16xi32> to vector<1x16xi32>
    tpu.vector_store %arg6[%swap3A_1449, %swap3A_1450], %swap3A_1453 {strides = array<i32>} : memref<24x128xi32, #tpu.memory_space<vmem>>, vector<1x16xi32>,
    %get3A_1454 = arith.constant 13 : i32
    %get3A_1455 = arith.index_cast %get3A_1454 : i32 to index
    %get3A_1456 = arith.constant 0 : index
    %get3A_1457 = tpu.vector_load %arg5[%get3A_1455, %get3A_1456] {strides = array<i32>} : memref<24x128xi32, #tpu.memory_space<vmem>>, vector<1x16xi32>,
    %get3A_1458 = vector.shape_cast %get3A_1457 : vector<1x16xi32> to vector<16xi32>
    %shift_right_logical3A_1459 = arith.constant 1 : i32
    %shift_right_logical3A_1460 = vector.broadcast %shift_right_logical3A_1459 : i32 to vector<16xi32>
    %shift_right_logical3A_1461 = arith.shrui %get3A_1458, %shift_right_logical3A_1460 : vector<16xi32>
    %swap3A_1462 = arith.constant 13 : i32
    %swap3A_1463 = arith.index_cast %swap3A_1462 : i32 to index
    %swap3A_1464 = arith.constant 0 : index
    %swap3A_1465 = tpu.vector_load %arg6[%swap3A_1463, %swap3A_1464] {strides = array<i32>} : memref<24x128xi32, #tpu.memory_space<vmem>>, vector<1x16xi32>,
    %swap3A_1466 = vector.shape_cast %swap3A_1465 : vector<1x16xi32> to vector<16xi32>
    %swap3A_1467 = vector.shape_cast %shift_right_logical3A_1461 : vector<16xi32> to vector<1x16xi32>
    tpu.vector_store %arg6[%swap3A_1463, %swap3A_1464], %swap3A_1467 {strides = array<i32>} : memref<24x128xi32, #tpu.memory_space<vmem>>, vector<1x16xi32>,
    %get3A_1468 = arith.constant 13 : i32
    %get3A_1469 = arith.index_cast %get3A_1468 : i32 to index
    %get3A_1470 = arith.constant 16 : index
    %get3A_1471 = tpu.vector_load %arg5[%get3A_1469, %get3A_1470] {strides = array<i32>} : memref<24x128xi32, #tpu.memory_space<vmem>>, vector<1x16xi32>,
    %get3A_1472 = vector.shape_cast %get3A_1471 : vector<1x16xi32> to vector<16xi32>
    %shift_right_logical3A_1473 = arith.constant 1 : i32
    %shift_right_logical3A_1474 = vector.broadcast %shift_right_logical3A_1473 : i32 to vector<16xi32>
    %shift_right_logical3A_1475 = arith.shrui %get3A_1472, %shift_right_logical3A_1474 : vector<16xi32>
    %swap3A_1476 = arith.constant 13 : i32
    %swap3A_1477 = arith.index_cast %swap3A_1476 : i32 to index
    %swap3A_1478 = arith.constant 16 : index
    %swap3A_1479 = tpu.vector_load %arg6[%swap3A_1477, %swap3A_1478] {strides = array<i32>} : memref<24x128xi32, #tpu.memory_space<vmem>>, vector<1x16xi32>,
    %swap3A_1480 = vector.shape_cast %swap3A_1479 : vector<1x16xi32> to vector<16xi32>
    %swap3A_1481 = vector.shape_cast %shift_right_logical3A_1475 : vector<16xi32> to vector<1x16xi32>
    tpu.vector_store %arg6[%swap3A_1477, %swap3A_1478], %swap3A_1481 {strides = array<i32>} : memref<24x128xi32, #tpu.memory_space<vmem>>, vector<1x16xi32>,
    %get3A_1482 = arith.constant 13 : i32
    %get3A_1483 = arith.index_cast %get3A_1482 : i32 to index
    %get3A_1484 = arith.constant 32 : index
    %get3A_1485 = tpu.vector_load %arg5[%get3A_1483, %get3A_1484] {strides = array<i32>} : memref<24x128xi32, #tpu.memory_space<vmem>>, vector<1x16xi32>,
    %get3A_1486 = vector.shape_cast %get3A_1485 : vector<1x16xi32> to vector<16xi32>
    %shift_right_logical3A_1487 = arith.constant 1 : i32
    %shift_right_logical3A_1488 = vector.broadcast %shift_right_logical3A_1487 : i32 to vector<16xi32>
    %shift_right_logical3A_1489 = arith.shrui %get3A_1486, %shift_right_logical3A_1488 : vector<16xi32>
    %swap3A_1490 = arith.constant 13 : i32
    %swap3A_1491 = arith.index_cast %swap3A_1490 : i32 to index
    %swap3A_1492 = arith.constant 32 : index
    %swap3A_1493 = tpu.vector_load %arg6[%swap3A_1491, %swap3A_1492] {strides = array<i32>} : memref<24x128xi32, #tpu.memory_space<vmem>>, vector<1x16xi32>,
    %swap3A_1494 = vector.shape_cast %swap3A_1493 : vector<1x16xi32> to vector<16xi32>
    %swap3A_1495 = vector.shape_cast %shift_right_logical3A_1489 : vector<16xi32> to vector<1x16xi32>
    tpu.vector_store %arg6[%swap3A_1491, %swap3A_1492], %swap3A_1495 {strides = array<i32>} : memref<24x128xi32, #tpu.memory_space<vmem>>, vector<1x16xi32>,
    %get3A_1496 = arith.constant 13 : i32
    %get3A_1497 = arith.index_cast %get3A_1496 : i32 to index
    %get3A_1498 = arith.constant 48 : index
    %get3A_1499 = tpu.vector_load %arg5[%get3A_1497, %get3A_1498] {strides = array<i32>} : memref<24x128xi32, #tpu.memory_space<vmem>>, vector<1x16xi32>,
    %get3A_1500 = vector.shape_cast %get3A_1499 : vector<1x16xi32> to vector<16xi32>
    %shift_right_logical3A_1501 = arith.constant 1 : i32
    %shift_right_logical3A_1502 = vector.broadcast %shift_right_logical3A_1501 : i32 to vector<16xi32>
    %shift_right_logical3A_1503 = arith.shrui %get3A_1500, %shift_right_logical3A_1502 : vector<16xi32>
    %swap3A_1504 = arith.constant 13 : i32
    %swap3A_1505 = arith.index_cast %swap3A_1504 : i32 to index
    %swap3A_1506 = arith.constant 48 : index
    %swap3A_1507 = tpu.vector_load %arg6[%swap3A_1505, %swap3A_1506] {strides = array<i32>} : memref<24x128xi32, #tpu.memory_space<vmem>>, vector<1x16xi32>,
    %swap3A_1508 = vector.shape_cast %swap3A_1507 : vector<1x16xi32> to vector<16xi32>
    %swap3A_1509 = vector.shape_cast %shift_right_logical3A_1503 : vector<16xi32> to vector<1x16xi32>
    tpu.vector_store %arg6[%swap3A_1505, %swap3A_1506], %swap3A_1509 {strides = array<i32>} : memref<24x128xi32, #tpu.memory_space<vmem>>, vector<1x16xi32>,
    %get3A_1510 = arith.constant 13 : i32
    %get3A_1511 = arith.index_cast %get3A_1510 : i32 to index
    %get3A_1512 = arith.constant 64 : index
    %get3A_1513 = tpu.vector_load %arg5[%get3A_1511, %get3A_1512] {strides = array<i32>} : memref<24x128xi32, #tpu.memory_space<vmem>>, vector<1x16xi32>,
    %get3A_1514 = vector.shape_cast %get3A_1513 : vector<1x16xi32> to vector<16xi32>
    %shift_right_logical3A_1515 = arith.constant 1 : i32
    %shift_right_logical3A_1516 = vector.broadcast %shift_right_logical3A_1515 : i32 to vector<16xi32>
    %shift_right_logical3A_1517 = arith.shrui %get3A_1514, %shift_right_logical3A_1516 : vector<16xi32>
    %swap3A_1518 = arith.constant 13 : i32
    %swap3A_1519 = arith.index_cast %swap3A_1518 : i32 to index
    %swap3A_1520 = arith.constant 64 : index
    %swap3A_1521 = tpu.vector_load %arg6[%swap3A_1519, %swap3A_1520] {strides = array<i32>} : memref<24x128xi32, #tpu.memory_space<vmem>>, vector<1x16xi32>,
    %swap3A_1522 = vector.shape_cast %swap3A_1521 : vector<1x16xi32> to vector<16xi32>
    %swap3A_1523 = vector.shape_cast %shift_right_logical3A_1517 : vector<16xi32> to vector<1x16xi32>
    tpu.vector_store %arg6[%swap3A_1519, %swap3A_1520], %swap3A_1523 {strides = array<i32>} : memref<24x128xi32, #tpu.memory_space<vmem>>, vector<1x16xi32>,
    %get3A_1524 = arith.constant 13 : i32
    %get3A_1525 = arith.index_cast %get3A_1524 : i32 to index
    %get3A_1526 = arith.constant 80 : index
    %get3A_1527 = tpu.vector_load %arg5[%get3A_1525, %get3A_1526] {strides = array<i32>} : memref<24x128xi32, #tpu.memory_space<vmem>>, vector<1x16xi32>,
    %get3A_1528 = vector.shape_cast %get3A_1527 : vector<1x16xi32> to vector<16xi32>
    %shift_right_logical3A_1529 = arith.constant 1 : i32
    %shift_right_logical3A_1530 = vector.broadcast %shift_right_logical3A_1529 : i32 to vector<16xi32>
    %shift_right_logical3A_1531 = arith.shrui %get3A_1528, %shift_right_logical3A_1530 : vector<16xi32>
    %swap3A_1532 = arith.constant 13 : i32
    %swap3A_1533 = arith.index_cast %swap3A_1532 : i32 to index
    %swap3A_1534 = arith.constant 80 : index
    %swap3A_1535 = tpu.vector_load %arg6[%swap3A_1533, %swap3A_1534] {strides = array<i32>} : memref<24x128xi32, #tpu.memory_space<vmem>>, vector<1x16xi32>,
    %swap3A_1536 = vector.shape_cast %swap3A_1535 : vector<1x16xi32> to vector<16xi32>
    %swap3A_1537 = vector.shape_cast %shift_right_logical3A_1531 : vector<16xi32> to vector<1x16xi32>
    tpu.vector_store %arg6[%swap3A_1533, %swap3A_1534], %swap3A_1537 {strides = array<i32>} : memref<24x128xi32, #tpu.memory_space<vmem>>, vector<1x16xi32>,
    %get3A_1538 = arith.constant 13 : i32
    %get3A_1539 = arith.index_cast %get3A_1538 : i32 to index
    %get3A_1540 = arith.constant 96 : index
    %get3A_1541 = tpu.vector_load %arg5[%get3A_1539, %get3A_1540] {strides = array<i32>} : memref<24x128xi32, #tpu.memory_space<vmem>>, vector<1x16xi32>,
    %get3A_1542 = vector.shape_cast %get3A_1541 : vector<1x16xi32> to vector<16xi32>
    %shift_right_logical3A_1543 = arith.constant 1 : i32
    %shift_right_logical3A_1544 = vector.broadcast %shift_right_logical3A_1543 : i32 to vector<16xi32>
    %shift_right_logical3A_1545 = arith.shrui %get3A_1542, %shift_right_logical3A_1544 : vector<16xi32>
    %swap3A_1546 = arith.constant 13 : i32
    %swap3A_1547 = arith.index_cast %swap3A_1546 : i32 to index
    %swap3A_1548 = arith.constant 96 : index
    %swap3A_1549 = tpu.vector_load %arg6[%swap3A_1547, %swap3A_1548] {strides = array<i32>} : memref<24x128xi32, #tpu.memory_space<vmem>>, vector<1x16xi32>,
    %swap3A_1550 = vector.shape_cast %swap3A_1549 : vector<1x16xi32> to vector<16xi32>
    %swap3A_1551 = vector.shape_cast %shift_right_logical3A_1545 : vector<16xi32> to vector<1x16xi32>
    tpu.vector_store %arg6[%swap3A_1547, %swap3A_1548], %swap3A_1551 {strides = array<i32>} : memref<24x128xi32, #tpu.memory_space<vmem>>, vector<1x16xi32>,
    %get3A_1552 = arith.constant 13 : i32
    %get3A_1553 = arith.index_cast %get3A_1552 : i32 to index
    %get3A_1554 = arith.constant 112 : index
    %get3A_1555 = tpu.vector_load %arg5[%get3A_1553, %get3A_1554] {strides = array<i32>} : memref<24x128xi32, #tpu.memory_space<vmem>>, vector<1x16xi32>,
    %get3A_1556 = vector.shape_cast %get3A_1555 : vector<1x16xi32> to vector<16xi32>
    %shift_right_logical3A_1557 = arith.constant 1 : i32
    %shift_right_logical3A_1558 = vector.broadcast %shift_right_logical3A_1557 : i32 to vector<16xi32>
    %shift_right_logical3A_1559 = arith.shrui %get3A_1556, %shift_right_logical3A_1558 : vector<16xi32>
    %swap3A_1560 = arith.constant 13 : i32
    %swap3A_1561 = arith.index_cast %swap3A_1560 : i32 to index
    %swap3A_1562 = arith.constant 112 : index
    %swap3A_1563 = tpu.vector_load %arg6[%swap3A_1561, %swap3A_1562] {strides = array<i32>} : memref<24x128xi32, #tpu.memory_space<vmem>>, vector<1x16xi32>,
    %swap3A_1564 = vector.shape_cast %swap3A_1563 : vector<1x16xi32> to vector<16xi32>
    %swap3A_1565 = vector.shape_cast %shift_right_logical3A_1559 : vector<16xi32> to vector<1x16xi32>
    tpu.vector_store %arg6[%swap3A_1561, %swap3A_1562], %swap3A_1565 {strides = array<i32>} : memref<24x128xi32, #tpu.memory_space<vmem>>, vector<1x16xi32>,
    %get3A_1566 = arith.constant 14 : i32
    %get3A_1567 = arith.index_cast %get3A_1566 : i32 to index
    %get3A_1568 = arith.constant 0 : index
    %get3A_1569 = tpu.vector_load %arg5[%get3A_1567, %get3A_1568] {strides = array<i32>} : memref<24x128xi32, #tpu.memory_space<vmem>>, vector<1x16xi32>,
    %get3A_1570 = vector.shape_cast %get3A_1569 : vector<1x16xi32> to vector<16xi32>
    %shift_right_logical3A_1571 = arith.constant 1 : i32
    %shift_right_logical3A_1572 = vector.broadcast %shift_right_logical3A_1571 : i32 to vector<16xi32>
    %shift_right_logical3A_1573 = arith.shrui %get3A_1570, %shift_right_logical3A_1572 : vector<16xi32>
    %swap3A_1574 = arith.constant 14 : i32
    %swap3A_1575 = arith.index_cast %swap3A_1574 : i32 to index
    %swap3A_1576 = arith.constant 0 : index
    %swap3A_1577 = tpu.vector_load %arg6[%swap3A_1575, %swap3A_1576] {strides = array<i32>} : memref<24x128xi32, #tpu.memory_space<vmem>>, vector<1x16xi32>,
    %swap3A_1578 = vector.shape_cast %swap3A_1577 : vector<1x16xi32> to vector<16xi32>
    %swap3A_1579 = vector.shape_cast %shift_right_logical3A_1573 : vector<16xi32> to vector<1x16xi32>
    tpu.vector_store %arg6[%swap3A_1575, %swap3A_1576], %swap3A_1579 {strides = array<i32>} : memref<24x128xi32, #tpu.memory_space<vmem>>, vector<1x16xi32>,
    %get3A_1580 = arith.constant 14 : i32
    %get3A_1581 = arith.index_cast %get3A_1580 : i32 to index
    %get3A_1582 = arith.constant 16 : index
    %get3A_1583 = tpu.vector_load %arg5[%get3A_1581, %get3A_1582] {strides = array<i32>} : memref<24x128xi32, #tpu.memory_space<vmem>>, vector<1x16xi32>,
    %get3A_1584 = vector.shape_cast %get3A_1583 : vector<1x16xi32> to vector<16xi32>
    %shift_right_logical3A_1585 = arith.constant 1 : i32
    %shift_right_logical3A_1586 = vector.broadcast %shift_right_logical3A_1585 : i32 to vector<16xi32>
    %shift_right_logical3A_1587 = arith.shrui %get3A_1584, %shift_right_logical3A_1586 : vector<16xi32>
    %swap3A_1588 = arith.constant 14 : i32
    %swap3A_1589 = arith.index_cast %swap3A_1588 : i32 to index
    %swap3A_1590 = arith.constant 16 : index
    %swap3A_1591 = tpu.vector_load %arg6[%swap3A_1589, %swap3A_1590] {strides = array<i32>} : memref<24x128xi32, #tpu.memory_space<vmem>>, vector<1x16xi32>,
    %swap3A_1592 = vector.shape_cast %swap3A_1591 : vector<1x16xi32> to vector<16xi32>
    %swap3A_1593 = vector.shape_cast %shift_right_logical3A_1587 : vector<16xi32> to vector<1x16xi32>
    tpu.vector_store %arg6[%swap3A_1589, %swap3A_1590], %swap3A_1593 {strides = array<i32>} : memref<24x128xi32, #tpu.memory_space<vmem>>, vector<1x16xi32>,
    %get3A_1594 = arith.constant 14 : i32
    %get3A_1595 = arith.index_cast %get3A_1594 : i32 to index
    %get3A_1596 = arith.constant 32 : index
    %get3A_1597 = tpu.vector_load %arg5[%get3A_1595, %get3A_1596] {strides = array<i32>} : memref<24x128xi32, #tpu.memory_space<vmem>>, vector<1x16xi32>,
    %get3A_1598 = vector.shape_cast %get3A_1597 : vector<1x16xi32> to vector<16xi32>
    %shift_right_logical3A_1599 = arith.constant 1 : i32
    %shift_right_logical3A_1600 = vector.broadcast %shift_right_logical3A_1599 : i32 to vector<16xi32>
    %shift_right_logical3A_1601 = arith.shrui %get3A_1598, %shift_right_logical3A_1600 : vector<16xi32>
    %swap3A_1602 = arith.constant 14 : i32
    %swap3A_1603 = arith.index_cast %swap3A_1602 : i32 to index
    %swap3A_1604 = arith.constant 32 : index
    %swap3A_1605 = tpu.vector_load %arg6[%swap3A_1603, %swap3A_1604] {strides = array<i32>} : memref<24x128xi32, #tpu.memory_space<vmem>>, vector<1x16xi32>,
    %swap3A_1606 = vector.shape_cast %swap3A_1605 : vector<1x16xi32> to vector<16xi32>
    %swap3A_1607 = vector.shape_cast %shift_right_logical3A_1601 : vector<16xi32> to vector<1x16xi32>
    tpu.vector_store %arg6[%swap3A_1603, %swap3A_1604], %swap3A_1607 {strides = array<i32>} : memref<24x128xi32, #tpu.memory_space<vmem>>, vector<1x16xi32>,
    %get3A_1608 = arith.constant 14 : i32
    %get3A_1609 = arith.index_cast %get3A_1608 : i32 to index
    %get3A_1610 = arith.constant 48 : index
    %get3A_1611 = tpu.vector_load %arg5[%get3A_1609, %get3A_1610] {strides = array<i32>} : memref<24x128xi32, #tpu.memory_space<vmem>>, vector<1x16xi32>,
    %get3A_1612 = vector.shape_cast %get3A_1611 : vector<1x16xi32> to vector<16xi32>
    %shift_right_logical3A_1613 = arith.constant 1 : i32
    %shift_right_logical3A_1614 = vector.broadcast %shift_right_logical3A_1613 : i32 to vector<16xi32>
    %shift_right_logical3A_1615 = arith.shrui %get3A_1612, %shift_right_logical3A_1614 : vector<16xi32>
    %swap3A_1616 = arith.constant 14 : i32
    %swap3A_1617 = arith.index_cast %swap3A_1616 : i32 to index
    %swap3A_1618 = arith.constant 48 : index
    %swap3A_1619 = tpu.vector_load %arg6[%swap3A_1617, %swap3A_1618] {strides = array<i32>} : memref<24x128xi32, #tpu.memory_space<vmem>>, vector<1x16xi32>,
    %swap3A_1620 = vector.shape_cast %swap3A_1619 : vector<1x16xi32> to vector<16xi32>
    %swap3A_1621 = vector.shape_cast %shift_right_logical3A_1615 : vector<16xi32> to vector<1x16xi32>
    tpu.vector_store %arg6[%swap3A_1617, %swap3A_1618], %swap3A_1621 {strides = array<i32>} : memref<24x128xi32, #tpu.memory_space<vmem>>, vector<1x16xi32>,
    %get3A_1622 = arith.constant 14 : i32
    %get3A_1623 = arith.index_cast %get3A_1622 : i32 to index
    %get3A_1624 = arith.constant 64 : index
    %get3A_1625 = tpu.vector_load %arg5[%get3A_1623, %get3A_1624] {strides = array<i32>} : memref<24x128xi32, #tpu.memory_space<vmem>>, vector<1x16xi32>,
    %get3A_1626 = vector.shape_cast %get3A_1625 : vector<1x16xi32> to vector<16xi32>
    %shift_right_logical3A_1627 = arith.constant 1 : i32
    %shift_right_logical3A_1628 = vector.broadcast %shift_right_logical3A_1627 : i32 to vector<16xi32>
    %shift_right_logical3A_1629 = arith.shrui %get3A_1626, %shift_right_logical3A_1628 : vector<16xi32>
    %swap3A_1630 = arith.constant 14 : i32
    %swap3A_1631 = arith.index_cast %swap3A_1630 : i32 to index
    %swap3A_1632 = arith.constant 64 : index
    %swap3A_1633 = tpu.vector_load %arg6[%swap3A_1631, %swap3A_1632] {strides = array<i32>} : memref<24x128xi32, #tpu.memory_space<vmem>>, vector<1x16xi32>,
    %swap3A_1634 = vector.shape_cast %swap3A_1633 : vector<1x16xi32> to vector<16xi32>
    %swap3A_1635 = vector.shape_cast %shift_right_logical3A_1629 : vector<16xi32> to vector<1x16xi32>
    tpu.vector_store %arg6[%swap3A_1631, %swap3A_1632], %swap3A_1635 {strides = array<i32>} : memref<24x128xi32, #tpu.memory_space<vmem>>, vector<1x16xi32>,
    %get3A_1636 = arith.constant 14 : i32
    %get3A_1637 = arith.index_cast %get3A_1636 : i32 to index
    %get3A_1638 = arith.constant 80 : index
    %get3A_1639 = tpu.vector_load %arg5[%get3A_1637, %get3A_1638] {strides = array<i32>} : memref<24x128xi32, #tpu.memory_space<vmem>>, vector<1x16xi32>,
    %get3A_1640 = vector.shape_cast %get3A_1639 : vector<1x16xi32> to vector<16xi32>
    %shift_right_logical3A_1641 = arith.constant 1 : i32
    %shift_right_logical3A_1642 = vector.broadcast %shift_right_logical3A_1641 : i32 to vector<16xi32>
    %shift_right_logical3A_1643 = arith.shrui %get3A_1640, %shift_right_logical3A_1642 : vector<16xi32>
    %swap3A_1644 = arith.constant 14 : i32
    %swap3A_1645 = arith.index_cast %swap3A_1644 : i32 to index
    %swap3A_1646 = arith.constant 80 : index
    %swap3A_1647 = tpu.vector_load %arg6[%swap3A_1645, %swap3A_1646] {strides = array<i32>} : memref<24x128xi32, #tpu.memory_space<vmem>>, vector<1x16xi32>,
    %swap3A_1648 = vector.shape_cast %swap3A_1647 : vector<1x16xi32> to vector<16xi32>
    %swap3A_1649 = vector.shape_cast %shift_right_logical3A_1643 : vector<16xi32> to vector<1x16xi32>
    tpu.vector_store %arg6[%swap3A_1645, %swap3A_1646], %swap3A_1649 {strides = array<i32>} : memref<24x128xi32, #tpu.memory_space<vmem>>, vector<1x16xi32>,
    %get3A_1650 = arith.constant 14 : i32
    %get3A_1651 = arith.index_cast %get3A_1650 : i32 to index
    %get3A_1652 = arith.constant 96 : index
    %get3A_1653 = tpu.vector_load %arg5[%get3A_1651, %get3A_1652] {strides = array<i32>} : memref<24x128xi32, #tpu.memory_space<vmem>>, vector<1x16xi32>,
    %get3A_1654 = vector.shape_cast %get3A_1653 : vector<1x16xi32> to vector<16xi32>
    %shift_right_logical3A_1655 = arith.constant 1 : i32
    %shift_right_logical3A_1656 = vector.broadcast %shift_right_logical3A_1655 : i32 to vector<16xi32>
    %shift_right_logical3A_1657 = arith.shrui %get3A_1654, %shift_right_logical3A_1656 : vector<16xi32>
    %swap3A_1658 = arith.constant 14 : i32
    %swap3A_1659 = arith.index_cast %swap3A_1658 : i32 to index
    %swap3A_1660 = arith.constant 96 : index
    %swap3A_1661 = tpu.vector_load %arg6[%swap3A_1659, %swap3A_1660] {strides = array<i32>} : memref<24x128xi32, #tpu.memory_space<vmem>>, vector<1x16xi32>,
    %swap3A_1662 = vector.shape_cast %swap3A_1661 : vector<1x16xi32> to vector<16xi32>
    %swap3A_1663 = vector.shape_cast %shift_right_logical3A_1657 : vector<16xi32> to vector<1x16xi32>
    tpu.vector_store %arg6[%swap3A_1659, %swap3A_1660], %swap3A_1663 {strides = array<i32>} : memref<24x128xi32, #tpu.memory_space<vmem>>, vector<1x16xi32>,
    %get3A_1664 = arith.constant 14 : i32
    %get3A_1665 = arith.index_cast %get3A_1664 : i32 to index
    %get3A_1666 = arith.constant 112 : index
    %get3A_1667 = tpu.vector_load %arg5[%get3A_1665, %get3A_1666] {strides = array<i32>} : memref<24x128xi32, #tpu.memory_space<vmem>>, vector<1x16xi32>,
    %get3A_1668 = vector.shape_cast %get3A_1667 : vector<1x16xi32> to vector<16xi32>
    %shift_right_logical3A_1669 = arith.constant 1 : i32
    %shift_right_logical3A_1670 = vector.broadcast %shift_right_logical3A_1669 : i32 to vector<16xi32>
    %shift_right_logical3A_1671 = arith.shrui %get3A_1668, %shift_right_logical3A_1670 : vector<16xi32>
    %swap3A_1672 = arith.constant 14 : i32
    %swap3A_1673 = arith.index_cast %swap3A_1672 : i32 to index
    %swap3A_1674 = arith.constant 112 : index
    %swap3A_1675 = tpu.vector_load %arg6[%swap3A_1673, %swap3A_1674] {strides = array<i32>} : memref<24x128xi32, #tpu.memory_space<vmem>>, vector<1x16xi32>,
    %swap3A_1676 = vector.shape_cast %swap3A_1675 : vector<1x16xi32> to vector<16xi32>
    %swap3A_1677 = vector.shape_cast %shift_right_logical3A_1671 : vector<16xi32> to vector<1x16xi32>
    tpu.vector_store %arg6[%swap3A_1673, %swap3A_1674], %swap3A_1677 {strides = array<i32>} : memref<24x128xi32, #tpu.memory_space<vmem>>, vector<1x16xi32>,
    %get3A_1678 = arith.constant 15 : i32
    %get3A_1679 = arith.index_cast %get3A_1678 : i32 to index
    %get3A_1680 = arith.constant 0 : index
    %get3A_1681 = tpu.vector_load %arg5[%get3A_1679, %get3A_1680] {strides = array<i32>} : memref<24x128xi32, #tpu.memory_space<vmem>>, vector<1x16xi32>,
    %get3A_1682 = vector.shape_cast %get3A_1681 : vector<1x16xi32> to vector<16xi32>
    %shift_right_logical3A_1683 = arith.constant 1 : i32
    %shift_right_logical3A_1684 = vector.broadcast %shift_right_logical3A_1683 : i32 to vector<16xi32>
    %shift_right_logical3A_1685 = arith.shrui %get3A_1682, %shift_right_logical3A_1684 : vector<16xi32>
    %swap3A_1686 = arith.constant 15 : i32
    %swap3A_1687 = arith.index_cast %swap3A_1686 : i32 to index
    %swap3A_1688 = arith.constant 0 : index
    %swap3A_1689 = tpu.vector_load %arg6[%swap3A_1687, %swap3A_1688] {strides = array<i32>} : memref<24x128xi32, #tpu.memory_space<vmem>>, vector<1x16xi32>,
    %swap3A_1690 = vector.shape_cast %swap3A_1689 : vector<1x16xi32> to vector<16xi32>
    %swap3A_1691 = vector.shape_cast %shift_right_logical3A_1685 : vector<16xi32> to vector<1x16xi32>
    tpu.vector_store %arg6[%swap3A_1687, %swap3A_1688], %swap3A_1691 {strides = array<i32>} : memref<24x128xi32, #tpu.memory_space<vmem>>, vector<1x16xi32>,
    %get3A_1692 = arith.constant 15 : i32
    %get3A_1693 = arith.index_cast %get3A_1692 : i32 to index
    %get3A_1694 = arith.constant 16 : index
    %get3A_1695 = tpu.vector_load %arg5[%get3A_1693, %get3A_1694] {strides = array<i32>} : memref<24x128xi32, #tpu.memory_space<vmem>>, vector<1x16xi32>,
    %get3A_1696 = vector.shape_cast %get3A_1695 : vector<1x16xi32> to vector<16xi32>
    %shift_right_logical3A_1697 = arith.constant 1 : i32
    %shift_right_logical3A_1698 = vector.broadcast %shift_right_logical3A_1697 : i32 to vector<16xi32>
    %shift_right_logical3A_1699 = arith.shrui %get3A_1696, %shift_right_logical3A_1698 : vector<16xi32>
    %swap3A_1700 = arith.constant 15 : i32
    %swap3A_1701 = arith.index_cast %swap3A_1700 : i32 to index
    %swap3A_1702 = arith.constant 16 : index
    %swap3A_1703 = tpu.vector_load %arg6[%swap3A_1701, %swap3A_1702] {strides = array<i32>} : memref<24x128xi32, #tpu.memory_space<vmem>>, vector<1x16xi32>,
    %swap3A_1704 = vector.shape_cast %swap3A_1703 : vector<1x16xi32> to vector<16xi32>
    %swap3A_1705 = vector.shape_cast %shift_right_logical3A_1699 : vector<16xi32> to vector<1x16xi32>
    tpu.vector_store %arg6[%swap3A_1701, %swap3A_1702], %swap3A_1705 {strides = array<i32>} : memref<24x128xi32, #tpu.memory_space<vmem>>, vector<1x16xi32>,
    %get3A_1706 = arith.constant 15 : i32
    %get3A_1707 = arith.index_cast %get3A_1706 : i32 to index
    %get3A_1708 = arith.constant 32 : index
    %get3A_1709 = tpu.vector_load %arg5[%get3A_1707, %get3A_1708] {strides = array<i32>} : memref<24x128xi32, #tpu.memory_space<vmem>>, vector<1x16xi32>,
    %get3A_1710 = vector.shape_cast %get3A_1709 : vector<1x16xi32> to vector<16xi32>
    %shift_right_logical3A_1711 = arith.constant 1 : i32
    %shift_right_logical3A_1712 = vector.broadcast %shift_right_logical3A_1711 : i32 to vector<16xi32>
    %shift_right_logical3A_1713 = arith.shrui %get3A_1710, %shift_right_logical3A_1712 : vector<16xi32>
    %swap3A_1714 = arith.constant 15 : i32
    %swap3A_1715 = arith.index_cast %swap3A_1714 : i32 to index
    %swap3A_1716 = arith.constant 32 : index
    %swap3A_1717 = tpu.vector_load %arg6[%swap3A_1715, %swap3A_1716] {strides = array<i32>} : memref<24x128xi32, #tpu.memory_space<vmem>>, vector<1x16xi32>,
    %swap3A_1718 = vector.shape_cast %swap3A_1717 : vector<1x16xi32> to vector<16xi32>
    %swap3A_1719 = vector.shape_cast %shift_right_logical3A_1713 : vector<16xi32> to vector<1x16xi32>
    tpu.vector_store %arg6[%swap3A_1715, %swap3A_1716], %swap3A_1719 {strides = array<i32>} : memref<24x128xi32, #tpu.memory_space<vmem>>, vector<1x16xi32>,
    %get3A_1720 = arith.constant 15 : i32
    %get3A_1721 = arith.index_cast %get3A_1720 : i32 to index
    %get3A_1722 = arith.constant 48 : index
    %get3A_1723 = tpu.vector_load %arg5[%get3A_1721, %get3A_1722] {strides = array<i32>} : memref<24x128xi32, #tpu.memory_space<vmem>>, vector<1x16xi32>,
    %get3A_1724 = vector.shape_cast %get3A_1723 : vector<1x16xi32> to vector<16xi32>
    %shift_right_logical3A_1725 = arith.constant 1 : i32
    %shift_right_logical3A_1726 = vector.broadcast %shift_right_logical3A_1725 : i32 to vector<16xi32>
    %shift_right_logical3A_1727 = arith.shrui %get3A_1724, %shift_right_logical3A_1726 : vector<16xi32>
    %swap3A_1728 = arith.constant 15 : i32
    %swap3A_1729 = arith.index_cast %swap3A_1728 : i32 to index
    %swap3A_1730 = arith.constant 48 : index
    %swap3A_1731 = tpu.vector_load %arg6[%swap3A_1729, %swap3A_1730] {strides = array<i32>} : memref<24x128xi32, #tpu.memory_space<vmem>>, vector<1x16xi32>,
    %swap3A_1732 = vector.shape_cast %swap3A_1731 : vector<1x16xi32> to vector<16xi32>
    %swap3A_1733 = vector.shape_cast %shift_right_logical3A_1727 : vector<16xi32> to vector<1x16xi32>
    tpu.vector_store %arg6[%swap3A_1729, %swap3A_1730], %swap3A_1733 {strides = array<i32>} : memref<24x128xi32, #tpu.memory_space<vmem>>, vector<1x16xi32>,
    %get3A_1734 = arith.constant 15 : i32
    %get3A_1735 = arith.index_cast %get3A_1734 : i32 to index
    %get3A_1736 = arith.constant 64 : index
    %get3A_1737 = tpu.vector_load %arg5[%get3A_1735, %get3A_1736] {strides = array<i32>} : memref<24x128xi32, #tpu.memory_space<vmem>>, vector<1x16xi32>,
    %get3A_1738 = vector.shape_cast %get3A_1737 : vector<1x16xi32> to vector<16xi32>
    %shift_right_logical3A_1739 = arith.constant 1 : i32
    %shift_right_logical3A_1740 = vector.broadcast %shift_right_logical3A_1739 : i32 to vector<16xi32>
    %shift_right_logical3A_1741 = arith.shrui %get3A_1738, %shift_right_logical3A_1740 : vector<16xi32>
    %swap3A_1742 = arith.constant 15 : i32
    %swap3A_1743 = arith.index_cast %swap3A_1742 : i32 to index
    %swap3A_1744 = arith.constant 64 : index
    %swap3A_1745 = tpu.vector_load %arg6[%swap3A_1743, %swap3A_1744] {strides = array<i32>} : memref<24x128xi32, #tpu.memory_space<vmem>>, vector<1x16xi32>,
    %swap3A_1746 = vector.shape_cast %swap3A_1745 : vector<1x16xi32> to vector<16xi32>
    %swap3A_1747 = vector.shape_cast %shift_right_logical3A_1741 : vector<16xi32> to vector<1x16xi32>
    tpu.vector_store %arg6[%swap3A_1743, %swap3A_1744], %swap3A_1747 {strides = array<i32>} : memref<24x128xi32, #tpu.memory_space<vmem>>, vector<1x16xi32>,
    %get3A_1748 = arith.constant 15 : i32
    %get3A_1749 = arith.index_cast %get3A_1748 : i32 to index
    %get3A_1750 = arith.constant 80 : index
    %get3A_1751 = tpu.vector_load %arg5[%get3A_1749, %get3A_1750] {strides = array<i32>} : memref<24x128xi32, #tpu.memory_space<vmem>>, vector<1x16xi32>,
    %get3A_1752 = vector.shape_cast %get3A_1751 : vector<1x16xi32> to vector<16xi32>
    %shift_right_logical3A_1753 = arith.constant 1 : i32
    %shift_right_logical3A_1754 = vector.broadcast %shift_right_logical3A_1753 : i32 to vector<16xi32>
    %shift_right_logical3A_1755 = arith.shrui %get3A_1752, %shift_right_logical3A_1754 : vector<16xi32>
    %swap3A_1756 = arith.constant 15 : i32
    %swap3A_1757 = arith.index_cast %swap3A_1756 : i32 to index
    %swap3A_1758 = arith.constant 80 : index
    %swap3A_1759 = tpu.vector_load %arg6[%swap3A_1757, %swap3A_1758] {strides = array<i32>} : memref<24x128xi32, #tpu.memory_space<vmem>>, vector<1x16xi32>,
    %swap3A_1760 = vector.shape_cast %swap3A_1759 : vector<1x16xi32> to vector<16xi32>
    %swap3A_1761 = vector.shape_cast %shift_right_logical3A_1755 : vector<16xi32> to vector<1x16xi32>
    tpu.vector_store %arg6[%swap3A_1757, %swap3A_1758], %swap3A_1761 {strides = array<i32>} : memref<24x128xi32, #tpu.memory_space<vmem>>, vector<1x16xi32>,
    %get3A_1762 = arith.constant 15 : i32
    %get3A_1763 = arith.index_cast %get3A_1762 : i32 to index
    %get3A_1764 = arith.constant 96 : index
    %get3A_1765 = tpu.vector_load %arg5[%get3A_1763, %get3A_1764] {strides = array<i32>} : memref<24x128xi32, #tpu.memory_space<vmem>>, vector<1x16xi32>,
    %get3A_1766 = vector.shape_cast %get3A_1765 : vector<1x16xi32> to vector<16xi32>
    %shift_right_logical3A_1767 = arith.constant 1 : i32
    %shift_right_logical3A_1768 = vector.broadcast %shift_right_logical3A_1767 : i32 to vector<16xi32>
    %shift_right_logical3A_1769 = arith.shrui %get3A_1766, %shift_right_logical3A_1768 : vector<16xi32>
    %swap3A_1770 = arith.constant 15 : i32
    %swap3A_1771 = arith.index_cast %swap3A_1770 : i32 to index
    %swap3A_1772 = arith.constant 96 : index
    %swap3A_1773 = tpu.vector_load %arg6[%swap3A_1771, %swap3A_1772] {strides = array<i32>} : memref<24x128xi32, #tpu.memory_space<vmem>>, vector<1x16xi32>,
    %swap3A_1774 = vector.shape_cast %swap3A_1773 : vector<1x16xi32> to vector<16xi32>
    %swap3A_1775 = vector.shape_cast %shift_right_logical3A_1769 : vector<16xi32> to vector<1x16xi32>
    tpu.vector_store %arg6[%swap3A_1771, %swap3A_1772], %swap3A_1775 {strides = array<i32>} : memref<24x128xi32, #tpu.memory_space<vmem>>, vector<1x16xi32>,
    %get3A_1776 = arith.constant 15 : i32
    %get3A_1777 = arith.index_cast %get3A_1776 : i32 to index
    %get3A_1778 = arith.constant 112 : index
    %get3A_1779 = tpu.vector_load %arg5[%get3A_1777, %get3A_1778] {strides = array<i32>} : memref<24x128xi32, #tpu.memory_space<vmem>>, vector<1x16xi32>,
    %get3A_1780 = vector.shape_cast %get3A_1779 : vector<1x16xi32> to vector<16xi32>
    %shift_right_logical3A_1781 = arith.constant 1 : i32
    %shift_right_logical3A_1782 = vector.broadcast %shift_right_logical3A_1781 : i32 to vector<16xi32>
    %shift_right_logical3A_1783 = arith.shrui %get3A_1780, %shift_right_logical3A_1782 : vector<16xi32>
    %swap3A_1784 = arith.constant 15 : i32
    %swap3A_1785 = arith.index_cast %swap3A_1784 : i32 to index
    %swap3A_1786 = arith.constant 112 : index
    %swap3A_1787 = tpu.vector_load %arg6[%swap3A_1785, %swap3A_1786] {strides = array<i32>} : memref<24x128xi32, #tpu.memory_space<vmem>>, vector<1x16xi32>,
    %swap3A_1788 = vector.shape_cast %swap3A_1787 : vector<1x16xi32> to vector<16xi32>
    %swap3A_1789 = vector.shape_cast %shift_right_logical3A_1783 : vector<16xi32> to vector<1x16xi32>
    tpu.vector_store %arg6[%swap3A_1785, %swap3A_1786], %swap3A_1789 {strides = array<i32>} : memref<24x128xi32, #tpu.memory_space<vmem>>, vector<1x16xi32>,
    %get3A_1790 = arith.constant 16 : i32
    %get3A_1791 = arith.index_cast %get3A_1790 : i32 to index
    %get3A_1792 = arith.constant 0 : index
    %get3A_1793 = tpu.vector_load %arg5[%get3A_1791, %get3A_1792] {strides = array<i32>} : memref<24x128xi32, #tpu.memory_space<vmem>>, vector<1x16xi32>,
    %get3A_1794 = vector.shape_cast %get3A_1793 : vector<1x16xi32> to vector<16xi32>
    %shift_right_logical3A_1795 = arith.constant 1 : i32
    %shift_right_logical3A_1796 = vector.broadcast %shift_right_logical3A_1795 : i32 to vector<16xi32>
    %shift_right_logical3A_1797 = arith.shrui %get3A_1794, %shift_right_logical3A_1796 : vector<16xi32>
    %swap3A_1798 = arith.constant 16 : i32
    %swap3A_1799 = arith.index_cast %swap3A_1798 : i32 to index
    %swap3A_1800 = arith.constant 0 : index
    %swap3A_1801 = tpu.vector_load %arg6[%swap3A_1799, %swap3A_1800] {strides = array<i32>} : memref<24x128xi32, #tpu.memory_space<vmem>>, vector<1x16xi32>,
    %swap3A_1802 = vector.shape_cast %swap3A_1801 : vector<1x16xi32> to vector<16xi32>
    %swap3A_1803 = vector.shape_cast %shift_right_logical3A_1797 : vector<16xi32> to vector<1x16xi32>
    tpu.vector_store %arg6[%swap3A_1799, %swap3A_1800], %swap3A_1803 {strides = array<i32>} : memref<24x128xi32, #tpu.memory_space<vmem>>, vector<1x16xi32>,
    %get3A_1804 = arith.constant 16 : i32
    %get3A_1805 = arith.index_cast %get3A_1804 : i32 to index
    %get3A_1806 = arith.constant 16 : index
    %get3A_1807 = tpu.vector_load %arg5[%get3A_1805, %get3A_1806] {strides = array<i32>} : memref<24x128xi32, #tpu.memory_space<vmem>>, vector<1x16xi32>,
    %get3A_1808 = vector.shape_cast %get3A_1807 : vector<1x16xi32> to vector<16xi32>
    %shift_right_logical3A_1809 = arith.constant 1 : i32
    %shift_right_logical3A_1810 = vector.broadcast %shift_right_logical3A_1809 : i32 to vector<16xi32>
    %shift_right_logical3A_1811 = arith.shrui %get3A_1808, %shift_right_logical3A_1810 : vector<16xi32>
    %swap3A_1812 = arith.constant 16 : i32
    %swap3A_1813 = arith.index_cast %swap3A_1812 : i32 to index
    %swap3A_1814 = arith.constant 16 : index
    %swap3A_1815 = tpu.vector_load %arg6[%swap3A_1813, %swap3A_1814] {strides = array<i32>} : memref<24x128xi32, #tpu.memory_space<vmem>>, vector<1x16xi32>,
    %swap3A_1816 = vector.shape_cast %swap3A_1815 : vector<1x16xi32> to vector<16xi32>
    %swap3A_1817 = vector.shape_cast %shift_right_logical3A_1811 : vector<16xi32> to vector<1x16xi32>
    tpu.vector_store %arg6[%swap3A_1813, %swap3A_1814], %swap3A_1817 {strides = array<i32>} : memref<24x128xi32, #tpu.memory_space<vmem>>, vector<1x16xi32>,
    %get3A_1818 = arith.constant 16 : i32
    %get3A_1819 = arith.index_cast %get3A_1818 : i32 to index
    %get3A_1820 = arith.constant 32 : index
    %get3A_1821 = tpu.vector_load %arg5[%get3A_1819, %get3A_1820] {strides = array<i32>} : memref<24x128xi32, #tpu.memory_space<vmem>>, vector<1x16xi32>,
    %get3A_1822 = vector.shape_cast %get3A_1821 : vector<1x16xi32> to vector<16xi32>
    %shift_right_logical3A_1823 = arith.constant 1 : i32
    %shift_right_logical3A_1824 = vector.broadcast %shift_right_logical3A_1823 : i32 to vector<16xi32>
    %shift_right_logical3A_1825 = arith.shrui %get3A_1822, %shift_right_logical3A_1824 : vector<16xi32>
    %swap3A_1826 = arith.constant 16 : i32
    %swap3A_1827 = arith.index_cast %swap3A_1826 : i32 to index
    %swap3A_1828 = arith.constant 32 : index
    %swap3A_1829 = tpu.vector_load %arg6[%swap3A_1827, %swap3A_1828] {strides = array<i32>} : memref<24x128xi32, #tpu.memory_space<vmem>>, vector<1x16xi32>,
    %swap3A_1830 = vector.shape_cast %swap3A_1829 : vector<1x16xi32> to vector<16xi32>
    %swap3A_1831 = vector.shape_cast %shift_right_logical3A_1825 : vector<16xi32> to vector<1x16xi32>
    tpu.vector_store %arg6[%swap3A_1827, %swap3A_1828], %swap3A_1831 {strides = array<i32>} : memref<24x128xi32, #tpu.memory_space<vmem>>, vector<1x16xi32>,
    %get3A_1832 = arith.constant 16 : i32
    %get3A_1833 = arith.index_cast %get3A_1832 : i32 to index
    %get3A_1834 = arith.constant 48 : index
    %get3A_1835 = tpu.vector_load %arg5[%get3A_1833, %get3A_1834] {strides = array<i32>} : memref<24x128xi32, #tpu.memory_space<vmem>>, vector<1x16xi32>,
    %get3A_1836 = vector.shape_cast %get3A_1835 : vector<1x16xi32> to vector<16xi32>
    %shift_right_logical3A_1837 = arith.constant 1 : i32
    %shift_right_logical3A_1838 = vector.broadcast %shift_right_logical3A_1837 : i32 to vector<16xi32>
    %shift_right_logical3A_1839 = arith.shrui %get3A_1836, %shift_right_logical3A_1838 : vector<16xi32>
    %swap3A_1840 = arith.constant 16 : i32
    %swap3A_1841 = arith.index_cast %swap3A_1840 : i32 to index
    %swap3A_1842 = arith.constant 48 : index
    %swap3A_1843 = tpu.vector_load %arg6[%swap3A_1841, %swap3A_1842] {strides = array<i32>} : memref<24x128xi32, #tpu.memory_space<vmem>>, vector<1x16xi32>,
    %swap3A_1844 = vector.shape_cast %swap3A_1843 : vector<1x16xi32> to vector<16xi32>
    %swap3A_1845 = vector.shape_cast %shift_right_logical3A_1839 : vector<16xi32> to vector<1x16xi32>
    tpu.vector_store %arg6[%swap3A_1841, %swap3A_1842], %swap3A_1845 {strides = array<i32>} : memref<24x128xi32, #tpu.memory_space<vmem>>, vector<1x16xi32>,
    %get3A_1846 = arith.constant 16 : i32
    %get3A_1847 = arith.index_cast %get3A_1846 : i32 to index
    %get3A_1848 = arith.constant 64 : index
    %get3A_1849 = tpu.vector_load %arg5[%get3A_1847, %get3A_1848] {strides = array<i32>} : memref<24x128xi32, #tpu.memory_space<vmem>>, vector<1x16xi32>,
    %get3A_1850 = vector.shape_cast %get3A_1849 : vector<1x16xi32> to vector<16xi32>
    %shift_right_logical3A_1851 = arith.constant 1 : i32
    %shift_right_logical3A_1852 = vector.broadcast %shift_right_logical3A_1851 : i32 to vector<16xi32>
    %shift_right_logical3A_1853 = arith.shrui %get3A_1850, %shift_right_logical3A_1852 : vector<16xi32>
    %swap3A_1854 = arith.constant 16 : i32
    %swap3A_1855 = arith.index_cast %swap3A_1854 : i32 to index
    %swap3A_1856 = arith.constant 64 : index
    %swap3A_1857 = tpu.vector_load %arg6[%swap3A_1855, %swap3A_1856] {strides = array<i32>} : memref<24x128xi32, #tpu.memory_space<vmem>>, vector<1x16xi32>,
    %swap3A_1858 = vector.shape_cast %swap3A_1857 : vector<1x16xi32> to vector<16xi32>
    %swap3A_1859 = vector.shape_cast %shift_right_logical3A_1853 : vector<16xi32> to vector<1x16xi32>
    tpu.vector_store %arg6[%swap3A_1855, %swap3A_1856], %swap3A_1859 {strides = array<i32>} : memref<24x128xi32, #tpu.memory_space<vmem>>, vector<1x16xi32>,
    %get3A_1860 = arith.constant 16 : i32
    %get3A_1861 = arith.index_cast %get3A_1860 : i32 to index
    %get3A_1862 = arith.constant 80 : index
    %get3A_1863 = tpu.vector_load %arg5[%get3A_1861, %get3A_1862] {strides = array<i32>} : memref<24x128xi32, #tpu.memory_space<vmem>>, vector<1x16xi32>,
    %get3A_1864 = vector.shape_cast %get3A_1863 : vector<1x16xi32> to vector<16xi32>
    %shift_right_logical3A_1865 = arith.constant 1 : i32
    %shift_right_logical3A_1866 = vector.broadcast %shift_right_logical3A_1865 : i32 to vector<16xi32>
    %shift_right_logical3A_1867 = arith.shrui %get3A_1864, %shift_right_logical3A_1866 : vector<16xi32>
    %swap3A_1868 = arith.constant 16 : i32
    %swap3A_1869 = arith.index_cast %swap3A_1868 : i32 to index
    %swap3A_1870 = arith.constant 80 : index
    %swap3A_1871 = tpu.vector_load %arg6[%swap3A_1869, %swap3A_1870] {strides = array<i32>} : memref<24x128xi32, #tpu.memory_space<vmem>>, vector<1x16xi32>,
    %swap3A_1872 = vector.shape_cast %swap3A_1871 : vector<1x16xi32> to vector<16xi32>
    %swap3A_1873 = vector.shape_cast %shift_right_logical3A_1867 : vector<16xi32> to vector<1x16xi32>
    tpu.vector_store %arg6[%swap3A_1869, %swap3A_1870], %swap3A_1873 {strides = array<i32>} : memref<24x128xi32, #tpu.memory_space<vmem>>, vector<1x16xi32>,
    %get3A_1874 = arith.constant 16 : i32
    %get3A_1875 = arith.index_cast %get3A_1874 : i32 to index
    %get3A_1876 = arith.constant 96 : index
    %get3A_1877 = tpu.vector_load %arg5[%get3A_1875, %get3A_1876] {strides = array<i32>} : memref<24x128xi32, #tpu.memory_space<vmem>>, vector<1x16xi32>,
    %get3A_1878 = vector.shape_cast %get3A_1877 : vector<1x16xi32> to vector<16xi32>
    %shift_right_logical3A_1879 = arith.constant 1 : i32
    %shift_right_logical3A_1880 = vector.broadcast %shift_right_logical3A_1879 : i32 to vector<16xi32>
    %shift_right_logical3A_1881 = arith.shrui %get3A_1878, %shift_right_logical3A_1880 : vector<16xi32>
    %swap3A_1882 = arith.constant 16 : i32
    %swap3A_1883 = arith.index_cast %swap3A_1882 : i32 to index
    %swap3A_1884 = arith.constant 96 : index
    %swap3A_1885 = tpu.vector_load %arg6[%swap3A_1883, %swap3A_1884] {strides = array<i32>} : memref<24x128xi32, #tpu.memory_space<vmem>>, vector<1x16xi32>,
    %swap3A_1886 = vector.shape_cast %swap3A_1885 : vector<1x16xi32> to vector<16xi32>
    %swap3A_1887 = vector.shape_cast %shift_right_logical3A_1881 : vector<16xi32> to vector<1x16xi32>
    tpu.vector_store %arg6[%swap3A_1883, %swap3A_1884], %swap3A_1887 {strides = array<i32>} : memref<24x128xi32, #tpu.memory_space<vmem>>, vector<1x16xi32>,
    %get3A_1888 = arith.constant 16 : i32
    %get3A_1889 = arith.index_cast %get3A_1888 : i32 to index
    %get3A_1890 = arith.constant 112 : index
    %get3A_1891 = tpu.vector_load %arg5[%get3A_1889, %get3A_1890] {strides = array<i32>} : memref<24x128xi32, #tpu.memory_space<vmem>>, vector<1x16xi32>,
    %get3A_1892 = vector.shape_cast %get3A_1891 : vector<1x16xi32> to vector<16xi32>
    %shift_right_logical3A_1893 = arith.constant 1 : i32
    %shift_right_logical3A_1894 = vector.broadcast %shift_right_logical3A_1893 : i32 to vector<16xi32>
    %shift_right_logical3A_1895 = arith.shrui %get3A_1892, %shift_right_logical3A_1894 : vector<16xi32>
    %swap3A_1896 = arith.constant 16 : i32
    %swap3A_1897 = arith.index_cast %swap3A_1896 : i32 to index
    %swap3A_1898 = arith.constant 112 : index
    %swap3A_1899 = tpu.vector_load %arg6[%swap3A_1897, %swap3A_1898] {strides = array<i32>} : memref<24x128xi32, #tpu.memory_space<vmem>>, vector<1x16xi32>,
    %swap3A_1900 = vector.shape_cast %swap3A_1899 : vector<1x16xi32> to vector<16xi32>
    %swap3A_1901 = vector.shape_cast %shift_right_logical3A_1895 : vector<16xi32> to vector<1x16xi32>
    tpu.vector_store %arg6[%swap3A_1897, %swap3A_1898], %swap3A_1901 {strides = array<i32>} : memref<24x128xi32, #tpu.memory_space<vmem>>, vector<1x16xi32>,
    %get3A_1902 = arith.constant 17 : i32
    %get3A_1903 = arith.index_cast %get3A_1902 : i32 to index
    %get3A_1904 = arith.constant 0 : index
    %get3A_1905 = tpu.vector_load %arg5[%get3A_1903, %get3A_1904] {strides = array<i32>} : memref<24x128xi32, #tpu.memory_space<vmem>>, vector<1x16xi32>,
    %get3A_1906 = vector.shape_cast %get3A_1905 : vector<1x16xi32> to vector<16xi32>
    %shift_right_logical3A_1907 = arith.constant 1 : i32
    %shift_right_logical3A_1908 = vector.broadcast %shift_right_logical3A_1907 : i32 to vector<16xi32>
    %shift_right_logical3A_1909 = arith.shrui %get3A_1906, %shift_right_logical3A_1908 : vector<16xi32>
    %swap3A_1910 = arith.constant 17 : i32
    %swap3A_1911 = arith.index_cast %swap3A_1910 : i32 to index
    %swap3A_1912 = arith.constant 0 : index
    %swap3A_1913 = tpu.vector_load %arg6[%swap3A_1911, %swap3A_1912] {strides = array<i32>} : memref<24x128xi32, #tpu.memory_space<vmem>>, vector<1x16xi32>,
    %swap3A_1914 = vector.shape_cast %swap3A_1913 : vector<1x16xi32> to vector<16xi32>
    %swap3A_1915 = vector.shape_cast %shift_right_logical3A_1909 : vector<16xi32> to vector<1x16xi32>
    tpu.vector_store %arg6[%swap3A_1911, %swap3A_1912], %swap3A_1915 {strides = array<i32>} : memref<24x128xi32, #tpu.memory_space<vmem>>, vector<1x16xi32>,
    %get3A_1916 = arith.constant 17 : i32
    %get3A_1917 = arith.index_cast %get3A_1916 : i32 to index
    %get3A_1918 = arith.constant 16 : index
    %get3A_1919 = tpu.vector_load %arg5[%get3A_1917, %get3A_1918] {strides = array<i32>} : memref<24x128xi32, #tpu.memory_space<vmem>>, vector<1x16xi32>,
    %get3A_1920 = vector.shape_cast %get3A_1919 : vector<1x16xi32> to vector<16xi32>
    %shift_right_logical3A_1921 = arith.constant 1 : i32
    %shift_right_logical3A_1922 = vector.broadcast %shift_right_logical3A_1921 : i32 to vector<16xi32>
    %shift_right_logical3A_1923 = arith.shrui %get3A_1920, %shift_right_logical3A_1922 : vector<16xi32>
    %swap3A_1924 = arith.constant 17 : i32
    %swap3A_1925 = arith.index_cast %swap3A_1924 : i32 to index
    %swap3A_1926 = arith.constant 16 : index
    %swap3A_1927 = tpu.vector_load %arg6[%swap3A_1925, %swap3A_1926] {strides = array<i32>} : memref<24x128xi32, #tpu.memory_space<vmem>>, vector<1x16xi32>,
    %swap3A_1928 = vector.shape_cast %swap3A_1927 : vector<1x16xi32> to vector<16xi32>
    %swap3A_1929 = vector.shape_cast %shift_right_logical3A_1923 : vector<16xi32> to vector<1x16xi32>
    tpu.vector_store %arg6[%swap3A_1925, %swap3A_1926], %swap3A_1929 {strides = array<i32>} : memref<24x128xi32, #tpu.memory_space<vmem>>, vector<1x16xi32>,
    %get3A_1930 = arith.constant 17 : i32
    %get3A_1931 = arith.index_cast %get3A_1930 : i32 to index
    %get3A_1932 = arith.constant 32 : index
    %get3A_1933 = tpu.vector_load %arg5[%get3A_1931, %get3A_1932] {strides = array<i32>} : memref<24x128xi32, #tpu.memory_space<vmem>>, vector<1x16xi32>,
    %get3A_1934 = vector.shape_cast %get3A_1933 : vector<1x16xi32> to vector<16xi32>
    %shift_right_logical3A_1935 = arith.constant 1 : i32
    %shift_right_logical3A_1936 = vector.broadcast %shift_right_logical3A_1935 : i32 to vector<16xi32>
    %shift_right_logical3A_1937 = arith.shrui %get3A_1934, %shift_right_logical3A_1936 : vector<16xi32>
    %swap3A_1938 = arith.constant 17 : i32
    %swap3A_1939 = arith.index_cast %swap3A_1938 : i32 to index
    %swap3A_1940 = arith.constant 32 : index
    %swap3A_1941 = tpu.vector_load %arg6[%swap3A_1939, %swap3A_1940] {strides = array<i32>} : memref<24x128xi32, #tpu.memory_space<vmem>>, vector<1x16xi32>,
    %swap3A_1942 = vector.shape_cast %swap3A_1941 : vector<1x16xi32> to vector<16xi32>
    %swap3A_1943 = vector.shape_cast %shift_right_logical3A_1937 : vector<16xi32> to vector<1x16xi32>
    tpu.vector_store %arg6[%swap3A_1939, %swap3A_1940], %swap3A_1943 {strides = array<i32>} : memref<24x128xi32, #tpu.memory_space<vmem>>, vector<1x16xi32>,
    %get3A_1944 = arith.constant 17 : i32
    %get3A_1945 = arith.index_cast %get3A_1944 : i32 to index
    %get3A_1946 = arith.constant 48 : index
    %get3A_1947 = tpu.vector_load %arg5[%get3A_1945, %get3A_1946] {strides = array<i32>} : memref<24x128xi32, #tpu.memory_space<vmem>>, vector<1x16xi32>,
    %get3A_1948 = vector.shape_cast %get3A_1947 : vector<1x16xi32> to vector<16xi32>
    %shift_right_logical3A_1949 = arith.constant 1 : i32
    %shift_right_logical3A_1950 = vector.broadcast %shift_right_logical3A_1949 : i32 to vector<16xi32>
    %shift_right_logical3A_1951 = arith.shrui %get3A_1948, %shift_right_logical3A_1950 : vector<16xi32>
    %swap3A_1952 = arith.constant 17 : i32
    %swap3A_1953 = arith.index_cast %swap3A_1952 : i32 to index
    %swap3A_1954 = arith.constant 48 : index
    %swap3A_1955 = tpu.vector_load %arg6[%swap3A_1953, %swap3A_1954] {strides = array<i32>} : memref<24x128xi32, #tpu.memory_space<vmem>>, vector<1x16xi32>,
    %swap3A_1956 = vector.shape_cast %swap3A_1955 : vector<1x16xi32> to vector<16xi32>
    %swap3A_1957 = vector.shape_cast %shift_right_logical3A_1951 : vector<16xi32> to vector<1x16xi32>
    tpu.vector_store %arg6[%swap3A_1953, %swap3A_1954], %swap3A_1957 {strides = array<i32>} : memref<24x128xi32, #tpu.memory_space<vmem>>, vector<1x16xi32>,
    %get3A_1958 = arith.constant 17 : i32
    %get3A_1959 = arith.index_cast %get3A_1958 : i32 to index
    %get3A_1960 = arith.constant 64 : index
    %get3A_1961 = tpu.vector_load %arg5[%get3A_1959, %get3A_1960] {strides = array<i32>} : memref<24x128xi32, #tpu.memory_space<vmem>>, vector<1x16xi32>,
    %get3A_1962 = vector.shape_cast %get3A_1961 : vector<1x16xi32> to vector<16xi32>
    %shift_right_logical3A_1963 = arith.constant 1 : i32
    %shift_right_logical3A_1964 = vector.broadcast %shift_right_logical3A_1963 : i32 to vector<16xi32>
    %shift_right_logical3A_1965 = arith.shrui %get3A_1962, %shift_right_logical3A_1964 : vector<16xi32>
    %swap3A_1966 = arith.constant 17 : i32
    %swap3A_1967 = arith.index_cast %swap3A_1966 : i32 to index
    %swap3A_1968 = arith.constant 64 : index
    %swap3A_1969 = tpu.vector_load %arg6[%swap3A_1967, %swap3A_1968] {strides = array<i32>} : memref<24x128xi32, #tpu.memory_space<vmem>>, vector<1x16xi32>,
    %swap3A_1970 = vector.shape_cast %swap3A_1969 : vector<1x16xi32> to vector<16xi32>
    %swap3A_1971 = vector.shape_cast %shift_right_logical3A_1965 : vector<16xi32> to vector<1x16xi32>
    tpu.vector_store %arg6[%swap3A_1967, %swap3A_1968], %swap3A_1971 {strides = array<i32>} : memref<24x128xi32, #tpu.memory_space<vmem>>, vector<1x16xi32>,
    %get3A_1972 = arith.constant 17 : i32
    %get3A_1973 = arith.index_cast %get3A_1972 : i32 to index
    %get3A_1974 = arith.constant 80 : index
    %get3A_1975 = tpu.vector_load %arg5[%get3A_1973, %get3A_1974] {strides = array<i32>} : memref<24x128xi32, #tpu.memory_space<vmem>>, vector<1x16xi32>,
    %get3A_1976 = vector.shape_cast %get3A_1975 : vector<1x16xi32> to vector<16xi32>
    %shift_right_logical3A_1977 = arith.constant 1 : i32
    %shift_right_logical3A_1978 = vector.broadcast %shift_right_logical3A_1977 : i32 to vector<16xi32>
    %shift_right_logical3A_1979 = arith.shrui %get3A_1976, %shift_right_logical3A_1978 : vector<16xi32>
    %swap3A_1980 = arith.constant 17 : i32
    %swap3A_1981 = arith.index_cast %swap3A_1980 : i32 to index
    %swap3A_1982 = arith.constant 80 : index
    %swap3A_1983 = tpu.vector_load %arg6[%swap3A_1981, %swap3A_1982] {strides = array<i32>} : memref<24x128xi32, #tpu.memory_space<vmem>>, vector<1x16xi32>,
    %swap3A_1984 = vector.shape_cast %swap3A_1983 : vector<1x16xi32> to vector<16xi32>
    %swap3A_1985 = vector.shape_cast %shift_right_logical3A_1979 : vector<16xi32> to vector<1x16xi32>
    tpu.vector_store %arg6[%swap3A_1981, %swap3A_1982], %swap3A_1985 {strides = array<i32>} : memref<24x128xi32, #tpu.memory_space<vmem>>, vector<1x16xi32>,
    %get3A_1986 = arith.constant 17 : i32
    %get3A_1987 = arith.index_cast %get3A_1986 : i32 to index
    %get3A_1988 = arith.constant 96 : index
    %get3A_1989 = tpu.vector_load %arg5[%get3A_1987, %get3A_1988] {strides = array<i32>} : memref<24x128xi32, #tpu.memory_space<vmem>>, vector<1x16xi32>,
    %get3A_1990 = vector.shape_cast %get3A_1989 : vector<1x16xi32> to vector<16xi32>
    %shift_right_logical3A_1991 = arith.constant 1 : i32
    %shift_right_logical3A_1992 = vector.broadcast %shift_right_logical3A_1991 : i32 to vector<16xi32>
    %shift_right_logical3A_1993 = arith.shrui %get3A_1990, %shift_right_logical3A_1992 : vector<16xi32>
    %swap3A_1994 = arith.constant 17 : i32
    %swap3A_1995 = arith.index_cast %swap3A_1994 : i32 to index
    %swap3A_1996 = arith.constant 96 : index
    %swap3A_1997 = tpu.vector_load %arg6[%swap3A_1995, %swap3A_1996] {strides = array<i32>} : memref<24x128xi32, #tpu.memory_space<vmem>>, vector<1x16xi32>,
    %swap3A_1998 = vector.shape_cast %swap3A_1997 : vector<1x16xi32> to vector<16xi32>
    %swap3A_1999 = vector.shape_cast %shift_right_logical3A_1993 : vector<16xi32> to vector<1x16xi32>
    tpu.vector_store %arg6[%swap3A_1995, %swap3A_1996], %swap3A_1999 {strides = array<i32>} : memref<24x128xi32, #tpu.memory_space<vmem>>, vector<1x16xi32>,
    %get3A_2000 = arith.constant 17 : i32
    %get3A_2001 = arith.index_cast %get3A_2000 : i32 to index
    %get3A_2002 = arith.constant 112 : index
    %get3A_2003 = tpu.vector_load %arg5[%get3A_2001, %get3A_2002] {strides = array<i32>} : memref<24x128xi32, #tpu.memory_space<vmem>>, vector<1x16xi32>,
    %get3A_2004 = vector.shape_cast %get3A_2003 : vector<1x16xi32> to vector<16xi32>
    %shift_right_logical3A_2005 = arith.constant 1 : i32
    %shift_right_logical3A_2006 = vector.broadcast %shift_right_logical3A_2005 : i32 to vector<16xi32>
    %shift_right_logical3A_2007 = arith.shrui %get3A_2004, %shift_right_logical3A_2006 : vector<16xi32>
    %swap3A_2008 = arith.constant 17 : i32
    %swap3A_2009 = arith.index_cast %swap3A_2008 : i32 to index
    %swap3A_2010 = arith.constant 112 : index
    %swap3A_2011 = tpu.vector_load %arg6[%swap3A_2009, %swap3A_2010] {strides = array<i32>} : memref<24x128xi32, #tpu.memory_space<vmem>>, vector<1x16xi32>,
    %swap3A_2012 = vector.shape_cast %swap3A_2011 : vector<1x16xi32> to vector<16xi32>
    %swap3A_2013 = vector.shape_cast %shift_right_logical3A_2007 : vector<16xi32> to vector<1x16xi32>
    tpu.vector_store %arg6[%swap3A_2009, %swap3A_2010], %swap3A_2013 {strides = array<i32>} : memref<24x128xi32, #tpu.memory_space<vmem>>, vector<1x16xi32>,
    %get3A_2014 = arith.constant 18 : i32
    %get3A_2015 = arith.index_cast %get3A_2014 : i32 to index
    %get3A_2016 = arith.constant 0 : index
    %get3A_2017 = tpu.vector_load %arg5[%get3A_2015, %get3A_2016] {strides = array<i32>} : memref<24x128xi32, #tpu.memory_space<vmem>>, vector<1x16xi32>,
    %get3A_2018 = vector.shape_cast %get3A_2017 : vector<1x16xi32> to vector<16xi32>
    %shift_right_logical3A_2019 = arith.constant 1 : i32
    %shift_right_logical3A_2020 = vector.broadcast %shift_right_logical3A_2019 : i32 to vector<16xi32>
    %shift_right_logical3A_2021 = arith.shrui %get3A_2018, %shift_right_logical3A_2020 : vector<16xi32>
    %swap3A_2022 = arith.constant 18 : i32
    %swap3A_2023 = arith.index_cast %swap3A_2022 : i32 to index
    %swap3A_2024 = arith.constant 0 : index
    %swap3A_2025 = tpu.vector_load %arg6[%swap3A_2023, %swap3A_2024] {strides = array<i32>} : memref<24x128xi32, #tpu.memory_space<vmem>>, vector<1x16xi32>,
    %swap3A_2026 = vector.shape_cast %swap3A_2025 : vector<1x16xi32> to vector<16xi32>
    %swap3A_2027 = vector.shape_cast %shift_right_logical3A_2021 : vector<16xi32> to vector<1x16xi32>
    tpu.vector_store %arg6[%swap3A_2023, %swap3A_2024], %swap3A_2027 {strides = array<i32>} : memref<24x128xi32, #tpu.memory_space<vmem>>, vector<1x16xi32>,
    %get3A_2028 = arith.constant 18 : i32
    %get3A_2029 = arith.index_cast %get3A_2028 : i32 to index
    %get3A_2030 = arith.constant 16 : index
    %get3A_2031 = tpu.vector_load %arg5[%get3A_2029, %get3A_2030] {strides = array<i32>} : memref<24x128xi32, #tpu.memory_space<vmem>>, vector<1x16xi32>,
    %get3A_2032 = vector.shape_cast %get3A_2031 : vector<1x16xi32> to vector<16xi32>
    %shift_right_logical3A_2033 = arith.constant 1 : i32
    %shift_right_logical3A_2034 = vector.broadcast %shift_right_logical3A_2033 : i32 to vector<16xi32>
    %shift_right_logical3A_2035 = arith.shrui %get3A_2032, %shift_right_logical3A_2034 : vector<16xi32>
    %swap3A_2036 = arith.constant 18 : i32
    %swap3A_2037 = arith.index_cast %swap3A_2036 : i32 to index
    %swap3A_2038 = arith.constant 16 : index
    %swap3A_2039 = tpu.vector_load %arg6[%swap3A_2037, %swap3A_2038] {strides = array<i32>} : memref<24x128xi32, #tpu.memory_space<vmem>>, vector<1x16xi32>,
    %swap3A_2040 = vector.shape_cast %swap3A_2039 : vector<1x16xi32> to vector<16xi32>
    %swap3A_2041 = vector.shape_cast %shift_right_logical3A_2035 : vector<16xi32> to vector<1x16xi32>
    tpu.vector_store %arg6[%swap3A_2037, %swap3A_2038], %swap3A_2041 {strides = array<i32>} : memref<24x128xi32, #tpu.memory_space<vmem>>, vector<1x16xi32>,
    %get3A_2042 = arith.constant 18 : i32
    %get3A_2043 = arith.index_cast %get3A_2042 : i32 to index
    %get3A_2044 = arith.constant 32 : index
    %get3A_2045 = tpu.vector_load %arg5[%get3A_2043, %get3A_2044] {strides = array<i32>} : memref<24x128xi32, #tpu.memory_space<vmem>>, vector<1x16xi32>,
    %get3A_2046 = vector.shape_cast %get3A_2045 : vector<1x16xi32> to vector<16xi32>
    %shift_right_logical3A_2047 = arith.constant 1 : i32
    %shift_right_logical3A_2048 = vector.broadcast %shift_right_logical3A_2047 : i32 to vector<16xi32>
    %shift_right_logical3A_2049 = arith.shrui %get3A_2046, %shift_right_logical3A_2048 : vector<16xi32>
    %swap3A_2050 = arith.constant 18 : i32
    %swap3A_2051 = arith.index_cast %swap3A_2050 : i32 to index
    %swap3A_2052 = arith.constant 32 : index
    %swap3A_2053 = tpu.vector_load %arg6[%swap3A_2051, %swap3A_2052] {strides = array<i32>} : memref<24x128xi32, #tpu.memory_space<vmem>>, vector<1x16xi32>,
    %swap3A_2054 = vector.shape_cast %swap3A_2053 : vector<1x16xi32> to vector<16xi32>
    %swap3A_2055 = vector.shape_cast %shift_right_logical3A_2049 : vector<16xi32> to vector<1x16xi32>
    tpu.vector_store %arg6[%swap3A_2051, %swap3A_2052], %swap3A_2055 {strides = array<i32>} : memref<24x128xi32, #tpu.memory_space<vmem>>, vector<1x16xi32>,
    %get3A_2056 = arith.constant 18 : i32
    %get3A_2057 = arith.index_cast %get3A_2056 : i32 to index
    %get3A_2058 = arith.constant 48 : index
    %get3A_2059 = tpu.vector_load %arg5[%get3A_2057, %get3A_2058] {strides = array<i32>} : memref<24x128xi32, #tpu.memory_space<vmem>>, vector<1x16xi32>,
    %get3A_2060 = vector.shape_cast %get3A_2059 : vector<1x16xi32> to vector<16xi32>
    %shift_right_logical3A_2061 = arith.constant 1 : i32
    %shift_right_logical3A_2062 = vector.broadcast %shift_right_logical3A_2061 : i32 to vector<16xi32>
    %shift_right_logical3A_2063 = arith.shrui %get3A_2060, %shift_right_logical3A_2062 : vector<16xi32>
    %swap3A_2064 = arith.constant 18 : i32
    %swap3A_2065 = arith.index_cast %swap3A_2064 : i32 to index
    %swap3A_2066 = arith.constant 48 : index
    %swap3A_2067 = tpu.vector_load %arg6[%swap3A_2065, %swap3A_2066] {strides = array<i32>} : memref<24x128xi32, #tpu.memory_space<vmem>>, vector<1x16xi32>,
    %swap3A_2068 = vector.shape_cast %swap3A_2067 : vector<1x16xi32> to vector<16xi32>
    %swap3A_2069 = vector.shape_cast %shift_right_logical3A_2063 : vector<16xi32> to vector<1x16xi32>
    tpu.vector_store %arg6[%swap3A_2065, %swap3A_2066], %swap3A_2069 {strides = array<i32>} : memref<24x128xi32, #tpu.memory_space<vmem>>, vector<1x16xi32>,
    %get3A_2070 = arith.constant 18 : i32
    %get3A_2071 = arith.index_cast %get3A_2070 : i32 to index
    %get3A_2072 = arith.constant 64 : index
    %get3A_2073 = tpu.vector_load %arg5[%get3A_2071, %get3A_2072] {strides = array<i32>} : memref<24x128xi32, #tpu.memory_space<vmem>>, vector<1x16xi32>,
    %get3A_2074 = vector.shape_cast %get3A_2073 : vector<1x16xi32> to vector<16xi32>
    %shift_right_logical3A_2075 = arith.constant 1 : i32
    %shift_right_logical3A_2076 = vector.broadcast %shift_right_logical3A_2075 : i32 to vector<16xi32>
    %shift_right_logical3A_2077 = arith.shrui %get3A_2074, %shift_right_logical3A_2076 : vector<16xi32>
    %swap3A_2078 = arith.constant 18 : i32
    %swap3A_2079 = arith.index_cast %swap3A_2078 : i32 to index
    %swap3A_2080 = arith.constant 64 : index
    %swap3A_2081 = tpu.vector_load %arg6[%swap3A_2079, %swap3A_2080] {strides = array<i32>} : memref<24x128xi32, #tpu.memory_space<vmem>>, vector<1x16xi32>,
    %swap3A_2082 = vector.shape_cast %swap3A_2081 : vector<1x16xi32> to vector<16xi32>
    %swap3A_2083 = vector.shape_cast %shift_right_logical3A_2077 : vector<16xi32> to vector<1x16xi32>
    tpu.vector_store %arg6[%swap3A_2079, %swap3A_2080], %swap3A_2083 {strides = array<i32>} : memref<24x128xi32, #tpu.memory_space<vmem>>, vector<1x16xi32>,
    %get3A_2084 = arith.constant 18 : i32
    %get3A_2085 = arith.index_cast %get3A_2084 : i32 to index
    %get3A_2086 = arith.constant 80 : index
    %get3A_2087 = tpu.vector_load %arg5[%get3A_2085, %get3A_2086] {strides = array<i32>} : memref<24x128xi32, #tpu.memory_space<vmem>>, vector<1x16xi32>,
    %get3A_2088 = vector.shape_cast %get3A_2087 : vector<1x16xi32> to vector<16xi32>
    %shift_right_logical3A_2089 = arith.constant 1 : i32
    %shift_right_logical3A_2090 = vector.broadcast %shift_right_logical3A_2089 : i32 to vector<16xi32>
    %shift_right_logical3A_2091 = arith.shrui %get3A_2088, %shift_right_logical3A_2090 : vector<16xi32>
    %swap3A_2092 = arith.constant 18 : i32
    %swap3A_2093 = arith.index_cast %swap3A_2092 : i32 to index
    %swap3A_2094 = arith.constant 80 : index
    %swap3A_2095 = tpu.vector_load %arg6[%swap3A_2093, %swap3A_2094] {strides = array<i32>} : memref<24x128xi32, #tpu.memory_space<vmem>>, vector<1x16xi32>,
    %swap3A_2096 = vector.shape_cast %swap3A_2095 : vector<1x16xi32> to vector<16xi32>
    %swap3A_2097 = vector.shape_cast %shift_right_logical3A_2091 : vector<16xi32> to vector<1x16xi32>
    tpu.vector_store %arg6[%swap3A_2093, %swap3A_2094], %swap3A_2097 {strides = array<i32>} : memref<24x128xi32, #tpu.memory_space<vmem>>, vector<1x16xi32>,
    %get3A_2098 = arith.constant 18 : i32
    %get3A_2099 = arith.index_cast %get3A_2098 : i32 to index
    %get3A_2100 = arith.constant 96 : index
    %get3A_2101 = tpu.vector_load %arg5[%get3A_2099, %get3A_2100] {strides = array<i32>} : memref<24x128xi32, #tpu.memory_space<vmem>>, vector<1x16xi32>,
    %get3A_2102 = vector.shape_cast %get3A_2101 : vector<1x16xi32> to vector<16xi32>
    %shift_right_logical3A_2103 = arith.constant 1 : i32
    %shift_right_logical3A_2104 = vector.broadcast %shift_right_logical3A_2103 : i32 to vector<16xi32>
    %shift_right_logical3A_2105 = arith.shrui %get3A_2102, %shift_right_logical3A_2104 : vector<16xi32>
    %swap3A_2106 = arith.constant 18 : i32
    %swap3A_2107 = arith.index_cast %swap3A_2106 : i32 to index
    %swap3A_2108 = arith.constant 96 : index
    %swap3A_2109 = tpu.vector_load %arg6[%swap3A_2107, %swap3A_2108] {strides = array<i32>} : memref<24x128xi32, #tpu.memory_space<vmem>>, vector<1x16xi32>,
    %swap3A_2110 = vector.shape_cast %swap3A_2109 : vector<1x16xi32> to vector<16xi32>
    %swap3A_2111 = vector.shape_cast %shift_right_logical3A_2105 : vector<16xi32> to vector<1x16xi32>
    tpu.vector_store %arg6[%swap3A_2107, %swap3A_2108], %swap3A_2111 {strides = array<i32>} : memref<24x128xi32, #tpu.memory_space<vmem>>, vector<1x16xi32>,
    %get3A_2112 = arith.constant 18 : i32
    %get3A_2113 = arith.index_cast %get3A_2112 : i32 to index
    %get3A_2114 = arith.constant 112 : index
    %get3A_2115 = tpu.vector_load %arg5[%get3A_2113, %get3A_2114] {strides = array<i32>} : memref<24x128xi32, #tpu.memory_space<vmem>>, vector<1x16xi32>,
    %get3A_2116 = vector.shape_cast %get3A_2115 : vector<1x16xi32> to vector<16xi32>
    %shift_right_logical3A_2117 = arith.constant 1 : i32
    %shift_right_logical3A_2118 = vector.broadcast %shift_right_logical3A_2117 : i32 to vector<16xi32>
    %shift_right_logical3A_2119 = arith.shrui %get3A_2116, %shift_right_logical3A_2118 : vector<16xi32>
    %swap3A_2120 = arith.constant 18 : i32
    %swap3A_2121 = arith.index_cast %swap3A_2120 : i32 to index
    %swap3A_2122 = arith.constant 112 : index
    %swap3A_2123 = tpu.vector_load %arg6[%swap3A_2121, %swap3A_2122] {strides = array<i32>} : memref<24x128xi32, #tpu.memory_space<vmem>>, vector<1x16xi32>,
    %swap3A_2124 = vector.shape_cast %swap3A_2123 : vector<1x16xi32> to vector<16xi32>
    %swap3A_2125 = vector.shape_cast %shift_right_logical3A_2119 : vector<16xi32> to vector<1x16xi32>
    tpu.vector_store %arg6[%swap3A_2121, %swap3A_2122], %swap3A_2125 {strides = array<i32>} : memref<24x128xi32, #tpu.memory_space<vmem>>, vector<1x16xi32>,
    %get3A_2126 = arith.constant 19 : i32
    %get3A_2127 = arith.index_cast %get3A_2126 : i32 to index
    %get3A_2128 = arith.constant 0 : index
    %get3A_2129 = tpu.vector_load %arg5[%get3A_2127, %get3A_2128] {strides = array<i32>} : memref<24x128xi32, #tpu.memory_space<vmem>>, vector<1x16xi32>,
    %get3A_2130 = vector.shape_cast %get3A_2129 : vector<1x16xi32> to vector<16xi32>
    %shift_right_logical3A_2131 = arith.constant 1 : i32
    %shift_right_logical3A_2132 = vector.broadcast %shift_right_logical3A_2131 : i32 to vector<16xi32>
    %shift_right_logical3A_2133 = arith.shrui %get3A_2130, %shift_right_logical3A_2132 : vector<16xi32>
    %swap3A_2134 = arith.constant 19 : i32
    %swap3A_2135 = arith.index_cast %swap3A_2134 : i32 to index
    %swap3A_2136 = arith.constant 0 : index
    %swap3A_2137 = tpu.vector_load %arg6[%swap3A_2135, %swap3A_2136] {strides = array<i32>} : memref<24x128xi32, #tpu.memory_space<vmem>>, vector<1x16xi32>,
    %swap3A_2138 = vector.shape_cast %swap3A_2137 : vector<1x16xi32> to vector<16xi32>
    %swap3A_2139 = vector.shape_cast %shift_right_logical3A_2133 : vector<16xi32> to vector<1x16xi32>
    tpu.vector_store %arg6[%swap3A_2135, %swap3A_2136], %swap3A_2139 {strides = array<i32>} : memref<24x128xi32, #tpu.memory_space<vmem>>, vector<1x16xi32>,
    %get3A_2140 = arith.constant 19 : i32
    %get3A_2141 = arith.index_cast %get3A_2140 : i32 to index
    %get3A_2142 = arith.constant 16 : index
    %get3A_2143 = tpu.vector_load %arg5[%get3A_2141, %get3A_2142] {strides = array<i32>} : memref<24x128xi32, #tpu.memory_space<vmem>>, vector<1x16xi32>,
    %get3A_2144 = vector.shape_cast %get3A_2143 : vector<1x16xi32> to vector<16xi32>
    %shift_right_logical3A_2145 = arith.constant 1 : i32
    %shift_right_logical3A_2146 = vector.broadcast %shift_right_logical3A_2145 : i32 to vector<16xi32>
    %shift_right_logical3A_2147 = arith.shrui %get3A_2144, %shift_right_logical3A_2146 : vector<16xi32>
    %swap3A_2148 = arith.constant 19 : i32
    %swap3A_2149 = arith.index_cast %swap3A_2148 : i32 to index
    %swap3A_2150 = arith.constant 16 : index
    %swap3A_2151 = tpu.vector_load %arg6[%swap3A_2149, %swap3A_2150] {strides = array<i32>} : memref<24x128xi32, #tpu.memory_space<vmem>>, vector<1x16xi32>,
    %swap3A_2152 = vector.shape_cast %swap3A_2151 : vector<1x16xi32> to vector<16xi32>
    %swap3A_2153 = vector.shape_cast %shift_right_logical3A_2147 : vector<16xi32> to vector<1x16xi32>
    tpu.vector_store %arg6[%swap3A_2149, %swap3A_2150], %swap3A_2153 {strides = array<i32>} : memref<24x128xi32, #tpu.memory_space<vmem>>, vector<1x16xi32>,
    %get3A_2154 = arith.constant 19 : i32
    %get3A_2155 = arith.index_cast %get3A_2154 : i32 to index
    %get3A_2156 = arith.constant 32 : index
    %get3A_2157 = tpu.vector_load %arg5[%get3A_2155, %get3A_2156] {strides = array<i32>} : memref<24x128xi32, #tpu.memory_space<vmem>>, vector<1x16xi32>,
    %get3A_2158 = vector.shape_cast %get3A_2157 : vector<1x16xi32> to vector<16xi32>
    %shift_right_logical3A_2159 = arith.constant 1 : i32
    %shift_right_logical3A_2160 = vector.broadcast %shift_right_logical3A_2159 : i32 to vector<16xi32>
    %shift_right_logical3A_2161 = arith.shrui %get3A_2158, %shift_right_logical3A_2160 : vector<16xi32>
    %swap3A_2162 = arith.constant 19 : i32
    %swap3A_2163 = arith.index_cast %swap3A_2162 : i32 to index
    %swap3A_2164 = arith.constant 32 : index
    %swap3A_2165 = tpu.vector_load %arg6[%swap3A_2163, %swap3A_2164] {strides = array<i32>} : memref<24x128xi32, #tpu.memory_space<vmem>>, vector<1x16xi32>,
    %swap3A_2166 = vector.shape_cast %swap3A_2165 : vector<1x16xi32> to vector<16xi32>
    %swap3A_2167 = vector.shape_cast %shift_right_logical3A_2161 : vector<16xi32> to vector<1x16xi32>
    tpu.vector_store %arg6[%swap3A_2163, %swap3A_2164], %swap3A_2167 {strides = array<i32>} : memref<24x128xi32, #tpu.memory_space<vmem>>, vector<1x16xi32>,
    %get3A_2168 = arith.constant 19 : i32
    %get3A_2169 = arith.index_cast %get3A_2168 : i32 to index
    %get3A_2170 = arith.constant 48 : index
    %get3A_2171 = tpu.vector_load %arg5[%get3A_2169, %get3A_2170] {strides = array<i32>} : memref<24x128xi32, #tpu.memory_space<vmem>>, vector<1x16xi32>,
    %get3A_2172 = vector.shape_cast %get3A_2171 : vector<1x16xi32> to vector<16xi32>
    %shift_right_logical3A_2173 = arith.constant 1 : i32
    %shift_right_logical3A_2174 = vector.broadcast %shift_right_logical3A_2173 : i32 to vector<16xi32>
    %shift_right_logical3A_2175 = arith.shrui %get3A_2172, %shift_right_logical3A_2174 : vector<16xi32>
    %swap3A_2176 = arith.constant 19 : i32
    %swap3A_2177 = arith.index_cast %swap3A_2176 : i32 to index
    %swap3A_2178 = arith.constant 48 : index
    %swap3A_2179 = tpu.vector_load %arg6[%swap3A_2177, %swap3A_2178] {strides = array<i32>} : memref<24x128xi32, #tpu.memory_space<vmem>>, vector<1x16xi32>,
    %swap3A_2180 = vector.shape_cast %swap3A_2179 : vector<1x16xi32> to vector<16xi32>
    %swap3A_2181 = vector.shape_cast %shift_right_logical3A_2175 : vector<16xi32> to vector<1x16xi32>
    tpu.vector_store %arg6[%swap3A_2177, %swap3A_2178], %swap3A_2181 {strides = array<i32>} : memref<24x128xi32, #tpu.memory_space<vmem>>, vector<1x16xi32>,
    %get3A_2182 = arith.constant 19 : i32
    %get3A_2183 = arith.index_cast %get3A_2182 : i32 to index
    %get3A_2184 = arith.constant 64 : index
    %get3A_2185 = tpu.vector_load %arg5[%get3A_2183, %get3A_2184] {strides = array<i32>} : memref<24x128xi32, #tpu.memory_space<vmem>>, vector<1x16xi32>,
    %get3A_2186 = vector.shape_cast %get3A_2185 : vector<1x16xi32> to vector<16xi32>
    %shift_right_logical3A_2187 = arith.constant 1 : i32
    %shift_right_logical3A_2188 = vector.broadcast %shift_right_logical3A_2187 : i32 to vector<16xi32>
    %shift_right_logical3A_2189 = arith.shrui %get3A_2186, %shift_right_logical3A_2188 : vector<16xi32>
    %swap3A_2190 = arith.constant 19 : i32
    %swap3A_2191 = arith.index_cast %swap3A_2190 : i32 to index
    %swap3A_2192 = arith.constant 64 : index
    %swap3A_2193 = tpu.vector_load %arg6[%swap3A_2191, %swap3A_2192] {strides = array<i32>} : memref<24x128xi32, #tpu.memory_space<vmem>>, vector<1x16xi32>,
    %swap3A_2194 = vector.shape_cast %swap3A_2193 : vector<1x16xi32> to vector<16xi32>
    %swap3A_2195 = vector.shape_cast %shift_right_logical3A_2189 : vector<16xi32> to vector<1x16xi32>
    tpu.vector_store %arg6[%swap3A_2191, %swap3A_2192], %swap3A_2195 {strides = array<i32>} : memref<24x128xi32, #tpu.memory_space<vmem>>, vector<1x16xi32>,
    %get3A_2196 = arith.constant 19 : i32
    %get3A_2197 = arith.index_cast %get3A_2196 : i32 to index
    %get3A_2198 = arith.constant 80 : index
    %get3A_2199 = tpu.vector_load %arg5[%get3A_2197, %get3A_2198] {strides = array<i32>} : memref<24x128xi32, #tpu.memory_space<vmem>>, vector<1x16xi32>,
    %get3A_2200 = vector.shape_cast %get3A_2199 : vector<1x16xi32> to vector<16xi32>
    %shift_right_logical3A_2201 = arith.constant 1 : i32
    %shift_right_logical3A_2202 = vector.broadcast %shift_right_logical3A_2201 : i32 to vector<16xi32>
    %shift_right_logical3A_2203 = arith.shrui %get3A_2200, %shift_right_logical3A_2202 : vector<16xi32>
    %swap3A_2204 = arith.constant 19 : i32
    %swap3A_2205 = arith.index_cast %swap3A_2204 : i32 to index
    %swap3A_2206 = arith.constant 80 : index
    %swap3A_2207 = tpu.vector_load %arg6[%swap3A_2205, %swap3A_2206] {strides = array<i32>} : memref<24x128xi32, #tpu.memory_space<vmem>>, vector<1x16xi32>,
    %swap3A_2208 = vector.shape_cast %swap3A_2207 : vector<1x16xi32> to vector<16xi32>
    %swap3A_2209 = vector.shape_cast %shift_right_logical3A_2203 : vector<16xi32> to vector<1x16xi32>
    tpu.vector_store %arg6[%swap3A_2205, %swap3A_2206], %swap3A_2209 {strides = array<i32>} : memref<24x128xi32, #tpu.memory_space<vmem>>, vector<1x16xi32>,
    %get3A_2210 = arith.constant 19 : i32
    %get3A_2211 = arith.index_cast %get3A_2210 : i32 to index
    %get3A_2212 = arith.constant 96 : index
    %get3A_2213 = tpu.vector_load %arg5[%get3A_2211, %get3A_2212] {strides = array<i32>} : memref<24x128xi32, #tpu.memory_space<vmem>>, vector<1x16xi32>,
    %get3A_2214 = vector.shape_cast %get3A_2213 : vector<1x16xi32> to vector<16xi32>
    %shift_right_logical3A_2215 = arith.constant 1 : i32
    %shift_right_logical3A_2216 = vector.broadcast %shift_right_logical3A_2215 : i32 to vector<16xi32>
    %shift_right_logical3A_2217 = arith.shrui %get3A_2214, %shift_right_logical3A_2216 : vector<16xi32>
    %swap3A_2218 = arith.constant 19 : i32
    %swap3A_2219 = arith.index_cast %swap3A_2218 : i32 to index
    %swap3A_2220 = arith.constant 96 : index
    %swap3A_2221 = tpu.vector_load %arg6[%swap3A_2219, %swap3A_2220] {strides = array<i32>} : memref<24x128xi32, #tpu.memory_space<vmem>>, vector<1x16xi32>,
    %swap3A_2222 = vector.shape_cast %swap3A_2221 : vector<1x16xi32> to vector<16xi32>
    %swap3A_2223 = vector.shape_cast %shift_right_logical3A_2217 : vector<16xi32> to vector<1x16xi32>
    tpu.vector_store %arg6[%swap3A_2219, %swap3A_2220], %swap3A_2223 {strides = array<i32>} : memref<24x128xi32, #tpu.memory_space<vmem>>, vector<1x16xi32>,
    %get3A_2224 = arith.constant 19 : i32
    %get3A_2225 = arith.index_cast %get3A_2224 : i32 to index
    %get3A_2226 = arith.constant 112 : index
    %get3A_2227 = tpu.vector_load %arg5[%get3A_2225, %get3A_2226] {strides = array<i32>} : memref<24x128xi32, #tpu.memory_space<vmem>>, vector<1x16xi32>,
    %get3A_2228 = vector.shape_cast %get3A_2227 : vector<1x16xi32> to vector<16xi32>
    %shift_right_logical3A_2229 = arith.constant 1 : i32
    %shift_right_logical3A_2230 = vector.broadcast %shift_right_logical3A_2229 : i32 to vector<16xi32>
    %shift_right_logical3A_2231 = arith.shrui %get3A_2228, %shift_right_logical3A_2230 : vector<16xi32>
    %swap3A_2232 = arith.constant 19 : i32
    %swap3A_2233 = arith.index_cast %swap3A_2232 : i32 to index
    %swap3A_2234 = arith.constant 112 : index
    %swap3A_2235 = tpu.vector_load %arg6[%swap3A_2233, %swap3A_2234] {strides = array<i32>} : memref<24x128xi32, #tpu.memory_space<vmem>>, vector<1x16xi32>,
    %swap3A_2236 = vector.shape_cast %swap3A_2235 : vector<1x16xi32> to vector<16xi32>
    %swap3A_2237 = vector.shape_cast %shift_right_logical3A_2231 : vector<16xi32> to vector<1x16xi32>
    tpu.vector_store %arg6[%swap3A_2233, %swap3A_2234], %swap3A_2237 {strides = array<i32>} : memref<24x128xi32, #tpu.memory_space<vmem>>, vector<1x16xi32>,
    %mul3A_2238 = arith.constant 2560 : i32
    %mul3A_2239 = arith.muli %add3A, %mul3A_2238 : i32
    %dma_start3A = arith.constant 0 : i32
    %dma_start3A_2240 = arith.constant 0 : i32
    %dma_start3A_2241 = tpu.memref_slice %arg6[%dma_start3A, %dma_start3A_2240] : memref<24x128xi32, #tpu.memory_space<vmem>> -> memref<1x128xi32, #tpu.memory_space<vmem>>
    %dma_start3A_2242 = tpu.memref_squeeze %dma_start3A_2241 : memref<1x128xi32, #tpu.memory_space<vmem>> -> memref<128xi32, #tpu.memory_space<vmem>>
    %dma_start3A_2243 = arith.constant 0 : i32
    %dma_start3A_2244 = arith.constant 0 : i32
    %dma_start3A_2245 = tpu.memref_slice %arg2[%dma_start3A_2243, %dma_start3A_2244] : memref<50000x128xf32, #tpu.memory_space<hbm>> -> memref<50000x128xf32, #tpu.memory_space<hbm>>
    tpu.enqueue_indirect_dma source(%dma_start3A_2245 : memref<50000x128xf32, #tpu.memory_space<hbm>>) target(%arg7 : memref<128x128xf32, #tpu.memory_space<vmem>>) offsets(%dma_start3A_2242 : memref<128xi32, #tpu.memory_space<vmem>>) semaphore(%arg8 : memref<!tpu.dma_semaphore, #tpu.memory_space<semaphore_mem>>)
    %dma_wait3A = arith.constant 0 : i32
    %dma_wait3A_2246 = arith.constant 0 : i32
    %dma_wait3A_2247 = tpu.memref_slice %arg6[%dma_wait3A, %dma_wait3A_2246] : memref<24x128xi32, #tpu.memory_space<vmem>> -> memref<1x128xi32, #tpu.memory_space<vmem>>
    %dma_wait3A_2248 = tpu.memref_squeeze %dma_wait3A_2247 : memref<1x128xi32, #tpu.memory_space<vmem>> -> memref<128xi32, #tpu.memory_space<vmem>>
    %dma_wait3A_2249 = arith.constant 0 : i32
    %dma_wait3A_2250 = arith.constant 0 : i32
    %dma_wait3A_2251 = tpu.memref_slice %arg2[%dma_wait3A_2249, %dma_wait3A_2250] : memref<50000x128xf32, #tpu.memory_space<hbm>> -> memref<50000x128xf32, #tpu.memory_space<hbm>>
    tpu.wait_indirect_dma semaphore(%arg8 : memref<!tpu.dma_semaphore, #tpu.memory_space<semaphore_mem>>) src(%dma_wait3A_2251 : memref<50000x128xf32, #tpu.memory_space<hbm>>) dst(%arg7 : memref<128x128xf32, #tpu.memory_space<vmem>>)
    %add3A_2252 = arith.constant 0 : i32
    %add3A_2253 = arith.addi %mul3A_2239, %add3A_2252 : i32
    "tpu.region"() ({
      %run_scoped3A = tpu.sem_alloc : memref<!tpu.dma_semaphore, #tpu.memory_space<semaphore_mem>>
      %dma_start3A_2558 = arith.constant 0 : i32
      %dma_start3A_2559 = tpu.memref_slice %arg4[%add3A_2253, %dma_start3A_2558] : memref<81920x128xf32, #tpu.memory_space<hbm>> -> memref<128x128xf32, #tpu.memory_space<hbm>>
      %dma_start3A_2560 = arith.constant 0 : i32
      %dma_start3A_2561 = tpu.memref_slice %arg4[%add3A_2253, %dma_start3A_2560] : memref<81920x128xf32, #tpu.memory_space<hbm>> -> memref<128x128xf32, #tpu.memory_space<hbm>>
      tpu.enqueue_dma source(%arg7 : memref<128x128xf32, #tpu.memory_space<vmem>>) target(%dma_start3A_2561 : memref<128x128xf32, #tpu.memory_space<hbm>>) target_semaphore(%run_scoped3A : memref<!tpu.dma_semaphore, #tpu.memory_space<semaphore_mem>>)
      %dma_wait3A_2562 = arith.constant 0 : i32
      %dma_wait3A_2563 = tpu.memref_slice %arg4[%add3A_2253, %dma_wait3A_2562] : memref<81920x128xf32, #tpu.memory_space<hbm>> -> memref<128x128xf32, #tpu.memory_space<hbm>>
      %dma_wait3A_2564 = arith.constant 0 : i32
      %dma_wait3A_2565 = tpu.memref_slice %arg4[%add3A_2253, %dma_wait3A_2564] : memref<81920x128xf32, #tpu.memory_space<hbm>> -> memref<128x128xf32, #tpu.memory_space<hbm>>
      tpu.wait_dma2 semaphore(%run_scoped3A : memref<!tpu.dma_semaphore, #tpu.memory_space<semaphore_mem>>) src(%arg7 : memref<128x128xf32, #tpu.memory_space<vmem>>) dst(%dma_wait3A_2565 : memref<128x128xf32, #tpu.memory_space<hbm>>)
      tpu.yield
    }) : () -> ()
    %dma_start3A_2254 = arith.constant 1 : i32
    %dma_start3A_2255 = arith.constant 0 : i32
    %dma_start3A_2256 = tpu.memref_slice %arg6[%dma_start3A_2254, %dma_start3A_2255] : memref<24x128xi32, #tpu.memory_space<vmem>> -> memref<1x128xi32, #tpu.memory_space<vmem>>
    %dma_start3A_2257 = tpu.memref_squeeze %dma_start3A_2256 : memref<1x128xi32, #tpu.memory_space<vmem>> -> memref<128xi32, #tpu.memory_space<vmem>>
    %dma_start3A_2258 = arith.constant 0 : i32
    %dma_start3A_2259 = arith.constant 0 : i32
    %dma_start3A_2260 = tpu.memref_slice %arg2[%dma_start3A_2258, %dma_start3A_2259] : memref<50000x128xf32, #tpu.memory_space<hbm>> -> memref<50000x128xf32, #tpu.memory_space<hbm>>
    tpu.enqueue_indirect_dma source(%dma_start3A_2260 : memref<50000x128xf32, #tpu.memory_space<hbm>>) target(%arg7 : memref<128x128xf32, #tpu.memory_space<vmem>>) offsets(%dma_start3A_2257 : memref<128xi32, #tpu.memory_space<vmem>>) semaphore(%arg8 : memref<!tpu.dma_semaphore, #tpu.memory_space<semaphore_mem>>)
    %dma_wait3A_2261 = arith.constant 1 : i32
    %dma_wait3A_2262 = arith.constant 0 : i32
    %dma_wait3A_2263 = tpu.memref_slice %arg6[%dma_wait3A_2261, %dma_wait3A_2262] : memref<24x128xi32, #tpu.memory_space<vmem>> -> memref<1x128xi32, #tpu.memory_space<vmem>>
    %dma_wait3A_2264 = tpu.memref_squeeze %dma_wait3A_2263 : memref<1x128xi32, #tpu.memory_space<vmem>> -> memref<128xi32, #tpu.memory_space<vmem>>
    %dma_wait3A_2265 = arith.constant 0 : i32
    %dma_wait3A_2266 = arith.constant 0 : i32
    %dma_wait3A_2267 = tpu.memref_slice %arg2[%dma_wait3A_2265, %dma_wait3A_2266] : memref<50000x128xf32, #tpu.memory_space<hbm>> -> memref<50000x128xf32, #tpu.memory_space<hbm>>
    tpu.wait_indirect_dma semaphore(%arg8 : memref<!tpu.dma_semaphore, #tpu.memory_space<semaphore_mem>>) src(%dma_wait3A_2267 : memref<50000x128xf32, #tpu.memory_space<hbm>>) dst(%arg7 : memref<128x128xf32, #tpu.memory_space<vmem>>)
    %add3A_2268 = arith.constant 128 : i32
    %add3A_2269 = arith.addi %mul3A_2239, %add3A_2268 : i32
    "tpu.region"() ({
      %run_scoped3A = tpu.sem_alloc : memref<!tpu.dma_semaphore, #tpu.memory_space<semaphore_mem>>
      %dma_start3A_2558 = arith.constant 0 : i32
      %dma_start3A_2559 = tpu.memref_slice %arg4[%add3A_2269, %dma_start3A_2558] : memref<81920x128xf32, #tpu.memory_space<hbm>> -> memref<128x128xf32, #tpu.memory_space<hbm>>
      %dma_start3A_2560 = arith.constant 0 : i32
      %dma_start3A_2561 = tpu.memref_slice %arg4[%add3A_2269, %dma_start3A_2560] : memref<81920x128xf32, #tpu.memory_space<hbm>> -> memref<128x128xf32, #tpu.memory_space<hbm>>
      tpu.enqueue_dma source(%arg7 : memref<128x128xf32, #tpu.memory_space<vmem>>) target(%dma_start3A_2561 : memref<128x128xf32, #tpu.memory_space<hbm>>) target_semaphore(%run_scoped3A : memref<!tpu.dma_semaphore, #tpu.memory_space<semaphore_mem>>)
      %dma_wait3A_2562 = arith.constant 0 : i32
      %dma_wait3A_2563 = tpu.memref_slice %arg4[%add3A_2269, %dma_wait3A_2562] : memref<81920x128xf32, #tpu.memory_space<hbm>> -> memref<128x128xf32, #tpu.memory_space<hbm>>
      %dma_wait3A_2564 = arith.constant 0 : i32
      %dma_wait3A_2565 = tpu.memref_slice %arg4[%add3A_2269, %dma_wait3A_2564] : memref<81920x128xf32, #tpu.memory_space<hbm>> -> memref<128x128xf32, #tpu.memory_space<hbm>>
      tpu.wait_dma2 semaphore(%run_scoped3A : memref<!tpu.dma_semaphore, #tpu.memory_space<semaphore_mem>>) src(%arg7 : memref<128x128xf32, #tpu.memory_space<vmem>>) dst(%dma_wait3A_2565 : memref<128x128xf32, #tpu.memory_space<hbm>>)
      tpu.yield
    }) : () -> ()
    %dma_start3A_2270 = arith.constant 2 : i32
    %dma_start3A_2271 = arith.constant 0 : i32
    %dma_start3A_2272 = tpu.memref_slice %arg6[%dma_start3A_2270, %dma_start3A_2271] : memref<24x128xi32, #tpu.memory_space<vmem>> -> memref<1x128xi32, #tpu.memory_space<vmem>>
    %dma_start3A_2273 = tpu.memref_squeeze %dma_start3A_2272 : memref<1x128xi32, #tpu.memory_space<vmem>> -> memref<128xi32, #tpu.memory_space<vmem>>
    %dma_start3A_2274 = arith.constant 0 : i32
    %dma_start3A_2275 = arith.constant 0 : i32
    %dma_start3A_2276 = tpu.memref_slice %arg2[%dma_start3A_2274, %dma_start3A_2275] : memref<50000x128xf32, #tpu.memory_space<hbm>> -> memref<50000x128xf32, #tpu.memory_space<hbm>>
    tpu.enqueue_indirect_dma source(%dma_start3A_2276 : memref<50000x128xf32, #tpu.memory_space<hbm>>) target(%arg7 : memref<128x128xf32, #tpu.memory_space<vmem>>) offsets(%dma_start3A_2273 : memref<128xi32, #tpu.memory_space<vmem>>) semaphore(%arg8 : memref<!tpu.dma_semaphore, #tpu.memory_space<semaphore_mem>>)
    %dma_wait3A_2277 = arith.constant 2 : i32
    %dma_wait3A_2278 = arith.constant 0 : i32
    %dma_wait3A_2279 = tpu.memref_slice %arg6[%dma_wait3A_2277, %dma_wait3A_2278] : memref<24x128xi32, #tpu.memory_space<vmem>> -> memref<1x128xi32, #tpu.memory_space<vmem>>
    %dma_wait3A_2280 = tpu.memref_squeeze %dma_wait3A_2279 : memref<1x128xi32, #tpu.memory_space<vmem>> -> memref<128xi32, #tpu.memory_space<vmem>>
    %dma_wait3A_2281 = arith.constant 0 : i32
    %dma_wait3A_2282 = arith.constant 0 : i32
    %dma_wait3A_2283 = tpu.memref_slice %arg2[%dma_wait3A_2281, %dma_wait3A_2282] : memref<50000x128xf32, #tpu.memory_space<hbm>> -> memref<50000x128xf32, #tpu.memory_space<hbm>>
    tpu.wait_indirect_dma semaphore(%arg8 : memref<!tpu.dma_semaphore, #tpu.memory_space<semaphore_mem>>) src(%dma_wait3A_2283 : memref<50000x128xf32, #tpu.memory_space<hbm>>) dst(%arg7 : memref<128x128xf32, #tpu.memory_space<vmem>>)
    %add3A_2284 = arith.constant 256 : i32
    %add3A_2285 = arith.addi %mul3A_2239, %add3A_2284 : i32
    "tpu.region"() ({
      %run_scoped3A = tpu.sem_alloc : memref<!tpu.dma_semaphore, #tpu.memory_space<semaphore_mem>>
      %dma_start3A_2558 = arith.constant 0 : i32
      %dma_start3A_2559 = tpu.memref_slice %arg4[%add3A_2285, %dma_start3A_2558] : memref<81920x128xf32, #tpu.memory_space<hbm>> -> memref<128x128xf32, #tpu.memory_space<hbm>>
      %dma_start3A_2560 = arith.constant 0 : i32
      %dma_start3A_2561 = tpu.memref_slice %arg4[%add3A_2285, %dma_start3A_2560] : memref<81920x128xf32, #tpu.memory_space<hbm>> -> memref<128x128xf32, #tpu.memory_space<hbm>>
      tpu.enqueue_dma source(%arg7 : memref<128x128xf32, #tpu.memory_space<vmem>>) target(%dma_start3A_2561 : memref<128x128xf32, #tpu.memory_space<hbm>>) target_semaphore(%run_scoped3A : memref<!tpu.dma_semaphore, #tpu.memory_space<semaphore_mem>>)
      %dma_wait3A_2562 = arith.constant 0 : i32
      %dma_wait3A_2563 = tpu.memref_slice %arg4[%add3A_2285, %dma_wait3A_2562] : memref<81920x128xf32, #tpu.memory_space<hbm>> -> memref<128x128xf32, #tpu.memory_space<hbm>>
      %dma_wait3A_2564 = arith.constant 0 : i32
      %dma_wait3A_2565 = tpu.memref_slice %arg4[%add3A_2285, %dma_wait3A_2564] : memref<81920x128xf32, #tpu.memory_space<hbm>> -> memref<128x128xf32, #tpu.memory_space<hbm>>
      tpu.wait_dma2 semaphore(%run_scoped3A : memref<!tpu.dma_semaphore, #tpu.memory_space<semaphore_mem>>) src(%arg7 : memref<128x128xf32, #tpu.memory_space<vmem>>) dst(%dma_wait3A_2565 : memref<128x128xf32, #tpu.memory_space<hbm>>)
      tpu.yield
    }) : () -> ()
    %dma_start3A_2286 = arith.constant 3 : i32
    %dma_start3A_2287 = arith.constant 0 : i32
    %dma_start3A_2288 = tpu.memref_slice %arg6[%dma_start3A_2286, %dma_start3A_2287] : memref<24x128xi32, #tpu.memory_space<vmem>> -> memref<1x128xi32, #tpu.memory_space<vmem>>
    %dma_start3A_2289 = tpu.memref_squeeze %dma_start3A_2288 : memref<1x128xi32, #tpu.memory_space<vmem>> -> memref<128xi32, #tpu.memory_space<vmem>>
    %dma_start3A_2290 = arith.constant 0 : i32
    %dma_start3A_2291 = arith.constant 0 : i32
    %dma_start3A_2292 = tpu.memref_slice %arg2[%dma_start3A_2290, %dma_start3A_2291] : memref<50000x128xf32, #tpu.memory_space<hbm>> -> memref<50000x128xf32, #tpu.memory_space<hbm>>
    tpu.enqueue_indirect_dma source(%dma_start3A_2292 : memref<50000x128xf32, #tpu.memory_space<hbm>>) target(%arg7 : memref<128x128xf32, #tpu.memory_space<vmem>>) offsets(%dma_start3A_2289 : memref<128xi32, #tpu.memory_space<vmem>>) semaphore(%arg8 : memref<!tpu.dma_semaphore, #tpu.memory_space<semaphore_mem>>)
    %dma_wait3A_2293 = arith.constant 3 : i32
    %dma_wait3A_2294 = arith.constant 0 : i32
    %dma_wait3A_2295 = tpu.memref_slice %arg6[%dma_wait3A_2293, %dma_wait3A_2294] : memref<24x128xi32, #tpu.memory_space<vmem>> -> memref<1x128xi32, #tpu.memory_space<vmem>>
    %dma_wait3A_2296 = tpu.memref_squeeze %dma_wait3A_2295 : memref<1x128xi32, #tpu.memory_space<vmem>> -> memref<128xi32, #tpu.memory_space<vmem>>
    %dma_wait3A_2297 = arith.constant 0 : i32
    %dma_wait3A_2298 = arith.constant 0 : i32
    %dma_wait3A_2299 = tpu.memref_slice %arg2[%dma_wait3A_2297, %dma_wait3A_2298] : memref<50000x128xf32, #tpu.memory_space<hbm>> -> memref<50000x128xf32, #tpu.memory_space<hbm>>
    tpu.wait_indirect_dma semaphore(%arg8 : memref<!tpu.dma_semaphore, #tpu.memory_space<semaphore_mem>>) src(%dma_wait3A_2299 : memref<50000x128xf32, #tpu.memory_space<hbm>>) dst(%arg7 : memref<128x128xf32, #tpu.memory_space<vmem>>)
    %add3A_2300 = arith.constant 384 : i32
    %add3A_2301 = arith.addi %mul3A_2239, %add3A_2300 : i32
    "tpu.region"() ({
      %run_scoped3A = tpu.sem_alloc : memref<!tpu.dma_semaphore, #tpu.memory_space<semaphore_mem>>
      %dma_start3A_2558 = arith.constant 0 : i32
      %dma_start3A_2559 = tpu.memref_slice %arg4[%add3A_2301, %dma_start3A_2558] : memref<81920x128xf32, #tpu.memory_space<hbm>> -> memref<128x128xf32, #tpu.memory_space<hbm>>
      %dma_start3A_2560 = arith.constant 0 : i32
      %dma_start3A_2561 = tpu.memref_slice %arg4[%add3A_2301, %dma_start3A_2560] : memref<81920x128xf32, #tpu.memory_space<hbm>> -> memref<128x128xf32, #tpu.memory_space<hbm>>
      tpu.enqueue_dma source(%arg7 : memref<128x128xf32, #tpu.memory_space<vmem>>) target(%dma_start3A_2561 : memref<128x128xf32, #tpu.memory_space<hbm>>) target_semaphore(%run_scoped3A : memref<!tpu.dma_semaphore, #tpu.memory_space<semaphore_mem>>)
      %dma_wait3A_2562 = arith.constant 0 : i32
      %dma_wait3A_2563 = tpu.memref_slice %arg4[%add3A_2301, %dma_wait3A_2562] : memref<81920x128xf32, #tpu.memory_space<hbm>> -> memref<128x128xf32, #tpu.memory_space<hbm>>
      %dma_wait3A_2564 = arith.constant 0 : i32
      %dma_wait3A_2565 = tpu.memref_slice %arg4[%add3A_2301, %dma_wait3A_2564] : memref<81920x128xf32, #tpu.memory_space<hbm>> -> memref<128x128xf32, #tpu.memory_space<hbm>>
      tpu.wait_dma2 semaphore(%run_scoped3A : memref<!tpu.dma_semaphore, #tpu.memory_space<semaphore_mem>>) src(%arg7 : memref<128x128xf32, #tpu.memory_space<vmem>>) dst(%dma_wait3A_2565 : memref<128x128xf32, #tpu.memory_space<hbm>>)
      tpu.yield
    }) : () -> ()
    %dma_start3A_2302 = arith.constant 4 : i32
    %dma_start3A_2303 = arith.constant 0 : i32
    %dma_start3A_2304 = tpu.memref_slice %arg6[%dma_start3A_2302, %dma_start3A_2303] : memref<24x128xi32, #tpu.memory_space<vmem>> -> memref<1x128xi32, #tpu.memory_space<vmem>>
    %dma_start3A_2305 = tpu.memref_squeeze %dma_start3A_2304 : memref<1x128xi32, #tpu.memory_space<vmem>> -> memref<128xi32, #tpu.memory_space<vmem>>
    %dma_start3A_2306 = arith.constant 0 : i32
    %dma_start3A_2307 = arith.constant 0 : i32
    %dma_start3A_2308 = tpu.memref_slice %arg2[%dma_start3A_2306, %dma_start3A_2307] : memref<50000x128xf32, #tpu.memory_space<hbm>> -> memref<50000x128xf32, #tpu.memory_space<hbm>>
    tpu.enqueue_indirect_dma source(%dma_start3A_2308 : memref<50000x128xf32, #tpu.memory_space<hbm>>) target(%arg7 : memref<128x128xf32, #tpu.memory_space<vmem>>) offsets(%dma_start3A_2305 : memref<128xi32, #tpu.memory_space<vmem>>) semaphore(%arg8 : memref<!tpu.dma_semaphore, #tpu.memory_space<semaphore_mem>>)
    %dma_wait3A_2309 = arith.constant 4 : i32
    %dma_wait3A_2310 = arith.constant 0 : i32
    %dma_wait3A_2311 = tpu.memref_slice %arg6[%dma_wait3A_2309, %dma_wait3A_2310] : memref<24x128xi32, #tpu.memory_space<vmem>> -> memref<1x128xi32, #tpu.memory_space<vmem>>
    %dma_wait3A_2312 = tpu.memref_squeeze %dma_wait3A_2311 : memref<1x128xi32, #tpu.memory_space<vmem>> -> memref<128xi32, #tpu.memory_space<vmem>>
    %dma_wait3A_2313 = arith.constant 0 : i32
    %dma_wait3A_2314 = arith.constant 0 : i32
    %dma_wait3A_2315 = tpu.memref_slice %arg2[%dma_wait3A_2313, %dma_wait3A_2314] : memref<50000x128xf32, #tpu.memory_space<hbm>> -> memref<50000x128xf32, #tpu.memory_space<hbm>>
    tpu.wait_indirect_dma semaphore(%arg8 : memref<!tpu.dma_semaphore, #tpu.memory_space<semaphore_mem>>) src(%dma_wait3A_2315 : memref<50000x128xf32, #tpu.memory_space<hbm>>) dst(%arg7 : memref<128x128xf32, #tpu.memory_space<vmem>>)
    %add3A_2316 = arith.constant 512 : i32
    %add3A_2317 = arith.addi %mul3A_2239, %add3A_2316 : i32
    "tpu.region"() ({
      %run_scoped3A = tpu.sem_alloc : memref<!tpu.dma_semaphore, #tpu.memory_space<semaphore_mem>>
      %dma_start3A_2558 = arith.constant 0 : i32
      %dma_start3A_2559 = tpu.memref_slice %arg4[%add3A_2317, %dma_start3A_2558] : memref<81920x128xf32, #tpu.memory_space<hbm>> -> memref<128x128xf32, #tpu.memory_space<hbm>>
      %dma_start3A_2560 = arith.constant 0 : i32
      %dma_start3A_2561 = tpu.memref_slice %arg4[%add3A_2317, %dma_start3A_2560] : memref<81920x128xf32, #tpu.memory_space<hbm>> -> memref<128x128xf32, #tpu.memory_space<hbm>>
      tpu.enqueue_dma source(%arg7 : memref<128x128xf32, #tpu.memory_space<vmem>>) target(%dma_start3A_2561 : memref<128x128xf32, #tpu.memory_space<hbm>>) target_semaphore(%run_scoped3A : memref<!tpu.dma_semaphore, #tpu.memory_space<semaphore_mem>>)
      %dma_wait3A_2562 = arith.constant 0 : i32
      %dma_wait3A_2563 = tpu.memref_slice %arg4[%add3A_2317, %dma_wait3A_2562] : memref<81920x128xf32, #tpu.memory_space<hbm>> -> memref<128x128xf32, #tpu.memory_space<hbm>>
      %dma_wait3A_2564 = arith.constant 0 : i32
      %dma_wait3A_2565 = tpu.memref_slice %arg4[%add3A_2317, %dma_wait3A_2564] : memref<81920x128xf32, #tpu.memory_space<hbm>> -> memref<128x128xf32, #tpu.memory_space<hbm>>
      tpu.wait_dma2 semaphore(%run_scoped3A : memref<!tpu.dma_semaphore, #tpu.memory_space<semaphore_mem>>) src(%arg7 : memref<128x128xf32, #tpu.memory_space<vmem>>) dst(%dma_wait3A_2565 : memref<128x128xf32, #tpu.memory_space<hbm>>)
      tpu.yield
    }) : () -> ()
    %dma_start3A_2318 = arith.constant 5 : i32
    %dma_start3A_2319 = arith.constant 0 : i32
    %dma_start3A_2320 = tpu.memref_slice %arg6[%dma_start3A_2318, %dma_start3A_2319] : memref<24x128xi32, #tpu.memory_space<vmem>> -> memref<1x128xi32, #tpu.memory_space<vmem>>
    %dma_start3A_2321 = tpu.memref_squeeze %dma_start3A_2320 : memref<1x128xi32, #tpu.memory_space<vmem>> -> memref<128xi32, #tpu.memory_space<vmem>>
    %dma_start3A_2322 = arith.constant 0 : i32
    %dma_start3A_2323 = arith.constant 0 : i32
    %dma_start3A_2324 = tpu.memref_slice %arg2[%dma_start3A_2322, %dma_start3A_2323] : memref<50000x128xf32, #tpu.memory_space<hbm>> -> memref<50000x128xf32, #tpu.memory_space<hbm>>
    tpu.enqueue_indirect_dma source(%dma_start3A_2324 : memref<50000x128xf32, #tpu.memory_space<hbm>>) target(%arg7 : memref<128x128xf32, #tpu.memory_space<vmem>>) offsets(%dma_start3A_2321 : memref<128xi32, #tpu.memory_space<vmem>>) semaphore(%arg8 : memref<!tpu.dma_semaphore, #tpu.memory_space<semaphore_mem>>)
    %dma_wait3A_2325 = arith.constant 5 : i32
    %dma_wait3A_2326 = arith.constant 0 : i32
    %dma_wait3A_2327 = tpu.memref_slice %arg6[%dma_wait3A_2325, %dma_wait3A_2326] : memref<24x128xi32, #tpu.memory_space<vmem>> -> memref<1x128xi32, #tpu.memory_space<vmem>>
    %dma_wait3A_2328 = tpu.memref_squeeze %dma_wait3A_2327 : memref<1x128xi32, #tpu.memory_space<vmem>> -> memref<128xi32, #tpu.memory_space<vmem>>
    %dma_wait3A_2329 = arith.constant 0 : i32
    %dma_wait3A_2330 = arith.constant 0 : i32
    %dma_wait3A_2331 = tpu.memref_slice %arg2[%dma_wait3A_2329, %dma_wait3A_2330] : memref<50000x128xf32, #tpu.memory_space<hbm>> -> memref<50000x128xf32, #tpu.memory_space<hbm>>
    tpu.wait_indirect_dma semaphore(%arg8 : memref<!tpu.dma_semaphore, #tpu.memory_space<semaphore_mem>>) src(%dma_wait3A_2331 : memref<50000x128xf32, #tpu.memory_space<hbm>>) dst(%arg7 : memref<128x128xf32, #tpu.memory_space<vmem>>)
    %add3A_2332 = arith.constant 640 : i32
    %add3A_2333 = arith.addi %mul3A_2239, %add3A_2332 : i32
    "tpu.region"() ({
      %run_scoped3A = tpu.sem_alloc : memref<!tpu.dma_semaphore, #tpu.memory_space<semaphore_mem>>
      %dma_start3A_2558 = arith.constant 0 : i32
      %dma_start3A_2559 = tpu.memref_slice %arg4[%add3A_2333, %dma_start3A_2558] : memref<81920x128xf32, #tpu.memory_space<hbm>> -> memref<128x128xf32, #tpu.memory_space<hbm>>
      %dma_start3A_2560 = arith.constant 0 : i32
      %dma_start3A_2561 = tpu.memref_slice %arg4[%add3A_2333, %dma_start3A_2560] : memref<81920x128xf32, #tpu.memory_space<hbm>> -> memref<128x128xf32, #tpu.memory_space<hbm>>
      tpu.enqueue_dma source(%arg7 : memref<128x128xf32, #tpu.memory_space<vmem>>) target(%dma_start3A_2561 : memref<128x128xf32, #tpu.memory_space<hbm>>) target_semaphore(%run_scoped3A : memref<!tpu.dma_semaphore, #tpu.memory_space<semaphore_mem>>)
      %dma_wait3A_2562 = arith.constant 0 : i32
      %dma_wait3A_2563 = tpu.memref_slice %arg4[%add3A_2333, %dma_wait3A_2562] : memref<81920x128xf32, #tpu.memory_space<hbm>> -> memref<128x128xf32, #tpu.memory_space<hbm>>
      %dma_wait3A_2564 = arith.constant 0 : i32
      %dma_wait3A_2565 = tpu.memref_slice %arg4[%add3A_2333, %dma_wait3A_2564] : memref<81920x128xf32, #tpu.memory_space<hbm>> -> memref<128x128xf32, #tpu.memory_space<hbm>>
      tpu.wait_dma2 semaphore(%run_scoped3A : memref<!tpu.dma_semaphore, #tpu.memory_space<semaphore_mem>>) src(%arg7 : memref<128x128xf32, #tpu.memory_space<vmem>>) dst(%dma_wait3A_2565 : memref<128x128xf32, #tpu.memory_space<hbm>>)
      tpu.yield
    }) : () -> ()
    %dma_start3A_2334 = arith.constant 6 : i32
    %dma_start3A_2335 = arith.constant 0 : i32
    %dma_start3A_2336 = tpu.memref_slice %arg6[%dma_start3A_2334, %dma_start3A_2335] : memref<24x128xi32, #tpu.memory_space<vmem>> -> memref<1x128xi32, #tpu.memory_space<vmem>>
    %dma_start3A_2337 = tpu.memref_squeeze %dma_start3A_2336 : memref<1x128xi32, #tpu.memory_space<vmem>> -> memref<128xi32, #tpu.memory_space<vmem>>
    %dma_start3A_2338 = arith.constant 0 : i32
    %dma_start3A_2339 = arith.constant 0 : i32
    %dma_start3A_2340 = tpu.memref_slice %arg2[%dma_start3A_2338, %dma_start3A_2339] : memref<50000x128xf32, #tpu.memory_space<hbm>> -> memref<50000x128xf32, #tpu.memory_space<hbm>>
    tpu.enqueue_indirect_dma source(%dma_start3A_2340 : memref<50000x128xf32, #tpu.memory_space<hbm>>) target(%arg7 : memref<128x128xf32, #tpu.memory_space<vmem>>) offsets(%dma_start3A_2337 : memref<128xi32, #tpu.memory_space<vmem>>) semaphore(%arg8 : memref<!tpu.dma_semaphore, #tpu.memory_space<semaphore_mem>>)
    %dma_wait3A_2341 = arith.constant 6 : i32
    %dma_wait3A_2342 = arith.constant 0 : i32
    %dma_wait3A_2343 = tpu.memref_slice %arg6[%dma_wait3A_2341, %dma_wait3A_2342] : memref<24x128xi32, #tpu.memory_space<vmem>> -> memref<1x128xi32, #tpu.memory_space<vmem>>
    %dma_wait3A_2344 = tpu.memref_squeeze %dma_wait3A_2343 : memref<1x128xi32, #tpu.memory_space<vmem>> -> memref<128xi32, #tpu.memory_space<vmem>>
    %dma_wait3A_2345 = arith.constant 0 : i32
    %dma_wait3A_2346 = arith.constant 0 : i32
    %dma_wait3A_2347 = tpu.memref_slice %arg2[%dma_wait3A_2345, %dma_wait3A_2346] : memref<50000x128xf32, #tpu.memory_space<hbm>> -> memref<50000x128xf32, #tpu.memory_space<hbm>>
    tpu.wait_indirect_dma semaphore(%arg8 : memref<!tpu.dma_semaphore, #tpu.memory_space<semaphore_mem>>) src(%dma_wait3A_2347 : memref<50000x128xf32, #tpu.memory_space<hbm>>) dst(%arg7 : memref<128x128xf32, #tpu.memory_space<vmem>>)
    %add3A_2348 = arith.constant 768 : i32
    %add3A_2349 = arith.addi %mul3A_2239, %add3A_2348 : i32
    "tpu.region"() ({
      %run_scoped3A = tpu.sem_alloc : memref<!tpu.dma_semaphore, #tpu.memory_space<semaphore_mem>>
      %dma_start3A_2558 = arith.constant 0 : i32
      %dma_start3A_2559 = tpu.memref_slice %arg4[%add3A_2349, %dma_start3A_2558] : memref<81920x128xf32, #tpu.memory_space<hbm>> -> memref<128x128xf32, #tpu.memory_space<hbm>>
      %dma_start3A_2560 = arith.constant 0 : i32
      %dma_start3A_2561 = tpu.memref_slice %arg4[%add3A_2349, %dma_start3A_2560] : memref<81920x128xf32, #tpu.memory_space<hbm>> -> memref<128x128xf32, #tpu.memory_space<hbm>>
      tpu.enqueue_dma source(%arg7 : memref<128x128xf32, #tpu.memory_space<vmem>>) target(%dma_start3A_2561 : memref<128x128xf32, #tpu.memory_space<hbm>>) target_semaphore(%run_scoped3A : memref<!tpu.dma_semaphore, #tpu.memory_space<semaphore_mem>>)
      %dma_wait3A_2562 = arith.constant 0 : i32
      %dma_wait3A_2563 = tpu.memref_slice %arg4[%add3A_2349, %dma_wait3A_2562] : memref<81920x128xf32, #tpu.memory_space<hbm>> -> memref<128x128xf32, #tpu.memory_space<hbm>>
      %dma_wait3A_2564 = arith.constant 0 : i32
      %dma_wait3A_2565 = tpu.memref_slice %arg4[%add3A_2349, %dma_wait3A_2564] : memref<81920x128xf32, #tpu.memory_space<hbm>> -> memref<128x128xf32, #tpu.memory_space<hbm>>
      tpu.wait_dma2 semaphore(%run_scoped3A : memref<!tpu.dma_semaphore, #tpu.memory_space<semaphore_mem>>) src(%arg7 : memref<128x128xf32, #tpu.memory_space<vmem>>) dst(%dma_wait3A_2565 : memref<128x128xf32, #tpu.memory_space<hbm>>)
      tpu.yield
    }) : () -> ()
    %dma_start3A_2350 = arith.constant 7 : i32
    %dma_start3A_2351 = arith.constant 0 : i32
    %dma_start3A_2352 = tpu.memref_slice %arg6[%dma_start3A_2350, %dma_start3A_2351] : memref<24x128xi32, #tpu.memory_space<vmem>> -> memref<1x128xi32, #tpu.memory_space<vmem>>
    %dma_start3A_2353 = tpu.memref_squeeze %dma_start3A_2352 : memref<1x128xi32, #tpu.memory_space<vmem>> -> memref<128xi32, #tpu.memory_space<vmem>>
    %dma_start3A_2354 = arith.constant 0 : i32
    %dma_start3A_2355 = arith.constant 0 : i32
    %dma_start3A_2356 = tpu.memref_slice %arg2[%dma_start3A_2354, %dma_start3A_2355] : memref<50000x128xf32, #tpu.memory_space<hbm>> -> memref<50000x128xf32, #tpu.memory_space<hbm>>
    tpu.enqueue_indirect_dma source(%dma_start3A_2356 : memref<50000x128xf32, #tpu.memory_space<hbm>>) target(%arg7 : memref<128x128xf32, #tpu.memory_space<vmem>>) offsets(%dma_start3A_2353 : memref<128xi32, #tpu.memory_space<vmem>>) semaphore(%arg8 : memref<!tpu.dma_semaphore, #tpu.memory_space<semaphore_mem>>)
    %dma_wait3A_2357 = arith.constant 7 : i32
    %dma_wait3A_2358 = arith.constant 0 : i32
    %dma_wait3A_2359 = tpu.memref_slice %arg6[%dma_wait3A_2357, %dma_wait3A_2358] : memref<24x128xi32, #tpu.memory_space<vmem>> -> memref<1x128xi32, #tpu.memory_space<vmem>>
    %dma_wait3A_2360 = tpu.memref_squeeze %dma_wait3A_2359 : memref<1x128xi32, #tpu.memory_space<vmem>> -> memref<128xi32, #tpu.memory_space<vmem>>
    %dma_wait3A_2361 = arith.constant 0 : i32
    %dma_wait3A_2362 = arith.constant 0 : i32
    %dma_wait3A_2363 = tpu.memref_slice %arg2[%dma_wait3A_2361, %dma_wait3A_2362] : memref<50000x128xf32, #tpu.memory_space<hbm>> -> memref<50000x128xf32, #tpu.memory_space<hbm>>
    tpu.wait_indirect_dma semaphore(%arg8 : memref<!tpu.dma_semaphore, #tpu.memory_space<semaphore_mem>>) src(%dma_wait3A_2363 : memref<50000x128xf32, #tpu.memory_space<hbm>>) dst(%arg7 : memref<128x128xf32, #tpu.memory_space<vmem>>)
    %add3A_2364 = arith.constant 896 : i32
    %add3A_2365 = arith.addi %mul3A_2239, %add3A_2364 : i32
    "tpu.region"() ({
      %run_scoped3A = tpu.sem_alloc : memref<!tpu.dma_semaphore, #tpu.memory_space<semaphore_mem>>
      %dma_start3A_2558 = arith.constant 0 : i32
      %dma_start3A_2559 = tpu.memref_slice %arg4[%add3A_2365, %dma_start3A_2558] : memref<81920x128xf32, #tpu.memory_space<hbm>> -> memref<128x128xf32, #tpu.memory_space<hbm>>
      %dma_start3A_2560 = arith.constant 0 : i32
      %dma_start3A_2561 = tpu.memref_slice %arg4[%add3A_2365, %dma_start3A_2560] : memref<81920x128xf32, #tpu.memory_space<hbm>> -> memref<128x128xf32, #tpu.memory_space<hbm>>
      tpu.enqueue_dma source(%arg7 : memref<128x128xf32, #tpu.memory_space<vmem>>) target(%dma_start3A_2561 : memref<128x128xf32, #tpu.memory_space<hbm>>) target_semaphore(%run_scoped3A : memref<!tpu.dma_semaphore, #tpu.memory_space<semaphore_mem>>)
      %dma_wait3A_2562 = arith.constant 0 : i32
      %dma_wait3A_2563 = tpu.memref_slice %arg4[%add3A_2365, %dma_wait3A_2562] : memref<81920x128xf32, #tpu.memory_space<hbm>> -> memref<128x128xf32, #tpu.memory_space<hbm>>
      %dma_wait3A_2564 = arith.constant 0 : i32
      %dma_wait3A_2565 = tpu.memref_slice %arg4[%add3A_2365, %dma_wait3A_2564] : memref<81920x128xf32, #tpu.memory_space<hbm>> -> memref<128x128xf32, #tpu.memory_space<hbm>>
      tpu.wait_dma2 semaphore(%run_scoped3A : memref<!tpu.dma_semaphore, #tpu.memory_space<semaphore_mem>>) src(%arg7 : memref<128x128xf32, #tpu.memory_space<vmem>>) dst(%dma_wait3A_2565 : memref<128x128xf32, #tpu.memory_space<hbm>>)
      tpu.yield
    }) : () -> ()
    %dma_start3A_2366 = arith.constant 8 : i32
    %dma_start3A_2367 = arith.constant 0 : i32
    %dma_start3A_2368 = tpu.memref_slice %arg6[%dma_start3A_2366, %dma_start3A_2367] : memref<24x128xi32, #tpu.memory_space<vmem>> -> memref<1x128xi32, #tpu.memory_space<vmem>>
    %dma_start3A_2369 = tpu.memref_squeeze %dma_start3A_2368 : memref<1x128xi32, #tpu.memory_space<vmem>> -> memref<128xi32, #tpu.memory_space<vmem>>
    %dma_start3A_2370 = arith.constant 0 : i32
    %dma_start3A_2371 = arith.constant 0 : i32
    %dma_start3A_2372 = tpu.memref_slice %arg2[%dma_start3A_2370, %dma_start3A_2371] : memref<50000x128xf32, #tpu.memory_space<hbm>> -> memref<50000x128xf32, #tpu.memory_space<hbm>>
    tpu.enqueue_indirect_dma source(%dma_start3A_2372 : memref<50000x128xf32, #tpu.memory_space<hbm>>) target(%arg7 : memref<128x128xf32, #tpu.memory_space<vmem>>) offsets(%dma_start3A_2369 : memref<128xi32, #tpu.memory_space<vmem>>) semaphore(%arg8 : memref<!tpu.dma_semaphore, #tpu.memory_space<semaphore_mem>>)
    %dma_wait3A_2373 = arith.constant 8 : i32
    %dma_wait3A_2374 = arith.constant 0 : i32
    %dma_wait3A_2375 = tpu.memref_slice %arg6[%dma_wait3A_2373, %dma_wait3A_2374] : memref<24x128xi32, #tpu.memory_space<vmem>> -> memref<1x128xi32, #tpu.memory_space<vmem>>
    %dma_wait3A_2376 = tpu.memref_squeeze %dma_wait3A_2375 : memref<1x128xi32, #tpu.memory_space<vmem>> -> memref<128xi32, #tpu.memory_space<vmem>>
    %dma_wait3A_2377 = arith.constant 0 : i32
    %dma_wait3A_2378 = arith.constant 0 : i32
    %dma_wait3A_2379 = tpu.memref_slice %arg2[%dma_wait3A_2377, %dma_wait3A_2378] : memref<50000x128xf32, #tpu.memory_space<hbm>> -> memref<50000x128xf32, #tpu.memory_space<hbm>>
    tpu.wait_indirect_dma semaphore(%arg8 : memref<!tpu.dma_semaphore, #tpu.memory_space<semaphore_mem>>) src(%dma_wait3A_2379 : memref<50000x128xf32, #tpu.memory_space<hbm>>) dst(%arg7 : memref<128x128xf32, #tpu.memory_space<vmem>>)
    %add3A_2380 = arith.constant 1024 : i32
    %add3A_2381 = arith.addi %mul3A_2239, %add3A_2380 : i32
    "tpu.region"() ({
      %run_scoped3A = tpu.sem_alloc : memref<!tpu.dma_semaphore, #tpu.memory_space<semaphore_mem>>
      %dma_start3A_2558 = arith.constant 0 : i32
      %dma_start3A_2559 = tpu.memref_slice %arg4[%add3A_2381, %dma_start3A_2558] : memref<81920x128xf32, #tpu.memory_space<hbm>> -> memref<128x128xf32, #tpu.memory_space<hbm>>
      %dma_start3A_2560 = arith.constant 0 : i32
      %dma_start3A_2561 = tpu.memref_slice %arg4[%add3A_2381, %dma_start3A_2560] : memref<81920x128xf32, #tpu.memory_space<hbm>> -> memref<128x128xf32, #tpu.memory_space<hbm>>
      tpu.enqueue_dma source(%arg7 : memref<128x128xf32, #tpu.memory_space<vmem>>) target(%dma_start3A_2561 : memref<128x128xf32, #tpu.memory_space<hbm>>) target_semaphore(%run_scoped3A : memref<!tpu.dma_semaphore, #tpu.memory_space<semaphore_mem>>)
      %dma_wait3A_2562 = arith.constant 0 : i32
      %dma_wait3A_2563 = tpu.memref_slice %arg4[%add3A_2381, %dma_wait3A_2562] : memref<81920x128xf32, #tpu.memory_space<hbm>> -> memref<128x128xf32, #tpu.memory_space<hbm>>
      %dma_wait3A_2564 = arith.constant 0 : i32
      %dma_wait3A_2565 = tpu.memref_slice %arg4[%add3A_2381, %dma_wait3A_2564] : memref<81920x128xf32, #tpu.memory_space<hbm>> -> memref<128x128xf32, #tpu.memory_space<hbm>>
      tpu.wait_dma2 semaphore(%run_scoped3A : memref<!tpu.dma_semaphore, #tpu.memory_space<semaphore_mem>>) src(%arg7 : memref<128x128xf32, #tpu.memory_space<vmem>>) dst(%dma_wait3A_2565 : memref<128x128xf32, #tpu.memory_space<hbm>>)
      tpu.yield
    }) : () -> ()
    %dma_start3A_2382 = arith.constant 9 : i32
    %dma_start3A_2383 = arith.constant 0 : i32
    %dma_start3A_2384 = tpu.memref_slice %arg6[%dma_start3A_2382, %dma_start3A_2383] : memref<24x128xi32, #tpu.memory_space<vmem>> -> memref<1x128xi32, #tpu.memory_space<vmem>>
    %dma_start3A_2385 = tpu.memref_squeeze %dma_start3A_2384 : memref<1x128xi32, #tpu.memory_space<vmem>> -> memref<128xi32, #tpu.memory_space<vmem>>
    %dma_start3A_2386 = arith.constant 0 : i32
    %dma_start3A_2387 = arith.constant 0 : i32
    %dma_start3A_2388 = tpu.memref_slice %arg2[%dma_start3A_2386, %dma_start3A_2387] : memref<50000x128xf32, #tpu.memory_space<hbm>> -> memref<50000x128xf32, #tpu.memory_space<hbm>>
    tpu.enqueue_indirect_dma source(%dma_start3A_2388 : memref<50000x128xf32, #tpu.memory_space<hbm>>) target(%arg7 : memref<128x128xf32, #tpu.memory_space<vmem>>) offsets(%dma_start3A_2385 : memref<128xi32, #tpu.memory_space<vmem>>) semaphore(%arg8 : memref<!tpu.dma_semaphore, #tpu.memory_space<semaphore_mem>>)
    %dma_wait3A_2389 = arith.constant 9 : i32
    %dma_wait3A_2390 = arith.constant 0 : i32
    %dma_wait3A_2391 = tpu.memref_slice %arg6[%dma_wait3A_2389, %dma_wait3A_2390] : memref<24x128xi32, #tpu.memory_space<vmem>> -> memref<1x128xi32, #tpu.memory_space<vmem>>
    %dma_wait3A_2392 = tpu.memref_squeeze %dma_wait3A_2391 : memref<1x128xi32, #tpu.memory_space<vmem>> -> memref<128xi32, #tpu.memory_space<vmem>>
    %dma_wait3A_2393 = arith.constant 0 : i32
    %dma_wait3A_2394 = arith.constant 0 : i32
    %dma_wait3A_2395 = tpu.memref_slice %arg2[%dma_wait3A_2393, %dma_wait3A_2394] : memref<50000x128xf32, #tpu.memory_space<hbm>> -> memref<50000x128xf32, #tpu.memory_space<hbm>>
    tpu.wait_indirect_dma semaphore(%arg8 : memref<!tpu.dma_semaphore, #tpu.memory_space<semaphore_mem>>) src(%dma_wait3A_2395 : memref<50000x128xf32, #tpu.memory_space<hbm>>) dst(%arg7 : memref<128x128xf32, #tpu.memory_space<vmem>>)
    %add3A_2396 = arith.constant 1152 : i32
    %add3A_2397 = arith.addi %mul3A_2239, %add3A_2396 : i32
    "tpu.region"() ({
      %run_scoped3A = tpu.sem_alloc : memref<!tpu.dma_semaphore, #tpu.memory_space<semaphore_mem>>
      %dma_start3A_2558 = arith.constant 0 : i32
      %dma_start3A_2559 = tpu.memref_slice %arg4[%add3A_2397, %dma_start3A_2558] : memref<81920x128xf32, #tpu.memory_space<hbm>> -> memref<128x128xf32, #tpu.memory_space<hbm>>
      %dma_start3A_2560 = arith.constant 0 : i32
      %dma_start3A_2561 = tpu.memref_slice %arg4[%add3A_2397, %dma_start3A_2560] : memref<81920x128xf32, #tpu.memory_space<hbm>> -> memref<128x128xf32, #tpu.memory_space<hbm>>
      tpu.enqueue_dma source(%arg7 : memref<128x128xf32, #tpu.memory_space<vmem>>) target(%dma_start3A_2561 : memref<128x128xf32, #tpu.memory_space<hbm>>) target_semaphore(%run_scoped3A : memref<!tpu.dma_semaphore, #tpu.memory_space<semaphore_mem>>)
      %dma_wait3A_2562 = arith.constant 0 : i32
      %dma_wait3A_2563 = tpu.memref_slice %arg4[%add3A_2397, %dma_wait3A_2562] : memref<81920x128xf32, #tpu.memory_space<hbm>> -> memref<128x128xf32, #tpu.memory_space<hbm>>
      %dma_wait3A_2564 = arith.constant 0 : i32
      %dma_wait3A_2565 = tpu.memref_slice %arg4[%add3A_2397, %dma_wait3A_2564] : memref<81920x128xf32, #tpu.memory_space<hbm>> -> memref<128x128xf32, #tpu.memory_space<hbm>>
      tpu.wait_dma2 semaphore(%run_scoped3A : memref<!tpu.dma_semaphore, #tpu.memory_space<semaphore_mem>>) src(%arg7 : memref<128x128xf32, #tpu.memory_space<vmem>>) dst(%dma_wait3A_2565 : memref<128x128xf32, #tpu.memory_space<hbm>>)
      tpu.yield
    }) : () -> ()
    %dma_start3A_2398 = arith.constant 10 : i32
    %dma_start3A_2399 = arith.constant 0 : i32
    %dma_start3A_2400 = tpu.memref_slice %arg6[%dma_start3A_2398, %dma_start3A_2399] : memref<24x128xi32, #tpu.memory_space<vmem>> -> memref<1x128xi32, #tpu.memory_space<vmem>>
    %dma_start3A_2401 = tpu.memref_squeeze %dma_start3A_2400 : memref<1x128xi32, #tpu.memory_space<vmem>> -> memref<128xi32, #tpu.memory_space<vmem>>
    %dma_start3A_2402 = arith.constant 0 : i32
    %dma_start3A_2403 = arith.constant 0 : i32
    %dma_start3A_2404 = tpu.memref_slice %arg2[%dma_start3A_2402, %dma_start3A_2403] : memref<50000x128xf32, #tpu.memory_space<hbm>> -> memref<50000x128xf32, #tpu.memory_space<hbm>>
    tpu.enqueue_indirect_dma source(%dma_start3A_2404 : memref<50000x128xf32, #tpu.memory_space<hbm>>) target(%arg7 : memref<128x128xf32, #tpu.memory_space<vmem>>) offsets(%dma_start3A_2401 : memref<128xi32, #tpu.memory_space<vmem>>) semaphore(%arg8 : memref<!tpu.dma_semaphore, #tpu.memory_space<semaphore_mem>>)
    %dma_wait3A_2405 = arith.constant 10 : i32
    %dma_wait3A_2406 = arith.constant 0 : i32
    %dma_wait3A_2407 = tpu.memref_slice %arg6[%dma_wait3A_2405, %dma_wait3A_2406] : memref<24x128xi32, #tpu.memory_space<vmem>> -> memref<1x128xi32, #tpu.memory_space<vmem>>
    %dma_wait3A_2408 = tpu.memref_squeeze %dma_wait3A_2407 : memref<1x128xi32, #tpu.memory_space<vmem>> -> memref<128xi32, #tpu.memory_space<vmem>>
    %dma_wait3A_2409 = arith.constant 0 : i32
    %dma_wait3A_2410 = arith.constant 0 : i32
    %dma_wait3A_2411 = tpu.memref_slice %arg2[%dma_wait3A_2409, %dma_wait3A_2410] : memref<50000x128xf32, #tpu.memory_space<hbm>> -> memref<50000x128xf32, #tpu.memory_space<hbm>>
    tpu.wait_indirect_dma semaphore(%arg8 : memref<!tpu.dma_semaphore, #tpu.memory_space<semaphore_mem>>) src(%dma_wait3A_2411 : memref<50000x128xf32, #tpu.memory_space<hbm>>) dst(%arg7 : memref<128x128xf32, #tpu.memory_space<vmem>>)
    %add3A_2412 = arith.constant 1280 : i32
    %add3A_2413 = arith.addi %mul3A_2239, %add3A_2412 : i32
    "tpu.region"() ({
      %run_scoped3A = tpu.sem_alloc : memref<!tpu.dma_semaphore, #tpu.memory_space<semaphore_mem>>
      %dma_start3A_2558 = arith.constant 0 : i32
      %dma_start3A_2559 = tpu.memref_slice %arg4[%add3A_2413, %dma_start3A_2558] : memref<81920x128xf32, #tpu.memory_space<hbm>> -> memref<128x128xf32, #tpu.memory_space<hbm>>
      %dma_start3A_2560 = arith.constant 0 : i32
      %dma_start3A_2561 = tpu.memref_slice %arg4[%add3A_2413, %dma_start3A_2560] : memref<81920x128xf32, #tpu.memory_space<hbm>> -> memref<128x128xf32, #tpu.memory_space<hbm>>
      tpu.enqueue_dma source(%arg7 : memref<128x128xf32, #tpu.memory_space<vmem>>) target(%dma_start3A_2561 : memref<128x128xf32, #tpu.memory_space<hbm>>) target_semaphore(%run_scoped3A : memref<!tpu.dma_semaphore, #tpu.memory_space<semaphore_mem>>)
      %dma_wait3A_2562 = arith.constant 0 : i32
      %dma_wait3A_2563 = tpu.memref_slice %arg4[%add3A_2413, %dma_wait3A_2562] : memref<81920x128xf32, #tpu.memory_space<hbm>> -> memref<128x128xf32, #tpu.memory_space<hbm>>
      %dma_wait3A_2564 = arith.constant 0 : i32
      %dma_wait3A_2565 = tpu.memref_slice %arg4[%add3A_2413, %dma_wait3A_2564] : memref<81920x128xf32, #tpu.memory_space<hbm>> -> memref<128x128xf32, #tpu.memory_space<hbm>>
      tpu.wait_dma2 semaphore(%run_scoped3A : memref<!tpu.dma_semaphore, #tpu.memory_space<semaphore_mem>>) src(%arg7 : memref<128x128xf32, #tpu.memory_space<vmem>>) dst(%dma_wait3A_2565 : memref<128x128xf32, #tpu.memory_space<hbm>>)
      tpu.yield
    }) : () -> ()
    %dma_start3A_2414 = arith.constant 11 : i32
    %dma_start3A_2415 = arith.constant 0 : i32
    %dma_start3A_2416 = tpu.memref_slice %arg6[%dma_start3A_2414, %dma_start3A_2415] : memref<24x128xi32, #tpu.memory_space<vmem>> -> memref<1x128xi32, #tpu.memory_space<vmem>>
    %dma_start3A_2417 = tpu.memref_squeeze %dma_start3A_2416 : memref<1x128xi32, #tpu.memory_space<vmem>> -> memref<128xi32, #tpu.memory_space<vmem>>
    %dma_start3A_2418 = arith.constant 0 : i32
    %dma_start3A_2419 = arith.constant 0 : i32
    %dma_start3A_2420 = tpu.memref_slice %arg2[%dma_start3A_2418, %dma_start3A_2419] : memref<50000x128xf32, #tpu.memory_space<hbm>> -> memref<50000x128xf32, #tpu.memory_space<hbm>>
    tpu.enqueue_indirect_dma source(%dma_start3A_2420 : memref<50000x128xf32, #tpu.memory_space<hbm>>) target(%arg7 : memref<128x128xf32, #tpu.memory_space<vmem>>) offsets(%dma_start3A_2417 : memref<128xi32, #tpu.memory_space<vmem>>) semaphore(%arg8 : memref<!tpu.dma_semaphore, #tpu.memory_space<semaphore_mem>>)
    %dma_wait3A_2421 = arith.constant 11 : i32
    %dma_wait3A_2422 = arith.constant 0 : i32
    %dma_wait3A_2423 = tpu.memref_slice %arg6[%dma_wait3A_2421, %dma_wait3A_2422] : memref<24x128xi32, #tpu.memory_space<vmem>> -> memref<1x128xi32, #tpu.memory_space<vmem>>
    %dma_wait3A_2424 = tpu.memref_squeeze %dma_wait3A_2423 : memref<1x128xi32, #tpu.memory_space<vmem>> -> memref<128xi32, #tpu.memory_space<vmem>>
    %dma_wait3A_2425 = arith.constant 0 : i32
    %dma_wait3A_2426 = arith.constant 0 : i32
    %dma_wait3A_2427 = tpu.memref_slice %arg2[%dma_wait3A_2425, %dma_wait3A_2426] : memref<50000x128xf32, #tpu.memory_space<hbm>> -> memref<50000x128xf32, #tpu.memory_space<hbm>>
    tpu.wait_indirect_dma semaphore(%arg8 : memref<!tpu.dma_semaphore, #tpu.memory_space<semaphore_mem>>) src(%dma_wait3A_2427 : memref<50000x128xf32, #tpu.memory_space<hbm>>) dst(%arg7 : memref<128x128xf32, #tpu.memory_space<vmem>>)
    %add3A_2428 = arith.constant 1408 : i32
    %add3A_2429 = arith.addi %mul3A_2239, %add3A_2428 : i32
    "tpu.region"() ({
      %run_scoped3A = tpu.sem_alloc : memref<!tpu.dma_semaphore, #tpu.memory_space<semaphore_mem>>
      %dma_start3A_2558 = arith.constant 0 : i32
      %dma_start3A_2559 = tpu.memref_slice %arg4[%add3A_2429, %dma_start3A_2558] : memref<81920x128xf32, #tpu.memory_space<hbm>> -> memref<128x128xf32, #tpu.memory_space<hbm>>
      %dma_start3A_2560 = arith.constant 0 : i32
      %dma_start3A_2561 = tpu.memref_slice %arg4[%add3A_2429, %dma_start3A_2560] : memref<81920x128xf32, #tpu.memory_space<hbm>> -> memref<128x128xf32, #tpu.memory_space<hbm>>
      tpu.enqueue_dma source(%arg7 : memref<128x128xf32, #tpu.memory_space<vmem>>) target(%dma_start3A_2561 : memref<128x128xf32, #tpu.memory_space<hbm>>) target_semaphore(%run_scoped3A : memref<!tpu.dma_semaphore, #tpu.memory_space<semaphore_mem>>)
      %dma_wait3A_2562 = arith.constant 0 : i32
      %dma_wait3A_2563 = tpu.memref_slice %arg4[%add3A_2429, %dma_wait3A_2562] : memref<81920x128xf32, #tpu.memory_space<hbm>> -> memref<128x128xf32, #tpu.memory_space<hbm>>
      %dma_wait3A_2564 = arith.constant 0 : i32
      %dma_wait3A_2565 = tpu.memref_slice %arg4[%add3A_2429, %dma_wait3A_2564] : memref<81920x128xf32, #tpu.memory_space<hbm>> -> memref<128x128xf32, #tpu.memory_space<hbm>>
      tpu.wait_dma2 semaphore(%run_scoped3A : memref<!tpu.dma_semaphore, #tpu.memory_space<semaphore_mem>>) src(%arg7 : memref<128x128xf32, #tpu.memory_space<vmem>>) dst(%dma_wait3A_2565 : memref<128x128xf32, #tpu.memory_space<hbm>>)
      tpu.yield
    }) : () -> ()
    %dma_start3A_2430 = arith.constant 12 : i32
    %dma_start3A_2431 = arith.constant 0 : i32
    %dma_start3A_2432 = tpu.memref_slice %arg6[%dma_start3A_2430, %dma_start3A_2431] : memref<24x128xi32, #tpu.memory_space<vmem>> -> memref<1x128xi32, #tpu.memory_space<vmem>>
    %dma_start3A_2433 = tpu.memref_squeeze %dma_start3A_2432 : memref<1x128xi32, #tpu.memory_space<vmem>> -> memref<128xi32, #tpu.memory_space<vmem>>
    %dma_start3A_2434 = arith.constant 0 : i32
    %dma_start3A_2435 = arith.constant 0 : i32
    %dma_start3A_2436 = tpu.memref_slice %arg2[%dma_start3A_2434, %dma_start3A_2435] : memref<50000x128xf32, #tpu.memory_space<hbm>> -> memref<50000x128xf32, #tpu.memory_space<hbm>>
    tpu.enqueue_indirect_dma source(%dma_start3A_2436 : memref<50000x128xf32, #tpu.memory_space<hbm>>) target(%arg7 : memref<128x128xf32, #tpu.memory_space<vmem>>) offsets(%dma_start3A_2433 : memref<128xi32, #tpu.memory_space<vmem>>) semaphore(%arg8 : memref<!tpu.dma_semaphore, #tpu.memory_space<semaphore_mem>>)
    %dma_wait3A_2437 = arith.constant 12 : i32
    %dma_wait3A_2438 = arith.constant 0 : i32
    %dma_wait3A_2439 = tpu.memref_slice %arg6[%dma_wait3A_2437, %dma_wait3A_2438] : memref<24x128xi32, #tpu.memory_space<vmem>> -> memref<1x128xi32, #tpu.memory_space<vmem>>
    %dma_wait3A_2440 = tpu.memref_squeeze %dma_wait3A_2439 : memref<1x128xi32, #tpu.memory_space<vmem>> -> memref<128xi32, #tpu.memory_space<vmem>>
    %dma_wait3A_2441 = arith.constant 0 : i32
    %dma_wait3A_2442 = arith.constant 0 : i32
    %dma_wait3A_2443 = tpu.memref_slice %arg2[%dma_wait3A_2441, %dma_wait3A_2442] : memref<50000x128xf32, #tpu.memory_space<hbm>> -> memref<50000x128xf32, #tpu.memory_space<hbm>>
    tpu.wait_indirect_dma semaphore(%arg8 : memref<!tpu.dma_semaphore, #tpu.memory_space<semaphore_mem>>) src(%dma_wait3A_2443 : memref<50000x128xf32, #tpu.memory_space<hbm>>) dst(%arg7 : memref<128x128xf32, #tpu.memory_space<vmem>>)
    %add3A_2444 = arith.constant 1536 : i32
    %add3A_2445 = arith.addi %mul3A_2239, %add3A_2444 : i32
    "tpu.region"() ({
      %run_scoped3A = tpu.sem_alloc : memref<!tpu.dma_semaphore, #tpu.memory_space<semaphore_mem>>
      %dma_start3A_2558 = arith.constant 0 : i32
      %dma_start3A_2559 = tpu.memref_slice %arg4[%add3A_2445, %dma_start3A_2558] : memref<81920x128xf32, #tpu.memory_space<hbm>> -> memref<128x128xf32, #tpu.memory_space<hbm>>
      %dma_start3A_2560 = arith.constant 0 : i32
      %dma_start3A_2561 = tpu.memref_slice %arg4[%add3A_2445, %dma_start3A_2560] : memref<81920x128xf32, #tpu.memory_space<hbm>> -> memref<128x128xf32, #tpu.memory_space<hbm>>
      tpu.enqueue_dma source(%arg7 : memref<128x128xf32, #tpu.memory_space<vmem>>) target(%dma_start3A_2561 : memref<128x128xf32, #tpu.memory_space<hbm>>) target_semaphore(%run_scoped3A : memref<!tpu.dma_semaphore, #tpu.memory_space<semaphore_mem>>)
      %dma_wait3A_2562 = arith.constant 0 : i32
      %dma_wait3A_2563 = tpu.memref_slice %arg4[%add3A_2445, %dma_wait3A_2562] : memref<81920x128xf32, #tpu.memory_space<hbm>> -> memref<128x128xf32, #tpu.memory_space<hbm>>
      %dma_wait3A_2564 = arith.constant 0 : i32
      %dma_wait3A_2565 = tpu.memref_slice %arg4[%add3A_2445, %dma_wait3A_2564] : memref<81920x128xf32, #tpu.memory_space<hbm>> -> memref<128x128xf32, #tpu.memory_space<hbm>>
      tpu.wait_dma2 semaphore(%run_scoped3A : memref<!tpu.dma_semaphore, #tpu.memory_space<semaphore_mem>>) src(%arg7 : memref<128x128xf32, #tpu.memory_space<vmem>>) dst(%dma_wait3A_2565 : memref<128x128xf32, #tpu.memory_space<hbm>>)
      tpu.yield
    }) : () -> ()
    %dma_start3A_2446 = arith.constant 13 : i32
    %dma_start3A_2447 = arith.constant 0 : i32
    %dma_start3A_2448 = tpu.memref_slice %arg6[%dma_start3A_2446, %dma_start3A_2447] : memref<24x128xi32, #tpu.memory_space<vmem>> -> memref<1x128xi32, #tpu.memory_space<vmem>>
    %dma_start3A_2449 = tpu.memref_squeeze %dma_start3A_2448 : memref<1x128xi32, #tpu.memory_space<vmem>> -> memref<128xi32, #tpu.memory_space<vmem>>
    %dma_start3A_2450 = arith.constant 0 : i32
    %dma_start3A_2451 = arith.constant 0 : i32
    %dma_start3A_2452 = tpu.memref_slice %arg2[%dma_start3A_2450, %dma_start3A_2451] : memref<50000x128xf32, #tpu.memory_space<hbm>> -> memref<50000x128xf32, #tpu.memory_space<hbm>>
    tpu.enqueue_indirect_dma source(%dma_start3A_2452 : memref<50000x128xf32, #tpu.memory_space<hbm>>) target(%arg7 : memref<128x128xf32, #tpu.memory_space<vmem>>) offsets(%dma_start3A_2449 : memref<128xi32, #tpu.memory_space<vmem>>) semaphore(%arg8 : memref<!tpu.dma_semaphore, #tpu.memory_space<semaphore_mem>>)
    %dma_wait3A_2453 = arith.constant 13 : i32
    %dma_wait3A_2454 = arith.constant 0 : i32
    %dma_wait3A_2455 = tpu.memref_slice %arg6[%dma_wait3A_2453, %dma_wait3A_2454] : memref<24x128xi32, #tpu.memory_space<vmem>> -> memref<1x128xi32, #tpu.memory_space<vmem>>
    %dma_wait3A_2456 = tpu.memref_squeeze %dma_wait3A_2455 : memref<1x128xi32, #tpu.memory_space<vmem>> -> memref<128xi32, #tpu.memory_space<vmem>>
    %dma_wait3A_2457 = arith.constant 0 : i32
    %dma_wait3A_2458 = arith.constant 0 : i32
    %dma_wait3A_2459 = tpu.memref_slice %arg2[%dma_wait3A_2457, %dma_wait3A_2458] : memref<50000x128xf32, #tpu.memory_space<hbm>> -> memref<50000x128xf32, #tpu.memory_space<hbm>>
    tpu.wait_indirect_dma semaphore(%arg8 : memref<!tpu.dma_semaphore, #tpu.memory_space<semaphore_mem>>) src(%dma_wait3A_2459 : memref<50000x128xf32, #tpu.memory_space<hbm>>) dst(%arg7 : memref<128x128xf32, #tpu.memory_space<vmem>>)
    %add3A_2460 = arith.constant 1664 : i32
    %add3A_2461 = arith.addi %mul3A_2239, %add3A_2460 : i32
    "tpu.region"() ({
      %run_scoped3A = tpu.sem_alloc : memref<!tpu.dma_semaphore, #tpu.memory_space<semaphore_mem>>
      %dma_start3A_2558 = arith.constant 0 : i32
      %dma_start3A_2559 = tpu.memref_slice %arg4[%add3A_2461, %dma_start3A_2558] : memref<81920x128xf32, #tpu.memory_space<hbm>> -> memref<128x128xf32, #tpu.memory_space<hbm>>
      %dma_start3A_2560 = arith.constant 0 : i32
      %dma_start3A_2561 = tpu.memref_slice %arg4[%add3A_2461, %dma_start3A_2560] : memref<81920x128xf32, #tpu.memory_space<hbm>> -> memref<128x128xf32, #tpu.memory_space<hbm>>
      tpu.enqueue_dma source(%arg7 : memref<128x128xf32, #tpu.memory_space<vmem>>) target(%dma_start3A_2561 : memref<128x128xf32, #tpu.memory_space<hbm>>) target_semaphore(%run_scoped3A : memref<!tpu.dma_semaphore, #tpu.memory_space<semaphore_mem>>)
      %dma_wait3A_2562 = arith.constant 0 : i32
      %dma_wait3A_2563 = tpu.memref_slice %arg4[%add3A_2461, %dma_wait3A_2562] : memref<81920x128xf32, #tpu.memory_space<hbm>> -> memref<128x128xf32, #tpu.memory_space<hbm>>
      %dma_wait3A_2564 = arith.constant 0 : i32
      %dma_wait3A_2565 = tpu.memref_slice %arg4[%add3A_2461, %dma_wait3A_2564] : memref<81920x128xf32, #tpu.memory_space<hbm>> -> memref<128x128xf32, #tpu.memory_space<hbm>>
      tpu.wait_dma2 semaphore(%run_scoped3A : memref<!tpu.dma_semaphore, #tpu.memory_space<semaphore_mem>>) src(%arg7 : memref<128x128xf32, #tpu.memory_space<vmem>>) dst(%dma_wait3A_2565 : memref<128x128xf32, #tpu.memory_space<hbm>>)
      tpu.yield
    }) : () -> ()
    %dma_start3A_2462 = arith.constant 14 : i32
    %dma_start3A_2463 = arith.constant 0 : i32
    %dma_start3A_2464 = tpu.memref_slice %arg6[%dma_start3A_2462, %dma_start3A_2463] : memref<24x128xi32, #tpu.memory_space<vmem>> -> memref<1x128xi32, #tpu.memory_space<vmem>>
    %dma_start3A_2465 = tpu.memref_squeeze %dma_start3A_2464 : memref<1x128xi32, #tpu.memory_space<vmem>> -> memref<128xi32, #tpu.memory_space<vmem>>
    %dma_start3A_2466 = arith.constant 0 : i32
    %dma_start3A_2467 = arith.constant 0 : i32
    %dma_start3A_2468 = tpu.memref_slice %arg2[%dma_start3A_2466, %dma_start3A_2467] : memref<50000x128xf32, #tpu.memory_space<hbm>> -> memref<50000x128xf32, #tpu.memory_space<hbm>>
    tpu.enqueue_indirect_dma source(%dma_start3A_2468 : memref<50000x128xf32, #tpu.memory_space<hbm>>) target(%arg7 : memref<128x128xf32, #tpu.memory_space<vmem>>) offsets(%dma_start3A_2465 : memref<128xi32, #tpu.memory_space<vmem>>) semaphore(%arg8 : memref<!tpu.dma_semaphore, #tpu.memory_space<semaphore_mem>>)
    %dma_wait3A_2469 = arith.constant 14 : i32
    %dma_wait3A_2470 = arith.constant 0 : i32
    %dma_wait3A_2471 = tpu.memref_slice %arg6[%dma_wait3A_2469, %dma_wait3A_2470] : memref<24x128xi32, #tpu.memory_space<vmem>> -> memref<1x128xi32, #tpu.memory_space<vmem>>
    %dma_wait3A_2472 = tpu.memref_squeeze %dma_wait3A_2471 : memref<1x128xi32, #tpu.memory_space<vmem>> -> memref<128xi32, #tpu.memory_space<vmem>>
    %dma_wait3A_2473 = arith.constant 0 : i32
    %dma_wait3A_2474 = arith.constant 0 : i32
    %dma_wait3A_2475 = tpu.memref_slice %arg2[%dma_wait3A_2473, %dma_wait3A_2474] : memref<50000x128xf32, #tpu.memory_space<hbm>> -> memref<50000x128xf32, #tpu.memory_space<hbm>>
    tpu.wait_indirect_dma semaphore(%arg8 : memref<!tpu.dma_semaphore, #tpu.memory_space<semaphore_mem>>) src(%dma_wait3A_2475 : memref<50000x128xf32, #tpu.memory_space<hbm>>) dst(%arg7 : memref<128x128xf32, #tpu.memory_space<vmem>>)
    %add3A_2476 = arith.constant 1792 : i32
    %add3A_2477 = arith.addi %mul3A_2239, %add3A_2476 : i32
    "tpu.region"() ({
      %run_scoped3A = tpu.sem_alloc : memref<!tpu.dma_semaphore, #tpu.memory_space<semaphore_mem>>
      %dma_start3A_2558 = arith.constant 0 : i32
      %dma_start3A_2559 = tpu.memref_slice %arg4[%add3A_2477, %dma_start3A_2558] : memref<81920x128xf32, #tpu.memory_space<hbm>> -> memref<128x128xf32, #tpu.memory_space<hbm>>
      %dma_start3A_2560 = arith.constant 0 : i32
      %dma_start3A_2561 = tpu.memref_slice %arg4[%add3A_2477, %dma_start3A_2560] : memref<81920x128xf32, #tpu.memory_space<hbm>> -> memref<128x128xf32, #tpu.memory_space<hbm>>
      tpu.enqueue_dma source(%arg7 : memref<128x128xf32, #tpu.memory_space<vmem>>) target(%dma_start3A_2561 : memref<128x128xf32, #tpu.memory_space<hbm>>) target_semaphore(%run_scoped3A : memref<!tpu.dma_semaphore, #tpu.memory_space<semaphore_mem>>)
      %dma_wait3A_2562 = arith.constant 0 : i32
      %dma_wait3A_2563 = tpu.memref_slice %arg4[%add3A_2477, %dma_wait3A_2562] : memref<81920x128xf32, #tpu.memory_space<hbm>> -> memref<128x128xf32, #tpu.memory_space<hbm>>
      %dma_wait3A_2564 = arith.constant 0 : i32
      %dma_wait3A_2565 = tpu.memref_slice %arg4[%add3A_2477, %dma_wait3A_2564] : memref<81920x128xf32, #tpu.memory_space<hbm>> -> memref<128x128xf32, #tpu.memory_space<hbm>>
      tpu.wait_dma2 semaphore(%run_scoped3A : memref<!tpu.dma_semaphore, #tpu.memory_space<semaphore_mem>>) src(%arg7 : memref<128x128xf32, #tpu.memory_space<vmem>>) dst(%dma_wait3A_2565 : memref<128x128xf32, #tpu.memory_space<hbm>>)
      tpu.yield
    }) : () -> ()
    %dma_start3A_2478 = arith.constant 15 : i32
    %dma_start3A_2479 = arith.constant 0 : i32
    %dma_start3A_2480 = tpu.memref_slice %arg6[%dma_start3A_2478, %dma_start3A_2479] : memref<24x128xi32, #tpu.memory_space<vmem>> -> memref<1x128xi32, #tpu.memory_space<vmem>>
    %dma_start3A_2481 = tpu.memref_squeeze %dma_start3A_2480 : memref<1x128xi32, #tpu.memory_space<vmem>> -> memref<128xi32, #tpu.memory_space<vmem>>
    %dma_start3A_2482 = arith.constant 0 : i32
    %dma_start3A_2483 = arith.constant 0 : i32
    %dma_start3A_2484 = tpu.memref_slice %arg2[%dma_start3A_2482, %dma_start3A_2483] : memref<50000x128xf32, #tpu.memory_space<hbm>> -> memref<50000x128xf32, #tpu.memory_space<hbm>>
    tpu.enqueue_indirect_dma source(%dma_start3A_2484 : memref<50000x128xf32, #tpu.memory_space<hbm>>) target(%arg7 : memref<128x128xf32, #tpu.memory_space<vmem>>) offsets(%dma_start3A_2481 : memref<128xi32, #tpu.memory_space<vmem>>) semaphore(%arg8 : memref<!tpu.dma_semaphore, #tpu.memory_space<semaphore_mem>>)
    %dma_wait3A_2485 = arith.constant 15 : i32
    %dma_wait3A_2486 = arith.constant 0 : i32
    %dma_wait3A_2487 = tpu.memref_slice %arg6[%dma_wait3A_2485, %dma_wait3A_2486] : memref<24x128xi32, #tpu.memory_space<vmem>> -> memref<1x128xi32, #tpu.memory_space<vmem>>
    %dma_wait3A_2488 = tpu.memref_squeeze %dma_wait3A_2487 : memref<1x128xi32, #tpu.memory_space<vmem>> -> memref<128xi32, #tpu.memory_space<vmem>>
    %dma_wait3A_2489 = arith.constant 0 : i32
    %dma_wait3A_2490 = arith.constant 0 : i32
    %dma_wait3A_2491 = tpu.memref_slice %arg2[%dma_wait3A_2489, %dma_wait3A_2490] : memref<50000x128xf32, #tpu.memory_space<hbm>> -> memref<50000x128xf32, #tpu.memory_space<hbm>>
    tpu.wait_indirect_dma semaphore(%arg8 : memref<!tpu.dma_semaphore, #tpu.memory_space<semaphore_mem>>) src(%dma_wait3A_2491 : memref<50000x128xf32, #tpu.memory_space<hbm>>) dst(%arg7 : memref<128x128xf32, #tpu.memory_space<vmem>>)
    %add3A_2492 = arith.constant 1920 : i32
    %add3A_2493 = arith.addi %mul3A_2239, %add3A_2492 : i32
    "tpu.region"() ({
      %run_scoped3A = tpu.sem_alloc : memref<!tpu.dma_semaphore, #tpu.memory_space<semaphore_mem>>
      %dma_start3A_2558 = arith.constant 0 : i32
      %dma_start3A_2559 = tpu.memref_slice %arg4[%add3A_2493, %dma_start3A_2558] : memref<81920x128xf32, #tpu.memory_space<hbm>> -> memref<128x128xf32, #tpu.memory_space<hbm>>
      %dma_start3A_2560 = arith.constant 0 : i32
      %dma_start3A_2561 = tpu.memref_slice %arg4[%add3A_2493, %dma_start3A_2560] : memref<81920x128xf32, #tpu.memory_space<hbm>> -> memref<128x128xf32, #tpu.memory_space<hbm>>
      tpu.enqueue_dma source(%arg7 : memref<128x128xf32, #tpu.memory_space<vmem>>) target(%dma_start3A_2561 : memref<128x128xf32, #tpu.memory_space<hbm>>) target_semaphore(%run_scoped3A : memref<!tpu.dma_semaphore, #tpu.memory_space<semaphore_mem>>)
      %dma_wait3A_2562 = arith.constant 0 : i32
      %dma_wait3A_2563 = tpu.memref_slice %arg4[%add3A_2493, %dma_wait3A_2562] : memref<81920x128xf32, #tpu.memory_space<hbm>> -> memref<128x128xf32, #tpu.memory_space<hbm>>
      %dma_wait3A_2564 = arith.constant 0 : i32
      %dma_wait3A_2565 = tpu.memref_slice %arg4[%add3A_2493, %dma_wait3A_2564] : memref<81920x128xf32, #tpu.memory_space<hbm>> -> memref<128x128xf32, #tpu.memory_space<hbm>>
      tpu.wait_dma2 semaphore(%run_scoped3A : memref<!tpu.dma_semaphore, #tpu.memory_space<semaphore_mem>>) src(%arg7 : memref<128x128xf32, #tpu.memory_space<vmem>>) dst(%dma_wait3A_2565 : memref<128x128xf32, #tpu.memory_space<hbm>>)
      tpu.yield
    }) : () -> ()
    %dma_start3A_2494 = arith.constant 16 : i32
    %dma_start3A_2495 = arith.constant 0 : i32
    %dma_start3A_2496 = tpu.memref_slice %arg6[%dma_start3A_2494, %dma_start3A_2495] : memref<24x128xi32, #tpu.memory_space<vmem>> -> memref<1x128xi32, #tpu.memory_space<vmem>>
    %dma_start3A_2497 = tpu.memref_squeeze %dma_start3A_2496 : memref<1x128xi32, #tpu.memory_space<vmem>> -> memref<128xi32, #tpu.memory_space<vmem>>
    %dma_start3A_2498 = arith.constant 0 : i32
    %dma_start3A_2499 = arith.constant 0 : i32
    %dma_start3A_2500 = tpu.memref_slice %arg2[%dma_start3A_2498, %dma_start3A_2499] : memref<50000x128xf32, #tpu.memory_space<hbm>> -> memref<50000x128xf32, #tpu.memory_space<hbm>>
    tpu.enqueue_indirect_dma source(%dma_start3A_2500 : memref<50000x128xf32, #tpu.memory_space<hbm>>) target(%arg7 : memref<128x128xf32, #tpu.memory_space<vmem>>) offsets(%dma_start3A_2497 : memref<128xi32, #tpu.memory_space<vmem>>) semaphore(%arg8 : memref<!tpu.dma_semaphore, #tpu.memory_space<semaphore_mem>>)
    %dma_wait3A_2501 = arith.constant 16 : i32
    %dma_wait3A_2502 = arith.constant 0 : i32
    %dma_wait3A_2503 = tpu.memref_slice %arg6[%dma_wait3A_2501, %dma_wait3A_2502] : memref<24x128xi32, #tpu.memory_space<vmem>> -> memref<1x128xi32, #tpu.memory_space<vmem>>
    %dma_wait3A_2504 = tpu.memref_squeeze %dma_wait3A_2503 : memref<1x128xi32, #tpu.memory_space<vmem>> -> memref<128xi32, #tpu.memory_space<vmem>>
    %dma_wait3A_2505 = arith.constant 0 : i32
    %dma_wait3A_2506 = arith.constant 0 : i32
    %dma_wait3A_2507 = tpu.memref_slice %arg2[%dma_wait3A_2505, %dma_wait3A_2506] : memref<50000x128xf32, #tpu.memory_space<hbm>> -> memref<50000x128xf32, #tpu.memory_space<hbm>>
    tpu.wait_indirect_dma semaphore(%arg8 : memref<!tpu.dma_semaphore, #tpu.memory_space<semaphore_mem>>) src(%dma_wait3A_2507 : memref<50000x128xf32, #tpu.memory_space<hbm>>) dst(%arg7 : memref<128x128xf32, #tpu.memory_space<vmem>>)
    %add3A_2508 = arith.constant 2048 : i32
    %add3A_2509 = arith.addi %mul3A_2239, %add3A_2508 : i32
    "tpu.region"() ({
      %run_scoped3A = tpu.sem_alloc : memref<!tpu.dma_semaphore, #tpu.memory_space<semaphore_mem>>
      %dma_start3A_2558 = arith.constant 0 : i32
      %dma_start3A_2559 = tpu.memref_slice %arg4[%add3A_2509, %dma_start3A_2558] : memref<81920x128xf32, #tpu.memory_space<hbm>> -> memref<128x128xf32, #tpu.memory_space<hbm>>
      %dma_start3A_2560 = arith.constant 0 : i32
      %dma_start3A_2561 = tpu.memref_slice %arg4[%add3A_2509, %dma_start3A_2560] : memref<81920x128xf32, #tpu.memory_space<hbm>> -> memref<128x128xf32, #tpu.memory_space<hbm>>
      tpu.enqueue_dma source(%arg7 : memref<128x128xf32, #tpu.memory_space<vmem>>) target(%dma_start3A_2561 : memref<128x128xf32, #tpu.memory_space<hbm>>) target_semaphore(%run_scoped3A : memref<!tpu.dma_semaphore, #tpu.memory_space<semaphore_mem>>)
      %dma_wait3A_2562 = arith.constant 0 : i32
      %dma_wait3A_2563 = tpu.memref_slice %arg4[%add3A_2509, %dma_wait3A_2562] : memref<81920x128xf32, #tpu.memory_space<hbm>> -> memref<128x128xf32, #tpu.memory_space<hbm>>
      %dma_wait3A_2564 = arith.constant 0 : i32
      %dma_wait3A_2565 = tpu.memref_slice %arg4[%add3A_2509, %dma_wait3A_2564] : memref<81920x128xf32, #tpu.memory_space<hbm>> -> memref<128x128xf32, #tpu.memory_space<hbm>>
      tpu.wait_dma2 semaphore(%run_scoped3A : memref<!tpu.dma_semaphore, #tpu.memory_space<semaphore_mem>>) src(%arg7 : memref<128x128xf32, #tpu.memory_space<vmem>>) dst(%dma_wait3A_2565 : memref<128x128xf32, #tpu.memory_space<hbm>>)
      tpu.yield
    }) : () -> ()
    %dma_start3A_2510 = arith.constant 17 : i32
    %dma_start3A_2511 = arith.constant 0 : i32
    %dma_start3A_2512 = tpu.memref_slice %arg6[%dma_start3A_2510, %dma_start3A_2511] : memref<24x128xi32, #tpu.memory_space<vmem>> -> memref<1x128xi32, #tpu.memory_space<vmem>>
    %dma_start3A_2513 = tpu.memref_squeeze %dma_start3A_2512 : memref<1x128xi32, #tpu.memory_space<vmem>> -> memref<128xi32, #tpu.memory_space<vmem>>
    %dma_start3A_2514 = arith.constant 0 : i32
    %dma_start3A_2515 = arith.constant 0 : i32
    %dma_start3A_2516 = tpu.memref_slice %arg2[%dma_start3A_2514, %dma_start3A_2515] : memref<50000x128xf32, #tpu.memory_space<hbm>> -> memref<50000x128xf32, #tpu.memory_space<hbm>>
    tpu.enqueue_indirect_dma source(%dma_start3A_2516 : memref<50000x128xf32, #tpu.memory_space<hbm>>) target(%arg7 : memref<128x128xf32, #tpu.memory_space<vmem>>) offsets(%dma_start3A_2513 : memref<128xi32, #tpu.memory_space<vmem>>) semaphore(%arg8 : memref<!tpu.dma_semaphore, #tpu.memory_space<semaphore_mem>>)
    %dma_wait3A_2517 = arith.constant 17 : i32
    %dma_wait3A_2518 = arith.constant 0 : i32
    %dma_wait3A_2519 = tpu.memref_slice %arg6[%dma_wait3A_2517, %dma_wait3A_2518] : memref<24x128xi32, #tpu.memory_space<vmem>> -> memref<1x128xi32, #tpu.memory_space<vmem>>
    %dma_wait3A_2520 = tpu.memref_squeeze %dma_wait3A_2519 : memref<1x128xi32, #tpu.memory_space<vmem>> -> memref<128xi32, #tpu.memory_space<vmem>>
    %dma_wait3A_2521 = arith.constant 0 : i32
    %dma_wait3A_2522 = arith.constant 0 : i32
    %dma_wait3A_2523 = tpu.memref_slice %arg2[%dma_wait3A_2521, %dma_wait3A_2522] : memref<50000x128xf32, #tpu.memory_space<hbm>> -> memref<50000x128xf32, #tpu.memory_space<hbm>>
    tpu.wait_indirect_dma semaphore(%arg8 : memref<!tpu.dma_semaphore, #tpu.memory_space<semaphore_mem>>) src(%dma_wait3A_2523 : memref<50000x128xf32, #tpu.memory_space<hbm>>) dst(%arg7 : memref<128x128xf32, #tpu.memory_space<vmem>>)
    %add3A_2524 = arith.constant 2176 : i32
    %add3A_2525 = arith.addi %mul3A_2239, %add3A_2524 : i32
    "tpu.region"() ({
      %run_scoped3A = tpu.sem_alloc : memref<!tpu.dma_semaphore, #tpu.memory_space<semaphore_mem>>
      %dma_start3A_2558 = arith.constant 0 : i32
      %dma_start3A_2559 = tpu.memref_slice %arg4[%add3A_2525, %dma_start3A_2558] : memref<81920x128xf32, #tpu.memory_space<hbm>> -> memref<128x128xf32, #tpu.memory_space<hbm>>
      %dma_start3A_2560 = arith.constant 0 : i32
      %dma_start3A_2561 = tpu.memref_slice %arg4[%add3A_2525, %dma_start3A_2560] : memref<81920x128xf32, #tpu.memory_space<hbm>> -> memref<128x128xf32, #tpu.memory_space<hbm>>
      tpu.enqueue_dma source(%arg7 : memref<128x128xf32, #tpu.memory_space<vmem>>) target(%dma_start3A_2561 : memref<128x128xf32, #tpu.memory_space<hbm>>) target_semaphore(%run_scoped3A : memref<!tpu.dma_semaphore, #tpu.memory_space<semaphore_mem>>)
      %dma_wait3A_2562 = arith.constant 0 : i32
      %dma_wait3A_2563 = tpu.memref_slice %arg4[%add3A_2525, %dma_wait3A_2562] : memref<81920x128xf32, #tpu.memory_space<hbm>> -> memref<128x128xf32, #tpu.memory_space<hbm>>
      %dma_wait3A_2564 = arith.constant 0 : i32
      %dma_wait3A_2565 = tpu.memref_slice %arg4[%add3A_2525, %dma_wait3A_2564] : memref<81920x128xf32, #tpu.memory_space<hbm>> -> memref<128x128xf32, #tpu.memory_space<hbm>>
      tpu.wait_dma2 semaphore(%run_scoped3A : memref<!tpu.dma_semaphore, #tpu.memory_space<semaphore_mem>>) src(%arg7 : memref<128x128xf32, #tpu.memory_space<vmem>>) dst(%dma_wait3A_2565 : memref<128x128xf32, #tpu.memory_space<hbm>>)
      tpu.yield
    }) : () -> ()
    %dma_start3A_2526 = arith.constant 18 : i32
    %dma_start3A_2527 = arith.constant 0 : i32
    %dma_start3A_2528 = tpu.memref_slice %arg6[%dma_start3A_2526, %dma_start3A_2527] : memref<24x128xi32, #tpu.memory_space<vmem>> -> memref<1x128xi32, #tpu.memory_space<vmem>>
    %dma_start3A_2529 = tpu.memref_squeeze %dma_start3A_2528 : memref<1x128xi32, #tpu.memory_space<vmem>> -> memref<128xi32, #tpu.memory_space<vmem>>
    %dma_start3A_2530 = arith.constant 0 : i32
    %dma_start3A_2531 = arith.constant 0 : i32
    %dma_start3A_2532 = tpu.memref_slice %arg2[%dma_start3A_2530, %dma_start3A_2531] : memref<50000x128xf32, #tpu.memory_space<hbm>> -> memref<50000x128xf32, #tpu.memory_space<hbm>>
    tpu.enqueue_indirect_dma source(%dma_start3A_2532 : memref<50000x128xf32, #tpu.memory_space<hbm>>) target(%arg7 : memref<128x128xf32, #tpu.memory_space<vmem>>) offsets(%dma_start3A_2529 : memref<128xi32, #tpu.memory_space<vmem>>) semaphore(%arg8 : memref<!tpu.dma_semaphore, #tpu.memory_space<semaphore_mem>>)
    %dma_wait3A_2533 = arith.constant 18 : i32
    %dma_wait3A_2534 = arith.constant 0 : i32
    %dma_wait3A_2535 = tpu.memref_slice %arg6[%dma_wait3A_2533, %dma_wait3A_2534] : memref<24x128xi32, #tpu.memory_space<vmem>> -> memref<1x128xi32, #tpu.memory_space<vmem>>
    %dma_wait3A_2536 = tpu.memref_squeeze %dma_wait3A_2535 : memref<1x128xi32, #tpu.memory_space<vmem>> -> memref<128xi32, #tpu.memory_space<vmem>>
    %dma_wait3A_2537 = arith.constant 0 : i32
    %dma_wait3A_2538 = arith.constant 0 : i32
    %dma_wait3A_2539 = tpu.memref_slice %arg2[%dma_wait3A_2537, %dma_wait3A_2538] : memref<50000x128xf32, #tpu.memory_space<hbm>> -> memref<50000x128xf32, #tpu.memory_space<hbm>>
    tpu.wait_indirect_dma semaphore(%arg8 : memref<!tpu.dma_semaphore, #tpu.memory_space<semaphore_mem>>) src(%dma_wait3A_2539 : memref<50000x128xf32, #tpu.memory_space<hbm>>) dst(%arg7 : memref<128x128xf32, #tpu.memory_space<vmem>>)
    %add3A_2540 = arith.constant 2304 : i32
    %add3A_2541 = arith.addi %mul3A_2239, %add3A_2540 : i32
    "tpu.region"() ({
      %run_scoped3A = tpu.sem_alloc : memref<!tpu.dma_semaphore, #tpu.memory_space<semaphore_mem>>
      %dma_start3A_2558 = arith.constant 0 : i32
      %dma_start3A_2559 = tpu.memref_slice %arg4[%add3A_2541, %dma_start3A_2558] : memref<81920x128xf32, #tpu.memory_space<hbm>> -> memref<128x128xf32, #tpu.memory_space<hbm>>
      %dma_start3A_2560 = arith.constant 0 : i32
      %dma_start3A_2561 = tpu.memref_slice %arg4[%add3A_2541, %dma_start3A_2560] : memref<81920x128xf32, #tpu.memory_space<hbm>> -> memref<128x128xf32, #tpu.memory_space<hbm>>
      tpu.enqueue_dma source(%arg7 : memref<128x128xf32, #tpu.memory_space<vmem>>) target(%dma_start3A_2561 : memref<128x128xf32, #tpu.memory_space<hbm>>) target_semaphore(%run_scoped3A : memref<!tpu.dma_semaphore, #tpu.memory_space<semaphore_mem>>)
      %dma_wait3A_2562 = arith.constant 0 : i32
      %dma_wait3A_2563 = tpu.memref_slice %arg4[%add3A_2541, %dma_wait3A_2562] : memref<81920x128xf32, #tpu.memory_space<hbm>> -> memref<128x128xf32, #tpu.memory_space<hbm>>
      %dma_wait3A_2564 = arith.constant 0 : i32
      %dma_wait3A_2565 = tpu.memref_slice %arg4[%add3A_2541, %dma_wait3A_2564] : memref<81920x128xf32, #tpu.memory_space<hbm>> -> memref<128x128xf32, #tpu.memory_space<hbm>>
      tpu.wait_dma2 semaphore(%run_scoped3A : memref<!tpu.dma_semaphore, #tpu.memory_space<semaphore_mem>>) src(%arg7 : memref<128x128xf32, #tpu.memory_space<vmem>>) dst(%dma_wait3A_2565 : memref<128x128xf32, #tpu.memory_space<hbm>>)
      tpu.yield
    }) : () -> ()
    %dma_start3A_2542 = arith.constant 19 : i32
    %dma_start3A_2543 = arith.constant 0 : i32
    %dma_start3A_2544 = tpu.memref_slice %arg6[%dma_start3A_2542, %dma_start3A_2543] : memref<24x128xi32, #tpu.memory_space<vmem>> -> memref<1x128xi32, #tpu.memory_space<vmem>>
    %dma_start3A_2545 = tpu.memref_squeeze %dma_start3A_2544 : memref<1x128xi32, #tpu.memory_space<vmem>> -> memref<128xi32, #tpu.memory_space<vmem>>
    %dma_start3A_2546 = arith.constant 0 : i32
    %dma_start3A_2547 = arith.constant 0 : i32
    %dma_start3A_2548 = tpu.memref_slice %arg2[%dma_start3A_2546, %dma_start3A_2547] : memref<50000x128xf32, #tpu.memory_space<hbm>> -> memref<50000x128xf32, #tpu.memory_space<hbm>>
    tpu.enqueue_indirect_dma source(%dma_start3A_2548 : memref<50000x128xf32, #tpu.memory_space<hbm>>) target(%arg7 : memref<128x128xf32, #tpu.memory_space<vmem>>) offsets(%dma_start3A_2545 : memref<128xi32, #tpu.memory_space<vmem>>) semaphore(%arg8 : memref<!tpu.dma_semaphore, #tpu.memory_space<semaphore_mem>>)
    %dma_wait3A_2549 = arith.constant 19 : i32
    %dma_wait3A_2550 = arith.constant 0 : i32
    %dma_wait3A_2551 = tpu.memref_slice %arg6[%dma_wait3A_2549, %dma_wait3A_2550] : memref<24x128xi32, #tpu.memory_space<vmem>> -> memref<1x128xi32, #tpu.memory_space<vmem>>
    %dma_wait3A_2552 = tpu.memref_squeeze %dma_wait3A_2551 : memref<1x128xi32, #tpu.memory_space<vmem>> -> memref<128xi32, #tpu.memory_space<vmem>>
    %dma_wait3A_2553 = arith.constant 0 : i32
    %dma_wait3A_2554 = arith.constant 0 : i32
    %dma_wait3A_2555 = tpu.memref_slice %arg2[%dma_wait3A_2553, %dma_wait3A_2554] : memref<50000x128xf32, #tpu.memory_space<hbm>> -> memref<50000x128xf32, #tpu.memory_space<hbm>>
    tpu.wait_indirect_dma semaphore(%arg8 : memref<!tpu.dma_semaphore, #tpu.memory_space<semaphore_mem>>) src(%dma_wait3A_2555 : memref<50000x128xf32, #tpu.memory_space<hbm>>) dst(%arg7 : memref<128x128xf32, #tpu.memory_space<vmem>>)
    %add3A_2556 = arith.constant 2432 : i32
    %add3A_2557 = arith.addi %mul3A_2239, %add3A_2556 : i32
    "tpu.region"() ({
      %run_scoped3A = tpu.sem_alloc : memref<!tpu.dma_semaphore, #tpu.memory_space<semaphore_mem>>
      %dma_start3A_2558 = arith.constant 0 : i32
      %dma_start3A_2559 = tpu.memref_slice %arg4[%add3A_2557, %dma_start3A_2558] : memref<81920x128xf32, #tpu.memory_space<hbm>> -> memref<128x128xf32, #tpu.memory_space<hbm>>
      %dma_start3A_2560 = arith.constant 0 : i32
      %dma_start3A_2561 = tpu.memref_slice %arg4[%add3A_2557, %dma_start3A_2560] : memref<81920x128xf32, #tpu.memory_space<hbm>> -> memref<128x128xf32, #tpu.memory_space<hbm>>
      tpu.enqueue_dma source(%arg7 : memref<128x128xf32, #tpu.memory_space<vmem>>) target(%dma_start3A_2561 : memref<128x128xf32, #tpu.memory_space<hbm>>) target_semaphore(%run_scoped3A : memref<!tpu.dma_semaphore, #tpu.memory_space<semaphore_mem>>)
      %dma_wait3A_2562 = arith.constant 0 : i32
      %dma_wait3A_2563 = tpu.memref_slice %arg4[%add3A_2557, %dma_wait3A_2562] : memref<81920x128xf32, #tpu.memory_space<hbm>> -> memref<128x128xf32, #tpu.memory_space<hbm>>
      %dma_wait3A_2564 = arith.constant 0 : i32
      %dma_wait3A_2565 = tpu.memref_slice %arg4[%add3A_2557, %dma_wait3A_2564] : memref<81920x128xf32, #tpu.memory_space<hbm>> -> memref<128x128xf32, #tpu.memory_space<hbm>>
      tpu.wait_dma2 semaphore(%run_scoped3A : memref<!tpu.dma_semaphore, #tpu.memory_space<semaphore_mem>>) src(%arg7 : memref<128x128xf32, #tpu.memory_space<vmem>>) dst(%dma_wait3A_2565 : memref<128x128xf32, #tpu.memory_space<hbm>>)
      tpu.yield
    }) : () -> ()
    return
  }
}

module attributes {stable_mosaic.version = 14 : i64} {
  func.func @_main_body(%arg0: i32, %arg1: memref<2048x768xf32, #tpu.memory_space<vmem>>, %arg2: memref<2048x128xf32, #tpu.memory_space<vmem>>, %arg3: memref<2048x1xf32, #tpu.memory_space<vmem>>, %arg4: memref<2048x1xf32, #tpu.memory_space<vmem>>, %arg5: memref<768x128xf32, #tpu.memory_space<vmem>>, %arg6: memref<128x128xf32, #tpu.memory_space<vmem>>, %arg7: memref<1x128xf32, #tpu.memory_space<vmem>>, %arg8: memref<1x128xf32, #tpu.memory_space<vmem>>, %arg9: memref<2048x128xf32, #tpu.memory_space<vmem>>) attributes {dimension_semantics = [#tpu.dimension_semantics<arbitrary>], iteration_bounds = array<i64: 40>, scalar_prefetch = 0 : i64, scratch_operands = 0 : i64, tpu.core_type = #tpu.core_type<tc>, window_params = [{transform_indices = @transform_0, window_bounds = array<i64: 2048, 768>}, {transform_indices = @transform_1, window_bounds = array<i64: 2048, 128>}, {transform_indices = @transform_2, window_bounds = array<i64: 2048, 1>}, {transform_indices = @transform_3, window_bounds = array<i64: 2048, 1>}, {pipeline_mode = #tpu.pipeline_mode<synchronous>, transform_indices = @transform_4, window_bounds = array<i64: 768, 128>}, {pipeline_mode = #tpu.pipeline_mode<synchronous>, transform_indices = @transform_5, window_bounds = array<i64: 128, 128>}, {pipeline_mode = #tpu.pipeline_mode<synchronous>, transform_indices = @transform_6, window_bounds = array<i64: 1, 128>}, {pipeline_mode = #tpu.pipeline_mode<synchronous>, transform_indices = @transform_7, window_bounds = array<i64: 1, 128>}, {transform_indices = @transform_8, window_bounds = array<i64: 2048, 128>}]} {
    %get3A = arith.constant 0 : index
    %get3A_0 = arith.constant 0 : index
    %get3A_1 = vector.load %arg1[%get3A, %get3A_0] : memref<2048x768xf32, #tpu.memory_space<vmem>>, vector<2048x768xf32>
    %get3A_2 = arith.constant 0 : index
    %get3A_3 = arith.constant 0 : index
    %get3A_4 = vector.load %arg5[%get3A_2, %get3A_3] : memref<768x128xf32, #tpu.memory_space<vmem>>, vector<768x128xf32>
    %dot_general3A = arith.constant dense<0.000000e+00> : vector<2048x128xf32>
    %dot_general3A_5 = tpu.matmul %get3A_1, %get3A_4, %dot_general3A {dimension_numbers = #tpu.dot_dimension_numbers<[1], [0], [0], [1], [0, 0, 1, 1], [], []>, transpose_lhs_hint = false} : vector<2048x768xf32>, vector<768x128xf32>, vector<2048x128xf32> -> vector<2048x128xf32>
    %iota3A = tpu.iota {dimensions = array<i32: 1>} : vector<2048x128xi32>
    %ge3A = arith.constant 64 : i32
    %ge3A_6 = vector.broadcast %ge3A : i32 to vector<2048x128xi32>
    %ge3A_7 = arith.cmpi sge, %iota3A, %ge3A_6 : vector<2048x128xi32>
    %convert_element_type3A = arith.extui %ge3A_7 : vector<2048x128xi1> to vector<2048x128xi32>
    %convert_element_type3A_8 = arith.sitofp %convert_element_type3A : vector<2048x128xi32> to vector<2048x128xf32>
    %get3A_9 = arith.constant 0 : index
    %get3A_10 = arith.constant 0 : index
    %get3A_11 = vector.load %arg3[%get3A_9, %get3A_10] : memref<2048x1xf32, #tpu.memory_space<vmem>>, vector<2048x1xf32>
    %jit3A = arith.constant 2.000000e+00 : f32
    %rem3A = vector.broadcast %jit3A : f32 to vector<2048x1xf32>
    %rem3A_12 = arith.remf %get3A_11, %rem3A : vector<2048x1xf32>
    %ne3A = arith.constant 0.000000e+00 : f32
    %ne3A_13 = vector.broadcast %ne3A : f32 to vector<2048x1xf32>
    %ne3A_14 = arith.cmpf one, %rem3A_12, %ne3A_13 : vector<2048x1xf32>
    %lt3A = arith.constant 0.000000e+00 : f32
    %lt3A_15 = vector.broadcast %lt3A : f32 to vector<2048x1xf32>
    %lt3A_16 = arith.cmpf olt, %rem3A_12, %lt3A_15 : vector<2048x1xf32>
    %lt3A_17 = arith.constant 0.000000e+00 : f32
    %lt3A_18 = arith.cmpf olt, %jit3A, %lt3A_17 : f32
    %ne3A_19 = vector.broadcast %lt3A_18 : i1 to vector<2048x1xi1>
    %ne3A_20 = vector.broadcast %ne3A_19 : vector<2048x1xi1> to vector<2048x1xi1>
    %ne3A_21 = arith.xori %lt3A_16, %ne3A_20 : vector<2048x1xi1>
    %and3A = arith.andi %ne3A_21, %ne3A_14 : vector<2048x1xi1>
    %add3A = vector.broadcast %jit3A : f32 to vector<2048x1xf32>
    %add3A_22 = arith.addf %rem3A_12, %add3A : vector<2048x1xf32>
    %select_n3A = arith.select %and3A, %add3A_22, %rem3A_12 : vector<2048x1xi1>, vector<2048x1xf32>
    %get3A_23 = arith.constant 0 : index
    %get3A_24 = arith.constant 0 : index
    %get3A_25 = vector.load %arg2[%get3A_23, %get3A_24] : memref<2048x128xf32, #tpu.memory_space<vmem>>, vector<2048x128xf32>
    %sub3A = vector.broadcast %select_n3A : vector<2048x1xf32> to vector<2048x128xf32>
    %sub3A_26 = arith.subf %convert_element_type3A_8, %sub3A : vector<2048x128xf32>
    %abs3A = math.absf %sub3A_26 : vector<2048x128xf32>
    %sub3A_27 = arith.constant 1.000000e+00 : f32
    %sub3A_28 = vector.broadcast %sub3A_27 : f32 to vector<2048x128xf32>
    %sub3A_29 = arith.subf %sub3A_28, %abs3A : vector<2048x128xf32>
    %mul3A = arith.mulf %get3A_25, %sub3A_29 : vector<2048x128xf32>
    %get3A_30 = arith.constant 0 : index
    %get3A_31 = arith.constant 0 : index
    %get3A_32 = vector.load %arg6[%get3A_30, %get3A_31] : memref<128x128xf32, #tpu.memory_space<vmem>>, vector<128x128xf32>
    %dot_general3A_33 = arith.constant dense<0.000000e+00> : vector<2048x128xf32>
    %dot_general3A_34 = tpu.matmul %mul3A, %get3A_32, %dot_general3A_33 {dimension_numbers = #tpu.dot_dimension_numbers<[1], [0], [0], [1], [0, 0, 1, 1], [], []>, transpose_lhs_hint = false} : vector<2048x128xf32>, vector<128x128xf32>, vector<2048x128xf32> -> vector<2048x128xf32>
    %add3A_35 = arith.addf %dot_general3A_5, %dot_general3A_34 : vector<2048x128xf32>
    %get3A_36 = arith.constant 0 : index
    %get3A_37 = arith.constant 0 : index
    %get3A_38 = vector.load %arg4[%get3A_36, %get3A_37] : memref<2048x1xf32, #tpu.memory_space<vmem>>, vector<2048x1xf32>
    %get3A_39 = arith.constant 0 : index
    %get3A_40 = arith.constant 0 : index
    %get3A_41 = vector.load %arg7[%get3A_39, %get3A_40] : memref<1x128xf32, #tpu.memory_space<vmem>>, vector<1x128xf32>
    %mul3A_42 = vector.broadcast %get3A_38 : vector<2048x1xf32> to vector<2048x128xf32>
    %mul3A_43 = vector.broadcast %get3A_41 : vector<1x128xf32> to vector<2048x128xf32>
    %mul3A_44 = arith.mulf %mul3A_42, %mul3A_43 : vector<2048x128xf32>
    %add3A_45 = arith.addf %add3A_35, %mul3A_44 : vector<2048x128xf32>
    %get3A_46 = arith.constant 0 : index
    %get3A_47 = arith.constant 0 : index
    %get3A_48 = vector.load %arg8[%get3A_46, %get3A_47] : memref<1x128xf32, #tpu.memory_space<vmem>>, vector<1x128xf32>
    %add3A_49 = vector.broadcast %get3A_48 : vector<1x128xf32> to vector<2048x128xf32>
    %add3A_50 = arith.addf %add3A_45, %add3A_49 : vector<2048x128xf32>
    %swap3A = arith.constant 0 : index
    %swap3A_51 = arith.constant 0 : index
    %swap3A_52 = vector.load %arg9[%swap3A, %swap3A_51] : memref<2048x128xf32, #tpu.memory_space<vmem>>, vector<2048x128xf32>
    tpu.vector_store %arg9[%swap3A, %swap3A_51], %add3A_50 {strides = array<i32>} : memref<2048x128xf32, #tpu.memory_space<vmem>>, vector<2048x128xf32>,
    return
  }
  func.func @transform_0(%arg0: i32) -> (i32, i32) {
    %c0_i32 = arith.constant 0 : i32
    %c0_i32_0 = arith.constant 0 : i32
    return %arg0, %c0_i32 : i32, i32
  }
  func.func @transform_1(%arg0: i32) -> (i32, i32) {
    %c0_i32 = arith.constant 0 : i32
    %c0_i32_0 = arith.constant 0 : i32
    return %arg0, %c0_i32 : i32, i32
  }
  func.func @transform_2(%arg0: i32) -> (i32, i32) {
    %c0_i32 = arith.constant 0 : i32
    %c0_i32_0 = arith.constant 0 : i32
    return %arg0, %c0_i32 : i32, i32
  }
  func.func @transform_3(%arg0: i32) -> (i32, i32) {
    %c0_i32 = arith.constant 0 : i32
    %c0_i32_0 = arith.constant 0 : i32
    return %arg0, %c0_i32 : i32, i32
  }
  func.func @transform_4(%arg0: i32) -> (i32, i32) {
    %c0_i32 = arith.constant 0 : i32
    %c0_i32_0 = arith.constant 0 : i32
    %c0_i32_1 = arith.constant 0 : i32
    return %c0_i32, %c0_i32_0 : i32, i32
  }
  func.func @transform_5(%arg0: i32) -> (i32, i32) {
    %c0_i32 = arith.constant 0 : i32
    %c0_i32_0 = arith.constant 0 : i32
    %c0_i32_1 = arith.constant 0 : i32
    return %c0_i32, %c0_i32_0 : i32, i32
  }
  func.func @transform_6(%arg0: i32) -> (i32, i32) {
    %c0_i32 = arith.constant 0 : i32
    %c0_i32_0 = arith.constant 0 : i32
    %c0_i32_1 = arith.constant 0 : i32
    return %c0_i32, %c0_i32_0 : i32, i32
  }
  func.func @transform_7(%arg0: i32) -> (i32, i32) {
    %c0_i32 = arith.constant 0 : i32
    %c0_i32_0 = arith.constant 0 : i32
    %c0_i32_1 = arith.constant 0 : i32
    return %c0_i32, %c0_i32_0 : i32, i32
  }
  func.func @transform_8(%arg0: i32) -> (i32, i32) {
    %c0_i32 = arith.constant 0 : i32
    %c0_i32_0 = arith.constant 0 : i32
    return %arg0, %c0_i32 : i32, i32
  }
}

module attributes {stable_mosaic.version = 14 : i64} {
  func.func @_prep_body(%arg0: memref<768x128xf32, #tpu.memory_space<vmem>>, %arg1: memref<128x128xf32, #tpu.memory_space<vmem>>, %arg2: memref<64x128xf32, #tpu.memory_space<vmem>>, %arg3: memref<1x128xf32, #tpu.memory_space<vmem>>, %arg4: memref<1x128xf32, #tpu.memory_space<vmem>>, %arg5: memref<768x128xf32, #tpu.memory_space<vmem>>, %arg6: memref<1x128xf32, #tpu.memory_space<vmem>>, %arg7: memref<128x128xf32, #tpu.memory_space<vmem>>) attributes {dimension_semantics = [], scalar_prefetch = 0 : i64, scratch_operands = 0 : i64, tpu.core_type = #tpu.core_type<tc>} {
    %get3A = arith.constant 0 : index
    %get3A_0 = arith.constant 0 : index
    %get3A_1 = vector.load %arg0[%get3A, %get3A_0] : memref<768x128xf32, #tpu.memory_space<vmem>>, vector<768x128xf32>
    %get3A_2 = arith.constant 0 : index
    %get3A_3 = arith.constant 0 : index
    %get3A_4 = vector.load %arg1[%get3A_2, %get3A_3] : memref<128x128xf32, #tpu.memory_space<vmem>>, vector<128x128xf32>
    %dot_general3A = arith.constant dense<0.000000e+00> : vector<768x128xf32>
    %dot_general3A_5 = tpu.matmul %get3A_1, %get3A_4, %dot_general3A {dimension_numbers = #tpu.dot_dimension_numbers<[1], [0], [0], [1], [0, 0, 1, 1], [], []>, transpose_lhs_hint = false} : vector<768x128xf32>, vector<128x128xf32>, vector<768x128xf32> -> vector<768x128xf32>
    %swap3A = arith.constant 0 : index
    %swap3A_6 = arith.constant 0 : index
    %swap3A_7 = vector.load %arg5[%swap3A, %swap3A_6] : memref<768x128xf32, #tpu.memory_space<vmem>>, vector<768x128xf32>
    tpu.vector_store %arg5[%swap3A, %swap3A_6], %dot_general3A_5 {strides = array<i32>} : memref<768x128xf32, #tpu.memory_space<vmem>>, vector<768x128xf32>,
    %get3A_8 = arith.constant 0 : index
    %get3A_9 = arith.constant 0 : index
    %get3A_10 = vector.load %arg3[%get3A_8, %get3A_9] : memref<1x128xf32, #tpu.memory_space<vmem>>, vector<1x128xf32>
    %get3A_11 = arith.constant 0 : index
    %get3A_12 = arith.constant 0 : index
    %get3A_13 = vector.load %arg1[%get3A_11, %get3A_12] : memref<128x128xf32, #tpu.memory_space<vmem>>, vector<128x128xf32>
    %dot_general3A_14 = arith.constant dense<0.000000e+00> : vector<1x128xf32>
    %dot_general3A_15 = tpu.matmul %get3A_10, %get3A_13, %dot_general3A_14 {dimension_numbers = #tpu.dot_dimension_numbers<[1], [0], [0], [1], [0, 0, 1, 1], [], []>, transpose_lhs_hint = false} : vector<1x128xf32>, vector<128x128xf32>, vector<1x128xf32> -> vector<1x128xf32>
    %get3A_16 = arith.constant 0 : index
    %get3A_17 = arith.constant 0 : index
    %get3A_18 = vector.load %arg4[%get3A_16, %get3A_17] : memref<1x128xf32, #tpu.memory_space<vmem>>, vector<1x128xf32>
    %add3A = arith.addf %dot_general3A_15, %get3A_18 : vector<1x128xf32>
    %swap3A_19 = arith.constant 0 : index
    %swap3A_20 = arith.constant 0 : index
    %swap3A_21 = vector.load %arg6[%swap3A_19, %swap3A_20] : memref<1x128xf32, #tpu.memory_space<vmem>>, vector<1x128xf32>
    tpu.vector_store %arg6[%swap3A_19, %swap3A_20], %add3A {strides = array<i32>} : memref<1x128xf32, #tpu.memory_space<vmem>>, vector<1x128xf32>,
    %get3A_22 = arith.constant 0 : index
    %get3A_23 = arith.constant 0 : index
    %get3A_24 = vector.load %arg2[%get3A_22, %get3A_23] : memref<64x128xf32, #tpu.memory_space<vmem>>, vector<64x128xf32>
    %get3A_25 = arith.constant 0 : index
    %get3A_26 = arith.constant 0 : index
    %get3A_27 = vector.load %arg2[%get3A_25, %get3A_26] : memref<64x128xf32, #tpu.memory_space<vmem>>, vector<64x128xf32>
    %concatenate3A = tpu.concatenate %get3A_24, %get3A_27 in 0 : vector<64x128xf32>, vector<64x128xf32> -> vector<128x128xf32>
    %swap3A_28 = arith.constant 0 : index
    %swap3A_29 = arith.constant 0 : index
    %swap3A_30 = vector.load %arg7[%swap3A_28, %swap3A_29] : memref<128x128xf32, #tpu.memory_space<vmem>>, vector<128x128xf32>
    tpu.vector_store %arg7[%swap3A_28, %swap3A_29], %concatenate3A {strides = array<i32>} : memref<128x128xf32, #tpu.memory_space<vmem>>, vector<128x128xf32>,
    return
  }
}

</mosaic_0001>

<sc_bundles>
// kernel: kernel.5.cloned.1.call-start
scs
__scs_entry_jumppad:
0x0: {  	(pc) =	sbr.rel $0x88, $3  }
0x1: {  	(tag) =	ssettag $0x0;
	lr =	simm.s32 $0x1  }
0x2: {  	[smem:$0x3F99] =	sst lr;
	_ =	strace $0xD0000000  }
0x3: {  	_ = 	snop  }
0x4: {  	_ = 	snop  }
0x5: {  	_ = 	snop  }
0x6: {  	_ = 	snop  }
0x7: {  	_ = 	snop  }
__scs_overlays_trampoline_lowered:
0x8: {  	[smem:$0x3FA8] =	sst s0  }
0x9: {  	[smem:$0x3FA9] =	sst s1  }
0xa: {  	[smem:$0x3FAA] =	sst s2  }
0xb: {  	[smem:$0x3FAB] =	sst s3  }
0xc: {  	[smem:$0x3FAC] =	sst s4  }
0xd: {  	[smem:$0x3FAD] =	sst s5  }
0xe: {  	[smem:$0x3FAE] =	sst s6  }
0xf: {  	[smem:$0x3FAF] =	sst s7  }
0x10: {  	[smem:$0x3FB0] =	sst s8  }
0x11: {  	[smem:$0x3FB1] =	sst s9;
	s0 =	simm.s32 @!p0 $0x0  }
0x12: {  	s1 =	sld [smem:$0x3F97];
	s0 =	simm.s32 @p0 $0x1  }
0x13: {  	[smem:$0x3FB2] =	sst s0;
	s0 =	simm.s32 @!p1 $0x0  }
0x14: {  	s2 =	sld [smem:$0x3F96];
	s0 =	simm.s32 @p1 $0x1  }
0x15: {  	[smem:$0x3FB3] =	sst s0;
	s0 =	simm.s32 @!p2 $0x0  }
0x16: {  	s3 =	sld [smem:$0x3FDB];
	s0 =	simm.s32 @p2 $0x1  }
0x17: {  	s4 =	simm.s32 $0x1BF5;
	[smem:$0x3FB5] =	sst s0  }
0x18: {  	s0 =	sld [smem:$0x3F98];
	_ =	swait.ge [sflag:s4], $0x0  }
0x19: {  	s7 =	sld [smem:$0x3F99]  }
0x1a: {  	s8 =	sadd.s32 $0xFFFFE003, lr  }
0x1b: {  	s9 =	sadd.s32 $0xFFFFFEF7, lr;
	s5 =	simm.s32 $0xFFFFFFFF;
	p2 =	slt.u32 s8, $0xFFFFF086  }
0x1c: {  	p1 =	slt.u32 s9, $0xF7A;
	s5 =	simm.s32 @!p2 $0x0  }
0x1d: {  	s5 =	simm.s32 @p1 $0x1;
	p0 =	seq.s32 s7, s2  }
0x1e: {  	s7 =	smul.u32 @!p0 $0xF7A, s2;
	p2 =	seq.s32 @!p0 s5, $0x0  }
0x1f: {  	s9 =	smul.u32 $0xF7A, s1;
	s8 =	simm.s32 @!p0 $0x1BF5;
	p2 =	por !p2, p0  }
0x20: {  	[sflag:s8] =	ssyncset.s32 @!p0 $0xFFFFF086;
	s6 =	sadd.s32 @!p0 s3, s7;
	s7 =	simm.s32 @!p0 $0x108  }
0x21: {  	s3 =	sadd.s32 s3, s9;
	s6 =	sadd.s32 @!p0 $0x88, s6;
	s7 =	simm.s32 @p2 $0x1082  }
0x22: {  	[simem:s7], [sflag:s8] =	dma.local @!p0 [hbm:s6], $0xF7A  }
0x23: {  	s9 =	sor.u32 $0xD0000000, s2;
	s6 =	simm.s32 $0x108;
	_ =	swait.ge @!p0 [sflag:s8], $0x0  }
0x24: {  	s3 =	sadd.s32 $0x88, s3;
	s6 =	simm.s32 @!p1 $0x1082;
	[sflag:s4] =	ssyncset.s32 $0xFFFFF086  }
0x25: {  	[simem:s6], [sflag:s4] =	dma.local [hbm:s3], $0xF7A  }
0x26: {  	[smem:$0x3F99] =	sst s1;
	(tag) =	ssettag s2;
	_ =	strace s9  }
0x27: {  	s1 =	sld [smem:$0x3FA9]  }
0x28: {  	s2 =	sld [smem:$0x3FAA]  }
0x29: {  	s4 =	sld [smem:$0x3FAC]  }
0x2a: {  	p0 =	seq.s32 s5, $0x0;
	s5 =	sld [smem:$0x3FAD]  }
0x2b: {  	s6 =	sld [smem:$0x3FAE]  }
0x2c: {  	s7 =	sld [smem:$0x3FAF]  }
0x2d: {  	s3 =	simm.s32 $0x108;
	s8 =	sld [smem:$0x3FB0]  }
0x2e: {  	s3 =	simm.s32 @!p0 $0x1082;
	s9 =	sld [smem:$0x3FB1]  }
0x2f: {  	lr =	sadd.s32 s0, s3;
	s0 =	sld [smem:$0x3FA8]  }
0x30: {  	s3 =	sld [smem:$0x3FAB]  }
0x31: {  	[smem:$0x3FB4] =	sst s10  }
0x32: {  	s10 =	sld [smem:$0x3FB2];
	_ =	sdelay $0x3  }
0x33: {  	p0 =	seq.s32 s10, $0x1;
	s10 =	sld [smem:$0x3FB4];
	_ =	sdelay $0x3  }
0x34: {  	[smem:$0x3FB4] =	sst s10  }
0x35: {  	s10 =	sld [smem:$0x3FB3];
	_ =	sdelay $0x3  }
0x36: {  	p1 =	seq.s32 s10, $0x1;
	s10 =	sld [smem:$0x3FB4];
	_ =	sdelay $0x3  }
0x37: {  	[smem:$0x3FB4] =	sst s10  }
0x38: {  	s10 =	sld [smem:$0x3FB5]  }
0x39: {  	_ = 	snop;
	(pc) =	sbr.ind lr, $3  }
0x3a: {  	_ = 	snop  }
0x3b: {  	_ = 	snop  }
0x3c: {  	p2 =	seq.s32 s10, $0x1;
	s10 =	sld [smem:$0x3FB4]  }
0x3d: {  	_ =	shalt  }
0x3e: {  	_ =	shalt  }
0x3f: {  	_ =	shalt  }
0x40: {  	_ =	shalt  }
0x41: {  	_ =	shalt  }
0x42: {  	_ =	shalt  }
0x43: {  	_ =	shalt  }
0x44: {  	_ =	shalt  }
0x45: {  	_ =	shalt  }
0x46: {  	_ =	shalt  }
0x47: {  	_ =	shalt  }
0x48: {  	_ =	shalt  }
0x49: {  	_ =	shalt  }
0x4a: {  	_ =	shalt  }
0x4b: {  	_ =	shalt  }
0x4c: {  	_ =	shalt  }
0x4d: {  	_ =	shalt  }
0x4e: {  	_ =	shalt  }
0x4f: {  	_ =	shalt  }
0x50: {  	_ =	shalt  }
0x51: {  	_ =	shalt  }
0x52: {  	_ =	shalt  }
0x53: {  	_ =	shalt  }
0x54: {  	_ =	shalt  }
0x55: {  	_ =	shalt  }
0x56: {  	_ =	shalt  }
0x57: {  	_ =	shalt  }
0x58: {  	_ =	shalt  }
0x59: {  	_ =	shalt  }
0x5a: {  	_ =	shalt  }
0x5b: {  	_ =	shalt  }
0x5c: {  	_ =	shalt  }
0x5d: {  	_ =	shalt  }
0x5e: {  	_ =	shalt  }
0x5f: {  	_ =	shalt  }
0x60: {  	_ =	shalt  }
0x61: {  	_ =	shalt  }
0x62: {  	_ =	shalt  }
0x63: {  	_ =	shalt  }
0x64: {  	_ =	shalt  }
0x65: {  	_ =	shalt  }
0x66: {  	_ =	shalt  }
0x67: {  	_ =	shalt  }
0x68: {  	_ =	shalt  }
0x69: {  	_ =	shalt  }
0x6a: {  	_ =	shalt  }
0x6b: {  	_ =	shalt  }
0x6c: {  	_ =	shalt  }
0x6d: {  	_ =	shalt  }
0x6e: {  	_ =	shalt  }
0x6f: {  	_ =	shalt  }
0x70: {  	_ =	shalt  }
0x71: {  	_ =	shalt  }
0x72: {  	_ =	shalt  }
0x73: {  	_ =	shalt  }
0x74: {  	_ =	shalt  }
0x75: {  	_ =	shalt  }
0x76: {  	_ =	shalt  }
0x77: {  	_ =	shalt  }
0x78: {  	_ =	shalt  }
0x79: {  	_ =	shalt  }
0x7a: {  	_ =	shalt  }
0x7b: {  	_ =	shalt  }
0x7c: {  	_ =	shalt  }
0x7d: {  	_ =	shalt  }
0x7e: {  	_ =	shalt  }
0x7f: {  	_ =	shalt  }
0x80: {  	_ =	shalt  }
0x81: {  	_ =	shalt  }
0x82: {  	_ =	shalt  }
0x83: {  	_ =	shalt  }
0x84: {  	_ =	shalt  }
0x85: {  	_ =	shalt  }
0x86: {  	_ =	shalt  }
0x87: {  	_ =	shalt  }
.Lfunc_end0:
.L_simem_size_0:
called_computation_lowered:
.L_overlay_start_0:
0x88: {  	s2 =	sld [smem:$0x3FD9]  }
0x89: {  	s3 =	sld [smem:$0x3FFE];
	_ =	sdelay $0x1  }
0x8a: {  	s1 =	srdreg.scid  }
0x8b: {  	s0 =	sand.u32 $0x1, s1  }
0x8c: {  	s17 =	sshll.u32 s0, $0xA;
	s2 =	sadd.s32 s3, s2  }
0x8d: {  	s2 =	sadd.s32 s2, s17  }
0x8e: {  	[smem:$0x3FC0] =	sst s2  }
0x8f: {  	_ = 	snop  }
0x90: {  	s2 =	sld [smem:$0x3FD0];
	(tm) =	ssettm $0x1  }
0x91: {  	s18 =	sld [smem:$0x3FFB];
	_ =	sdelay $0x3  }
0x92: {  	_ =	strace s18  }
0x93: {  	s3 =	sld [smem:$0x3FFC];
	_ =	sdelay $0x3  }
0x94: {  	_ =	strace s3  }
0x95: {  	s3 =	sld [smem:$0x3FFD];
	_ =	sdelay $0x3  }
0x96: {  	_ =	strace s3  }
0x97: {  	_ =	strace $0x8FFFFFFF  }
0x98: {  	s19 =	sld [smem:$0x3FDB];
	_ =	sdelay $0x1  }
0x99: {  	s4 =	simm.s32 $_scs_section_size  }
0x9a: {  	s5 =	simm.s32 $_size__tile_overlayer_lowered;
	s6 =	simm.s32 $_tile_overlayer_lowered  }
0x9b: {  	s22 =	simm.s32 $0x1BFF;
	s21 =	sshll.u32 s6, $0x1;
	s3 =	sadd.s32 s4, s19  }
0x9c: {  	s7 =	simm.s32 $0x0;
	s20 =	sshll.u32 s5, $0x1;
	s5 =	sadd.s32 s21, s3  }
0x9d: {  	[timem:s7], [sflag:s22] =	dma.local [hbm:s5], s20  }
0x9e: {  	_ =	swait.ge [sflag:s22], s20  }
0x9f: {  	s4 =	ssub.s32 $0x0, s20;
	[sflag:s22] =	ssyncset.done $0x0  }
0xa0: {  	[sflag:s22] =	ssyncadd.s32 s4;
	_ =	sdelay $0x1  }
0xa1: {  	s23 =	simm.s32 $0x1B8B  }
0xa2: {  	_ =	swait.ge [sflag:s23], $0x1  }
0xa3: {  	[sflag:s23] =	ssyncset.done $0x0  }
0xa4: {  	s25 =	simm.s32 $0x1B8E;
	s24 =	sld [smem:$0x3FFE];
	[sflag:s23] =	ssyncadd.s32 $0xFFFFFFFF  }
0xa5: {  	s26 =	simm.s32 $execute0_lowered;
	[smem:$0x3FD2] =	sst s25  }
0xa6: {  	s5 =	sshll.u32 s26, $0x1;
	_ =	strace $0x80000046;
	[dreg:$0x1] =	wrdreg $0xFFFFFFFF  }
0xa7: {  	s28 =	simm.s32 $_size_execute0_lowered;
	s3 =	sadd.s32 s3, s5;
	[dreg:$0x0] =	wrdreg $0x0  }
0xa8: {  	s5 =	sshll.u32 s28, $0x1;
	[dreg:$0x2] =	wrdreg s3  }
0xa9: {  	[dreg:$0x3] =	wrdreg s5  }
0xaa: {  	[dreg:$0x4] =	wrdreg $0xC0  }
0xab: {  	_ =	task [dreg:s7], $0x5FFFF  }
0xac: {  	[dreg:$0x1] =	wrdreg $0xFFFFFFFF  }
0xad: {  	[dreg:$0x0] =	wrdreg $0x60  }
0xae: {  	[dreg:$0x2] =	wrdreg s2  }
0xaf: {  	[dreg:$0x3] =	wrdreg s24  }
0xb0: {  	[dreg:$0x4] =	wrdreg $0x9  }
0xb1: {  	_ =	task.clear_ibuf [dreg:s7], $0x5FFFF;
	_ =	strace $0x90000046  }
0xb2: {  	s29 =	simm.s32 $0x9;
	_ =	strace $0x80000048  }
0xb3: {  	_ =	swait.ge [sflag:s29], $0x1  }
0xb4: {  	[sflag:s29] =	ssyncadd.s32 $0xFFFFFFFF  }
0xb5: {  	_ =	strace $0x90000048  }
0xb6: {  	_ =	sfence  }
0xb7: {  	s30 =	sld [smem:$0x0];
	_ =	sdelay $0x2  }
0xb8: {  	s31 =	sshll.u32 s1, $0xD;
	s1 =	sshrl.u32 s1, $0x2  }
0xb9: {  	s3 =	sand.u32 $0x4000, s31;
	s1 =	sadd.s32 s1, s30  }
0xba: {  	s0 =	sor.u32 s3, s0;
	s1 =	sshll.u32 s1, $0x11  }
0xbb: {  	s0 =	sor.u32 s1, s0  }
0xbc: {  	s0 =	sadd.s32 $0x8F2B, s0  }
0xbd: {  	[sflag:s0] =	ssyncadd.remote.s32 $0x1  }
0xbe: {  	_ =	sfence.sel $0xFFFF  }
0xbf: {  	[dreg:$0x0] =	wrdreg $0xFFFFFFFF;
	(pc) =	sbr.abs _section_cstart, $3  }
0xc0: {  	[dreg:$0x1] =	wrdreg $0xFFFFFFFF  }
0xc1: {  	_ =	task.clear_ibuf [dreg:s7], $0x2FFFF;
	_ =	strace $0x9FFFFFFF  }
0xc2: {  	(tm) =	ssettm $0x7FFFFFFF  }
0xc3: {  	_ =	shalt  }
tec
execute0_lowered:
.L_overlay_start_1:
0x0: {  	(tag) =	ssettag $0x1  }
0x1: {  	s1 =	srdreg.scid;
	s0 =	stileid.u32  }
0x2: {  	s1 =	sand.u32 $0x1, s1;
	s3 =	sshll.u32 s0, $0x1  }
0x3: {  	s5 =	sor.u32 s1, s3  }
0x4: {  	s2 =	rddreg [dreg:$0x0];
	s6 =	smul.u32 $0x180, s5  }
0x5: {  	s4 =	rddreg [dreg:$0x1];
	s3 =	simm.s32 $0x0;
	s7 =	smul.u32 $0xA000, s5  }
0x6: {  	s8 =	sadd.s32 $0x4200, s4;
	[smem:$0x7FF] =	sst s3;
	s6 =	sadd.s32 s6, s4  }
0x7: {  	s5 =	smul.u32 $0x50000, s5;
	s4 =	sadd.s32 s8, s7;
	s6 =	sadd.s32 $0x1200, s6  }
0x8: {  	_ =	strace $0x80000047;
	s9 =	sadd.s32 $0x800, s4;
	[dreg:$0x3] =	wrdreg s6  }
0x9: {  	s5 =	sshrl.u32 s5, $0x3;
	s10 =	sadd.s32 $0x1000, s4;
	[dreg:$0x4] =	wrdreg s9  }
0xa: {  	s11 =	sadd.s32 $0x1800, s4;
	s12 =	sadd.s32 s8, s5;
	[dreg:$0x5] =	wrdreg s10  }
0xb: {  	[dreg:$0x6] =	wrdreg s11;
	s5 =	sadd.s32 $0x2000, s12  }
0xc: {  	s28 =	simm.s32 $0x1380;
	s13 =	sadd.s32 $0x2800, s12;
	[dreg:$0x7] =	wrdreg s5  }
0xd: {  	s29 =	simm.s32 $0x1400;
	s14 =	sadd.s32 $0x3000, s12;
	[dreg:$0x8] =	wrdreg s13  }
0xe: {  	s30 =	simm.s32 $0x1480;
	s15 =	sadd.s32 $0x3800, s12;
	[dreg:$0x9] =	wrdreg s14  }
0xf: {  	s31 =	simm.s32 $0x1500;
	s16 =	sadd.s32 $0x4000, s12;
	[dreg:$0xa] =	wrdreg s15  }
0x10: {  	s1 =	ssub.s32 $0x2, s1;
	s17 =	sadd.s32 $0x4800, s12;
	[dreg:$0xb] =	wrdreg s16  }
0x11: {  	s25 =	sshrl.u32 s1, $0x1;
	s18 =	sadd.s32 $0x5000, s12;
	[dreg:$0xc] =	wrdreg s17  }
0x12: {  	s1 =	ssub.s32 s1, s25;
	s19 =	sadd.s32 $0x5800, s12;
	[dreg:$0xd] =	wrdreg s18  }
0x13: {  	s25 =	simm.s32 $0x1280;
	s20 =	sadd.s32 $0x6000, s12;
	[dreg:$0xe] =	wrdreg s19  }
0x14: {  	s7 =	smax.u32 s1, $0x1;
	s21 =	sadd.s32 $0x6800, s12;
	[dreg:$0xf] =	wrdreg s20  }
0x15: {  	s1 =	simm.s32 $0x1580;
	s22 =	sadd.s32 $0x7000, s12;
	[dreg:$0x10] =	wrdreg s21  }
0x16: {  	s8 =	simm.s32 $0x2;
	s23 =	sadd.s32 $0x7800, s12;
	[dreg:$0x11] =	wrdreg s22  }
0x17: {  	s24 =	sadd.s32 $0x8000, s12;
	s26 =	sadd.s32 $0x8800, s12;
	[dreg:$0x12] =	wrdreg s23  }
0x18: {  	s6 =	sadd.s32 $0x9800, s12;
	s9 =	simm.s32 $0x80;
	[dreg:$0x13] =	wrdreg s24  }
0x19: {  	s10 =	simm.s32 $0xC00;
	s11 =	simm.s32 $0x1800;
	[dreg:$0x14] =	wrdreg s26  }
0x1a: {  	s5 =	sadd.s32 $0x9000, s12;
	s12 =	simm.s32 $0x1;
	s13 =	simm.s32 $0xC80  }
0x1b: {  	s14 =	simm.s32 $0xD00;
	s15 =	simm.s32 $0xD80;
	s16 =	simm.s32 $0xE00  }
0x1c: {  	s17 =	simm.s32 $0xE80;
	s18 =	simm.s32 $0xF00;
	s19 =	simm.s32 $0xF80  }
0x1d: {  	s20 =	simm.s32 $0x1000;
	s21 =	simm.s32 $0x1080;
	s22 =	simm.s32 $0x1100  }
0x1e: {  	s23 =	simm.s32 $0x1180;
	s24 =	simm.s32 $0x1200;
	s26 =	simm.s32 $0x1300  }
.LBB2_1:
0x1f: {  	s0 =	rddreg [dreg:$0x3]  }
0x20: {  	[tilespmem:s3], [sflag:$0x2] =	stream.linear.gather [hbm4b:s0+s3], $0xC00, $0x38;
	[tilespmem:$0x5800] =	vst v63  }
0x21: {  	_ =	swait.ge [sflag:s8], $0xC00  }
0x22: {  	[sflag:s8] =	ssyncset.done $0x0  }
0x23: {  	[sflag:s8] =	ssyncadd.s32 $0xFFFFF400  }
0x24: {  	v0 =	vld [tilespmem:$0x0]  }
0x25: {  	v1 =	vld [tilespmem:$0x10]  }
0x26: {  	v2 =	vld [tilespmem:$0x20]  }
0x27: {  	v3 =	vld [tilespmem:$0x30]  }
0x28: {  	v4 =	vld [tilespmem:$0x40]  }
0x29: {  	v5 =	vld [tilespmem:$0x50];
	v0 =	vshrl.u32 v0, $0x1  }
0x2a: {  	v33 =	vld [tilespmem:$0x60];
	v32 =	vshrl.u32 v1, $0x1;
	[tilespmem:$0xC00] =	vst v0  }
0x2b: {  	v35 =	vld [tilespmem:$0x70];
	v34 =	vshrl.u32 v2, $0x1;
	[tilespmem:$0xC10] =	vst v32  }
0x2c: {  	v37 =	vld [tilespmem:$0x80];
	v36 =	vshrl.u32 v3, $0x1;
	[tilespmem:$0xC20] =	vst v34  }
0x2d: {  	v39 =	vld [tilespmem:$0x90];
	v38 =	vshrl.u32 v4, $0x1;
	[tilespmem:$0xC30] =	vst v36  }
0x2e: {  	v41 =	vld [tilespmem:$0xA0];
	v40 =	vshrl.u32 v5, $0x1;
	[tilespmem:$0xC40] =	vst v38  }
0x2f: {  	v43 =	vld [tilespmem:$0xB0];
	v42 =	vshrl.u32 v33, $0x1;
	[tilespmem:$0xC50] =	vst v40  }
0x30: {  	v45 =	vld [tilespmem:$0xC0];
	v44 =	vshrl.u32 v35, $0x1;
	[tilespmem:$0xC60] =	vst v42  }
0x31: {  	v47 =	vld [tilespmem:$0xD0];
	v46 =	vshrl.u32 v37, $0x1;
	[tilespmem:$0xC70] =	vst v44  }
0x32: {  	v49 =	vld [tilespmem:$0xE0];
	v48 =	vshrl.u32 v39, $0x1;
	[tilespmem:$0xC80] =	vst v46  }
0x33: {  	v51 =	vld [tilespmem:$0xF0];
	v50 =	vshrl.u32 v41, $0x1;
	[tilespmem:$0xC90] =	vst v48  }
0x34: {  	v53 =	vld [tilespmem:$0x100];
	v52 =	vshrl.u32 v43, $0x1;
	[tilespmem:$0xCA0] =	vst v50  }
0x35: {  	v55 =	vld [tilespmem:$0x110];
	v54 =	vshrl.u32 v45, $0x1;
	[tilespmem:$0xCB0] =	vst v52  }
0x36: {  	v57 =	vld [tilespmem:$0x120];
	v56 =	vshrl.u32 v47, $0x1;
	[tilespmem:$0xCC0] =	vst v54  }
0x37: {  	v59 =	vld [tilespmem:$0x130];
	v58 =	vshrl.u32 v49, $0x1;
	[tilespmem:$0xCD0] =	vst v56  }
0x38: {  	v61 =	vld [tilespmem:$0x140];
	v60 =	vshrl.u32 v51, $0x1;
	[tilespmem:$0xCE0] =	vst v58  }
0x39: {  	v63 =	vld [tilespmem:$0x150];
	v62 =	vshrl.u32 v53, $0x1;
	[tilespmem:$0xCF0] =	vst v60  }
0x3a: {  	v9 =	vld [tilespmem:$0x160];
	v8 =	vshrl.u32 v55, $0x1;
	[tilespmem:$0xD00] =	vst v62  }
0x3b: {  	v11 =	vld [tilespmem:$0x170];
	v10 =	vshrl.u32 v57, $0x1;
	[tilespmem:$0xD10] =	vst v8  }
0x3c: {  	v13 =	vld [tilespmem:$0x180];
	v12 =	vshrl.u32 v59, $0x1;
	[tilespmem:$0xD20] =	vst v10  }
0x3d: {  	v15 =	vld [tilespmem:$0x190];
	v14 =	vshrl.u32 v61, $0x1;
	[tilespmem:$0xD30] =	vst v12  }
0x3e: {  	v17 =	vld [tilespmem:$0x1A0];
	v16 =	vshrl.u32 v63, $0x1;
	[tilespmem:$0xD40] =	vst v14  }
0x3f: {  	v19 =	vld [tilespmem:$0x1B0];
	v18 =	vshrl.u32 v9, $0x1;
	[tilespmem:$0xD50] =	vst v16  }
0x40: {  	v21 =	vld [tilespmem:$0x1C0];
	v20 =	vshrl.u32 v11, $0x1;
	[tilespmem:$0xD60] =	vst v18  }
0x41: {  	v23 =	vld [tilespmem:$0x1D0];
	v22 =	vshrl.u32 v13, $0x1;
	[tilespmem:$0xD70] =	vst v20  }
0x42: {  	v25 =	vld [tilespmem:$0x1E0];
	v24 =	vshrl.u32 v15, $0x1;
	[tilespmem:$0xD80] =	vst v22  }
0x43: {  	v27 =	vld [tilespmem:$0x1F0];
	v26 =	vshrl.u32 v17, $0x1;
	[tilespmem:$0xD90] =	vst v24  }
0x44: {  	v29 =	vld [tilespmem:$0x200];
	v28 =	vshrl.u32 v19, $0x1;
	[tilespmem:$0xDA0] =	vst v26  }
0x45: {  	v31 =	vld [tilespmem:$0x210];
	v30 =	vshrl.u32 v21, $0x1;
	[tilespmem:$0xDB0] =	vst v28  }
0x46: {  	v33 =	vld [tilespmem:$0x220];
	[tilespmem:$0xDC0] =	vst v30;
	v32 =	vshrl.u32 v23, $0x1  }
0x47: {  	v35 =	vld [tilespmem:$0x230];
	v34 =	vshrl.u32 v25, $0x1;
	[tilespmem:$0xDD0] =	vst v32  }
0x48: {  	v37 =	vld [tilespmem:$0x240];
	v36 =	vshrl.u32 v27, $0x1;
	[tilespmem:$0xDE0] =	vst v34  }
0x49: {  	v39 =	vld [tilespmem:$0x250];
	v38 =	vshrl.u32 v29, $0x1;
	[tilespmem:$0xDF0] =	vst v36  }
0x4a: {  	v41 =	vld [tilespmem:$0x260];
	v40 =	vshrl.u32 v31, $0x1;
	[tilespmem:$0xE00] =	vst v38  }
0x4b: {  	v43 =	vld [tilespmem:$0x270];
	[tilespmem:$0xE10] =	vst v40;
	v42 =	vshrl.u32 v33, $0x1  }
0x4c: {  	v45 =	vld [tilespmem:$0x280];
	v44 =	vshrl.u32 v35, $0x1;
	[tilespmem:$0xE20] =	vst v42  }
0x4d: {  	v47 =	vld [tilespmem:$0x290];
	v46 =	vshrl.u32 v37, $0x1;
	[tilespmem:$0xE30] =	vst v44  }
0x4e: {  	v49 =	vld [tilespmem:$0x2A0];
	v48 =	vshrl.u32 v39, $0x1;
	[tilespmem:$0xE40] =	vst v46  }
0x4f: {  	v51 =	vld [tilespmem:$0x2B0];
	v50 =	vshrl.u32 v41, $0x1;
	[tilespmem:$0xE50] =	vst v48  }
0x50: {  	v53 =	vld [tilespmem:$0x2C0];
	v52 =	vshrl.u32 v43, $0x1;
	[tilespmem:$0xE60] =	vst v50  }
0x51: {  	v55 =	vld [tilespmem:$0x2D0];
	v54 =	vshrl.u32 v45, $0x1;
	[tilespmem:$0xE70] =	vst v52  }
0x52: {  	v57 =	vld [tilespmem:$0x2E0];
	v56 =	vshrl.u32 v47, $0x1;
	[tilespmem:$0xE80] =	vst v54  }
0x53: {  	v59 =	vld [tilespmem:$0x2F0];
	v58 =	vshrl.u32 v49, $0x1;
	[tilespmem:$0xE90] =	vst v56  }
0x54: {  	v61 =	vld [tilespmem:$0x300];
	v60 =	vshrl.u32 v51, $0x1;
	[tilespmem:$0xEA0] =	vst v58  }
0x55: {  	v63 =	vld [tilespmem:$0x310];
	v62 =	vshrl.u32 v53, $0x1;
	[tilespmem:$0xEB0] =	vst v60  }
0x56: {  	v9 =	vld [tilespmem:$0x320];
	v8 =	vshrl.u32 v55, $0x1;
	[tilespmem:$0xEC0] =	vst v62  }
0x57: {  	v11 =	vld [tilespmem:$0x330];
	v10 =	vshrl.u32 v57, $0x1;
	[tilespmem:$0xED0] =	vst v8  }
0x58: {  	v13 =	vld [tilespmem:$0x340];
	v12 =	vshrl.u32 v59, $0x1;
	[tilespmem:$0xEE0] =	vst v10  }
0x59: {  	v15 =	vld [tilespmem:$0x350];
	v14 =	vshrl.u32 v61, $0x1;
	[tilespmem:$0xEF0] =	vst v12  }
0x5a: {  	v17 =	vld [tilespmem:$0x360];
	v16 =	vshrl.u32 v63, $0x1;
	[tilespmem:$0xF00] =	vst v14  }
0x5b: {  	v19 =	vld [tilespmem:$0x370];
	v18 =	vshrl.u32 v9, $0x1;
	[tilespmem:$0xF10] =	vst v16  }
0x5c: {  	v21 =	vld [tilespmem:$0x380];
	v20 =	vshrl.u32 v11, $0x1;
	[tilespmem:$0xF20] =	vst v18  }
0x5d: {  	v23 =	vld [tilespmem:$0x390];
	v22 =	vshrl.u32 v13, $0x1;
	[tilespmem:$0xF30] =	vst v20  }
0x5e: {  	v25 =	vld [tilespmem:$0x3A0];
	v24 =	vshrl.u32 v15, $0x1;
	[tilespmem:$0xF40] =	vst v22  }
0x5f: {  	v27 =	vld [tilespmem:$0x3B0];
	v26 =	vshrl.u32 v17, $0x1;
	[tilespmem:$0xF50] =	vst v24  }
0x60: {  	v29 =	vld [tilespmem:$0x3C0];
	v28 =	vshrl.u32 v19, $0x1;
	[tilespmem:$0xF60] =	vst v26  }
0x61: {  	v31 =	vld [tilespmem:$0x3D0];
	v30 =	vshrl.u32 v21, $0x1;
	[tilespmem:$0xF70] =	vst v28  }
0x62: {  	v33 =	vld [tilespmem:$0x3E0];
	[tilespmem:$0xF80] =	vst v30;
	v32 =	vshrl.u32 v23, $0x1  }
0x63: {  	v35 =	vld [tilespmem:$0x3F0];
	v34 =	vshrl.u32 v25, $0x1;
	[tilespmem:$0xF90] =	vst v32  }
0x64: {  	v37 =	vld [tilespmem:$0x400];
	v36 =	vshrl.u32 v27, $0x1;
	[tilespmem:$0xFA0] =	vst v34  }
0x65: {  	v39 =	vld [tilespmem:$0x410];
	v38 =	vshrl.u32 v29, $0x1;
	[tilespmem:$0xFB0] =	vst v36  }
0x66: {  	v41 =	vld [tilespmem:$0x420];
	v40 =	vshrl.u32 v31, $0x1;
	[tilespmem:$0xFC0] =	vst v38  }
0x67: {  	v43 =	vld [tilespmem:$0x430];
	[tilespmem:$0xFD0] =	vst v40;
	v42 =	vshrl.u32 v33, $0x1  }
0x68: {  	v45 =	vld [tilespmem:$0x440];
	v44 =	vshrl.u32 v35, $0x1;
	[tilespmem:$0xFE0] =	vst v42  }
0x69: {  	v47 =	vld [tilespmem:$0x450];
	v46 =	vshrl.u32 v37, $0x1;
	[tilespmem:$0xFF0] =	vst v44  }
0x6a: {  	v49 =	vld [tilespmem:$0x460];
	v48 =	vshrl.u32 v39, $0x1;
	[tilespmem:$0x1000] =	vst v46  }
0x6b: {  	v51 =	vld [tilespmem:$0x470];
	v50 =	vshrl.u32 v41, $0x1;
	[tilespmem:$0x1010] =	vst v48  }
0x6c: {  	v53 =	vld [tilespmem:$0x480];
	v52 =	vshrl.u32 v43, $0x1;
	[tilespmem:$0x1020] =	vst v50  }
0x6d: {  	v55 =	vld [tilespmem:$0x490];
	v54 =	vshrl.u32 v45, $0x1;
	[tilespmem:$0x1030] =	vst v52  }
0x6e: {  	v57 =	vld [tilespmem:$0x4A0];
	v56 =	vshrl.u32 v47, $0x1;
	[tilespmem:$0x1040] =	vst v54  }
0x6f: {  	v59 =	vld [tilespmem:$0x4B0];
	v58 =	vshrl.u32 v49, $0x1;
	[tilespmem:$0x1050] =	vst v56  }
0x70: {  	v61 =	vld [tilespmem:$0x4C0];
	v60 =	vshrl.u32 v51, $0x1;
	[tilespmem:$0x1060] =	vst v58  }
0x71: {  	v63 =	vld [tilespmem:$0x4D0];
	v62 =	vshrl.u32 v53, $0x1;
	[tilespmem:$0x1070] =	vst v60  }
0x72: {  	v9 =	vld [tilespmem:$0x4E0];
	v8 =	vshrl.u32 v55, $0x1;
	[tilespmem:$0x1080] =	vst v62  }
0x73: {  	v11 =	vld [tilespmem:$0x4F0];
	v10 =	vshrl.u32 v57, $0x1;
	[tilespmem:$0x1090] =	vst v8  }
0x74: {  	v13 =	vld [tilespmem:$0x500];
	v12 =	vshrl.u32 v59, $0x1;
	[tilespmem:$0x10A0] =	vst v10  }
0x75: {  	v15 =	vld [tilespmem:$0x510];
	v14 =	vshrl.u32 v61, $0x1;
	[tilespmem:$0x10B0] =	vst v12  }
0x76: {  	v17 =	vld [tilespmem:$0x520];
	v16 =	vshrl.u32 v63, $0x1;
	[tilespmem:$0x10C0] =	vst v14  }
0x77: {  	v19 =	vld [tilespmem:$0x530];
	v18 =	vshrl.u32 v9, $0x1;
	[tilespmem:$0x10D0] =	vst v16  }
0x78: {  	v21 =	vld [tilespmem:$0x540];
	v20 =	vshrl.u32 v11, $0x1;
	[tilespmem:$0x10E0] =	vst v18  }
0x79: {  	v23 =	vld [tilespmem:$0x550];
	v22 =	vshrl.u32 v13, $0x1;
	[tilespmem:$0x10F0] =	vst v20  }
0x7a: {  	v25 =	vld [tilespmem:$0x560];
	v24 =	vshrl.u32 v15, $0x1;
	[tilespmem:$0x1100] =	vst v22  }
0x7b: {  	v27 =	vld [tilespmem:$0x570];
	v26 =	vshrl.u32 v17, $0x1;
	[tilespmem:$0x1110] =	vst v24  }
0x7c: {  	v29 =	vld [tilespmem:$0x580];
	v28 =	vshrl.u32 v19, $0x1;
	[tilespmem:$0x1120] =	vst v26  }
0x7d: {  	v31 =	vld [tilespmem:$0x590];
	v30 =	vshrl.u32 v21, $0x1;
	[tilespmem:$0x1130] =	vst v28  }
0x7e: {  	v33 =	vld [tilespmem:$0x5A0];
	[tilespmem:$0x1140] =	vst v30;
	v32 =	vshrl.u32 v23, $0x1  }
0x7f: {  	v35 =	vld [tilespmem:$0x5B0];
	v34 =	vshrl.u32 v25, $0x1;
	[tilespmem:$0x1150] =	vst v32  }
0x80: {  	v37 =	vld [tilespmem:$0x5C0];
	v36 =	vshrl.u32 v27, $0x1;
	[tilespmem:$0x1160] =	vst v34  }
0x81: {  	v39 =	vld [tilespmem:$0x5D0];
	v38 =	vshrl.u32 v29, $0x1;
	[tilespmem:$0x1170] =	vst v36  }
0x82: {  	v41 =	vld [tilespmem:$0x5E0];
	v40 =	vshrl.u32 v31, $0x1;
	[tilespmem:$0x1180] =	vst v38  }
0x83: {  	v43 =	vld [tilespmem:$0x5F0];
	[tilespmem:$0x1190] =	vst v40;
	v42 =	vshrl.u32 v33, $0x1  }
0x84: {  	v45 =	vld [tilespmem:$0x600];
	v44 =	vshrl.u32 v35, $0x1;
	[tilespmem:$0x11A0] =	vst v42  }
0x85: {  	v47 =	vld [tilespmem:$0x610];
	v46 =	vshrl.u32 v37, $0x1;
	[tilespmem:$0x11B0] =	vst v44  }
0x86: {  	v49 =	vld [tilespmem:$0x620];
	v48 =	vshrl.u32 v39, $0x1;
	[tilespmem:$0x11C0] =	vst v46  }
0x87: {  	v51 =	vld [tilespmem:$0x630];
	v50 =	vshrl.u32 v41, $0x1;
	[tilespmem:$0x11D0] =	vst v48  }
0x88: {  	v53 =	vld [tilespmem:$0x640];
	v52 =	vshrl.u32 v43, $0x1;
	[tilespmem:$0x11E0] =	vst v50  }
0x89: {  	v55 =	vld [tilespmem:$0x650];
	v54 =	vshrl.u32 v45, $0x1;
	[tilespmem:$0x11F0] =	vst v52  }
0x8a: {  	v57 =	vld [tilespmem:$0x660];
	v56 =	vshrl.u32 v47, $0x1;
	[tilespmem:$0x1200] =	vst v54  }
0x8b: {  	v59 =	vld [tilespmem:$0x670];
	v58 =	vshrl.u32 v49, $0x1;
	[tilespmem:$0x1210] =	vst v56  }
0x8c: {  	v61 =	vld [tilespmem:$0x680];
	v60 =	vshrl.u32 v51, $0x1;
	[tilespmem:$0x1220] =	vst v58  }
0x8d: {  	v63 =	vld [tilespmem:$0x690];
	v62 =	vshrl.u32 v53, $0x1;
	[tilespmem:$0x1230] =	vst v60  }
0x8e: {  	v8 =	vld [tilespmem:$0x6A0];
	v7 =	vshrl.u32 v55, $0x1;
	[tilespmem:$0x1240] =	vst v62  }
0x8f: {  	v10 =	vld [tilespmem:$0x6B0];
	v9 =	vshrl.u32 v57, $0x1;
	[tilespmem:$0x1250] =	vst v7  }
0x90: {  	v12 =	vld [tilespmem:$0x6C0];
	v11 =	vshrl.u32 v59, $0x1;
	[tilespmem:$0x1260] =	vst v9  }
0x91: {  	v14 =	vld [tilespmem:$0x6D0];
	v13 =	vshrl.u32 v61, $0x1;
	[tilespmem:$0x1270] =	vst v11  }
0x92: {  	v16 =	vld [tilespmem:$0x6E0];
	v15 =	vshrl.u32 v63, $0x1;
	[tilespmem:$0x1280] =	vst v13  }
0x93: {  	v18 =	vld [tilespmem:$0x6F0];
	[tilespmem:$0x1290] =	vst v15;
	v17 =	vshrl.u32 v8, $0x1  }
0x94: {  	v20 =	vld [tilespmem:$0x700];
	v19 =	vshrl.u32 v10, $0x1;
	[tilespmem:$0x12A0] =	vst v17  }
0x95: {  	v22 =	vld [tilespmem:$0x710];
	v21 =	vshrl.u32 v12, $0x1;
	[tilespmem:$0x12B0] =	vst v19  }
0x96: {  	v24 =	vld [tilespmem:$0x720];
	v23 =	vshrl.u32 v14, $0x1;
	[tilespmem:$0x12C0] =	vst v21  }
0x97: {  	v26 =	vld [tilespmem:$0x730];
	v25 =	vshrl.u32 v16, $0x1;
	[tilespmem:$0x12D0] =	vst v23  }
0x98: {  	v28 =	vld [tilespmem:$0x740];
	v27 =	vshrl.u32 v18, $0x1;
	[tilespmem:$0x12E0] =	vst v25  }
0x99: {  	v30 =	vld [tilespmem:$0x750];
	v29 =	vshrl.u32 v20, $0x1;
	[tilespmem:$0x12F0] =	vst v27  }
0x9a: {  	v32 =	vld [tilespmem:$0x760];
	v31 =	vshrl.u32 v22, $0x1;
	[tilespmem:$0x1300] =	vst v29  }
0x9b: {  	v34 =	vld [tilespmem:$0x770];
	v33 =	vshrl.u32 v24, $0x1;
	[tilespmem:$0x1310] =	vst v31  }
0x9c: {  	v36 =	vld [tilespmem:$0x780];
	v35 =	vshrl.u32 v26, $0x1;
	[tilespmem:$0x1320] =	vst v33  }
0x9d: {  	v38 =	vld [tilespmem:$0x790];
	v37 =	vshrl.u32 v28, $0x1;
	[tilespmem:$0x1330] =	vst v35  }
0x9e: {  	v40 =	vld [tilespmem:$0x7A0];
	v39 =	vshrl.u32 v30, $0x1;
	[tilespmem:$0x1340] =	vst v37  }
0x9f: {  	v42 =	vld [tilespmem:$0x7B0];
	[tilespmem:$0x1350] =	vst v39;
	v41 =	vshrl.u32 v32, $0x1  }
0xa0: {  	v44 =	vld [tilespmem:$0x7C0];
	v43 =	vshrl.u32 v34, $0x1;
	[tilespmem:$0x1360] =	vst v41  }
0xa1: {  	v46 =	vld [tilespmem:$0x7D0];
	v45 =	vshrl.u32 v36, $0x1;
	[tilespmem:$0x1370] =	vst v43  }
0xa2: {  	v48 =	vld [tilespmem:$0x7E0];
	v47 =	vshrl.u32 v38, $0x1;
	[tilespmem:$0x1380] =	vst v45  }
0xa3: {  	v50 =	vld [tilespmem:$0x7F0];
	v49 =	vshrl.u32 v40, $0x1;
	[tilespmem:$0x1390] =	vst v47  }
0xa4: {  	v52 =	vld [tilespmem:$0x800];
	[tilespmem:$0x13A0] =	vst v49;
	v51 =	vshrl.u32 v42, $0x1  }
0xa5: {  	v54 =	vld [tilespmem:$0x810];
	v53 =	vshrl.u32 v44, $0x1;
	[tilespmem:$0x13B0] =	vst v51  }
0xa6: {  	v56 =	vld [tilespmem:$0x820];
	v55 =	vshrl.u32 v46, $0x1;
	[tilespmem:$0x13C0] =	vst v53  }
0xa7: {  	v58 =	vld [tilespmem:$0x830];
	v57 =	vshrl.u32 v48, $0x1;
	[tilespmem:$0x13D0] =	vst v55  }
0xa8: {  	v60 =	vld [tilespmem:$0x840];
	v59 =	vshrl.u32 v50, $0x1;
	[tilespmem:$0x13E0] =	vst v57  }
0xa9: {  	v62 =	vld [tilespmem:$0x850];
	v61 =	vshrl.u32 v52, $0x1;
	[tilespmem:$0x13F0] =	vst v59  }
0xaa: {  	v8 =	vld [tilespmem:$0x860];
	v63 =	vshrl.u32 v54, $0x1;
	[tilespmem:$0x1400] =	vst v61  }
0xab: {  	v10 =	vld [tilespmem:$0x870];
	v9 =	vshrl.u32 v56, $0x1;
	[tilespmem:$0x1410] =	vst v63  }
0xac: {  	v12 =	vld [tilespmem:$0x880];
	v11 =	vshrl.u32 v58, $0x1;
	[tilespmem:$0x1420] =	vst v9  }
0xad: {  	v14 =	vld [tilespmem:$0x890];
	v13 =	vshrl.u32 v60, $0x1;
	[tilespmem:$0x1430] =	vst v11  }
0xae: {  	v16 =	vld [tilespmem:$0x8A0];
	v15 =	vshrl.u32 v62, $0x1;
	[tilespmem:$0x1440] =	vst v13  }
0xaf: {  	v18 =	vld [tilespmem:$0x8B0];
	v17 =	vshrl.u32 v8, $0x1;
	[tilespmem:$0x1450] =	vst v15  }
0xb0: {  	v20 =	vld [tilespmem:$0x8C0];
	v19 =	vshrl.u32 v10, $0x1;
	[tilespmem:$0x1460] =	vst v17  }
0xb1: {  	v22 =	vld [tilespmem:$0x8D0];
	v21 =	vshrl.u32 v12, $0x1;
	[tilespmem:$0x1470] =	vst v19  }
0xb2: {  	v24 =	vld [tilespmem:$0x8E0];
	v23 =	vshrl.u32 v14, $0x1;
	[tilespmem:$0x1480] =	vst v21  }
0xb3: {  	v26 =	vld [tilespmem:$0x8F0];
	v25 =	vshrl.u32 v16, $0x1;
	[tilespmem:$0x1490] =	vst v23  }
0xb4: {  	v28 =	vld [tilespmem:$0x900];
	v27 =	vshrl.u32 v18, $0x1;
	[tilespmem:$0x14A0] =	vst v25  }
0xb5: {  	v30 =	vld [tilespmem:$0x910];
	v29 =	vshrl.u32 v20, $0x1;
	[tilespmem:$0x14B0] =	vst v27  }
0xb6: {  	v32 =	vld [tilespmem:$0x920];
	v31 =	vshrl.u32 v22, $0x1;
	[tilespmem:$0x14C0] =	vst v29  }
0xb7: {  	v34 =	vld [tilespmem:$0x930];
	v33 =	vshrl.u32 v24, $0x1;
	[tilespmem:$0x14D0] =	vst v31  }
0xb8: {  	v36 =	vld [tilespmem:$0x940];
	v35 =	vshrl.u32 v26, $0x1;
	[tilespmem:$0x14E0] =	vst v33  }
0xb9: {  	v38 =	vld [tilespmem:$0x950];
	v37 =	vshrl.u32 v28, $0x1;
	[tilespmem:$0x14F0] =	vst v35  }
0xba: {  	v40 =	vld [tilespmem:$0x960];
	v39 =	vshrl.u32 v30, $0x1;
	[tilespmem:$0x1500] =	vst v37  }
0xbb: {  	v42 =	vld [tilespmem:$0x970];
	[tilespmem:$0x1510] =	vst v39;
	v41 =	vshrl.u32 v32, $0x1  }
0xbc: {  	v44 =	vld [tilespmem:$0x980];
	v43 =	vshrl.u32 v34, $0x1;
	[tilespmem:$0x1520] =	vst v41  }
0xbd: {  	v46 =	vld [tilespmem:$0x990];
	v45 =	vshrl.u32 v36, $0x1;
	[tilespmem:$0x1530] =	vst v43  }
0xbe: {  	v48 =	vld [tilespmem:$0x9A0];
	v47 =	vshrl.u32 v38, $0x1;
	[tilespmem:$0x1540] =	vst v45  }
0xbf: {  	v50 =	vld [tilespmem:$0x9B0];
	v49 =	vshrl.u32 v40, $0x1;
	[tilespmem:$0x1550] =	vst v47  }
0xc0: {  	v52 =	vld [tilespmem:$0x9C0];
	[tilespmem:$0x1560] =	vst v49;
	v51 =	vshrl.u32 v42, $0x1  }
0xc1: {  	v54 =	vld [tilespmem:$0x9D0];
	v53 =	vshrl.u32 v44, $0x1;
	[tilespmem:$0x1570] =	vst v51  }
0xc2: {  	v56 =	vld [tilespmem:$0x9E0];
	v55 =	vshrl.u32 v46, $0x1;
	[tilespmem:$0x1580] =	vst v53  }
0xc3: {  	v58 =	vld [tilespmem:$0x9F0];
	v57 =	vshrl.u32 v48, $0x1;
	[tilespmem:$0x1590] =	vst v55  }
0xc4: {  	v59 =	vshrl.u32 v50, $0x1;
	[tilespmem:$0x15A0] =	vst v57  }
0xc5: {  	v60 =	vshrl.u32 v52, $0x1;
	[tilespmem:$0x15B0] =	vst v59  }
0xc6: {  	v61 =	vshrl.u32 v54, $0x1;
	[tilespmem:$0x15C0] =	vst v60  }
0xc7: {  	v62 =	vshrl.u32 v56, $0x1;
	[tilespmem:$0x15D0] =	vst v61  }
0xc8: {  	v63 =	vshrl.u32 v58, $0x1;
	[tilespmem:$0x15E0] =	vst v62  }
0xc9: {  	[tilespmem:$0x15F0] =	vst v63  }
0xca: {  	[tilespmem:s11], [sflag:$0x1] =	stream.indirect.gather [hbm4b:s2+s9], $0x80, s10, s9, $0xb8;
	[tilespmem:$0x5800] =	vst v63  }
0xcb: {  	_ =	swait.ge [sflag:s12], $0x4000  }
0xcc: {  	[sflag:s12] =	ssyncset.done $0x0  }
0xcd: {  	[sflag:s12] =	ssyncadd.s32 $0xFFFFC000  }
0xce: {  	[hbm4b:s4+s3] =	stream.linear.scatter [tilespmem:s11], [sflag:$0x2], $0x4000, $0x38;
	[tilespmem:$0x5800] =	vst v63  }
0xcf: {  	_ =	swait.ge [sflag:s8], $0x4000  }
0xd0: {  	[sflag:s8] =	ssyncset.done $0x0  }
0xd1: {  	[sflag:s8] =	ssyncadd.s32 $0xFFFFC000  }
0xd2: {  	[tilespmem:s11], [sflag:$0x1] =	stream.indirect.gather [hbm4b:s2+s9], $0x80, s13, s9, $0xb8;
	[tilespmem:$0x5800] =	vst v63  }
0xd3: {  	_ =	swait.ge [sflag:s12], $0x4000  }
0xd4: {  	[sflag:s12] =	ssyncset.done $0x0  }
0xd5: {  	s0 =	rddreg [dreg:$0x4];
	[sflag:s12] =	ssyncadd.s32 $0xFFFFC000  }
0xd6: {  	[hbm4b:s0+s3] =	stream.linear.scatter [tilespmem:s11], [sflag:$0x2], $0x4000, $0x38;
	[tilespmem:$0x5800] =	vst v63  }
0xd7: {  	_ =	swait.ge [sflag:s8], $0x4000  }
0xd8: {  	[sflag:s8] =	ssyncset.done $0x0  }
0xd9: {  	[sflag:s8] =	ssyncadd.s32 $0xFFFFC000  }
0xda: {  	[tilespmem:s11], [sflag:$0x1] =	stream.indirect.gather [hbm4b:s2+s9], $0x80, s14, s9, $0xb8;
	[tilespmem:$0x5800] =	vst v63  }
0xdb: {  	_ =	swait.ge [sflag:s12], $0x4000  }
0xdc: {  	[sflag:s12] =	ssyncset.done $0x0  }
0xdd: {  	s0 =	rddreg [dreg:$0x5];
	[sflag:s12] =	ssyncadd.s32 $0xFFFFC000  }
0xde: {  	[hbm4b:s0+s3] =	stream.linear.scatter [tilespmem:s11], [sflag:$0x2], $0x4000, $0x38;
	[tilespmem:$0x5800] =	vst v63  }
0xdf: {  	_ =	swait.ge [sflag:s8], $0x4000  }
0xe0: {  	[sflag:s8] =	ssyncset.done $0x0  }
0xe1: {  	[sflag:s8] =	ssyncadd.s32 $0xFFFFC000  }
0xe2: {  	[tilespmem:s11], [sflag:$0x1] =	stream.indirect.gather [hbm4b:s2+s9], $0x80, s15, s9, $0xb8;
	[tilespmem:$0x5800] =	vst v63  }
0xe3: {  	_ =	swait.ge [sflag:s12], $0x4000  }
0xe4: {  	[sflag:s12] =	ssyncset.done $0x0  }
0xe5: {  	s0 =	rddreg [dreg:$0x6];
	[sflag:s12] =	ssyncadd.s32 $0xFFFFC000  }
0xe6: {  	[hbm4b:s0+s3] =	stream.linear.scatter [tilespmem:s11], [sflag:$0x2], $0x4000, $0x38;
	[tilespmem:$0x5800] =	vst v63  }
0xe7: {  	_ =	swait.ge [sflag:s8], $0x4000  }
0xe8: {  	[sflag:s8] =	ssyncset.done $0x0  }
0xe9: {  	[sflag:s8] =	ssyncadd.s32 $0xFFFFC000  }
0xea: {  	[tilespmem:s11], [sflag:$0x1] =	stream.indirect.gather [hbm4b:s2+s9], $0x80, s16, s9, $0xb8;
	[tilespmem:$0x5800] =	vst v63  }
0xeb: {  	_ =	swait.ge [sflag:s12], $0x4000  }
0xec: {  	[sflag:s12] =	ssyncset.done $0x0  }
0xed: {  	s0 =	rddreg [dreg:$0x7];
	[sflag:s12] =	ssyncadd.s32 $0xFFFFC000  }
0xee: {  	[hbm4b:s0+s3] =	stream.linear.scatter [tilespmem:s11], [sflag:$0x2], $0x4000, $0x38;
	[tilespmem:$0x5800] =	vst v63  }
0xef: {  	_ =	swait.ge [sflag:s8], $0x4000  }
0xf0: {  	[sflag:s8] =	ssyncset.done $0x0  }
0xf1: {  	[sflag:s8] =	ssyncadd.s32 $0xFFFFC000  }
0xf2: {  	[tilespmem:s11], [sflag:$0x1] =	stream.indirect.gather [hbm4b:s2+s9], $0x80, s17, s9, $0xb8;
	[tilespmem:$0x5800] =	vst v63  }
0xf3: {  	_ =	swait.ge [sflag:s12], $0x4000  }
0xf4: {  	[sflag:s12] =	ssyncset.done $0x0  }
0xf5: {  	s0 =	rddreg [dreg:$0x8];
	[sflag:s12] =	ssyncadd.s32 $0xFFFFC000  }
0xf6: {  	[hbm4b:s0+s3] =	stream.linear.scatter [tilespmem:s11], [sflag:$0x2], $0x4000, $0x38;
	[tilespmem:$0x5800] =	vst v63  }
0xf7: {  	_ =	swait.ge [sflag:s8], $0x4000  }
0xf8: {  	[sflag:s8] =	ssyncset.done $0x0  }
0xf9: {  	[sflag:s8] =	ssyncadd.s32 $0xFFFFC000  }
0xfa: {  	[tilespmem:s11], [sflag:$0x1] =	stream.indirect.gather [hbm4b:s2+s9], $0x80, s18, s9, $0xb8;
	[tilespmem:$0x5800] =	vst v63  }
0xfb: {  	_ =	swait.ge [sflag:s12], $0x4000  }
0xfc: {  	[sflag:s12] =	ssyncset.done $0x0  }
0xfd: {  	s0 =	rddreg [dreg:$0x9];
	[sflag:s12] =	ssyncadd.s32 $0xFFFFC000  }
0xfe: {  	[hbm4b:s0+s3] =	stream.linear.scatter [tilespmem:s11], [sflag:$0x2], $0x4000, $0x38;
	[tilespmem:$0x5800] =	vst v63  }
0xff: {  	_ =	swait.ge [sflag:s8], $0x4000  }
0x100: {  	[sflag:s8] =	ssyncset.done $0x0  }
0x101: {  	[sflag:s8] =	ssyncadd.s32 $0xFFFFC000  }
0x102: {  	[tilespmem:s11], [sflag:$0x1] =	stream.indirect.gather [hbm4b:s2+s9], $0x80, s19, s9, $0xb8;
	[tilespmem:$0x5800] =	vst v63  }
0x103: {  	_ =	swait.ge [sflag:s12], $0x4000  }
0x104: {  	[sflag:s12] =	ssyncset.done $0x0  }
0x105: {  	s0 =	rddreg [dreg:$0xa];
	[sflag:s12] =	ssyncadd.s32 $0xFFFFC000  }
0x106: {  	[hbm4b:s0+s3] =	stream.linear.scatter [tilespmem:s11], [sflag:$0x2], $0x4000, $0x38;
	[tilespmem:$0x5800] =	vst v63  }
0x107: {  	_ =	swait.ge [sflag:s8], $0x4000  }
0x108: {  	[sflag:s8] =	ssyncset.done $0x0  }
0x109: {  	[sflag:s8] =	ssyncadd.s32 $0xFFFFC000  }
0x10a: {  	[tilespmem:s11], [sflag:$0x1] =	stream.indirect.gather [hbm4b:s2+s9], $0x80, s20, s9, $0xb8;
	[tilespmem:$0x5800] =	vst v63  }
0x10b: {  	_ =	swait.ge [sflag:s12], $0x4000  }
0x10c: {  	[sflag:s12] =	ssyncset.done $0x0  }
0x10d: {  	s0 =	rddreg [dreg:$0xb];
	[sflag:s12] =	ssyncadd.s32 $0xFFFFC000  }
0x10e: {  	[hbm4b:s0+s3] =	stream.linear.scatter [tilespmem:s11], [sflag:$0x2], $0x4000, $0x38;
	[tilespmem:$0x5800] =	vst v63  }
0x10f: {  	_ =	swait.ge [sflag:s8], $0x4000  }
0x110: {  	[sflag:s8] =	ssyncset.done $0x0  }
0x111: {  	[sflag:s8] =	ssyncadd.s32 $0xFFFFC000  }
0x112: {  	[tilespmem:s11], [sflag:$0x1] =	stream.indirect.gather [hbm4b:s2+s9], $0x80, s21, s9, $0xb8;
	[tilespmem:$0x5800] =	vst v63  }
0x113: {  	_ =	swait.ge [sflag:s12], $0x4000  }
0x114: {  	[sflag:s12] =	ssyncset.done $0x0  }
0x115: {  	s0 =	rddreg [dreg:$0xc];
	[sflag:s12] =	ssyncadd.s32 $0xFFFFC000  }
0x116: {  	[hbm4b:s0+s3] =	stream.linear.scatter [tilespmem:s11], [sflag:$0x2], $0x4000, $0x38;
	[tilespmem:$0x5800] =	vst v63  }
0x117: {  	_ =	swait.ge [sflag:s8], $0x4000  }
0x118: {  	[sflag:s8] =	ssyncset.done $0x0  }
0x119: {  	[sflag:s8] =	ssyncadd.s32 $0xFFFFC000  }
0x11a: {  	[tilespmem:s11], [sflag:$0x1] =	stream.indirect.gather [hbm4b:s2+s9], $0x80, s22, s9, $0xb8;
	[tilespmem:$0x5800] =	vst v63  }
0x11b: {  	_ =	swait.ge [sflag:s12], $0x4000  }
0x11c: {  	[sflag:s12] =	ssyncset.done $0x0  }
0x11d: {  	s0 =	rddreg [dreg:$0xd];
	[sflag:s12] =	ssyncadd.s32 $0xFFFFC000  }
0x11e: {  	[hbm4b:s0+s3] =	stream.linear.scatter [tilespmem:s11], [sflag:$0x2], $0x4000, $0x38;
	[tilespmem:$0x5800] =	vst v63  }
0x11f: {  	_ =	swait.ge [sflag:s8], $0x4000  }
0x120: {  	[sflag:s8] =	ssyncset.done $0x0  }
0x121: {  	[sflag:s8] =	ssyncadd.s32 $0xFFFFC000  }
0x122: {  	[tilespmem:s11], [sflag:$0x1] =	stream.indirect.gather [hbm4b:s2+s9], $0x80, s23, s9, $0xb8;
	[tilespmem:$0x5800] =	vst v63  }
0x123: {  	_ =	swait.ge [sflag:s12], $0x4000  }
0x124: {  	[sflag:s12] =	ssyncset.done $0x0  }
0x125: {  	s0 =	rddreg [dreg:$0xe];
	[sflag:s12] =	ssyncadd.s32 $0xFFFFC000  }
0x126: {  	[hbm4b:s0+s3] =	stream.linear.scatter [tilespmem:s11], [sflag:$0x2], $0x4000, $0x38;
	[tilespmem:$0x5800] =	vst v63  }
0x127: {  	_ =	swait.ge [sflag:s8], $0x4000  }
0x128: {  	[sflag:s8] =	ssyncset.done $0x0  }
0x129: {  	[sflag:s8] =	ssyncadd.s32 $0xFFFFC000  }
0x12a: {  	[tilespmem:s11], [sflag:$0x1] =	stream.indirect.gather [hbm4b:s2+s9], $0x80, s24, s9, $0xb8;
	[tilespmem:$0x5800] =	vst v63  }
0x12b: {  	_ =	swait.ge [sflag:s12], $0x4000  }
0x12c: {  	[sflag:s12] =	ssyncset.done $0x0  }
0x12d: {  	s0 =	rddreg [dreg:$0xf];
	[sflag:s12] =	ssyncadd.s32 $0xFFFFC000  }
0x12e: {  	[hbm4b:s0+s3] =	stream.linear.scatter [tilespmem:s11], [sflag:$0x2], $0x4000, $0x38;
	[tilespmem:$0x5800] =	vst v63  }
0x12f: {  	_ =	swait.ge [sflag:s8], $0x4000  }
0x130: {  	[sflag:s8] =	ssyncset.done $0x0  }
0x131: {  	[sflag:s8] =	ssyncadd.s32 $0xFFFFC000  }
0x132: {  	[tilespmem:s11], [sflag:$0x1] =	stream.indirect.gather [hbm4b:s2+s9], $0x80, s25, s9, $0xb8;
	[tilespmem:$0x5800] =	vst v63  }
0x133: {  	_ =	swait.ge [sflag:s12], $0x4000  }
0x134: {  	[sflag:s12] =	ssyncset.done $0x0  }
0x135: {  	s0 =	rddreg [dreg:$0x10];
	[sflag:s12] =	ssyncadd.s32 $0xFFFFC000  }
0x136: {  	[hbm4b:s0+s3] =	stream.linear.scatter [tilespmem:s11], [sflag:$0x2], $0x4000, $0x38;
	[tilespmem:$0x5800] =	vst v63  }
0x137: {  	_ =	swait.ge [sflag:s8], $0x4000  }
0x138: {  	[sflag:s8] =	ssyncset.done $0x0  }
0x139: {  	[sflag:s8] =	ssyncadd.s32 $0xFFFFC000  }
0x13a: {  	[tilespmem:s11], [sflag:$0x1] =	stream.indirect.gather [hbm4b:s2+s9], $0x80, s26, s9, $0xb8;
	[tilespmem:$0x5800] =	vst v63  }
0x13b: {  	_ =	swait.ge [sflag:s12], $0x4000  }
0x13c: {  	[sflag:s12] =	ssyncset.done $0x0  }
0x13d: {  	s0 =	rddreg [dreg:$0x11];
	[sflag:s12] =	ssyncadd.s32 $0xFFFFC000  }
0x13e: {  	[hbm4b:s0+s3] =	stream.linear.scatter [tilespmem:s11], [sflag:$0x2], $0x4000, $0x38;
	[tilespmem:$0x5800] =	vst v63  }
0x13f: {  	_ =	swait.ge [sflag:s8], $0x4000  }
0x140: {  	[sflag:s8] =	ssyncset.done $0x0  }
0x141: {  	[sflag:s8] =	ssyncadd.s32 $0xFFFFC000  }
0x142: {  	[tilespmem:s11], [sflag:$0x1] =	stream.indirect.gather [hbm4b:s2+s9], $0x80, s28, s9, $0xb8;
	[tilespmem:$0x5800] =	vst v63  }
0x143: {  	_ =	swait.ge [sflag:s12], $0x4000  }
0x144: {  	[sflag:s12] =	ssyncset.done $0x0  }
0x145: {  	s0 =	rddreg [dreg:$0x12];
	[sflag:s12] =	ssyncadd.s32 $0xFFFFC000  }
0x146: {  	[hbm4b:s0+s3] =	stream.linear.scatter [tilespmem:s11], [sflag:$0x2], $0x4000, $0x38;
	[tilespmem:$0x5800] =	vst v63  }
0x147: {  	_ =	swait.ge [sflag:s8], $0x4000  }
0x148: {  	[sflag:s8] =	ssyncset.done $0x0  }
0x149: {  	[sflag:s8] =	ssyncadd.s32 $0xFFFFC000  }
0x14a: {  	[tilespmem:s11], [sflag:$0x1] =	stream.indirect.gather [hbm4b:s2+s9], $0x80, s29, s9, $0xb8;
	[tilespmem:$0x5800] =	vst v63  }
0x14b: {  	_ =	swait.ge [sflag:s12], $0x4000  }
0x14c: {  	[sflag:s12] =	ssyncset.done $0x0  }
0x14d: {  	s0 =	rddreg [dreg:$0x13];
	[sflag:s12] =	ssyncadd.s32 $0xFFFFC000  }
0x14e: {  	[hbm4b:s0+s3] =	stream.linear.scatter [tilespmem:s11], [sflag:$0x2], $0x4000, $0x38;
	[tilespmem:$0x5800] =	vst v63  }
0x14f: {  	_ =	swait.ge [sflag:s8], $0x4000  }
0x150: {  	[sflag:s8] =	ssyncset.done $0x0  }
0x151: {  	[sflag:s8] =	ssyncadd.s32 $0xFFFFC000  }
0x152: {  	[tilespmem:s11], [sflag:$0x1] =	stream.indirect.gather [hbm4b:s2+s9], $0x80, s30, s9, $0xb8;
	[tilespmem:$0x5800] =	vst v63  }
0x153: {  	_ =	swait.ge [sflag:s12], $0x4000  }
0x154: {  	[sflag:s12] =	ssyncset.done $0x0  }
0x155: {  	s0 =	rddreg [dreg:$0x14];
	[sflag:s12] =	ssyncadd.s32 $0xFFFFC000  }
0x156: {  	[hbm4b:s0+s3] =	stream.linear.scatter [tilespmem:s11], [sflag:$0x2], $0x4000, $0x38;
	[tilespmem:$0x5800] =	vst v63  }
0x157: {  	_ =	swait.ge [sflag:s8], $0x4000  }
0x158: {  	[sflag:s8] =	ssyncset.done $0x0  }
0x159: {  	[sflag:s8] =	ssyncadd.s32 $0xFFFFC000  }
0x15a: {  	[tilespmem:s11], [sflag:$0x1] =	stream.indirect.gather [hbm4b:s2+s9], $0x80, s31, s9, $0xb8;
	[tilespmem:$0x5800] =	vst v63  }
0x15b: {  	_ =	swait.ge [sflag:s12], $0x4000  }
0x15c: {  	[sflag:s12] =	ssyncset.done $0x0  }
0x15d: {  	[sflag:s12] =	ssyncadd.s32 $0xFFFFC000  }
0x15e: {  	[hbm4b:s5+s3] =	stream.linear.scatter [tilespmem:s11], [sflag:$0x2], $0x4000, $0x38;
	[tilespmem:$0x5800] =	vst v63  }
0x15f: {  	_ =	swait.ge [sflag:s8], $0x4000  }
0x160: {  	[sflag:s8] =	ssyncset.done $0x0  }
0x161: {  	[sflag:s8] =	ssyncadd.s32 $0xFFFFC000  }
0x162: {  	[tilespmem:s11], [sflag:$0x1] =	stream.indirect.gather [hbm4b:s2+s9], $0x80, s1, s9, $0xb8;
	[tilespmem:$0x5800] =	vst v63  }
0x163: {  	_ =	swait.ge [sflag:s12], $0x4000  }
0x164: {  	p0 =	sne.s32 s7, $0x1;
	[sflag:s12] =	ssyncset.done $0x0  }
.Ltmp0:
0x165: {  	[sflag:s12] =	ssyncadd.s32 $0xFFFFC000;
	(pc) =	sbr.rel @p0 .LBB2_1-.Ltmp0, $4  }
0x166: {  	[hbm4b:s6+s3] =	stream.linear.scatter [tilespmem:s11], [sflag:$0x2], $0x4000, $0x38;
	[tilespmem:$0x5800] =	vst v63  }
0x167: {  	_ =	swait.ge [sflag:s8], $0x4000  }
0x168: {  	[sflag:s8] =	ssyncset.done $0x0  }
0x169: {  	s7 =	sadd.s32 $0xFFFFFFFF, s7;
	[sflag:s8] =	ssyncadd.s32 $0xFFFFC000  }
0x16a: {  	_ =	sfence.sel $0x180000  }
0x16b: {  	[bflag:$0x0] =	sbarrier.arrive $0xFFFF  }
0x16c: {  	_ =	strace $0x90000047  }
0x16d: {  	s0 =	stileid.u32;
	[bflag:$0x2] =	sbarrier.arrive $0xFFFF  }
0x16e: {  	p0 =	sne.s32 s0, $0x0;
	s0 =	rddreg [dreg:$0x2]  }
0x16f: {  	s0 =	sadd.s32 @!p0 $0x100000, s0  }
0x170: {  	[sflag:s0] =	ssyncadd.tile.s32 @!p0 $0x1;
	_ =	shalt  }
.Lfunc_end2:
_tile_overlayer_lowered:
.L_overlay_start_2:
0x171: {  	(tag) =	ssettag $0x2  }
0x172: {  	s0 =	rddreg [dreg:$0x0];
	s2 =	stileid.u32  }
0x173: {  	s1 =	rddreg [dreg:$0x1];
	p0 =	sne.s32 s2, $0x0  }
0x174: {  	s3 =	rddreg [dreg:$0x2];
	[bflag:$0x3] =	sbarrier.arrive $0xFFFF;
	s2 =	simm.s32 @!p0 $0x1C02  }
0x175: {  	[timem:s3], [sflag:s2] =	dma.local @!p0 [hbm:s0], s1  }
0x176: {  	s0 =	simm.s32 @!p0 $0x2  }
0x177: {  	_ =	swait.ge @!p0 [sflag:s0], s1  }
0x178: {  	s1 =	ssub.s32 @!p0 $0x0, s1;
	[sflag:s0] =	ssyncset.done @!p0 $0x0  }
0x179: {  	[sflag:s0] =	ssyncadd.s32 @!p0 s1  }
0x17a: {  	[bflag:$0x3] =	sbarrier.arrive $0xFFFF  }
0x17b: {  	_ =	shalt  }

</sc_bundles>
